<compile_context>
chip_gen: v7x
topology: tpu7x:2x2x1
jax: 0.10.2.dev20260603
libtpu: 0.0.44.dev20260713+nightly
codegen_flags: <defaults>
</compile_context>

<pallas_src>
import jax
import jax.numpy as jnp
from jax import lax
from jax.experimental import pallas as pl
from jax.experimental.pallas import tpu as pltpu
from jax.experimental.pallas import tpu_sc as plsc

N = 10000
D = 128
E = 320000
NC, NS, L = 2, 16, 16
NW = NC * NS
CH = 128
NCHUNK = 80
NCA = NCHUNK + 2
ROWS_PER_SUB = 640
NP = NS * ROWS_PER_SUB
DUMMY = N

_mesh = plsc.VectorSubcoreMesh(
    core_axis_name="c", subcore_axis_name="s", num_cores=NC, num_subcores=NS)

_f32 = jnp.float32


def _sc_pass_body(table, ixg, ixs, part_out,
                  acc, ig0, is0, ig1, is1, rb0, rb1,
                  semg0, sems0, semg1, sems1):
    cid = lax.axis_index("c")
    sid = lax.axis_index("s")
    wid = sid * NC + cid
    zeros16 = jnp.zeros((L,), _f32)

    @pl.loop(0, CH)
    def _(i):
        for t in range(D // L):
            rb0[i, pl.ds(t * L, L)] = zeros16

    @pl.loop(0, ROWS_PER_SUB // CH)
    def _(k):
        pltpu.sync_copy(rb0, acc.at[pl.ds(sid * ROWS_PER_SUB + k * CH, CH)])

    pltpu.sync_copy(ixg.at[wid, 0], ig0.at[0])
    pltpu.sync_copy(ixs.at[wid, 0], is0.at[0])
    pltpu.async_copy(table.at[ig0.at[0]], rb0, semg0)
    pltpu.sync_copy(ixg.at[wid, 1], ig1.at[0])
    pltpu.sync_copy(ixs.at[wid, 1], is1.at[0])
    pltpu.async_copy(table.at[ig1.at[0]], rb1, semg1)

    plsc.subcore_barrier()

    @pl.loop(0, NCHUNK // 2)
    def _(k):
        j0 = 2 * k
        pltpu.make_async_copy(table.at[ig0.at[0]], rb0, semg0).wait()
        pltpu.sync_copy(rb0, acc.at[is0.at[0]], add=True)
        pltpu.sync_copy(ixg.at[wid, j0 + 2], ig0.at[0])
        pltpu.sync_copy(ixs.at[wid, j0 + 2], is0.at[0])
        pltpu.async_copy(table.at[ig0.at[0]], rb0, semg0)
        pltpu.make_async_copy(table.at[ig1.at[0]], rb1, semg1).wait()
        pltpu.sync_copy(rb1, acc.at[is1.at[0]], add=True)
        pltpu.sync_copy(ixg.at[wid, j0 + 3], ig1.at[0])
        pltpu.sync_copy(ixs.at[wid, j0 + 3], is1.at[0])
        pltpu.async_copy(table.at[ig1.at[0]], rb1, semg1)

    pltpu.make_async_copy(table.at[ig0.at[0]], rb0, semg0).wait()
    pltpu.make_async_copy(table.at[ig1.at[0]], rb1, semg1).wait()

    plsc.subcore_barrier()

    pltpu.sync_copy(acc.at[pl.ds(sid * ROWS_PER_SUB, ROWS_PER_SUB)],
                    part_out.at[cid, pl.ds(sid * ROWS_PER_SUB, ROWS_PER_SUB)])


_sc_pass = pl.kernel(
    _sc_pass_body,
    out_type=[jax.ShapeDtypeStruct((NC, NP, D), _f32)],
    mesh=_mesh,
    scratch_types=[
        pltpu.VMEM_SHARED((NP, D), _f32),
        pltpu.VMEM((1, CH), jnp.int32),
        pltpu.VMEM((1, CH), jnp.int32),
        pltpu.VMEM((1, CH), jnp.int32),
        pltpu.VMEM((1, CH), jnp.int32),
        pltpu.VMEM((CH, D), _f32),
        pltpu.VMEM((CH, D), _f32),
        pltpu.SemaphoreType.DMA,
        pltpu.SemaphoreType.DMA,
        pltpu.SemaphoreType.DMA,
        pltpu.SemaphoreType.DMA,
    ],
    compiler_params=pltpu.CompilerParams(needs_layout_passes=False),
)


def _hist_body(ixg, ixs, histg_out, hists_out, slab_g, slab_s, hg, hs):
    cid = lax.axis_index("c")
    sid = lax.axis_index("s")
    wid = sid * NC + cid
    zeros16 = jnp.zeros((L,), _f32)
    ones16 = jnp.ones((L,), _f32)

    @pl.loop(0, NP // L)
    def _(i):
        hg[pl.ds(i * L, L)] = zeros16
        hs[pl.ds(i * L, L)] = zeros16

    pltpu.sync_copy(ixg.at[wid, pl.ds(0, NCHUNK)], slab_g)
    pltpu.sync_copy(ixs.at[wid, pl.ds(0, NCHUNK)], slab_s)

    @pl.loop(0, NCHUNK)
    def _(j):
        for t in range(CH // L):
            plsc.addupdate_scatter(hg, [slab_g[j, pl.ds(t * L, L)]], ones16)
            plsc.addupdate_scatter(hs, [slab_s[j, pl.ds(t * L, L)]], ones16)

    pltpu.sync_copy(hg, histg_out.at[wid])
    pltpu.sync_copy(hs, hists_out.at[wid])


_sc_hist = pl.kernel(
    _hist_body,
    out_type=[jax.ShapeDtypeStruct((NW, NP), _f32),
              jax.ShapeDtypeStruct((NW, NP), _f32)],
    mesh=_mesh,
    scratch_types=[
        pltpu.VMEM((NCHUNK, CH), jnp.int32),
        pltpu.VMEM((NCHUNK, CH), jnp.int32),
        pltpu.VMEM((NP,), _f32),
        pltpu.VMEM((NP,), _f32),
    ],
    compiler_params=pltpu.CompilerParams(needs_layout_passes=False),
)



_BLK = 512


def _mm_body(x_ref, w_ref, o_ref):
    o_ref[...] = jnp.dot(x_ref[...], w_ref[...],
                         preferred_element_type=_f32)


def _matmul(x, w):
    return pl.pallas_call(
        _mm_body,
        grid=(NP // _BLK,),
        in_specs=[pl.BlockSpec((_BLK, D), lambda i: (i, 0)),
                  pl.BlockSpec((D, D), lambda i: (0, 0))],
        out_specs=pl.BlockSpec((_BLK, D), lambda i: (i, 0)),
        out_shape=jax.ShapeDtypeStruct((NP, D), _f32),
    )(x, w)


def _combine_edge_body(p_ref, hb_ref, hd_ref, ef_ref, dinv_ref, binv_ref):
    b = jnp.sum(hb_ref[...], axis=0)
    binv = jnp.where(b > 0, 1.0 / b, 0.0)
    binv_ref[...] = binv
    d = jnp.sum(hd_ref[...], axis=0)
    dinv_ref[...] = jnp.where(d > 0, 1.0 / d, 0.0)
    ef_ref[...] = binv[:, None] * (p_ref[0] + p_ref[1])


def _combine_edge(part, hist_b, hist_d):
    return pl.pallas_call(
        _combine_edge_body,
        grid=(NP // _BLK,),
        in_specs=[pl.BlockSpec((NC, _BLK, D), lambda i: (0, i, 0)),
                  pl.BlockSpec((NW, _BLK), lambda i: (0, i)),
                  pl.BlockSpec((NW, _BLK), lambda i: (0, i))],
        out_specs=[pl.BlockSpec((_BLK, D), lambda i: (i, 0)),
                   pl.BlockSpec((_BLK,), lambda i: (i,)),
                   pl.BlockSpec((_BLK,), lambda i: (i,))],
        out_shape=[jax.ShapeDtypeStruct((NP, D), _f32),
                   jax.ShapeDtypeStruct((NP,), _f32),
                   jax.ShapeDtypeStruct((NP,), _f32)],
    )(part, hist_b, hist_d)


def _combine_edge2_body(p_ref, binv_ref, ef_ref):
    ef_ref[...] = binv_ref[...][:, None] * (p_ref[0] + p_ref[1])


def _combine_edge2(part, binv):
    return pl.pallas_call(
        _combine_edge2_body,
        grid=(NP // _BLK,),
        in_specs=[pl.BlockSpec((NC, _BLK, D), lambda i: (0, i, 0)),
                  pl.BlockSpec((_BLK,), lambda i: (i,))],
        out_specs=pl.BlockSpec((_BLK, D), lambda i: (i, 0)),
        out_shape=jax.ShapeDtypeStruct((NP, D), _f32),
    )(part, binv)


def _combine_node_mm_body(p_ref, dinv_ref, b_ref, w_ref, o_ref):
    i = pl.program_id(0)
    h = dinv_ref[...][:, None] * (p_ref[0] + p_ref[1]) + b_ref[...]
    h = jnp.maximum(h, 0.0)
    rid = i * _BLK + lax.broadcasted_iota(jnp.int32, (_BLK, 1), 0)
    h = jnp.where(rid < N, h, 0.0)
    o_ref[...] = jnp.dot(h, w_ref[...], preferred_element_type=_f32)


def _combine_node_mm(part, dinv, b1, w2):
    return pl.pallas_call(
        _combine_node_mm_body,
        grid=(NP // _BLK,),
        in_specs=[pl.BlockSpec((NC, _BLK, D), lambda i: (0, i, 0)),
                  pl.BlockSpec((_BLK,), lambda i: (i,)),
                  pl.BlockSpec((1, D), lambda i: (0, 0)),
                  pl.BlockSpec((D, D), lambda i: (0, 0))],
        out_specs=pl.BlockSpec((_BLK, D), lambda i: (i, 0)),
        out_shape=jax.ShapeDtypeStruct((NP, D), _f32),
    )(part, dinv, b1.reshape(1, D), w2)


def _final_body(p_ref, dinv_ref, b_ref, o_ref):
    o_ref[...] = (dinv_ref[...][:, None] * (p_ref[0] + p_ref[1])
                  + b_ref[...])


def _final(part, dinv, b2):
    return pl.pallas_call(
        _final_body,
        grid=(NP // _BLK,),
        in_specs=[pl.BlockSpec((NC, _BLK, D), lambda i: (0, i, 0)),
                  pl.BlockSpec((_BLK,), lambda i: (i,)),
                  pl.BlockSpec((1, D), lambda i: (0, 0))],
        out_specs=pl.BlockSpec((_BLK, D), lambda i: (i, 0)),
        out_shape=jax.ShapeDtypeStruct((NP, D), _f32),
    )(part, dinv, b2.reshape(1, D))


def _pad_indices(idx):
    filler = jnp.full((NW * NCHUNK * CH - E,), DUMMY, jnp.int32)
    a = jnp.concatenate([idx.astype(jnp.int32), filler]).reshape(NW, NCHUNK, CH)
    tail = jnp.full((NW, NCA - NCHUNK, CH), DUMMY, jnp.int32)
    return jnp.concatenate([a, tail], axis=1)


def kernel(x, hyperedges, hyperedge_attrs, W1, b1, W2, b2):
    del hyperedge_attrs
    ni = _pad_indices(hyperedges[0])
    ei = _pad_indices(hyperedges[1])
    xp = jnp.zeros((NP, D), _f32).at[:N].set(x)

    hist_d, hist_b = _sc_hist(ni, ei)

    x1 = _matmul(xp, W1)
    (epart,) = _sc_pass(x1, ni, ei)
    ef, dinv, binv = _combine_edge(epart, hist_b, hist_d)
    (npart,) = _sc_pass(ef, ei, ni)
    x2 = _combine_node_mm(npart, dinv, b1, W2)

    (epart2,) = _sc_pass(x2, ni, ei)
    ef2 = _combine_edge2(epart2, binv)
    (npart2,) = _sc_pass(ef2, ei, ni)
    return _final(npart2, dinv, b2)[:N]

# --- scband reference (transcript-rebuilt; emitter-appended) ---
"""Pipeline reference for scband-hgn-conv-70153995812952 (READ-ONLY COPY).

The authoritative reference and input builder live on the scoring server;
editing this copy changes nothing except your own understanding.
"""

import jax, jax.numpy as jnp
import numpy as np

N_NODES = 10000
N_HYPEREDGES = 10000
E = 320000
D_IN = 128
D_HID = 128
D_OUT = 128
D_HE_EMB = 64


def _hypergraph_conv(x, hyperedge_index, W, b, num_nodes, num_edges):
    # Faithful port of PyG HypergraphConv with use_attention=False, heads=1.
    # out = D^{-1} H W_e B^{-1} H^T (x Theta) + bias, with W_e = ones.
    x1 = x @ W  # lin (no bias in lin)
    node_idx = hyperedge_index[0]
    edge_idx = hyperedge_index[1]
    hyperedge_weight = jnp.ones((num_edges,), dtype=x.dtype)
    # D: node degree weighted by hyperedge weights
    D = jax.ops.segment_sum(hyperedge_weight[edge_idx], node_idx, num_segments=num_nodes)
    Dinv = jnp.where(D > 0, 1.0 / D, 0.0)
    # B: hyperedge degree
    B = jax.ops.segment_sum(jnp.ones((edge_idx.shape[0],), dtype=x.dtype), edge_idx, num_segments=num_edges)
    Binv = jnp.where(B > 0, 1.0 / B, 0.0)
    # propagate node -> hyperedge: message = B^{-1}[e] * x1[i], sum at e
    msg1 = Binv[edge_idx][:, None] * jnp.take(x1, node_idx, axis=0)
    edge_feat = jax.ops.segment_sum(msg1, edge_idx, num_segments=num_edges)
    # propagate hyperedge -> node (flipped index): message = D^{-1}[i] * edge_feat[e], sum at i
    msg2 = Dinv[node_idx][:, None] * jnp.take(edge_feat, edge_idx, axis=0)
    out = jax.ops.segment_sum(msg2, node_idx, num_segments=num_nodes)
    return out + b


def setup_inputs(seed: int = 0) -> dict:
    key = jax.random.key(seed)
    k1, k2, k3, k4, k5 = jax.random.split(key, 5)
    x = jax.random.normal(k1, (N_NODES, D_IN), dtype=jnp.float32)
    hyperedges = jax.random.randint(k2, (2, E), 0, N_HYPEREDGES)
    hyperedge_attrs = jax.random.normal(k3, (N_HYPEREDGES, D_HE_EMB), dtype=jnp.float32)
    # Glorot-style init for the two HypergraphConv lin weights
    W1 = jax.random.normal(k4, (D_IN, D_HID), dtype=jnp.float32) * np.sqrt(2.0 / (D_IN + D_HID))
    W2 = jax.random.normal(k5, (D_HID, D_OUT), dtype=jnp.float32) * np.sqrt(2.0 / (D_HID + D_OUT))
    # wrapper resets bias to zeros
    b1 = jnp.zeros((D_HID,), dtype=jnp.float32)
    b2 = jnp.zeros((D_OUT,), dtype=jnp.float32)
    return {"x": x, "hyperedges": hyperedges, "hyperedge_attrs": hyperedge_attrs,
            "W1": W1, "b1": b1, "W2": W2, "b2": b2}


def reference(x, hyperedges, hyperedge_attrs, W1, b1, W2, b2):
    # dropout p=0.0 -> identity; hyperedge_attrs unused (use_attention=False)
    h = _hypergraph_conv(x, hyperedges, W1, b1, N_NODES, N_HYPEREDGES)
    h = jax.nn.relu(h)  # relu between layers
    out = _hypergraph_conv(h, hyperedges, W2, b2, N_NODES, N_HYPEREDGES)
    return out

if __name__ == "__main__":
    import jax
    _d = setup_inputs()
    print(jax.jit(kernel)(*tuple(_d.values())))

</pallas_src>

<mosaic_0001>
#map = affine_map<(d0, d1) -> (0, 0)>
#map1 = affine_map<(d0, d1) -> (0, 0, 0)>
module attributes {stable_mosaic.version = 14 : i64} {
  func.func @_sc_pass_body(%arg0: i32, %arg1: i32, %arg2: memref<10240x128xf32, #tpu.memory_space<hbm>>, %arg3: memref<32x82x128xi32, #tpu.memory_space<hbm>>, %arg4: memref<32x82x128xi32, #tpu.memory_space<hbm>>, %arg5: memref<2x10240x128xf32, #tpu.memory_space<hbm>>, %arg6: memref<10240x128xf32, #tpu.memory_space<vmem_shared>>, %arg7: memref<1x128xi32, #tpu.memory_space<vmem>>, %arg8: memref<1x128xi32, #tpu.memory_space<vmem>>, %arg9: memref<1x128xi32, #tpu.memory_space<vmem>>, %arg10: memref<1x128xi32, #tpu.memory_space<vmem>>, %arg11: memref<128x128xf32, #tpu.memory_space<vmem>>, %arg12: memref<128x128xf32, #tpu.memory_space<vmem>>, %arg13: memref<!tpu.dma_semaphore, #tpu.memory_space<semaphore_mem>>, %arg14: memref<!tpu.dma_semaphore, #tpu.memory_space<semaphore_mem>>, %arg15: memref<!tpu.dma_semaphore, #tpu.memory_space<semaphore_mem>>, %arg16: memref<!tpu.dma_semaphore, #tpu.memory_space<semaphore_mem>>) attributes {dimension_semantics = [#tpu.dimension_semantics<core_parallel>, #tpu.dimension_semantics<subcore_parallel>], iteration_bounds = array<i64: 2, 16>, scalar_prefetch = 0 : i64, scratch_operands = 11 : i64, tpu.core_type = #tpu.core_type<sc_vector_subcore>, window_params = [{transform_indices = #map}, {transform_indices = #map1}, {transform_indices = #map1}, {transform_indices = #map1}]} {
    %mul3A = arith.constant 2 : i32
    %mul3A_0 = arith.muli %arg1, %mul3A : i32
    %add3A = arith.addi %mul3A_0, %arg0 : i32
    %broadcast_in_dim3A = arith.constant 0.000000e+00 : f32
    %broadcast_in_dim3A_1 = vector.broadcast %broadcast_in_dim3A : f32 to vector<16xf32>
    %scan3A = arith.constant 0 : i32
    %scan3A_2 = arith.constant 128 : i32
    %scan3A_3 = arith.addi %scan3A, %scan3A_2 : i32
    %scan3A_4 = arith.constant 1 : i32
    scf.for %scan3A_54 = %scan3A to %scan3A_3 step %scan3A_4  : i32 {
      %mul3A_55 = arith.constant 1 : i32
      %mul3A_56 = arith.muli %scan3A_54, %mul3A_55 : i32
      %add3A_57 = arith.constant 0 : i32
      %add3A_58 = arith.addi %add3A_57, %mul3A_56 : i32
      %swap3A = arith.index_cast %add3A_58 : i32 to index
      %swap3A_59 = arith.constant 0 : index
      %swap3A_60 = tpu.vector_load %arg11[%swap3A, %swap3A_59] {strides = array<i32>} : memref<128x128xf32, #tpu.memory_space<vmem>>, vector<16xf32>,
      tpu.vector_store %arg11[%swap3A, %swap3A_59], %broadcast_in_dim3A_1 {strides = array<i32>} : memref<128x128xf32, #tpu.memory_space<vmem>>, vector<16xf32>,
      %swap3A_61 = arith.index_cast %add3A_58 : i32 to index
      %swap3A_62 = arith.constant 16 : index
      %swap3A_63 = tpu.vector_load %arg11[%swap3A_61, %swap3A_62] {strides = array<i32>} : memref<128x128xf32, #tpu.memory_space<vmem>>, vector<16xf32>,
      tpu.vector_store %arg11[%swap3A_61, %swap3A_62], %broadcast_in_dim3A_1 {strides = array<i32>} : memref<128x128xf32, #tpu.memory_space<vmem>>, vector<16xf32>,
      %swap3A_64 = arith.index_cast %add3A_58 : i32 to index
      %swap3A_65 = arith.constant 32 : index
      %swap3A_66 = tpu.vector_load %arg11[%swap3A_64, %swap3A_65] {strides = array<i32>} : memref<128x128xf32, #tpu.memory_space<vmem>>, vector<16xf32>,
      tpu.vector_store %arg11[%swap3A_64, %swap3A_65], %broadcast_in_dim3A_1 {strides = array<i32>} : memref<128x128xf32, #tpu.memory_space<vmem>>, vector<16xf32>,
      %swap3A_67 = arith.index_cast %add3A_58 : i32 to index
      %swap3A_68 = arith.constant 48 : index
      %swap3A_69 = tpu.vector_load %arg11[%swap3A_67, %swap3A_68] {strides = array<i32>} : memref<128x128xf32, #tpu.memory_space<vmem>>, vector<16xf32>,
      tpu.vector_store %arg11[%swap3A_67, %swap3A_68], %broadcast_in_dim3A_1 {strides = array<i32>} : memref<128x128xf32, #tpu.memory_space<vmem>>, vector<16xf32>,
      %swap3A_70 = arith.index_cast %add3A_58 : i32 to index
      %swap3A_71 = arith.constant 64 : index
      %swap3A_72 = tpu.vector_load %arg11[%swap3A_70, %swap3A_71] {strides = array<i32>} : memref<128x128xf32, #tpu.memory_space<vmem>>, vector<16xf32>,
      tpu.vector_store %arg11[%swap3A_70, %swap3A_71], %broadcast_in_dim3A_1 {strides = array<i32>} : memref<128x128xf32, #tpu.memory_space<vmem>>, vector<16xf32>,
      %swap3A_73 = arith.index_cast %add3A_58 : i32 to index
      %swap3A_74 = arith.constant 80 : index
      %swap3A_75 = tpu.vector_load %arg11[%swap3A_73, %swap3A_74] {strides = array<i32>} : memref<128x128xf32, #tpu.memory_space<vmem>>, vector<16xf32>,
      tpu.vector_store %arg11[%swap3A_73, %swap3A_74], %broadcast_in_dim3A_1 {strides = array<i32>} : memref<128x128xf32, #tpu.memory_space<vmem>>, vector<16xf32>,
      %swap3A_76 = arith.index_cast %add3A_58 : i32 to index
      %swap3A_77 = arith.constant 96 : index
      %swap3A_78 = tpu.vector_load %arg11[%swap3A_76, %swap3A_77] {strides = array<i32>} : memref<128x128xf32, #tpu.memory_space<vmem>>, vector<16xf32>,
      tpu.vector_store %arg11[%swap3A_76, %swap3A_77], %broadcast_in_dim3A_1 {strides = array<i32>} : memref<128x128xf32, #tpu.memory_space<vmem>>, vector<16xf32>,
      %swap3A_79 = arith.index_cast %add3A_58 : i32 to index
      %swap3A_80 = arith.constant 112 : index
      %swap3A_81 = tpu.vector_load %arg11[%swap3A_79, %swap3A_80] {strides = array<i32>} : memref<128x128xf32, #tpu.memory_space<vmem>>, vector<16xf32>,
      tpu.vector_store %arg11[%swap3A_79, %swap3A_80], %broadcast_in_dim3A_1 {strides = array<i32>} : memref<128x128xf32, #tpu.memory_space<vmem>>, vector<16xf32>,
    }
    %scan3A_5 = arith.constant 128 : i32
    %scan3A_6 = arith.constant 0 : i32
    %scan3A_7 = arith.constant 5 : i32
    %scan3A_8 = arith.addi %scan3A_6, %scan3A_7 : i32
    %scan3A_9 = arith.constant 1 : i32
    scf.for %scan3A_54 = %scan3A_6 to %scan3A_8 step %scan3A_9  : i32 {
      %mul3A_55 = arith.constant 1 : i32
      %mul3A_56 = arith.muli %scan3A_54, %mul3A_55 : i32
      %add3A_57 = arith.constant 0 : i32
      %add3A_58 = arith.addi %add3A_57, %mul3A_56 : i32
      %mul3A_59 = arith.constant 640 : i32
      %mul3A_60 = arith.muli %arg1, %mul3A_59 : i32
      %mul3A_61 = arith.constant 128 : i32
      %mul3A_62 = arith.muli %add3A_58, %mul3A_61 : i32
      %add3A_63 = arith.addi %mul3A_60, %mul3A_62 : i32
      "tpu.region"() ({
        %run_scoped3A_64 = tpu.sem_alloc : memref<!tpu.dma_semaphore, #tpu.memory_space<semaphore_mem>>
        %dma_start3A_65 = arith.constant 0 : i32
        %dma_start3A_66 = tpu.memref_slice %arg6[%add3A_63, %dma_start3A_65] : memref<10240x128xf32, #tpu.memory_space<vmem_shared>> -> memref<128x128xf32, #tpu.memory_space<vmem_shared>>
        %dma_start3A_67 = arith.constant 0 : i32
        %dma_start3A_68 = tpu.memref_slice %arg6[%add3A_63, %dma_start3A_67] : memref<10240x128xf32, #tpu.memory_space<vmem_shared>> -> memref<128x128xf32, #tpu.memory_space<vmem_shared>>
        tpu.enqueue_dma source(%arg11 : memref<128x128xf32, #tpu.memory_space<vmem>>) target(%dma_start3A_68 : memref<128x128xf32, #tpu.memory_space<vmem_shared>>) target_semaphore(%run_scoped3A_64 : memref<!tpu.dma_semaphore, #tpu.memory_space<semaphore_mem>>)
        %dma_wait3A_69 = arith.constant 0 : i32
        %dma_wait3A_70 = tpu.memref_slice %arg6[%add3A_63, %dma_wait3A_69] : memref<10240x128xf32, #tpu.memory_space<vmem_shared>> -> memref<128x128xf32, #tpu.memory_space<vmem_shared>>
        %dma_wait3A_71 = arith.constant 0 : i32
        %dma_wait3A_72 = tpu.memref_slice %arg6[%add3A_63, %dma_wait3A_71] : memref<10240x128xf32, #tpu.memory_space<vmem_shared>> -> memref<128x128xf32, #tpu.memory_space<vmem_shared>>
        tpu.wait_dma2 semaphore(%run_scoped3A_64 : memref<!tpu.dma_semaphore, #tpu.memory_space<semaphore_mem>>) src(%arg11 : memref<128x128xf32, #tpu.memory_space<vmem>>) dst(%dma_wait3A_72 : memref<128x128xf32, #tpu.memory_space<vmem_shared>>)
        tpu.yield
      }) : () -> ()
    }
    %scan3A_10 = arith.constant 5 : i32
    %run_scoped3A = arith.constant 0 : i32
    %run_scoped3A_11 = arith.constant 0 : i32
    "tpu.region"() ({
      %run_scoped3A_54 = tpu.sem_alloc : memref<!tpu.dma_semaphore, #tpu.memory_space<semaphore_mem>>
      %dma_start3A_55 = arith.constant 0 : i32
      %dma_start3A_56 = tpu.memref_slice %arg7[%run_scoped3A_11, %dma_start3A_55] : memref<1x128xi32, #tpu.memory_space<vmem>> -> memref<1x128xi32, #tpu.memory_space<vmem>>
      %dma_start3A_57 = tpu.memref_squeeze %dma_start3A_56 : memref<1x128xi32, #tpu.memory_space<vmem>> -> memref<128xi32, #tpu.memory_space<vmem>>
      %dma_start3A_58 = arith.constant 0 : i32
      %dma_start3A_59 = tpu.memref_slice %arg3[%add3A, %run_scoped3A, %dma_start3A_58] : memref<32x82x128xi32, #tpu.memory_space<hbm>> -> memref<1x1x128xi32, #tpu.memory_space<hbm>>
      %dma_start3A_60 = tpu.memref_squeeze %dma_start3A_59 : memref<1x1x128xi32, #tpu.memory_space<hbm>> -> memref<128xi32, #tpu.memory_space<hbm>>
      %dma_start3A_61 = arith.constant 0 : i32
      %dma_start3A_62 = tpu.memref_slice %arg7[%run_scoped3A_11, %dma_start3A_61] : memref<1x128xi32, #tpu.memory_space<vmem>> -> memref<1x128xi32, #tpu.memory_space<vmem>>
      %dma_start3A_63 = tpu.memref_squeeze %dma_start3A_62 : memref<1x128xi32, #tpu.memory_space<vmem>> -> memref<128xi32, #tpu.memory_space<vmem>>
      %dma_start3A_64 = arith.constant 0 : i32
      %dma_start3A_65 = tpu.memref_slice %arg3[%add3A, %run_scoped3A, %dma_start3A_64] : memref<32x82x128xi32, #tpu.memory_space<hbm>> -> memref<1x1x128xi32, #tpu.memory_space<hbm>>
      %dma_start3A_66 = tpu.memref_squeeze %dma_start3A_65 : memref<1x1x128xi32, #tpu.memory_space<hbm>> -> memref<128xi32, #tpu.memory_space<hbm>>
      tpu.enqueue_dma source(%dma_start3A_66 : memref<128xi32, #tpu.memory_space<hbm>>) target(%dma_start3A_63 : memref<128xi32, #tpu.memory_space<vmem>>) target_semaphore(%run_scoped3A_54 : memref<!tpu.dma_semaphore, #tpu.memory_space<semaphore_mem>>)
      %dma_wait3A_67 = arith.constant 0 : i32
      %dma_wait3A_68 = tpu.memref_slice %arg7[%run_scoped3A_11, %dma_wait3A_67] : memref<1x128xi32, #tpu.memory_space<vmem>> -> memref<1x128xi32, #tpu.memory_space<vmem>>
      %dma_wait3A_69 = tpu.memref_squeeze %dma_wait3A_68 : memref<1x128xi32, #tpu.memory_space<vmem>> -> memref<128xi32, #tpu.memory_space<vmem>>
      %dma_wait3A_70 = arith.constant 0 : i32
      %dma_wait3A_71 = tpu.memref_slice %arg3[%add3A, %run_scoped3A, %dma_wait3A_70] : memref<32x82x128xi32, #tpu.memory_space<hbm>> -> memref<1x1x128xi32, #tpu.memory_space<hbm>>
      %dma_wait3A_72 = tpu.memref_squeeze %dma_wait3A_71 : memref<1x1x128xi32, #tpu.memory_space<hbm>> -> memref<128xi32, #tpu.memory_space<hbm>>
      %dma_wait3A_73 = arith.constant 0 : i32
      %dma_wait3A_74 = tpu.memref_slice %arg7[%run_scoped3A_11, %dma_wait3A_73] : memref<1x128xi32, #tpu.memory_space<vmem>> -> memref<1x128xi32, #tpu.memory_space<vmem>>
      %dma_wait3A_75 = tpu.memref_squeeze %dma_wait3A_74 : memref<1x128xi32, #tpu.memory_space<vmem>> -> memref<128xi32, #tpu.memory_space<vmem>>
      %dma_wait3A_76 = arith.constant 0 : i32
      %dma_wait3A_77 = tpu.memref_slice %arg3[%add3A, %run_scoped3A, %dma_wait3A_76] : memref<32x82x128xi32, #tpu.memory_space<hbm>> -> memref<1x1x128xi32, #tpu.memory_space<hbm>>
      %dma_wait3A_78 = tpu.memref_squeeze %dma_wait3A_77 : memref<1x1x128xi32, #tpu.memory_space<hbm>> -> memref<128xi32, #tpu.memory_space<hbm>>
      tpu.wait_dma2 semaphore(%run_scoped3A_54 : memref<!tpu.dma_semaphore, #tpu.memory_space<semaphore_mem>>) src(%dma_wait3A_78 : memref<128xi32, #tpu.memory_space<hbm>>) dst(%dma_wait3A_75 : memref<128xi32, #tpu.memory_space<vmem>>)
      tpu.yield
    }) : () -> ()
    %run_scoped3A_12 = arith.constant 0 : i32
    %run_scoped3A_13 = arith.constant 0 : i32
    "tpu.region"() ({
      %run_scoped3A_54 = tpu.sem_alloc : memref<!tpu.dma_semaphore, #tpu.memory_space<semaphore_mem>>
      %dma_start3A_55 = arith.constant 0 : i32
      %dma_start3A_56 = tpu.memref_slice %arg8[%run_scoped3A_13, %dma_start3A_55] : memref<1x128xi32, #tpu.memory_space<vmem>> -> memref<1x128xi32, #tpu.memory_space<vmem>>
      %dma_start3A_57 = tpu.memref_squeeze %dma_start3A_56 : memref<1x128xi32, #tpu.memory_space<vmem>> -> memref<128xi32, #tpu.memory_space<vmem>>
      %dma_start3A_58 = arith.constant 0 : i32
      %dma_start3A_59 = tpu.memref_slice %arg4[%add3A, %run_scoped3A_12, %dma_start3A_58] : memref<32x82x128xi32, #tpu.memory_space<hbm>> -> memref<1x1x128xi32, #tpu.memory_space<hbm>>
      %dma_start3A_60 = tpu.memref_squeeze %dma_start3A_59 : memref<1x1x128xi32, #tpu.memory_space<hbm>> -> memref<128xi32, #tpu.memory_space<hbm>>
      %dma_start3A_61 = arith.constant 0 : i32
      %dma_start3A_62 = tpu.memref_slice %arg8[%run_scoped3A_13, %dma_start3A_61] : memref<1x128xi32, #tpu.memory_space<vmem>> -> memref<1x128xi32, #tpu.memory_space<vmem>>
      %dma_start3A_63 = tpu.memref_squeeze %dma_start3A_62 : memref<1x128xi32, #tpu.memory_space<vmem>> -> memref<128xi32, #tpu.memory_space<vmem>>
      %dma_start3A_64 = arith.constant 0 : i32
      %dma_start3A_65 = tpu.memref_slice %arg4[%add3A, %run_scoped3A_12, %dma_start3A_64] : memref<32x82x128xi32, #tpu.memory_space<hbm>> -> memref<1x1x128xi32, #tpu.memory_space<hbm>>
      %dma_start3A_66 = tpu.memref_squeeze %dma_start3A_65 : memref<1x1x128xi32, #tpu.memory_space<hbm>> -> memref<128xi32, #tpu.memory_space<hbm>>
      tpu.enqueue_dma source(%dma_start3A_66 : memref<128xi32, #tpu.memory_space<hbm>>) target(%dma_start3A_63 : memref<128xi32, #tpu.memory_space<vmem>>) target_semaphore(%run_scoped3A_54 : memref<!tpu.dma_semaphore, #tpu.memory_space<semaphore_mem>>)
      %dma_wait3A_67 = arith.constant 0 : i32
      %dma_wait3A_68 = tpu.memref_slice %arg8[%run_scoped3A_13, %dma_wait3A_67] : memref<1x128xi32, #tpu.memory_space<vmem>> -> memref<1x128xi32, #tpu.memory_space<vmem>>
      %dma_wait3A_69 = tpu.memref_squeeze %dma_wait3A_68 : memref<1x128xi32, #tpu.memory_space<vmem>> -> memref<128xi32, #tpu.memory_space<vmem>>
      %dma_wait3A_70 = arith.constant 0 : i32
      %dma_wait3A_71 = tpu.memref_slice %arg4[%add3A, %run_scoped3A_12, %dma_wait3A_70] : memref<32x82x128xi32, #tpu.memory_space<hbm>> -> memref<1x1x128xi32, #tpu.memory_space<hbm>>
      %dma_wait3A_72 = tpu.memref_squeeze %dma_wait3A_71 : memref<1x1x128xi32, #tpu.memory_space<hbm>> -> memref<128xi32, #tpu.memory_space<hbm>>
      %dma_wait3A_73 = arith.constant 0 : i32
      %dma_wait3A_74 = tpu.memref_slice %arg8[%run_scoped3A_13, %dma_wait3A_73] : memref<1x128xi32, #tpu.memory_space<vmem>> -> memref<1x128xi32, #tpu.memory_space<vmem>>
      %dma_wait3A_75 = tpu.memref_squeeze %dma_wait3A_74 : memref<1x128xi32, #tpu.memory_space<vmem>> -> memref<128xi32, #tpu.memory_space<vmem>>
      %dma_wait3A_76 = arith.constant 0 : i32
      %dma_wait3A_77 = tpu.memref_slice %arg4[%add3A, %run_scoped3A_12, %dma_wait3A_76] : memref<32x82x128xi32, #tpu.memory_space<hbm>> -> memref<1x1x128xi32, #tpu.memory_space<hbm>>
      %dma_wait3A_78 = tpu.memref_squeeze %dma_wait3A_77 : memref<1x1x128xi32, #tpu.memory_space<hbm>> -> memref<128xi32, #tpu.memory_space<hbm>>
      tpu.wait_dma2 semaphore(%run_scoped3A_54 : memref<!tpu.dma_semaphore, #tpu.memory_space<semaphore_mem>>) src(%dma_wait3A_78 : memref<128xi32, #tpu.memory_space<hbm>>) dst(%dma_wait3A_75 : memref<128xi32, #tpu.memory_space<vmem>>)
      tpu.yield
    }) : () -> ()
    %dma_start3A = arith.constant 0 : i32
    %dma_start3A_14 = arith.constant 0 : i32
    %dma_start3A_15 = tpu.memref_slice %arg7[%dma_start3A, %dma_start3A_14] : memref<1x128xi32, #tpu.memory_space<vmem>> -> memref<1x128xi32, #tpu.memory_space<vmem>>
    %dma_start3A_16 = tpu.memref_squeeze %dma_start3A_15 : memref<1x128xi32, #tpu.memory_space<vmem>> -> memref<128xi32, #tpu.memory_space<vmem>>
    %dma_start3A_17 = arith.constant 0 : i32
    %dma_start3A_18 = arith.constant 0 : i32
    %dma_start3A_19 = tpu.memref_slice %arg2[%dma_start3A_17, %dma_start3A_18] : memref<10240x128xf32, #tpu.memory_space<hbm>> -> memref<10240x128xf32, #tpu.memory_space<hbm>>
    tpu.enqueue_indirect_dma source(%dma_start3A_19 : memref<10240x128xf32, #tpu.memory_space<hbm>>) target(%arg11 : memref<128x128xf32, #tpu.memory_space<vmem>>) offsets(%dma_start3A_16 : memref<128xi32, #tpu.memory_space<vmem>>) semaphore(%arg13 : memref<!tpu.dma_semaphore, #tpu.memory_space<semaphore_mem>>)
    %run_scoped3A_20 = arith.constant 1 : i32
    %run_scoped3A_21 = arith.constant 0 : i32
    "tpu.region"() ({
      %run_scoped3A_54 = tpu.sem_alloc : memref<!tpu.dma_semaphore, #tpu.memory_space<semaphore_mem>>
      %dma_start3A_55 = arith.constant 0 : i32
      %dma_start3A_56 = tpu.memref_slice %arg9[%run_scoped3A_21, %dma_start3A_55] : memref<1x128xi32, #tpu.memory_space<vmem>> -> memref<1x128xi32, #tpu.memory_space<vmem>>
      %dma_start3A_57 = tpu.memref_squeeze %dma_start3A_56 : memref<1x128xi32, #tpu.memory_space<vmem>> -> memref<128xi32, #tpu.memory_space<vmem>>
      %dma_start3A_58 = arith.constant 0 : i32
      %dma_start3A_59 = tpu.memref_slice %arg3[%add3A, %run_scoped3A_20, %dma_start3A_58] : memref<32x82x128xi32, #tpu.memory_space<hbm>> -> memref<1x1x128xi32, #tpu.memory_space<hbm>>
      %dma_start3A_60 = tpu.memref_squeeze %dma_start3A_59 : memref<1x1x128xi32, #tpu.memory_space<hbm>> -> memref<128xi32, #tpu.memory_space<hbm>>
      %dma_start3A_61 = arith.constant 0 : i32
      %dma_start3A_62 = tpu.memref_slice %arg9[%run_scoped3A_21, %dma_start3A_61] : memref<1x128xi32, #tpu.memory_space<vmem>> -> memref<1x128xi32, #tpu.memory_space<vmem>>
      %dma_start3A_63 = tpu.memref_squeeze %dma_start3A_62 : memref<1x128xi32, #tpu.memory_space<vmem>> -> memref<128xi32, #tpu.memory_space<vmem>>
      %dma_start3A_64 = arith.constant 0 : i32
      %dma_start3A_65 = tpu.memref_slice %arg3[%add3A, %run_scoped3A_20, %dma_start3A_64] : memref<32x82x128xi32, #tpu.memory_space<hbm>> -> memref<1x1x128xi32, #tpu.memory_space<hbm>>
      %dma_start3A_66 = tpu.memref_squeeze %dma_start3A_65 : memref<1x1x128xi32, #tpu.memory_space<hbm>> -> memref<128xi32, #tpu.memory_space<hbm>>
      tpu.enqueue_dma source(%dma_start3A_66 : memref<128xi32, #tpu.memory_space<hbm>>) target(%dma_start3A_63 : memref<128xi32, #tpu.memory_space<vmem>>) target_semaphore(%run_scoped3A_54 : memref<!tpu.dma_semaphore, #tpu.memory_space<semaphore_mem>>)
      %dma_wait3A_67 = arith.constant 0 : i32
      %dma_wait3A_68 = tpu.memref_slice %arg9[%run_scoped3A_21, %dma_wait3A_67] : memref<1x128xi32, #tpu.memory_space<vmem>> -> memref<1x128xi32, #tpu.memory_space<vmem>>
      %dma_wait3A_69 = tpu.memref_squeeze %dma_wait3A_68 : memref<1x128xi32, #tpu.memory_space<vmem>> -> memref<128xi32, #tpu.memory_space<vmem>>
      %dma_wait3A_70 = arith.constant 0 : i32
      %dma_wait3A_71 = tpu.memref_slice %arg3[%add3A, %run_scoped3A_20, %dma_wait3A_70] : memref<32x82x128xi32, #tpu.memory_space<hbm>> -> memref<1x1x128xi32, #tpu.memory_space<hbm>>
      %dma_wait3A_72 = tpu.memref_squeeze %dma_wait3A_71 : memref<1x1x128xi32, #tpu.memory_space<hbm>> -> memref<128xi32, #tpu.memory_space<hbm>>
      %dma_wait3A_73 = arith.constant 0 : i32
      %dma_wait3A_74 = tpu.memref_slice %arg9[%run_scoped3A_21, %dma_wait3A_73] : memref<1x128xi32, #tpu.memory_space<vmem>> -> memref<1x128xi32, #tpu.memory_space<vmem>>
      %dma_wait3A_75 = tpu.memref_squeeze %dma_wait3A_74 : memref<1x128xi32, #tpu.memory_space<vmem>> -> memref<128xi32, #tpu.memory_space<vmem>>
      %dma_wait3A_76 = arith.constant 0 : i32
      %dma_wait3A_77 = tpu.memref_slice %arg3[%add3A, %run_scoped3A_20, %dma_wait3A_76] : memref<32x82x128xi32, #tpu.memory_space<hbm>> -> memref<1x1x128xi32, #tpu.memory_space<hbm>>
      %dma_wait3A_78 = tpu.memref_squeeze %dma_wait3A_77 : memref<1x1x128xi32, #tpu.memory_space<hbm>> -> memref<128xi32, #tpu.memory_space<hbm>>
      tpu.wait_dma2 semaphore(%run_scoped3A_54 : memref<!tpu.dma_semaphore, #tpu.memory_space<semaphore_mem>>) src(%dma_wait3A_78 : memref<128xi32, #tpu.memory_space<hbm>>) dst(%dma_wait3A_75 : memref<128xi32, #tpu.memory_space<vmem>>)
      tpu.yield
    }) : () -> ()
    %run_scoped3A_22 = arith.constant 1 : i32
    %run_scoped3A_23 = arith.constant 0 : i32
    "tpu.region"() ({
      %run_scoped3A_54 = tpu.sem_alloc : memref<!tpu.dma_semaphore, #tpu.memory_space<semaphore_mem>>
      %dma_start3A_55 = arith.constant 0 : i32
      %dma_start3A_56 = tpu.memref_slice %arg10[%run_scoped3A_23, %dma_start3A_55] : memref<1x128xi32, #tpu.memory_space<vmem>> -> memref<1x128xi32, #tpu.memory_space<vmem>>
      %dma_start3A_57 = tpu.memref_squeeze %dma_start3A_56 : memref<1x128xi32, #tpu.memory_space<vmem>> -> memref<128xi32, #tpu.memory_space<vmem>>
      %dma_start3A_58 = arith.constant 0 : i32
      %dma_start3A_59 = tpu.memref_slice %arg4[%add3A, %run_scoped3A_22, %dma_start3A_58] : memref<32x82x128xi32, #tpu.memory_space<hbm>> -> memref<1x1x128xi32, #tpu.memory_space<hbm>>
      %dma_start3A_60 = tpu.memref_squeeze %dma_start3A_59 : memref<1x1x128xi32, #tpu.memory_space<hbm>> -> memref<128xi32, #tpu.memory_space<hbm>>
      %dma_start3A_61 = arith.constant 0 : i32
      %dma_start3A_62 = tpu.memref_slice %arg10[%run_scoped3A_23, %dma_start3A_61] : memref<1x128xi32, #tpu.memory_space<vmem>> -> memref<1x128xi32, #tpu.memory_space<vmem>>
      %dma_start3A_63 = tpu.memref_squeeze %dma_start3A_62 : memref<1x128xi32, #tpu.memory_space<vmem>> -> memref<128xi32, #tpu.memory_space<vmem>>
      %dma_start3A_64 = arith.constant 0 : i32
      %dma_start3A_65 = tpu.memref_slice %arg4[%add3A, %run_scoped3A_22, %dma_start3A_64] : memref<32x82x128xi32, #tpu.memory_space<hbm>> -> memref<1x1x128xi32, #tpu.memory_space<hbm>>
      %dma_start3A_66 = tpu.memref_squeeze %dma_start3A_65 : memref<1x1x128xi32, #tpu.memory_space<hbm>> -> memref<128xi32, #tpu.memory_space<hbm>>
      tpu.enqueue_dma source(%dma_start3A_66 : memref<128xi32, #tpu.memory_space<hbm>>) target(%dma_start3A_63 : memref<128xi32, #tpu.memory_space<vmem>>) target_semaphore(%run_scoped3A_54 : memref<!tpu.dma_semaphore, #tpu.memory_space<semaphore_mem>>)
      %dma_wait3A_67 = arith.constant 0 : i32
      %dma_wait3A_68 = tpu.memref_slice %arg10[%run_scoped3A_23, %dma_wait3A_67] : memref<1x128xi32, #tpu.memory_space<vmem>> -> memref<1x128xi32, #tpu.memory_space<vmem>>
      %dma_wait3A_69 = tpu.memref_squeeze %dma_wait3A_68 : memref<1x128xi32, #tpu.memory_space<vmem>> -> memref<128xi32, #tpu.memory_space<vmem>>
      %dma_wait3A_70 = arith.constant 0 : i32
      %dma_wait3A_71 = tpu.memref_slice %arg4[%add3A, %run_scoped3A_22, %dma_wait3A_70] : memref<32x82x128xi32, #tpu.memory_space<hbm>> -> memref<1x1x128xi32, #tpu.memory_space<hbm>>
      %dma_wait3A_72 = tpu.memref_squeeze %dma_wait3A_71 : memref<1x1x128xi32, #tpu.memory_space<hbm>> -> memref<128xi32, #tpu.memory_space<hbm>>
      %dma_wait3A_73 = arith.constant 0 : i32
      %dma_wait3A_74 = tpu.memref_slice %arg10[%run_scoped3A_23, %dma_wait3A_73] : memref<1x128xi32, #tpu.memory_space<vmem>> -> memref<1x128xi32, #tpu.memory_space<vmem>>
      %dma_wait3A_75 = tpu.memref_squeeze %dma_wait3A_74 : memref<1x128xi32, #tpu.memory_space<vmem>> -> memref<128xi32, #tpu.memory_space<vmem>>
      %dma_wait3A_76 = arith.constant 0 : i32
      %dma_wait3A_77 = tpu.memref_slice %arg4[%add3A, %run_scoped3A_22, %dma_wait3A_76] : memref<32x82x128xi32, #tpu.memory_space<hbm>> -> memref<1x1x128xi32, #tpu.memory_space<hbm>>
      %dma_wait3A_78 = tpu.memref_squeeze %dma_wait3A_77 : memref<1x1x128xi32, #tpu.memory_space<hbm>> -> memref<128xi32, #tpu.memory_space<hbm>>
      tpu.wait_dma2 semaphore(%run_scoped3A_54 : memref<!tpu.dma_semaphore, #tpu.memory_space<semaphore_mem>>) src(%dma_wait3A_78 : memref<128xi32, #tpu.memory_space<hbm>>) dst(%dma_wait3A_75 : memref<128xi32, #tpu.memory_space<vmem>>)
      tpu.yield
    }) : () -> ()
    %dma_start3A_24 = arith.constant 0 : i32
    %dma_start3A_25 = arith.constant 0 : i32
    %dma_start3A_26 = tpu.memref_slice %arg9[%dma_start3A_24, %dma_start3A_25] : memref<1x128xi32, #tpu.memory_space<vmem>> -> memref<1x128xi32, #tpu.memory_space<vmem>>
    %dma_start3A_27 = tpu.memref_squeeze %dma_start3A_26 : memref<1x128xi32, #tpu.memory_space<vmem>> -> memref<128xi32, #tpu.memory_space<vmem>>
    %dma_start3A_28 = arith.constant 0 : i32
    %dma_start3A_29 = arith.constant 0 : i32
    %dma_start3A_30 = tpu.memref_slice %arg2[%dma_start3A_28, %dma_start3A_29] : memref<10240x128xf32, #tpu.memory_space<hbm>> -> memref<10240x128xf32, #tpu.memory_space<hbm>>
    tpu.enqueue_indirect_dma source(%dma_start3A_30 : memref<10240x128xf32, #tpu.memory_space<hbm>>) target(%arg12 : memref<128x128xf32, #tpu.memory_space<vmem>>) offsets(%dma_start3A_27 : memref<128xi32, #tpu.memory_space<vmem>>) semaphore(%arg15 : memref<!tpu.dma_semaphore, #tpu.memory_space<semaphore_mem>>)
    %barrier3A = arith.constant 0 : index
    tpu.barrier barrier_id(%barrier3A)
    %scan3A_31 = arith.constant 0 : i32
    %scan3A_32 = arith.constant 40 : i32
    %scan3A_33 = arith.addi %scan3A_31, %scan3A_32 : i32
    %scan3A_34 = arith.constant 1 : i32
    scf.for %scan3A_54 = %scan3A_31 to %scan3A_33 step %scan3A_34  : i32 {
      %mul3A_55 = arith.constant 1 : i32
      %mul3A_56 = arith.muli %scan3A_54, %mul3A_55 : i32
      %add3A_57 = arith.constant 0 : i32
      %add3A_58 = arith.addi %add3A_57, %mul3A_56 : i32
      %mul3A_59 = arith.constant 2 : i32
      %mul3A_60 = arith.muli %mul3A_59, %add3A_58 : i32
      %dma_wait3A_61 = arith.constant 0 : i32
      %dma_wait3A_62 = arith.constant 0 : i32
      %dma_wait3A_63 = tpu.memref_slice %arg7[%dma_wait3A_61, %dma_wait3A_62] : memref<1x128xi32, #tpu.memory_space<vmem>> -> memref<1x128xi32, #tpu.memory_space<vmem>>
      %dma_wait3A_64 = tpu.memref_squeeze %dma_wait3A_63 : memref<1x128xi32, #tpu.memory_space<vmem>> -> memref<128xi32, #tpu.memory_space<vmem>>
      %dma_wait3A_65 = arith.constant 0 : i32
      %dma_wait3A_66 = arith.constant 0 : i32
      %dma_wait3A_67 = tpu.memref_slice %arg2[%dma_wait3A_65, %dma_wait3A_66] : memref<10240x128xf32, #tpu.memory_space<hbm>> -> memref<10240x128xf32, #tpu.memory_space<hbm>>
      tpu.wait_indirect_dma semaphore(%arg13 : memref<!tpu.dma_semaphore, #tpu.memory_space<semaphore_mem>>) src(%dma_wait3A_67 : memref<10240x128xf32, #tpu.memory_space<hbm>>) dst(%arg11 : memref<128x128xf32, #tpu.memory_space<vmem>>)
      %run_scoped3A_68 = arith.constant 0 : i32
      "tpu.region"() ({
        %run_scoped3A_103 = tpu.sem_alloc : memref<!tpu.dma_semaphore, #tpu.memory_space<semaphore_mem>>
        %dma_start3A_104 = arith.constant 0 : i32
        %dma_start3A_105 = tpu.memref_slice %arg8[%run_scoped3A_68, %dma_start3A_104] : memref<1x128xi32, #tpu.memory_space<vmem>> -> memref<1x128xi32, #tpu.memory_space<vmem>>
        %dma_start3A_106 = tpu.memref_squeeze %dma_start3A_105 : memref<1x128xi32, #tpu.memory_space<vmem>> -> memref<128xi32, #tpu.memory_space<vmem>>
        %dma_start3A_107 = arith.constant 0 : i32
        %dma_start3A_108 = arith.constant 0 : i32
        %dma_start3A_109 = tpu.memref_slice %arg6[%dma_start3A_107, %dma_start3A_108] : memref<10240x128xf32, #tpu.memory_space<vmem_shared>> -> memref<10240x128xf32, #tpu.memory_space<vmem_shared>>
        tpu.enqueue_indirect_dma source(%arg11 : memref<128x128xf32, #tpu.memory_space<vmem>>) target(%dma_start3A_109 : memref<10240x128xf32, #tpu.memory_space<vmem_shared>>) offsets(%dma_start3A_106 : memref<128xi32, #tpu.memory_space<vmem>>) semaphore(%run_scoped3A_103 : memref<!tpu.dma_semaphore, #tpu.memory_space<semaphore_mem>>) {add = true}
        %dma_wait3A_110 = arith.constant 0 : i32
        %dma_wait3A_111 = tpu.memref_slice %arg8[%run_scoped3A_68, %dma_wait3A_110] : memref<1x128xi32, #tpu.memory_space<vmem>> -> memref<1x128xi32, #tpu.memory_space<vmem>>
        %dma_wait3A_112 = tpu.memref_squeeze %dma_wait3A_111 : memref<1x128xi32, #tpu.memory_space<vmem>> -> memref<128xi32, #tpu.memory_space<vmem>>
        %dma_wait3A_113 = arith.constant 0 : i32
        %dma_wait3A_114 = arith.constant 0 : i32
        %dma_wait3A_115 = tpu.memref_slice %arg6[%dma_wait3A_113, %dma_wait3A_114] : memref<10240x128xf32, #tpu.memory_space<vmem_shared>> -> memref<10240x128xf32, #tpu.memory_space<vmem_shared>>
        tpu.wait_indirect_dma semaphore(%run_scoped3A_103 : memref<!tpu.dma_semaphore, #tpu.memory_space<semaphore_mem>>) src(%arg11 : memref<128x128xf32, #tpu.memory_space<vmem>>) dst(%dma_wait3A_115 : memref<10240x128xf32, #tpu.memory_space<vmem_shared>>)
        tpu.yield
      }) : () -> ()
      %add3A_69 = arith.constant 2 : i32
      %add3A_70 = arith.addi %mul3A_60, %add3A_69 : i32
      %run_scoped3A_71 = arith.constant 0 : i32
      "tpu.region"() ({
        %run_scoped3A_103 = tpu.sem_alloc : memref<!tpu.dma_semaphore, #tpu.memory_space<semaphore_mem>>
        %dma_start3A_104 = arith.constant 0 : i32
        %dma_start3A_105 = tpu.memref_slice %arg7[%run_scoped3A_71, %dma_start3A_104] : memref<1x128xi32, #tpu.memory_space<vmem>> -> memref<1x128xi32, #tpu.memory_space<vmem>>
        %dma_start3A_106 = tpu.memref_squeeze %dma_start3A_105 : memref<1x128xi32, #tpu.memory_space<vmem>> -> memref<128xi32, #tpu.memory_space<vmem>>
        %dma_start3A_107 = arith.constant 0 : i32
        %dma_start3A_108 = tpu.memref_slice %arg3[%add3A, %add3A_70, %dma_start3A_107] : memref<32x82x128xi32, #tpu.memory_space<hbm>> -> memref<1x1x128xi32, #tpu.memory_space<hbm>>
        %dma_start3A_109 = tpu.memref_squeeze %dma_start3A_108 : memref<1x1x128xi32, #tpu.memory_space<hbm>> -> memref<128xi32, #tpu.memory_space<hbm>>
        %dma_start3A_110 = arith.constant 0 : i32
        %dma_start3A_111 = tpu.memref_slice %arg7[%run_scoped3A_71, %dma_start3A_110] : memref<1x128xi32, #tpu.memory_space<vmem>> -> memref<1x128xi32, #tpu.memory_space<vmem>>
        %dma_start3A_112 = tpu.memref_squeeze %dma_start3A_111 : memref<1x128xi32, #tpu.memory_space<vmem>> -> memref<128xi32, #tpu.memory_space<vmem>>
        %dma_start3A_113 = arith.constant 0 : i32
        %dma_start3A_114 = tpu.memref_slice %arg3[%add3A, %add3A_70, %dma_start3A_113] : memref<32x82x128xi32, #tpu.memory_space<hbm>> -> memref<1x1x128xi32, #tpu.memory_space<hbm>>
        %dma_start3A_115 = tpu.memref_squeeze %dma_start3A_114 : memref<1x1x128xi32, #tpu.memory_space<hbm>> -> memref<128xi32, #tpu.memory_space<hbm>>
        tpu.enqueue_dma source(%dma_start3A_115 : memref<128xi32, #tpu.memory_space<hbm>>) target(%dma_start3A_112 : memref<128xi32, #tpu.memory_space<vmem>>) target_semaphore(%run_scoped3A_103 : memref<!tpu.dma_semaphore, #tpu.memory_space<semaphore_mem>>)
        %dma_wait3A_116 = arith.constant 0 : i32
        %dma_wait3A_117 = tpu.memref_slice %arg7[%run_scoped3A_71, %dma_wait3A_116] : memref<1x128xi32, #tpu.memory_space<vmem>> -> memref<1x128xi32, #tpu.memory_space<vmem>>
        %dma_wait3A_118 = tpu.memref_squeeze %dma_wait3A_117 : memref<1x128xi32, #tpu.memory_space<vmem>> -> memref<128xi32, #tpu.memory_space<vmem>>
        %dma_wait3A_119 = arith.constant 0 : i32
        %dma_wait3A_120 = tpu.memref_slice %arg3[%add3A, %add3A_70, %dma_wait3A_119] : memref<32x82x128xi32, #tpu.memory_space<hbm>> -> memref<1x1x128xi32, #tpu.memory_space<hbm>>
        %dma_wait3A_121 = tpu.memref_squeeze %dma_wait3A_120 : memref<1x1x128xi32, #tpu.memory_space<hbm>> -> memref<128xi32, #tpu.memory_space<hbm>>
        %dma_wait3A_122 = arith.constant 0 : i32
        %dma_wait3A_123 = tpu.memref_slice %arg7[%run_scoped3A_71, %dma_wait3A_122] : memref<1x128xi32, #tpu.memory_space<vmem>> -> memref<1x128xi32, #tpu.memory_space<vmem>>
        %dma_wait3A_124 = tpu.memref_squeeze %dma_wait3A_123 : memref<1x128xi32, #tpu.memory_space<vmem>> -> memref<128xi32, #tpu.memory_space<vmem>>
        %dma_wait3A_125 = arith.constant 0 : i32
        %dma_wait3A_126 = tpu.memref_slice %arg3[%add3A, %add3A_70, %dma_wait3A_125] : memref<32x82x128xi32, #tpu.memory_space<hbm>> -> memref<1x1x128xi32, #tpu.memory_space<hbm>>
        %dma_wait3A_127 = tpu.memref_squeeze %dma_wait3A_126 : memref<1x1x128xi32, #tpu.memory_space<hbm>> -> memref<128xi32, #tpu.memory_space<hbm>>
        tpu.wait_dma2 semaphore(%run_scoped3A_103 : memref<!tpu.dma_semaphore, #tpu.memory_space<semaphore_mem>>) src(%dma_wait3A_127 : memref<128xi32, #tpu.memory_space<hbm>>) dst(%dma_wait3A_124 : memref<128xi32, #tpu.memory_space<vmem>>)
        tpu.yield
      }) : () -> ()
      %add3A_72 = arith.constant 2 : i32
      %add3A_73 = arith.addi %mul3A_60, %add3A_72 : i32
      %run_scoped3A_74 = arith.constant 0 : i32
      "tpu.region"() ({
        %run_scoped3A_103 = tpu.sem_alloc : memref<!tpu.dma_semaphore, #tpu.memory_space<semaphore_mem>>
        %dma_start3A_104 = arith.constant 0 : i32
        %dma_start3A_105 = tpu.memref_slice %arg8[%run_scoped3A_74, %dma_start3A_104] : memref<1x128xi32, #tpu.memory_space<vmem>> -> memref<1x128xi32, #tpu.memory_space<vmem>>
        %dma_start3A_106 = tpu.memref_squeeze %dma_start3A_105 : memref<1x128xi32, #tpu.memory_space<vmem>> -> memref<128xi32, #tpu.memory_space<vmem>>
        %dma_start3A_107 = arith.constant 0 : i32
        %dma_start3A_108 = tpu.memref_slice %arg4[%add3A, %add3A_73, %dma_start3A_107] : memref<32x82x128xi32, #tpu.memory_space<hbm>> -> memref<1x1x128xi32, #tpu.memory_space<hbm>>
        %dma_start3A_109 = tpu.memref_squeeze %dma_start3A_108 : memref<1x1x128xi32, #tpu.memory_space<hbm>> -> memref<128xi32, #tpu.memory_space<hbm>>
        %dma_start3A_110 = arith.constant 0 : i32
        %dma_start3A_111 = tpu.memref_slice %arg8[%run_scoped3A_74, %dma_start3A_110] : memref<1x128xi32, #tpu.memory_space<vmem>> -> memref<1x128xi32, #tpu.memory_space<vmem>>
        %dma_start3A_112 = tpu.memref_squeeze %dma_start3A_111 : memref<1x128xi32, #tpu.memory_space<vmem>> -> memref<128xi32, #tpu.memory_space<vmem>>
        %dma_start3A_113 = arith.constant 0 : i32
        %dma_start3A_114 = tpu.memref_slice %arg4[%add3A, %add3A_73, %dma_start3A_113] : memref<32x82x128xi32, #tpu.memory_space<hbm>> -> memref<1x1x128xi32, #tpu.memory_space<hbm>>
        %dma_start3A_115 = tpu.memref_squeeze %dma_start3A_114 : memref<1x1x128xi32, #tpu.memory_space<hbm>> -> memref<128xi32, #tpu.memory_space<hbm>>
        tpu.enqueue_dma source(%dma_start3A_115 : memref<128xi32, #tpu.memory_space<hbm>>) target(%dma_start3A_112 : memref<128xi32, #tpu.memory_space<vmem>>) target_semaphore(%run_scoped3A_103 : memref<!tpu.dma_semaphore, #tpu.memory_space<semaphore_mem>>)
        %dma_wait3A_116 = arith.constant 0 : i32
        %dma_wait3A_117 = tpu.memref_slice %arg8[%run_scoped3A_74, %dma_wait3A_116] : memref<1x128xi32, #tpu.memory_space<vmem>> -> memref<1x128xi32, #tpu.memory_space<vmem>>
        %dma_wait3A_118 = tpu.memref_squeeze %dma_wait3A_117 : memref<1x128xi32, #tpu.memory_space<vmem>> -> memref<128xi32, #tpu.memory_space<vmem>>
        %dma_wait3A_119 = arith.constant 0 : i32
        %dma_wait3A_120 = tpu.memref_slice %arg4[%add3A, %add3A_73, %dma_wait3A_119] : memref<32x82x128xi32, #tpu.memory_space<hbm>> -> memref<1x1x128xi32, #tpu.memory_space<hbm>>
        %dma_wait3A_121 = tpu.memref_squeeze %dma_wait3A_120 : memref<1x1x128xi32, #tpu.memory_space<hbm>> -> memref<128xi32, #tpu.memory_space<hbm>>
        %dma_wait3A_122 = arith.constant 0 : i32
        %dma_wait3A_123 = tpu.memref_slice %arg8[%run_scoped3A_74, %dma_wait3A_122] : memref<1x128xi32, #tpu.memory_space<vmem>> -> memref<1x128xi32, #tpu.memory_space<vmem>>
        %dma_wait3A_124 = tpu.memref_squeeze %dma_wait3A_123 : memref<1x128xi32, #tpu.memory_space<vmem>> -> memref<128xi32, #tpu.memory_space<vmem>>
        %dma_wait3A_125 = arith.constant 0 : i32
        %dma_wait3A_126 = tpu.memref_slice %arg4[%add3A, %add3A_73, %dma_wait3A_125] : memref<32x82x128xi32, #tpu.memory_space<hbm>> -> memref<1x1x128xi32, #tpu.memory_space<hbm>>
        %dma_wait3A_127 = tpu.memref_squeeze %dma_wait3A_126 : memref<1x1x128xi32, #tpu.memory_space<hbm>> -> memref<128xi32, #tpu.memory_space<hbm>>
        tpu.wait_dma2 semaphore(%run_scoped3A_103 : memref<!tpu.dma_semaphore, #tpu.memory_space<semaphore_mem>>) src(%dma_wait3A_127 : memref<128xi32, #tpu.memory_space<hbm>>) dst(%dma_wait3A_124 : memref<128xi32, #tpu.memory_space<vmem>>)
        tpu.yield
      }) : () -> ()
      %dma_start3A_75 = arith.constant 0 : i32
      %dma_start3A_76 = arith.constant 0 : i32
      %dma_start3A_77 = tpu.memref_slice %arg7[%dma_start3A_75, %dma_start3A_76] : memref<1x128xi32, #tpu.memory_space<vmem>> -> memref<1x128xi32, #tpu.memory_space<vmem>>
      %dma_start3A_78 = tpu.memref_squeeze %dma_start3A_77 : memref<1x128xi32, #tpu.memory_space<vmem>> -> memref<128xi32, #tpu.memory_space<vmem>>
      %dma_start3A_79 = arith.constant 0 : i32
      %dma_start3A_80 = arith.constant 0 : i32
      %dma_start3A_81 = tpu.memref_slice %arg2[%dma_start3A_79, %dma_start3A_80] : memref<10240x128xf32, #tpu.memory_space<hbm>> -> memref<10240x128xf32, #tpu.memory_space<hbm>>
      tpu.enqueue_indirect_dma source(%dma_start3A_81 : memref<10240x128xf32, #tpu.memory_space<hbm>>) target(%arg11 : memref<128x128xf32, #tpu.memory_space<vmem>>) offsets(%dma_start3A_78 : memref<128xi32, #tpu.memory_space<vmem>>) semaphore(%arg13 : memref<!tpu.dma_semaphore, #tpu.memory_space<semaphore_mem>>)
      %dma_wait3A_82 = arith.constant 0 : i32
      %dma_wait3A_83 = arith.constant 0 : i32
      %dma_wait3A_84 = tpu.memref_slice %arg9[%dma_wait3A_82, %dma_wait3A_83] : memref<1x128xi32, #tpu.memory_space<vmem>> -> memref<1x128xi32, #tpu.memory_space<vmem>>
      %dma_wait3A_85 = tpu.memref_squeeze %dma_wait3A_84 : memref<1x128xi32, #tpu.memory_space<vmem>> -> memref<128xi32, #tpu.memory_space<vmem>>
      %dma_wait3A_86 = arith.constant 0 : i32
      %dma_wait3A_87 = arith.constant 0 : i32
      %dma_wait3A_88 = tpu.memref_slice %arg2[%dma_wait3A_86, %dma_wait3A_87] : memref<10240x128xf32, #tpu.memory_space<hbm>> -> memref<10240x128xf32, #tpu.memory_space<hbm>>
      tpu.wait_indirect_dma semaphore(%arg15 : memref<!tpu.dma_semaphore, #tpu.memory_space<semaphore_mem>>) src(%dma_wait3A_88 : memref<10240x128xf32, #tpu.memory_space<hbm>>) dst(%arg12 : memref<128x128xf32, #tpu.memory_space<vmem>>)
      %run_scoped3A_89 = arith.constant 0 : i32
      "tpu.region"() ({
        %run_scoped3A_103 = tpu.sem_alloc : memref<!tpu.dma_semaphore, #tpu.memory_space<semaphore_mem>>
        %dma_start3A_104 = arith.constant 0 : i32
        %dma_start3A_105 = tpu.memref_slice %arg10[%run_scoped3A_89, %dma_start3A_104] : memref<1x128xi32, #tpu.memory_space<vmem>> -> memref<1x128xi32, #tpu.memory_space<vmem>>
        %dma_start3A_106 = tpu.memref_squeeze %dma_start3A_105 : memref<1x128xi32, #tpu.memory_space<vmem>> -> memref<128xi32, #tpu.memory_space<vmem>>
        %dma_start3A_107 = arith.constant 0 : i32
        %dma_start3A_108 = arith.constant 0 : i32
        %dma_start3A_109 = tpu.memref_slice %arg6[%dma_start3A_107, %dma_start3A_108] : memref<10240x128xf32, #tpu.memory_space<vmem_shared>> -> memref<10240x128xf32, #tpu.memory_space<vmem_shared>>
        tpu.enqueue_indirect_dma source(%arg12 : memref<128x128xf32, #tpu.memory_space<vmem>>) target(%dma_start3A_109 : memref<10240x128xf32, #tpu.memory_space<vmem_shared>>) offsets(%dma_start3A_106 : memref<128xi32, #tpu.memory_space<vmem>>) semaphore(%run_scoped3A_103 : memref<!tpu.dma_semaphore, #tpu.memory_space<semaphore_mem>>) {add = true}
        %dma_wait3A_110 = arith.constant 0 : i32
        %dma_wait3A_111 = tpu.memref_slice %arg10[%run_scoped3A_89, %dma_wait3A_110] : memref<1x128xi32, #tpu.memory_space<vmem>> -> memref<1x128xi32, #tpu.memory_space<vmem>>
        %dma_wait3A_112 = tpu.memref_squeeze %dma_wait3A_111 : memref<1x128xi32, #tpu.memory_space<vmem>> -> memref<128xi32, #tpu.memory_space<vmem>>
        %dma_wait3A_113 = arith.constant 0 : i32
        %dma_wait3A_114 = arith.constant 0 : i32
        %dma_wait3A_115 = tpu.memref_slice %arg6[%dma_wait3A_113, %dma_wait3A_114] : memref<10240x128xf32, #tpu.memory_space<vmem_shared>> -> memref<10240x128xf32, #tpu.memory_space<vmem_shared>>
        tpu.wait_indirect_dma semaphore(%run_scoped3A_103 : memref<!tpu.dma_semaphore, #tpu.memory_space<semaphore_mem>>) src(%arg12 : memref<128x128xf32, #tpu.memory_space<vmem>>) dst(%dma_wait3A_115 : memref<10240x128xf32, #tpu.memory_space<vmem_shared>>)
        tpu.yield
      }) : () -> ()
      %add3A_90 = arith.constant 3 : i32
      %add3A_91 = arith.addi %mul3A_60, %add3A_90 : i32
      %run_scoped3A_92 = arith.constant 0 : i32
      "tpu.region"() ({
        %run_scoped3A_103 = tpu.sem_alloc : memref<!tpu.dma_semaphore, #tpu.memory_space<semaphore_mem>>
        %dma_start3A_104 = arith.constant 0 : i32
        %dma_start3A_105 = tpu.memref_slice %arg9[%run_scoped3A_92, %dma_start3A_104] : memref<1x128xi32, #tpu.memory_space<vmem>> -> memref<1x128xi32, #tpu.memory_space<vmem>>
        %dma_start3A_106 = tpu.memref_squeeze %dma_start3A_105 : memref<1x128xi32, #tpu.memory_space<vmem>> -> memref<128xi32, #tpu.memory_space<vmem>>
        %dma_start3A_107 = arith.constant 0 : i32
        %dma_start3A_108 = tpu.memref_slice %arg3[%add3A, %add3A_91, %dma_start3A_107] : memref<32x82x128xi32, #tpu.memory_space<hbm>> -> memref<1x1x128xi32, #tpu.memory_space<hbm>>
        %dma_start3A_109 = tpu.memref_squeeze %dma_start3A_108 : memref<1x1x128xi32, #tpu.memory_space<hbm>> -> memref<128xi32, #tpu.memory_space<hbm>>
        %dma_start3A_110 = arith.constant 0 : i32
        %dma_start3A_111 = tpu.memref_slice %arg9[%run_scoped3A_92, %dma_start3A_110] : memref<1x128xi32, #tpu.memory_space<vmem>> -> memref<1x128xi32, #tpu.memory_space<vmem>>
        %dma_start3A_112 = tpu.memref_squeeze %dma_start3A_111 : memref<1x128xi32, #tpu.memory_space<vmem>> -> memref<128xi32, #tpu.memory_space<vmem>>
        %dma_start3A_113 = arith.constant 0 : i32
        %dma_start3A_114 = tpu.memref_slice %arg3[%add3A, %add3A_91, %dma_start3A_113] : memref<32x82x128xi32, #tpu.memory_space<hbm>> -> memref<1x1x128xi32, #tpu.memory_space<hbm>>
        %dma_start3A_115 = tpu.memref_squeeze %dma_start3A_114 : memref<1x1x128xi32, #tpu.memory_space<hbm>> -> memref<128xi32, #tpu.memory_space<hbm>>
        tpu.enqueue_dma source(%dma_start3A_115 : memref<128xi32, #tpu.memory_space<hbm>>) target(%dma_start3A_112 : memref<128xi32, #tpu.memory_space<vmem>>) target_semaphore(%run_scoped3A_103 : memref<!tpu.dma_semaphore, #tpu.memory_space<semaphore_mem>>)
        %dma_wait3A_116 = arith.constant 0 : i32
        %dma_wait3A_117 = tpu.memref_slice %arg9[%run_scoped3A_92, %dma_wait3A_116] : memref<1x128xi32, #tpu.memory_space<vmem>> -> memref<1x128xi32, #tpu.memory_space<vmem>>
        %dma_wait3A_118 = tpu.memref_squeeze %dma_wait3A_117 : memref<1x128xi32, #tpu.memory_space<vmem>> -> memref<128xi32, #tpu.memory_space<vmem>>
        %dma_wait3A_119 = arith.constant 0 : i32
        %dma_wait3A_120 = tpu.memref_slice %arg3[%add3A, %add3A_91, %dma_wait3A_119] : memref<32x82x128xi32, #tpu.memory_space<hbm>> -> memref<1x1x128xi32, #tpu.memory_space<hbm>>
        %dma_wait3A_121 = tpu.memref_squeeze %dma_wait3A_120 : memref<1x1x128xi32, #tpu.memory_space<hbm>> -> memref<128xi32, #tpu.memory_space<hbm>>
        %dma_wait3A_122 = arith.constant 0 : i32
        %dma_wait3A_123 = tpu.memref_slice %arg9[%run_scoped3A_92, %dma_wait3A_122] : memref<1x128xi32, #tpu.memory_space<vmem>> -> memref<1x128xi32, #tpu.memory_space<vmem>>
        %dma_wait3A_124 = tpu.memref_squeeze %dma_wait3A_123 : memref<1x128xi32, #tpu.memory_space<vmem>> -> memref<128xi32, #tpu.memory_space<vmem>>
        %dma_wait3A_125 = arith.constant 0 : i32
        %dma_wait3A_126 = tpu.memref_slice %arg3[%add3A, %add3A_91, %dma_wait3A_125] : memref<32x82x128xi32, #tpu.memory_space<hbm>> -> memref<1x1x128xi32, #tpu.memory_space<hbm>>
        %dma_wait3A_127 = tpu.memref_squeeze %dma_wait3A_126 : memref<1x1x128xi32, #tpu.memory_space<hbm>> -> memref<128xi32, #tpu.memory_space<hbm>>
        tpu.wait_dma2 semaphore(%run_scoped3A_103 : memref<!tpu.dma_semaphore, #tpu.memory_space<semaphore_mem>>) src(%dma_wait3A_127 : memref<128xi32, #tpu.memory_space<hbm>>) dst(%dma_wait3A_124 : memref<128xi32, #tpu.memory_space<vmem>>)
        tpu.yield
      }) : () -> ()
      %add3A_93 = arith.constant 3 : i32
      %add3A_94 = arith.addi %mul3A_60, %add3A_93 : i32
      %run_scoped3A_95 = arith.constant 0 : i32
      "tpu.region"() ({
        %run_scoped3A_103 = tpu.sem_alloc : memref<!tpu.dma_semaphore, #tpu.memory_space<semaphore_mem>>
        %dma_start3A_104 = arith.constant 0 : i32
        %dma_start3A_105 = tpu.memref_slice %arg10[%run_scoped3A_95, %dma_start3A_104] : memref<1x128xi32, #tpu.memory_space<vmem>> -> memref<1x128xi32, #tpu.memory_space<vmem>>
        %dma_start3A_106 = tpu.memref_squeeze %dma_start3A_105 : memref<1x128xi32, #tpu.memory_space<vmem>> -> memref<128xi32, #tpu.memory_space<vmem>>
        %dma_start3A_107 = arith.constant 0 : i32
        %dma_start3A_108 = tpu.memref_slice %arg4[%add3A, %add3A_94, %dma_start3A_107] : memref<32x82x128xi32, #tpu.memory_space<hbm>> -> memref<1x1x128xi32, #tpu.memory_space<hbm>>
        %dma_start3A_109 = tpu.memref_squeeze %dma_start3A_108 : memref<1x1x128xi32, #tpu.memory_space<hbm>> -> memref<128xi32, #tpu.memory_space<hbm>>
        %dma_start3A_110 = arith.constant 0 : i32
        %dma_start3A_111 = tpu.memref_slice %arg10[%run_scoped3A_95, %dma_start3A_110] : memref<1x128xi32, #tpu.memory_space<vmem>> -> memref<1x128xi32, #tpu.memory_space<vmem>>
        %dma_start3A_112 = tpu.memref_squeeze %dma_start3A_111 : memref<1x128xi32, #tpu.memory_space<vmem>> -> memref<128xi32, #tpu.memory_space<vmem>>
        %dma_start3A_113 = arith.constant 0 : i32
        %dma_start3A_114 = tpu.memref_slice %arg4[%add3A, %add3A_94, %dma_start3A_113] : memref<32x82x128xi32, #tpu.memory_space<hbm>> -> memref<1x1x128xi32, #tpu.memory_space<hbm>>
        %dma_start3A_115 = tpu.memref_squeeze %dma_start3A_114 : memref<1x1x128xi32, #tpu.memory_space<hbm>> -> memref<128xi32, #tpu.memory_space<hbm>>
        tpu.enqueue_dma source(%dma_start3A_115 : memref<128xi32, #tpu.memory_space<hbm>>) target(%dma_start3A_112 : memref<128xi32, #tpu.memory_space<vmem>>) target_semaphore(%run_scoped3A_103 : memref<!tpu.dma_semaphore, #tpu.memory_space<semaphore_mem>>)
        %dma_wait3A_116 = arith.constant 0 : i32
        %dma_wait3A_117 = tpu.memref_slice %arg10[%run_scoped3A_95, %dma_wait3A_116] : memref<1x128xi32, #tpu.memory_space<vmem>> -> memref<1x128xi32, #tpu.memory_space<vmem>>
        %dma_wait3A_118 = tpu.memref_squeeze %dma_wait3A_117 : memref<1x128xi32, #tpu.memory_space<vmem>> -> memref<128xi32, #tpu.memory_space<vmem>>
        %dma_wait3A_119 = arith.constant 0 : i32
        %dma_wait3A_120 = tpu.memref_slice %arg4[%add3A, %add3A_94, %dma_wait3A_119] : memref<32x82x128xi32, #tpu.memory_space<hbm>> -> memref<1x1x128xi32, #tpu.memory_space<hbm>>
        %dma_wait3A_121 = tpu.memref_squeeze %dma_wait3A_120 : memref<1x1x128xi32, #tpu.memory_space<hbm>> -> memref<128xi32, #tpu.memory_space<hbm>>
        %dma_wait3A_122 = arith.constant 0 : i32
        %dma_wait3A_123 = tpu.memref_slice %arg10[%run_scoped3A_95, %dma_wait3A_122] : memref<1x128xi32, #tpu.memory_space<vmem>> -> memref<1x128xi32, #tpu.memory_space<vmem>>
        %dma_wait3A_124 = tpu.memref_squeeze %dma_wait3A_123 : memref<1x128xi32, #tpu.memory_space<vmem>> -> memref<128xi32, #tpu.memory_space<vmem>>
        %dma_wait3A_125 = arith.constant 0 : i32
        %dma_wait3A_126 = tpu.memref_slice %arg4[%add3A, %add3A_94, %dma_wait3A_125] : memref<32x82x128xi32, #tpu.memory_space<hbm>> -> memref<1x1x128xi32, #tpu.memory_space<hbm>>
        %dma_wait3A_127 = tpu.memref_squeeze %dma_wait3A_126 : memref<1x1x128xi32, #tpu.memory_space<hbm>> -> memref<128xi32, #tpu.memory_space<hbm>>
        tpu.wait_dma2 semaphore(%run_scoped3A_103 : memref<!tpu.dma_semaphore, #tpu.memory_space<semaphore_mem>>) src(%dma_wait3A_127 : memref<128xi32, #tpu.memory_space<hbm>>) dst(%dma_wait3A_124 : memref<128xi32, #tpu.memory_space<vmem>>)
        tpu.yield
      }) : () -> ()
      %dma_start3A_96 = arith.constant 0 : i32
      %dma_start3A_97 = arith.constant 0 : i32
      %dma_start3A_98 = tpu.memref_slice %arg9[%dma_start3A_96, %dma_start3A_97] : memref<1x128xi32, #tpu.memory_space<vmem>> -> memref<1x128xi32, #tpu.memory_space<vmem>>
      %dma_start3A_99 = tpu.memref_squeeze %dma_start3A_98 : memref<1x128xi32, #tpu.memory_space<vmem>> -> memref<128xi32, #tpu.memory_space<vmem>>
      %dma_start3A_100 = arith.constant 0 : i32
      %dma_start3A_101 = arith.constant 0 : i32
      %dma_start3A_102 = tpu.memref_slice %arg2[%dma_start3A_100, %dma_start3A_101] : memref<10240x128xf32, #tpu.memory_space<hbm>> -> memref<10240x128xf32, #tpu.memory_space<hbm>>
      tpu.enqueue_indirect_dma source(%dma_start3A_102 : memref<10240x128xf32, #tpu.memory_space<hbm>>) target(%arg12 : memref<128x128xf32, #tpu.memory_space<vmem>>) offsets(%dma_start3A_99 : memref<128xi32, #tpu.memory_space<vmem>>) semaphore(%arg15 : memref<!tpu.dma_semaphore, #tpu.memory_space<semaphore_mem>>)
    }
    %scan3A_35 = arith.constant 40 : i32
    %dma_wait3A = arith.constant 0 : i32
    %dma_wait3A_36 = arith.constant 0 : i32
    %dma_wait3A_37 = tpu.memref_slice %arg7[%dma_wait3A, %dma_wait3A_36] : memref<1x128xi32, #tpu.memory_space<vmem>> -> memref<1x128xi32, #tpu.memory_space<vmem>>
    %dma_wait3A_38 = tpu.memref_squeeze %dma_wait3A_37 : memref<1x128xi32, #tpu.memory_space<vmem>> -> memref<128xi32, #tpu.memory_space<vmem>>
    %dma_wait3A_39 = arith.constant 0 : i32
    %dma_wait3A_40 = arith.constant 0 : i32
    %dma_wait3A_41 = tpu.memref_slice %arg2[%dma_wait3A_39, %dma_wait3A_40] : memref<10240x128xf32, #tpu.memory_space<hbm>> -> memref<10240x128xf32, #tpu.memory_space<hbm>>
    tpu.wait_indirect_dma semaphore(%arg13 : memref<!tpu.dma_semaphore, #tpu.memory_space<semaphore_mem>>) src(%dma_wait3A_41 : memref<10240x128xf32, #tpu.memory_space<hbm>>) dst(%arg11 : memref<128x128xf32, #tpu.memory_space<vmem>>)
    %dma_wait3A_42 = arith.constant 0 : i32
    %dma_wait3A_43 = arith.constant 0 : i32
    %dma_wait3A_44 = tpu.memref_slice %arg9[%dma_wait3A_42, %dma_wait3A_43] : memref<1x128xi32, #tpu.memory_space<vmem>> -> memref<1x128xi32, #tpu.memory_space<vmem>>
    %dma_wait3A_45 = tpu.memref_squeeze %dma_wait3A_44 : memref<1x128xi32, #tpu.memory_space<vmem>> -> memref<128xi32, #tpu.memory_space<vmem>>
    %dma_wait3A_46 = arith.constant 0 : i32
    %dma_wait3A_47 = arith.constant 0 : i32
    %dma_wait3A_48 = tpu.memref_slice %arg2[%dma_wait3A_46, %dma_wait3A_47] : memref<10240x128xf32, #tpu.memory_space<hbm>> -> memref<10240x128xf32, #tpu.memory_space<hbm>>
    tpu.wait_indirect_dma semaphore(%arg15 : memref<!tpu.dma_semaphore, #tpu.memory_space<semaphore_mem>>) src(%dma_wait3A_48 : memref<10240x128xf32, #tpu.memory_space<hbm>>) dst(%arg12 : memref<128x128xf32, #tpu.memory_space<vmem>>)
    %barrier3A_49 = arith.constant 0 : index
    tpu.barrier barrier_id(%barrier3A_49)
    %mul3A_50 = arith.constant 640 : i32
    %mul3A_51 = arith.muli %arg1, %mul3A_50 : i32
    %mul3A_52 = arith.constant 640 : i32
    %mul3A_53 = arith.muli %arg1, %mul3A_52 : i32
    "tpu.region"() ({
      %run_scoped3A_54 = tpu.sem_alloc : memref<!tpu.dma_semaphore, #tpu.memory_space<semaphore_mem>>
      %dma_start3A_55 = arith.constant 0 : i32
      %dma_start3A_56 = tpu.memref_slice %arg5[%arg0, %mul3A_53, %dma_start3A_55] : memref<2x10240x128xf32, #tpu.memory_space<hbm>> -> memref<1x640x128xf32, #tpu.memory_space<hbm>>
      %dma_start3A_57 = tpu.memref_squeeze %dma_start3A_56 : memref<1x640x128xf32, #tpu.memory_space<hbm>> -> memref<640x128xf32, #tpu.memory_space<hbm>>
      %dma_start3A_58 = arith.constant 0 : i32
      %dma_start3A_59 = tpu.memref_slice %arg6[%mul3A_51, %dma_start3A_58] : memref<10240x128xf32, #tpu.memory_space<vmem_shared>> -> memref<640x128xf32, #tpu.memory_space<vmem_shared>>
      tpu.enqueue_dma source(%dma_start3A_59 : memref<640x128xf32, #tpu.memory_space<vmem_shared>>) target(%dma_start3A_57 : memref<640x128xf32, #tpu.memory_space<hbm>>) target_semaphore(%run_scoped3A_54 : memref<!tpu.dma_semaphore, #tpu.memory_space<semaphore_mem>>)
      %dma_wait3A_60 = arith.constant 0 : i32
      %dma_wait3A_61 = tpu.memref_slice %arg5[%arg0, %mul3A_53, %dma_wait3A_60] : memref<2x10240x128xf32, #tpu.memory_space<hbm>> -> memref<1x640x128xf32, #tpu.memory_space<hbm>>
      %dma_wait3A_62 = tpu.memref_squeeze %dma_wait3A_61 : memref<1x640x128xf32, #tpu.memory_space<hbm>> -> memref<640x128xf32, #tpu.memory_space<hbm>>
      %dma_wait3A_63 = arith.constant 0 : i32
      %dma_wait3A_64 = tpu.memref_slice %arg6[%mul3A_51, %dma_wait3A_63] : memref<10240x128xf32, #tpu.memory_space<vmem_shared>> -> memref<640x128xf32, #tpu.memory_space<vmem_shared>>
      tpu.wait_dma2 semaphore(%run_scoped3A_54 : memref<!tpu.dma_semaphore, #tpu.memory_space<semaphore_mem>>) src(%dma_wait3A_64 : memref<640x128xf32, #tpu.memory_space<vmem_shared>>) dst(%dma_wait3A_62 : memref<640x128xf32, #tpu.memory_space<hbm>>)
      tpu.yield
    }) : () -> ()
    return
  }
}

#map = affine_map<(d0, d1) -> (0, 0)>
#map1 = affine_map<(d0, d1) -> (0, 0, 0)>
module attributes {stable_mosaic.version = 14 : i64} {
  func.func @_sc_pass_body(%arg0: i32, %arg1: i32, %arg2: memref<10240x128xf32, #tpu.memory_space<hbm>>, %arg3: memref<32x82x128xi32, #tpu.memory_space<hbm>>, %arg4: memref<32x82x128xi32, #tpu.memory_space<hbm>>, %arg5: memref<2x10240x128xf32, #tpu.memory_space<hbm>>, %arg6: memref<10240x128xf32, #tpu.memory_space<vmem_shared>>, %arg7: memref<1x128xi32, #tpu.memory_space<vmem>>, %arg8: memref<1x128xi32, #tpu.memory_space<vmem>>, %arg9: memref<1x128xi32, #tpu.memory_space<vmem>>, %arg10: memref<1x128xi32, #tpu.memory_space<vmem>>, %arg11: memref<128x128xf32, #tpu.memory_space<vmem>>, %arg12: memref<128x128xf32, #tpu.memory_space<vmem>>, %arg13: memref<!tpu.dma_semaphore, #tpu.memory_space<semaphore_mem>>, %arg14: memref<!tpu.dma_semaphore, #tpu.memory_space<semaphore_mem>>, %arg15: memref<!tpu.dma_semaphore, #tpu.memory_space<semaphore_mem>>, %arg16: memref<!tpu.dma_semaphore, #tpu.memory_space<semaphore_mem>>) attributes {dimension_semantics = [#tpu.dimension_semantics<core_parallel>, #tpu.dimension_semantics<subcore_parallel>], iteration_bounds = array<i64: 2, 16>, scalar_prefetch = 0 : i64, scratch_operands = 11 : i64, tpu.core_type = #tpu.core_type<sc_vector_subcore>, window_params = [{transform_indices = #map}, {transform_indices = #map1}, {transform_indices = #map1}, {transform_indices = #map1}]} {
    %mul3A = arith.constant 2 : i32
    %mul3A_0 = arith.muli %arg1, %mul3A : i32
    %add3A = arith.addi %mul3A_0, %arg0 : i32
    %broadcast_in_dim3A = arith.constant 0.000000e+00 : f32
    %broadcast_in_dim3A_1 = vector.broadcast %broadcast_in_dim3A : f32 to vector<16xf32>
    %scan3A = arith.constant 0 : i32
    %scan3A_2 = arith.constant 128 : i32
    %scan3A_3 = arith.addi %scan3A, %scan3A_2 : i32
    %scan3A_4 = arith.constant 1 : i32
    scf.for %scan3A_54 = %scan3A to %scan3A_3 step %scan3A_4  : i32 {
      %mul3A_55 = arith.constant 1 : i32
      %mul3A_56 = arith.muli %scan3A_54, %mul3A_55 : i32
      %add3A_57 = arith.constant 0 : i32
      %add3A_58 = arith.addi %add3A_57, %mul3A_56 : i32
      %swap3A = arith.index_cast %add3A_58 : i32 to index
      %swap3A_59 = arith.constant 0 : index
      %swap3A_60 = tpu.vector_load %arg11[%swap3A, %swap3A_59] {strides = array<i32>} : memref<128x128xf32, #tpu.memory_space<vmem>>, vector<16xf32>,
      tpu.vector_store %arg11[%swap3A, %swap3A_59], %broadcast_in_dim3A_1 {strides = array<i32>} : memref<128x128xf32, #tpu.memory_space<vmem>>, vector<16xf32>,
      %swap3A_61 = arith.index_cast %add3A_58 : i32 to index
      %swap3A_62 = arith.constant 16 : index
      %swap3A_63 = tpu.vector_load %arg11[%swap3A_61, %swap3A_62] {strides = array<i32>} : memref<128x128xf32, #tpu.memory_space<vmem>>, vector<16xf32>,
      tpu.vector_store %arg11[%swap3A_61, %swap3A_62], %broadcast_in_dim3A_1 {strides = array<i32>} : memref<128x128xf32, #tpu.memory_space<vmem>>, vector<16xf32>,
      %swap3A_64 = arith.index_cast %add3A_58 : i32 to index
      %swap3A_65 = arith.constant 32 : index
      %swap3A_66 = tpu.vector_load %arg11[%swap3A_64, %swap3A_65] {strides = array<i32>} : memref<128x128xf32, #tpu.memory_space<vmem>>, vector<16xf32>,
      tpu.vector_store %arg11[%swap3A_64, %swap3A_65], %broadcast_in_dim3A_1 {strides = array<i32>} : memref<128x128xf32, #tpu.memory_space<vmem>>, vector<16xf32>,
      %swap3A_67 = arith.index_cast %add3A_58 : i32 to index
      %swap3A_68 = arith.constant 48 : index
      %swap3A_69 = tpu.vector_load %arg11[%swap3A_67, %swap3A_68] {strides = array<i32>} : memref<128x128xf32, #tpu.memory_space<vmem>>, vector<16xf32>,
      tpu.vector_store %arg11[%swap3A_67, %swap3A_68], %broadcast_in_dim3A_1 {strides = array<i32>} : memref<128x128xf32, #tpu.memory_space<vmem>>, vector<16xf32>,
      %swap3A_70 = arith.index_cast %add3A_58 : i32 to index
      %swap3A_71 = arith.constant 64 : index
      %swap3A_72 = tpu.vector_load %arg11[%swap3A_70, %swap3A_71] {strides = array<i32>} : memref<128x128xf32, #tpu.memory_space<vmem>>, vector<16xf32>,
      tpu.vector_store %arg11[%swap3A_70, %swap3A_71], %broadcast_in_dim3A_1 {strides = array<i32>} : memref<128x128xf32, #tpu.memory_space<vmem>>, vector<16xf32>,
      %swap3A_73 = arith.index_cast %add3A_58 : i32 to index
      %swap3A_74 = arith.constant 80 : index
      %swap3A_75 = tpu.vector_load %arg11[%swap3A_73, %swap3A_74] {strides = array<i32>} : memref<128x128xf32, #tpu.memory_space<vmem>>, vector<16xf32>,
      tpu.vector_store %arg11[%swap3A_73, %swap3A_74], %broadcast_in_dim3A_1 {strides = array<i32>} : memref<128x128xf32, #tpu.memory_space<vmem>>, vector<16xf32>,
      %swap3A_76 = arith.index_cast %add3A_58 : i32 to index
      %swap3A_77 = arith.constant 96 : index
      %swap3A_78 = tpu.vector_load %arg11[%swap3A_76, %swap3A_77] {strides = array<i32>} : memref<128x128xf32, #tpu.memory_space<vmem>>, vector<16xf32>,
      tpu.vector_store %arg11[%swap3A_76, %swap3A_77], %broadcast_in_dim3A_1 {strides = array<i32>} : memref<128x128xf32, #tpu.memory_space<vmem>>, vector<16xf32>,
      %swap3A_79 = arith.index_cast %add3A_58 : i32 to index
      %swap3A_80 = arith.constant 112 : index
      %swap3A_81 = tpu.vector_load %arg11[%swap3A_79, %swap3A_80] {strides = array<i32>} : memref<128x128xf32, #tpu.memory_space<vmem>>, vector<16xf32>,
      tpu.vector_store %arg11[%swap3A_79, %swap3A_80], %broadcast_in_dim3A_1 {strides = array<i32>} : memref<128x128xf32, #tpu.memory_space<vmem>>, vector<16xf32>,
    }
    %scan3A_5 = arith.constant 128 : i32
    %scan3A_6 = arith.constant 0 : i32
    %scan3A_7 = arith.constant 5 : i32
    %scan3A_8 = arith.addi %scan3A_6, %scan3A_7 : i32
    %scan3A_9 = arith.constant 1 : i32
    scf.for %scan3A_54 = %scan3A_6 to %scan3A_8 step %scan3A_9  : i32 {
      %mul3A_55 = arith.constant 1 : i32
      %mul3A_56 = arith.muli %scan3A_54, %mul3A_55 : i32
      %add3A_57 = arith.constant 0 : i32
      %add3A_58 = arith.addi %add3A_57, %mul3A_56 : i32
      %mul3A_59 = arith.constant 640 : i32
      %mul3A_60 = arith.muli %arg1, %mul3A_59 : i32
      %mul3A_61 = arith.constant 128 : i32
      %mul3A_62 = arith.muli %add3A_58, %mul3A_61 : i32
      %add3A_63 = arith.addi %mul3A_60, %mul3A_62 : i32
      "tpu.region"() ({
        %run_scoped3A_64 = tpu.sem_alloc : memref<!tpu.dma_semaphore, #tpu.memory_space<semaphore_mem>>
        %dma_start3A_65 = arith.constant 0 : i32
        %dma_start3A_66 = tpu.memref_slice %arg6[%add3A_63, %dma_start3A_65] : memref<10240x128xf32, #tpu.memory_space<vmem_shared>> -> memref<128x128xf32, #tpu.memory_space<vmem_shared>>
        %dma_start3A_67 = arith.constant 0 : i32
        %dma_start3A_68 = tpu.memref_slice %arg6[%add3A_63, %dma_start3A_67] : memref<10240x128xf32, #tpu.memory_space<vmem_shared>> -> memref<128x128xf32, #tpu.memory_space<vmem_shared>>
        tpu.enqueue_dma source(%arg11 : memref<128x128xf32, #tpu.memory_space<vmem>>) target(%dma_start3A_68 : memref<128x128xf32, #tpu.memory_space<vmem_shared>>) target_semaphore(%run_scoped3A_64 : memref<!tpu.dma_semaphore, #tpu.memory_space<semaphore_mem>>)
        %dma_wait3A_69 = arith.constant 0 : i32
        %dma_wait3A_70 = tpu.memref_slice %arg6[%add3A_63, %dma_wait3A_69] : memref<10240x128xf32, #tpu.memory_space<vmem_shared>> -> memref<128x128xf32, #tpu.memory_space<vmem_shared>>
        %dma_wait3A_71 = arith.constant 0 : i32
        %dma_wait3A_72 = tpu.memref_slice %arg6[%add3A_63, %dma_wait3A_71] : memref<10240x128xf32, #tpu.memory_space<vmem_shared>> -> memref<128x128xf32, #tpu.memory_space<vmem_shared>>
        tpu.wait_dma2 semaphore(%run_scoped3A_64 : memref<!tpu.dma_semaphore, #tpu.memory_space<semaphore_mem>>) src(%arg11 : memref<128x128xf32, #tpu.memory_space<vmem>>) dst(%dma_wait3A_72 : memref<128x128xf32, #tpu.memory_space<vmem_shared>>)
        tpu.yield
      }) : () -> ()
    }
    %scan3A_10 = arith.constant 5 : i32
    %run_scoped3A = arith.constant 0 : i32
    %run_scoped3A_11 = arith.constant 0 : i32
    "tpu.region"() ({
      %run_scoped3A_54 = tpu.sem_alloc : memref<!tpu.dma_semaphore, #tpu.memory_space<semaphore_mem>>
      %dma_start3A_55 = arith.constant 0 : i32
      %dma_start3A_56 = tpu.memref_slice %arg7[%run_scoped3A_11, %dma_start3A_55] : memref<1x128xi32, #tpu.memory_space<vmem>> -> memref<1x128xi32, #tpu.memory_space<vmem>>
      %dma_start3A_57 = tpu.memref_squeeze %dma_start3A_56 : memref<1x128xi32, #tpu.memory_space<vmem>> -> memref<128xi32, #tpu.memory_space<vmem>>
      %dma_start3A_58 = arith.constant 0 : i32
      %dma_start3A_59 = tpu.memref_slice %arg3[%add3A, %run_scoped3A, %dma_start3A_58] : memref<32x82x128xi32, #tpu.memory_space<hbm>> -> memref<1x1x128xi32, #tpu.memory_space<hbm>>
      %dma_start3A_60 = tpu.memref_squeeze %dma_start3A_59 : memref<1x1x128xi32, #tpu.memory_space<hbm>> -> memref<128xi32, #tpu.memory_space<hbm>>
      %dma_start3A_61 = arith.constant 0 : i32
      %dma_start3A_62 = tpu.memref_slice %arg7[%run_scoped3A_11, %dma_start3A_61] : memref<1x128xi32, #tpu.memory_space<vmem>> -> memref<1x128xi32, #tpu.memory_space<vmem>>
      %dma_start3A_63 = tpu.memref_squeeze %dma_start3A_62 : memref<1x128xi32, #tpu.memory_space<vmem>> -> memref<128xi32, #tpu.memory_space<vmem>>
      %dma_start3A_64 = arith.constant 0 : i32
      %dma_start3A_65 = tpu.memref_slice %arg3[%add3A, %run_scoped3A, %dma_start3A_64] : memref<32x82x128xi32, #tpu.memory_space<hbm>> -> memref<1x1x128xi32, #tpu.memory_space<hbm>>
      %dma_start3A_66 = tpu.memref_squeeze %dma_start3A_65 : memref<1x1x128xi32, #tpu.memory_space<hbm>> -> memref<128xi32, #tpu.memory_space<hbm>>
      tpu.enqueue_dma source(%dma_start3A_66 : memref<128xi32, #tpu.memory_space<hbm>>) target(%dma_start3A_63 : memref<128xi32, #tpu.memory_space<vmem>>) target_semaphore(%run_scoped3A_54 : memref<!tpu.dma_semaphore, #tpu.memory_space<semaphore_mem>>)
      %dma_wait3A_67 = arith.constant 0 : i32
      %dma_wait3A_68 = tpu.memref_slice %arg7[%run_scoped3A_11, %dma_wait3A_67] : memref<1x128xi32, #tpu.memory_space<vmem>> -> memref<1x128xi32, #tpu.memory_space<vmem>>
      %dma_wait3A_69 = tpu.memref_squeeze %dma_wait3A_68 : memref<1x128xi32, #tpu.memory_space<vmem>> -> memref<128xi32, #tpu.memory_space<vmem>>
      %dma_wait3A_70 = arith.constant 0 : i32
      %dma_wait3A_71 = tpu.memref_slice %arg3[%add3A, %run_scoped3A, %dma_wait3A_70] : memref<32x82x128xi32, #tpu.memory_space<hbm>> -> memref<1x1x128xi32, #tpu.memory_space<hbm>>
      %dma_wait3A_72 = tpu.memref_squeeze %dma_wait3A_71 : memref<1x1x128xi32, #tpu.memory_space<hbm>> -> memref<128xi32, #tpu.memory_space<hbm>>
      %dma_wait3A_73 = arith.constant 0 : i32
      %dma_wait3A_74 = tpu.memref_slice %arg7[%run_scoped3A_11, %dma_wait3A_73] : memref<1x128xi32, #tpu.memory_space<vmem>> -> memref<1x128xi32, #tpu.memory_space<vmem>>
      %dma_wait3A_75 = tpu.memref_squeeze %dma_wait3A_74 : memref<1x128xi32, #tpu.memory_space<vmem>> -> memref<128xi32, #tpu.memory_space<vmem>>
      %dma_wait3A_76 = arith.constant 0 : i32
      %dma_wait3A_77 = tpu.memref_slice %arg3[%add3A, %run_scoped3A, %dma_wait3A_76] : memref<32x82x128xi32, #tpu.memory_space<hbm>> -> memref<1x1x128xi32, #tpu.memory_space<hbm>>
      %dma_wait3A_78 = tpu.memref_squeeze %dma_wait3A_77 : memref<1x1x128xi32, #tpu.memory_space<hbm>> -> memref<128xi32, #tpu.memory_space<hbm>>
      tpu.wait_dma2 semaphore(%run_scoped3A_54 : memref<!tpu.dma_semaphore, #tpu.memory_space<semaphore_mem>>) src(%dma_wait3A_78 : memref<128xi32, #tpu.memory_space<hbm>>) dst(%dma_wait3A_75 : memref<128xi32, #tpu.memory_space<vmem>>)
      tpu.yield
    }) : () -> ()
    %run_scoped3A_12 = arith.constant 0 : i32
    %run_scoped3A_13 = arith.constant 0 : i32
    "tpu.region"() ({
      %run_scoped3A_54 = tpu.sem_alloc : memref<!tpu.dma_semaphore, #tpu.memory_space<semaphore_mem>>
      %dma_start3A_55 = arith.constant 0 : i32
      %dma_start3A_56 = tpu.memref_slice %arg8[%run_scoped3A_13, %dma_start3A_55] : memref<1x128xi32, #tpu.memory_space<vmem>> -> memref<1x128xi32, #tpu.memory_space<vmem>>
      %dma_start3A_57 = tpu.memref_squeeze %dma_start3A_56 : memref<1x128xi32, #tpu.memory_space<vmem>> -> memref<128xi32, #tpu.memory_space<vmem>>
      %dma_start3A_58 = arith.constant 0 : i32
      %dma_start3A_59 = tpu.memref_slice %arg4[%add3A, %run_scoped3A_12, %dma_start3A_58] : memref<32x82x128xi32, #tpu.memory_space<hbm>> -> memref<1x1x128xi32, #tpu.memory_space<hbm>>
      %dma_start3A_60 = tpu.memref_squeeze %dma_start3A_59 : memref<1x1x128xi32, #tpu.memory_space<hbm>> -> memref<128xi32, #tpu.memory_space<hbm>>
      %dma_start3A_61 = arith.constant 0 : i32
      %dma_start3A_62 = tpu.memref_slice %arg8[%run_scoped3A_13, %dma_start3A_61] : memref<1x128xi32, #tpu.memory_space<vmem>> -> memref<1x128xi32, #tpu.memory_space<vmem>>
      %dma_start3A_63 = tpu.memref_squeeze %dma_start3A_62 : memref<1x128xi32, #tpu.memory_space<vmem>> -> memref<128xi32, #tpu.memory_space<vmem>>
      %dma_start3A_64 = arith.constant 0 : i32
      %dma_start3A_65 = tpu.memref_slice %arg4[%add3A, %run_scoped3A_12, %dma_start3A_64] : memref<32x82x128xi32, #tpu.memory_space<hbm>> -> memref<1x1x128xi32, #tpu.memory_space<hbm>>
      %dma_start3A_66 = tpu.memref_squeeze %dma_start3A_65 : memref<1x1x128xi32, #tpu.memory_space<hbm>> -> memref<128xi32, #tpu.memory_space<hbm>>
      tpu.enqueue_dma source(%dma_start3A_66 : memref<128xi32, #tpu.memory_space<hbm>>) target(%dma_start3A_63 : memref<128xi32, #tpu.memory_space<vmem>>) target_semaphore(%run_scoped3A_54 : memref<!tpu.dma_semaphore, #tpu.memory_space<semaphore_mem>>)
      %dma_wait3A_67 = arith.constant 0 : i32
      %dma_wait3A_68 = tpu.memref_slice %arg8[%run_scoped3A_13, %dma_wait3A_67] : memref<1x128xi32, #tpu.memory_space<vmem>> -> memref<1x128xi32, #tpu.memory_space<vmem>>
      %dma_wait3A_69 = tpu.memref_squeeze %dma_wait3A_68 : memref<1x128xi32, #tpu.memory_space<vmem>> -> memref<128xi32, #tpu.memory_space<vmem>>
      %dma_wait3A_70 = arith.constant 0 : i32
      %dma_wait3A_71 = tpu.memref_slice %arg4[%add3A, %run_scoped3A_12, %dma_wait3A_70] : memref<32x82x128xi32, #tpu.memory_space<hbm>> -> memref<1x1x128xi32, #tpu.memory_space<hbm>>
      %dma_wait3A_72 = tpu.memref_squeeze %dma_wait3A_71 : memref<1x1x128xi32, #tpu.memory_space<hbm>> -> memref<128xi32, #tpu.memory_space<hbm>>
      %dma_wait3A_73 = arith.constant 0 : i32
      %dma_wait3A_74 = tpu.memref_slice %arg8[%run_scoped3A_13, %dma_wait3A_73] : memref<1x128xi32, #tpu.memory_space<vmem>> -> memref<1x128xi32, #tpu.memory_space<vmem>>
      %dma_wait3A_75 = tpu.memref_squeeze %dma_wait3A_74 : memref<1x128xi32, #tpu.memory_space<vmem>> -> memref<128xi32, #tpu.memory_space<vmem>>
      %dma_wait3A_76 = arith.constant 0 : i32
      %dma_wait3A_77 = tpu.memref_slice %arg4[%add3A, %run_scoped3A_12, %dma_wait3A_76] : memref<32x82x128xi32, #tpu.memory_space<hbm>> -> memref<1x1x128xi32, #tpu.memory_space<hbm>>
      %dma_wait3A_78 = tpu.memref_squeeze %dma_wait3A_77 : memref<1x1x128xi32, #tpu.memory_space<hbm>> -> memref<128xi32, #tpu.memory_space<hbm>>
      tpu.wait_dma2 semaphore(%run_scoped3A_54 : memref<!tpu.dma_semaphore, #tpu.memory_space<semaphore_mem>>) src(%dma_wait3A_78 : memref<128xi32, #tpu.memory_space<hbm>>) dst(%dma_wait3A_75 : memref<128xi32, #tpu.memory_space<vmem>>)
      tpu.yield
    }) : () -> ()
    %dma_start3A = arith.constant 0 : i32
    %dma_start3A_14 = arith.constant 0 : i32
    %dma_start3A_15 = tpu.memref_slice %arg7[%dma_start3A, %dma_start3A_14] : memref<1x128xi32, #tpu.memory_space<vmem>> -> memref<1x128xi32, #tpu.memory_space<vmem>>
    %dma_start3A_16 = tpu.memref_squeeze %dma_start3A_15 : memref<1x128xi32, #tpu.memory_space<vmem>> -> memref<128xi32, #tpu.memory_space<vmem>>
    %dma_start3A_17 = arith.constant 0 : i32
    %dma_start3A_18 = arith.constant 0 : i32
    %dma_start3A_19 = tpu.memref_slice %arg2[%dma_start3A_17, %dma_start3A_18] : memref<10240x128xf32, #tpu.memory_space<hbm>> -> memref<10240x128xf32, #tpu.memory_space<hbm>>
    tpu.enqueue_indirect_dma source(%dma_start3A_19 : memref<10240x128xf32, #tpu.memory_space<hbm>>) target(%arg11 : memref<128x128xf32, #tpu.memory_space<vmem>>) offsets(%dma_start3A_16 : memref<128xi32, #tpu.memory_space<vmem>>) semaphore(%arg13 : memref<!tpu.dma_semaphore, #tpu.memory_space<semaphore_mem>>)
    %run_scoped3A_20 = arith.constant 1 : i32
    %run_scoped3A_21 = arith.constant 0 : i32
    "tpu.region"() ({
      %run_scoped3A_54 = tpu.sem_alloc : memref<!tpu.dma_semaphore, #tpu.memory_space<semaphore_mem>>
      %dma_start3A_55 = arith.constant 0 : i32
      %dma_start3A_56 = tpu.memref_slice %arg9[%run_scoped3A_21, %dma_start3A_55] : memref<1x128xi32, #tpu.memory_space<vmem>> -> memref<1x128xi32, #tpu.memory_space<vmem>>
      %dma_start3A_57 = tpu.memref_squeeze %dma_start3A_56 : memref<1x128xi32, #tpu.memory_space<vmem>> -> memref<128xi32, #tpu.memory_space<vmem>>
      %dma_start3A_58 = arith.constant 0 : i32
      %dma_start3A_59 = tpu.memref_slice %arg3[%add3A, %run_scoped3A_20, %dma_start3A_58] : memref<32x82x128xi32, #tpu.memory_space<hbm>> -> memref<1x1x128xi32, #tpu.memory_space<hbm>>
      %dma_start3A_60 = tpu.memref_squeeze %dma_start3A_59 : memref<1x1x128xi32, #tpu.memory_space<hbm>> -> memref<128xi32, #tpu.memory_space<hbm>>
      %dma_start3A_61 = arith.constant 0 : i32
      %dma_start3A_62 = tpu.memref_slice %arg9[%run_scoped3A_21, %dma_start3A_61] : memref<1x128xi32, #tpu.memory_space<vmem>> -> memref<1x128xi32, #tpu.memory_space<vmem>>
      %dma_start3A_63 = tpu.memref_squeeze %dma_start3A_62 : memref<1x128xi32, #tpu.memory_space<vmem>> -> memref<128xi32, #tpu.memory_space<vmem>>
      %dma_start3A_64 = arith.constant 0 : i32
      %dma_start3A_65 = tpu.memref_slice %arg3[%add3A, %run_scoped3A_20, %dma_start3A_64] : memref<32x82x128xi32, #tpu.memory_space<hbm>> -> memref<1x1x128xi32, #tpu.memory_space<hbm>>
      %dma_start3A_66 = tpu.memref_squeeze %dma_start3A_65 : memref<1x1x128xi32, #tpu.memory_space<hbm>> -> memref<128xi32, #tpu.memory_space<hbm>>
      tpu.enqueue_dma source(%dma_start3A_66 : memref<128xi32, #tpu.memory_space<hbm>>) target(%dma_start3A_63 : memref<128xi32, #tpu.memory_space<vmem>>) target_semaphore(%run_scoped3A_54 : memref<!tpu.dma_semaphore, #tpu.memory_space<semaphore_mem>>)
      %dma_wait3A_67 = arith.constant 0 : i32
      %dma_wait3A_68 = tpu.memref_slice %arg9[%run_scoped3A_21, %dma_wait3A_67] : memref<1x128xi32, #tpu.memory_space<vmem>> -> memref<1x128xi32, #tpu.memory_space<vmem>>
      %dma_wait3A_69 = tpu.memref_squeeze %dma_wait3A_68 : memref<1x128xi32, #tpu.memory_space<vmem>> -> memref<128xi32, #tpu.memory_space<vmem>>
      %dma_wait3A_70 = arith.constant 0 : i32
      %dma_wait3A_71 = tpu.memref_slice %arg3[%add3A, %run_scoped3A_20, %dma_wait3A_70] : memref<32x82x128xi32, #tpu.memory_space<hbm>> -> memref<1x1x128xi32, #tpu.memory_space<hbm>>
      %dma_wait3A_72 = tpu.memref_squeeze %dma_wait3A_71 : memref<1x1x128xi32, #tpu.memory_space<hbm>> -> memref<128xi32, #tpu.memory_space<hbm>>
      %dma_wait3A_73 = arith.constant 0 : i32
      %dma_wait3A_74 = tpu.memref_slice %arg9[%run_scoped3A_21, %dma_wait3A_73] : memref<1x128xi32, #tpu.memory_space<vmem>> -> memref<1x128xi32, #tpu.memory_space<vmem>>
      %dma_wait3A_75 = tpu.memref_squeeze %dma_wait3A_74 : memref<1x128xi32, #tpu.memory_space<vmem>> -> memref<128xi32, #tpu.memory_space<vmem>>
      %dma_wait3A_76 = arith.constant 0 : i32
      %dma_wait3A_77 = tpu.memref_slice %arg3[%add3A, %run_scoped3A_20, %dma_wait3A_76] : memref<32x82x128xi32, #tpu.memory_space<hbm>> -> memref<1x1x128xi32, #tpu.memory_space<hbm>>
      %dma_wait3A_78 = tpu.memref_squeeze %dma_wait3A_77 : memref<1x1x128xi32, #tpu.memory_space<hbm>> -> memref<128xi32, #tpu.memory_space<hbm>>
      tpu.wait_dma2 semaphore(%run_scoped3A_54 : memref<!tpu.dma_semaphore, #tpu.memory_space<semaphore_mem>>) src(%dma_wait3A_78 : memref<128xi32, #tpu.memory_space<hbm>>) dst(%dma_wait3A_75 : memref<128xi32, #tpu.memory_space<vmem>>)
      tpu.yield
    }) : () -> ()
    %run_scoped3A_22 = arith.constant 1 : i32
    %run_scoped3A_23 = arith.constant 0 : i32
    "tpu.region"() ({
      %run_scoped3A_54 = tpu.sem_alloc : memref<!tpu.dma_semaphore, #tpu.memory_space<semaphore_mem>>
      %dma_start3A_55 = arith.constant 0 : i32
      %dma_start3A_56 = tpu.memref_slice %arg10[%run_scoped3A_23, %dma_start3A_55] : memref<1x128xi32, #tpu.memory_space<vmem>> -> memref<1x128xi32, #tpu.memory_space<vmem>>
      %dma_start3A_57 = tpu.memref_squeeze %dma_start3A_56 : memref<1x128xi32, #tpu.memory_space<vmem>> -> memref<128xi32, #tpu.memory_space<vmem>>
      %dma_start3A_58 = arith.constant 0 : i32
      %dma_start3A_59 = tpu.memref_slice %arg4[%add3A, %run_scoped3A_22, %dma_start3A_58] : memref<32x82x128xi32, #tpu.memory_space<hbm>> -> memref<1x1x128xi32, #tpu.memory_space<hbm>>
      %dma_start3A_60 = tpu.memref_squeeze %dma_start3A_59 : memref<1x1x128xi32, #tpu.memory_space<hbm>> -> memref<128xi32, #tpu.memory_space<hbm>>
      %dma_start3A_61 = arith.constant 0 : i32
      %dma_start3A_62 = tpu.memref_slice %arg10[%run_scoped3A_23, %dma_start3A_61] : memref<1x128xi32, #tpu.memory_space<vmem>> -> memref<1x128xi32, #tpu.memory_space<vmem>>
      %dma_start3A_63 = tpu.memref_squeeze %dma_start3A_62 : memref<1x128xi32, #tpu.memory_space<vmem>> -> memref<128xi32, #tpu.memory_space<vmem>>
      %dma_start3A_64 = arith.constant 0 : i32
      %dma_start3A_65 = tpu.memref_slice %arg4[%add3A, %run_scoped3A_22, %dma_start3A_64] : memref<32x82x128xi32, #tpu.memory_space<hbm>> -> memref<1x1x128xi32, #tpu.memory_space<hbm>>
      %dma_start3A_66 = tpu.memref_squeeze %dma_start3A_65 : memref<1x1x128xi32, #tpu.memory_space<hbm>> -> memref<128xi32, #tpu.memory_space<hbm>>
      tpu.enqueue_dma source(%dma_start3A_66 : memref<128xi32, #tpu.memory_space<hbm>>) target(%dma_start3A_63 : memref<128xi32, #tpu.memory_space<vmem>>) target_semaphore(%run_scoped3A_54 : memref<!tpu.dma_semaphore, #tpu.memory_space<semaphore_mem>>)
      %dma_wait3A_67 = arith.constant 0 : i32
      %dma_wait3A_68 = tpu.memref_slice %arg10[%run_scoped3A_23, %dma_wait3A_67] : memref<1x128xi32, #tpu.memory_space<vmem>> -> memref<1x128xi32, #tpu.memory_space<vmem>>
      %dma_wait3A_69 = tpu.memref_squeeze %dma_wait3A_68 : memref<1x128xi32, #tpu.memory_space<vmem>> -> memref<128xi32, #tpu.memory_space<vmem>>
      %dma_wait3A_70 = arith.constant 0 : i32
      %dma_wait3A_71 = tpu.memref_slice %arg4[%add3A, %run_scoped3A_22, %dma_wait3A_70] : memref<32x82x128xi32, #tpu.memory_space<hbm>> -> memref<1x1x128xi32, #tpu.memory_space<hbm>>
      %dma_wait3A_72 = tpu.memref_squeeze %dma_wait3A_71 : memref<1x1x128xi32, #tpu.memory_space<hbm>> -> memref<128xi32, #tpu.memory_space<hbm>>
      %dma_wait3A_73 = arith.constant 0 : i32
      %dma_wait3A_74 = tpu.memref_slice %arg10[%run_scoped3A_23, %dma_wait3A_73] : memref<1x128xi32, #tpu.memory_space<vmem>> -> memref<1x128xi32, #tpu.memory_space<vmem>>
      %dma_wait3A_75 = tpu.memref_squeeze %dma_wait3A_74 : memref<1x128xi32, #tpu.memory_space<vmem>> -> memref<128xi32, #tpu.memory_space<vmem>>
      %dma_wait3A_76 = arith.constant 0 : i32
      %dma_wait3A_77 = tpu.memref_slice %arg4[%add3A, %run_scoped3A_22, %dma_wait3A_76] : memref<32x82x128xi32, #tpu.memory_space<hbm>> -> memref<1x1x128xi32, #tpu.memory_space<hbm>>
      %dma_wait3A_78 = tpu.memref_squeeze %dma_wait3A_77 : memref<1x1x128xi32, #tpu.memory_space<hbm>> -> memref<128xi32, #tpu.memory_space<hbm>>
      tpu.wait_dma2 semaphore(%run_scoped3A_54 : memref<!tpu.dma_semaphore, #tpu.memory_space<semaphore_mem>>) src(%dma_wait3A_78 : memref<128xi32, #tpu.memory_space<hbm>>) dst(%dma_wait3A_75 : memref<128xi32, #tpu.memory_space<vmem>>)
      tpu.yield
    }) : () -> ()
    %dma_start3A_24 = arith.constant 0 : i32
    %dma_start3A_25 = arith.constant 0 : i32
    %dma_start3A_26 = tpu.memref_slice %arg9[%dma_start3A_24, %dma_start3A_25] : memref<1x128xi32, #tpu.memory_space<vmem>> -> memref<1x128xi32, #tpu.memory_space<vmem>>
    %dma_start3A_27 = tpu.memref_squeeze %dma_start3A_26 : memref<1x128xi32, #tpu.memory_space<vmem>> -> memref<128xi32, #tpu.memory_space<vmem>>
    %dma_start3A_28 = arith.constant 0 : i32
    %dma_start3A_29 = arith.constant 0 : i32
    %dma_start3A_30 = tpu.memref_slice %arg2[%dma_start3A_28, %dma_start3A_29] : memref<10240x128xf32, #tpu.memory_space<hbm>> -> memref<10240x128xf32, #tpu.memory_space<hbm>>
    tpu.enqueue_indirect_dma source(%dma_start3A_30 : memref<10240x128xf32, #tpu.memory_space<hbm>>) target(%arg12 : memref<128x128xf32, #tpu.memory_space<vmem>>) offsets(%dma_start3A_27 : memref<128xi32, #tpu.memory_space<vmem>>) semaphore(%arg15 : memref<!tpu.dma_semaphore, #tpu.memory_space<semaphore_mem>>)
    %barrier3A = arith.constant 0 : index
    tpu.barrier barrier_id(%barrier3A)
    %scan3A_31 = arith.constant 0 : i32
    %scan3A_32 = arith.constant 40 : i32
    %scan3A_33 = arith.addi %scan3A_31, %scan3A_32 : i32
    %scan3A_34 = arith.constant 1 : i32
    scf.for %scan3A_54 = %scan3A_31 to %scan3A_33 step %scan3A_34  : i32 {
      %mul3A_55 = arith.constant 1 : i32
      %mul3A_56 = arith.muli %scan3A_54, %mul3A_55 : i32
      %add3A_57 = arith.constant 0 : i32
      %add3A_58 = arith.addi %add3A_57, %mul3A_56 : i32
      %mul3A_59 = arith.constant 2 : i32
      %mul3A_60 = arith.muli %mul3A_59, %add3A_58 : i32
      %dma_wait3A_61 = arith.constant 0 : i32
      %dma_wait3A_62 = arith.constant 0 : i32
      %dma_wait3A_63 = tpu.memref_slice %arg7[%dma_wait3A_61, %dma_wait3A_62] : memref<1x128xi32, #tpu.memory_space<vmem>> -> memref<1x128xi32, #tpu.memory_space<vmem>>
      %dma_wait3A_64 = tpu.memref_squeeze %dma_wait3A_63 : memref<1x128xi32, #tpu.memory_space<vmem>> -> memref<128xi32, #tpu.memory_space<vmem>>
      %dma_wait3A_65 = arith.constant 0 : i32
      %dma_wait3A_66 = arith.constant 0 : i32
      %dma_wait3A_67 = tpu.memref_slice %arg2[%dma_wait3A_65, %dma_wait3A_66] : memref<10240x128xf32, #tpu.memory_space<hbm>> -> memref<10240x128xf32, #tpu.memory_space<hbm>>
      tpu.wait_indirect_dma semaphore(%arg13 : memref<!tpu.dma_semaphore, #tpu.memory_space<semaphore_mem>>) src(%dma_wait3A_67 : memref<10240x128xf32, #tpu.memory_space<hbm>>) dst(%arg11 : memref<128x128xf32, #tpu.memory_space<vmem>>)
      %run_scoped3A_68 = arith.constant 0 : i32
      "tpu.region"() ({
        %run_scoped3A_103 = tpu.sem_alloc : memref<!tpu.dma_semaphore, #tpu.memory_space<semaphore_mem>>
        %dma_start3A_104 = arith.constant 0 : i32
        %dma_start3A_105 = tpu.memref_slice %arg8[%run_scoped3A_68, %dma_start3A_104] : memref<1x128xi32, #tpu.memory_space<vmem>> -> memref<1x128xi32, #tpu.memory_space<vmem>>
        %dma_start3A_106 = tpu.memref_squeeze %dma_start3A_105 : memref<1x128xi32, #tpu.memory_space<vmem>> -> memref<128xi32, #tpu.memory_space<vmem>>
        %dma_start3A_107 = arith.constant 0 : i32
        %dma_start3A_108 = arith.constant 0 : i32
        %dma_start3A_109 = tpu.memref_slice %arg6[%dma_start3A_107, %dma_start3A_108] : memref<10240x128xf32, #tpu.memory_space<vmem_shared>> -> memref<10240x128xf32, #tpu.memory_space<vmem_shared>>
        tpu.enqueue_indirect_dma source(%arg11 : memref<128x128xf32, #tpu.memory_space<vmem>>) target(%dma_start3A_109 : memref<10240x128xf32, #tpu.memory_space<vmem_shared>>) offsets(%dma_start3A_106 : memref<128xi32, #tpu.memory_space<vmem>>) semaphore(%run_scoped3A_103 : memref<!tpu.dma_semaphore, #tpu.memory_space<semaphore_mem>>) {add = true}
        %dma_wait3A_110 = arith.constant 0 : i32
        %dma_wait3A_111 = tpu.memref_slice %arg8[%run_scoped3A_68, %dma_wait3A_110] : memref<1x128xi32, #tpu.memory_space<vmem>> -> memref<1x128xi32, #tpu.memory_space<vmem>>
        %dma_wait3A_112 = tpu.memref_squeeze %dma_wait3A_111 : memref<1x128xi32, #tpu.memory_space<vmem>> -> memref<128xi32, #tpu.memory_space<vmem>>
        %dma_wait3A_113 = arith.constant 0 : i32
        %dma_wait3A_114 = arith.constant 0 : i32
        %dma_wait3A_115 = tpu.memref_slice %arg6[%dma_wait3A_113, %dma_wait3A_114] : memref<10240x128xf32, #tpu.memory_space<vmem_shared>> -> memref<10240x128xf32, #tpu.memory_space<vmem_shared>>
        tpu.wait_indirect_dma semaphore(%run_scoped3A_103 : memref<!tpu.dma_semaphore, #tpu.memory_space<semaphore_mem>>) src(%arg11 : memref<128x128xf32, #tpu.memory_space<vmem>>) dst(%dma_wait3A_115 : memref<10240x128xf32, #tpu.memory_space<vmem_shared>>)
        tpu.yield
      }) : () -> ()
      %add3A_69 = arith.constant 2 : i32
      %add3A_70 = arith.addi %mul3A_60, %add3A_69 : i32
      %run_scoped3A_71 = arith.constant 0 : i32
      "tpu.region"() ({
        %run_scoped3A_103 = tpu.sem_alloc : memref<!tpu.dma_semaphore, #tpu.memory_space<semaphore_mem>>
        %dma_start3A_104 = arith.constant 0 : i32
        %dma_start3A_105 = tpu.memref_slice %arg7[%run_scoped3A_71, %dma_start3A_104] : memref<1x128xi32, #tpu.memory_space<vmem>> -> memref<1x128xi32, #tpu.memory_space<vmem>>
        %dma_start3A_106 = tpu.memref_squeeze %dma_start3A_105 : memref<1x128xi32, #tpu.memory_space<vmem>> -> memref<128xi32, #tpu.memory_space<vmem>>
        %dma_start3A_107 = arith.constant 0 : i32
        %dma_start3A_108 = tpu.memref_slice %arg3[%add3A, %add3A_70, %dma_start3A_107] : memref<32x82x128xi32, #tpu.memory_space<hbm>> -> memref<1x1x128xi32, #tpu.memory_space<hbm>>
        %dma_start3A_109 = tpu.memref_squeeze %dma_start3A_108 : memref<1x1x128xi32, #tpu.memory_space<hbm>> -> memref<128xi32, #tpu.memory_space<hbm>>
        %dma_start3A_110 = arith.constant 0 : i32
        %dma_start3A_111 = tpu.memref_slice %arg7[%run_scoped3A_71, %dma_start3A_110] : memref<1x128xi32, #tpu.memory_space<vmem>> -> memref<1x128xi32, #tpu.memory_space<vmem>>
        %dma_start3A_112 = tpu.memref_squeeze %dma_start3A_111 : memref<1x128xi32, #tpu.memory_space<vmem>> -> memref<128xi32, #tpu.memory_space<vmem>>
        %dma_start3A_113 = arith.constant 0 : i32
        %dma_start3A_114 = tpu.memref_slice %arg3[%add3A, %add3A_70, %dma_start3A_113] : memref<32x82x128xi32, #tpu.memory_space<hbm>> -> memref<1x1x128xi32, #tpu.memory_space<hbm>>
        %dma_start3A_115 = tpu.memref_squeeze %dma_start3A_114 : memref<1x1x128xi32, #tpu.memory_space<hbm>> -> memref<128xi32, #tpu.memory_space<hbm>>
        tpu.enqueue_dma source(%dma_start3A_115 : memref<128xi32, #tpu.memory_space<hbm>>) target(%dma_start3A_112 : memref<128xi32, #tpu.memory_space<vmem>>) target_semaphore(%run_scoped3A_103 : memref<!tpu.dma_semaphore, #tpu.memory_space<semaphore_mem>>)
        %dma_wait3A_116 = arith.constant 0 : i32
        %dma_wait3A_117 = tpu.memref_slice %arg7[%run_scoped3A_71, %dma_wait3A_116] : memref<1x128xi32, #tpu.memory_space<vmem>> -> memref<1x128xi32, #tpu.memory_space<vmem>>
        %dma_wait3A_118 = tpu.memref_squeeze %dma_wait3A_117 : memref<1x128xi32, #tpu.memory_space<vmem>> -> memref<128xi32, #tpu.memory_space<vmem>>
        %dma_wait3A_119 = arith.constant 0 : i32
        %dma_wait3A_120 = tpu.memref_slice %arg3[%add3A, %add3A_70, %dma_wait3A_119] : memref<32x82x128xi32, #tpu.memory_space<hbm>> -> memref<1x1x128xi32, #tpu.memory_space<hbm>>
        %dma_wait3A_121 = tpu.memref_squeeze %dma_wait3A_120 : memref<1x1x128xi32, #tpu.memory_space<hbm>> -> memref<128xi32, #tpu.memory_space<hbm>>
        %dma_wait3A_122 = arith.constant 0 : i32
        %dma_wait3A_123 = tpu.memref_slice %arg7[%run_scoped3A_71, %dma_wait3A_122] : memref<1x128xi32, #tpu.memory_space<vmem>> -> memref<1x128xi32, #tpu.memory_space<vmem>>
        %dma_wait3A_124 = tpu.memref_squeeze %dma_wait3A_123 : memref<1x128xi32, #tpu.memory_space<vmem>> -> memref<128xi32, #tpu.memory_space<vmem>>
        %dma_wait3A_125 = arith.constant 0 : i32
        %dma_wait3A_126 = tpu.memref_slice %arg3[%add3A, %add3A_70, %dma_wait3A_125] : memref<32x82x128xi32, #tpu.memory_space<hbm>> -> memref<1x1x128xi32, #tpu.memory_space<hbm>>
        %dma_wait3A_127 = tpu.memref_squeeze %dma_wait3A_126 : memref<1x1x128xi32, #tpu.memory_space<hbm>> -> memref<128xi32, #tpu.memory_space<hbm>>
        tpu.wait_dma2 semaphore(%run_scoped3A_103 : memref<!tpu.dma_semaphore, #tpu.memory_space<semaphore_mem>>) src(%dma_wait3A_127 : memref<128xi32, #tpu.memory_space<hbm>>) dst(%dma_wait3A_124 : memref<128xi32, #tpu.memory_space<vmem>>)
        tpu.yield
      }) : () -> ()
      %add3A_72 = arith.constant 2 : i32
      %add3A_73 = arith.addi %mul3A_60, %add3A_72 : i32
      %run_scoped3A_74 = arith.constant 0 : i32
      "tpu.region"() ({
        %run_scoped3A_103 = tpu.sem_alloc : memref<!tpu.dma_semaphore, #tpu.memory_space<semaphore_mem>>
        %dma_start3A_104 = arith.constant 0 : i32
        %dma_start3A_105 = tpu.memref_slice %arg8[%run_scoped3A_74, %dma_start3A_104] : memref<1x128xi32, #tpu.memory_space<vmem>> -> memref<1x128xi32, #tpu.memory_space<vmem>>
        %dma_start3A_106 = tpu.memref_squeeze %dma_start3A_105 : memref<1x128xi32, #tpu.memory_space<vmem>> -> memref<128xi32, #tpu.memory_space<vmem>>
        %dma_start3A_107 = arith.constant 0 : i32
        %dma_start3A_108 = tpu.memref_slice %arg4[%add3A, %add3A_73, %dma_start3A_107] : memref<32x82x128xi32, #tpu.memory_space<hbm>> -> memref<1x1x128xi32, #tpu.memory_space<hbm>>
        %dma_start3A_109 = tpu.memref_squeeze %dma_start3A_108 : memref<1x1x128xi32, #tpu.memory_space<hbm>> -> memref<128xi32, #tpu.memory_space<hbm>>
        %dma_start3A_110 = arith.constant 0 : i32
        %dma_start3A_111 = tpu.memref_slice %arg8[%run_scoped3A_74, %dma_start3A_110] : memref<1x128xi32, #tpu.memory_space<vmem>> -> memref<1x128xi32, #tpu.memory_space<vmem>>
        %dma_start3A_112 = tpu.memref_squeeze %dma_start3A_111 : memref<1x128xi32, #tpu.memory_space<vmem>> -> memref<128xi32, #tpu.memory_space<vmem>>
        %dma_start3A_113 = arith.constant 0 : i32
        %dma_start3A_114 = tpu.memref_slice %arg4[%add3A, %add3A_73, %dma_start3A_113] : memref<32x82x128xi32, #tpu.memory_space<hbm>> -> memref<1x1x128xi32, #tpu.memory_space<hbm>>
        %dma_start3A_115 = tpu.memref_squeeze %dma_start3A_114 : memref<1x1x128xi32, #tpu.memory_space<hbm>> -> memref<128xi32, #tpu.memory_space<hbm>>
        tpu.enqueue_dma source(%dma_start3A_115 : memref<128xi32, #tpu.memory_space<hbm>>) target(%dma_start3A_112 : memref<128xi32, #tpu.memory_space<vmem>>) target_semaphore(%run_scoped3A_103 : memref<!tpu.dma_semaphore, #tpu.memory_space<semaphore_mem>>)
        %dma_wait3A_116 = arith.constant 0 : i32
        %dma_wait3A_117 = tpu.memref_slice %arg8[%run_scoped3A_74, %dma_wait3A_116] : memref<1x128xi32, #tpu.memory_space<vmem>> -> memref<1x128xi32, #tpu.memory_space<vmem>>
        %dma_wait3A_118 = tpu.memref_squeeze %dma_wait3A_117 : memref<1x128xi32, #tpu.memory_space<vmem>> -> memref<128xi32, #tpu.memory_space<vmem>>
        %dma_wait3A_119 = arith.constant 0 : i32
        %dma_wait3A_120 = tpu.memref_slice %arg4[%add3A, %add3A_73, %dma_wait3A_119] : memref<32x82x128xi32, #tpu.memory_space<hbm>> -> memref<1x1x128xi32, #tpu.memory_space<hbm>>
        %dma_wait3A_121 = tpu.memref_squeeze %dma_wait3A_120 : memref<1x1x128xi32, #tpu.memory_space<hbm>> -> memref<128xi32, #tpu.memory_space<hbm>>
        %dma_wait3A_122 = arith.constant 0 : i32
        %dma_wait3A_123 = tpu.memref_slice %arg8[%run_scoped3A_74, %dma_wait3A_122] : memref<1x128xi32, #tpu.memory_space<vmem>> -> memref<1x128xi32, #tpu.memory_space<vmem>>
        %dma_wait3A_124 = tpu.memref_squeeze %dma_wait3A_123 : memref<1x128xi32, #tpu.memory_space<vmem>> -> memref<128xi32, #tpu.memory_space<vmem>>
        %dma_wait3A_125 = arith.constant 0 : i32
        %dma_wait3A_126 = tpu.memref_slice %arg4[%add3A, %add3A_73, %dma_wait3A_125] : memref<32x82x128xi32, #tpu.memory_space<hbm>> -> memref<1x1x128xi32, #tpu.memory_space<hbm>>
        %dma_wait3A_127 = tpu.memref_squeeze %dma_wait3A_126 : memref<1x1x128xi32, #tpu.memory_space<hbm>> -> memref<128xi32, #tpu.memory_space<hbm>>
        tpu.wait_dma2 semaphore(%run_scoped3A_103 : memref<!tpu.dma_semaphore, #tpu.memory_space<semaphore_mem>>) src(%dma_wait3A_127 : memref<128xi32, #tpu.memory_space<hbm>>) dst(%dma_wait3A_124 : memref<128xi32, #tpu.memory_space<vmem>>)
        tpu.yield
      }) : () -> ()
      %dma_start3A_75 = arith.constant 0 : i32
      %dma_start3A_76 = arith.constant 0 : i32
      %dma_start3A_77 = tpu.memref_slice %arg7[%dma_start3A_75, %dma_start3A_76] : memref<1x128xi32, #tpu.memory_space<vmem>> -> memref<1x128xi32, #tpu.memory_space<vmem>>
      %dma_start3A_78 = tpu.memref_squeeze %dma_start3A_77 : memref<1x128xi32, #tpu.memory_space<vmem>> -> memref<128xi32, #tpu.memory_space<vmem>>
      %dma_start3A_79 = arith.constant 0 : i32
      %dma_start3A_80 = arith.constant 0 : i32
      %dma_start3A_81 = tpu.memref_slice %arg2[%dma_start3A_79, %dma_start3A_80] : memref<10240x128xf32, #tpu.memory_space<hbm>> -> memref<10240x128xf32, #tpu.memory_space<hbm>>
      tpu.enqueue_indirect_dma source(%dma_start3A_81 : memref<10240x128xf32, #tpu.memory_space<hbm>>) target(%arg11 : memref<128x128xf32, #tpu.memory_space<vmem>>) offsets(%dma_start3A_78 : memref<128xi32, #tpu.memory_space<vmem>>) semaphore(%arg13 : memref<!tpu.dma_semaphore, #tpu.memory_space<semaphore_mem>>)
      %dma_wait3A_82 = arith.constant 0 : i32
      %dma_wait3A_83 = arith.constant 0 : i32
      %dma_wait3A_84 = tpu.memref_slice %arg9[%dma_wait3A_82, %dma_wait3A_83] : memref<1x128xi32, #tpu.memory_space<vmem>> -> memref<1x128xi32, #tpu.memory_space<vmem>>
      %dma_wait3A_85 = tpu.memref_squeeze %dma_wait3A_84 : memref<1x128xi32, #tpu.memory_space<vmem>> -> memref<128xi32, #tpu.memory_space<vmem>>
      %dma_wait3A_86 = arith.constant 0 : i32
      %dma_wait3A_87 = arith.constant 0 : i32
      %dma_wait3A_88 = tpu.memref_slice %arg2[%dma_wait3A_86, %dma_wait3A_87] : memref<10240x128xf32, #tpu.memory_space<hbm>> -> memref<10240x128xf32, #tpu.memory_space<hbm>>
      tpu.wait_indirect_dma semaphore(%arg15 : memref<!tpu.dma_semaphore, #tpu.memory_space<semaphore_mem>>) src(%dma_wait3A_88 : memref<10240x128xf32, #tpu.memory_space<hbm>>) dst(%arg12 : memref<128x128xf32, #tpu.memory_space<vmem>>)
      %run_scoped3A_89 = arith.constant 0 : i32
      "tpu.region"() ({
        %run_scoped3A_103 = tpu.sem_alloc : memref<!tpu.dma_semaphore, #tpu.memory_space<semaphore_mem>>
        %dma_start3A_104 = arith.constant 0 : i32
        %dma_start3A_105 = tpu.memref_slice %arg10[%run_scoped3A_89, %dma_start3A_104] : memref<1x128xi32, #tpu.memory_space<vmem>> -> memref<1x128xi32, #tpu.memory_space<vmem>>
        %dma_start3A_106 = tpu.memref_squeeze %dma_start3A_105 : memref<1x128xi32, #tpu.memory_space<vmem>> -> memref<128xi32, #tpu.memory_space<vmem>>
        %dma_start3A_107 = arith.constant 0 : i32
        %dma_start3A_108 = arith.constant 0 : i32
        %dma_start3A_109 = tpu.memref_slice %arg6[%dma_start3A_107, %dma_start3A_108] : memref<10240x128xf32, #tpu.memory_space<vmem_shared>> -> memref<10240x128xf32, #tpu.memory_space<vmem_shared>>
        tpu.enqueue_indirect_dma source(%arg12 : memref<128x128xf32, #tpu.memory_space<vmem>>) target(%dma_start3A_109 : memref<10240x128xf32, #tpu.memory_space<vmem_shared>>) offsets(%dma_start3A_106 : memref<128xi32, #tpu.memory_space<vmem>>) semaphore(%run_scoped3A_103 : memref<!tpu.dma_semaphore, #tpu.memory_space<semaphore_mem>>) {add = true}
        %dma_wait3A_110 = arith.constant 0 : i32
        %dma_wait3A_111 = tpu.memref_slice %arg10[%run_scoped3A_89, %dma_wait3A_110] : memref<1x128xi32, #tpu.memory_space<vmem>> -> memref<1x128xi32, #tpu.memory_space<vmem>>
        %dma_wait3A_112 = tpu.memref_squeeze %dma_wait3A_111 : memref<1x128xi32, #tpu.memory_space<vmem>> -> memref<128xi32, #tpu.memory_space<vmem>>
        %dma_wait3A_113 = arith.constant 0 : i32
        %dma_wait3A_114 = arith.constant 0 : i32
        %dma_wait3A_115 = tpu.memref_slice %arg6[%dma_wait3A_113, %dma_wait3A_114] : memref<10240x128xf32, #tpu.memory_space<vmem_shared>> -> memref<10240x128xf32, #tpu.memory_space<vmem_shared>>
        tpu.wait_indirect_dma semaphore(%run_scoped3A_103 : memref<!tpu.dma_semaphore, #tpu.memory_space<semaphore_mem>>) src(%arg12 : memref<128x128xf32, #tpu.memory_space<vmem>>) dst(%dma_wait3A_115 : memref<10240x128xf32, #tpu.memory_space<vmem_shared>>)
        tpu.yield
      }) : () -> ()
      %add3A_90 = arith.constant 3 : i32
      %add3A_91 = arith.addi %mul3A_60, %add3A_90 : i32
      %run_scoped3A_92 = arith.constant 0 : i32
      "tpu.region"() ({
        %run_scoped3A_103 = tpu.sem_alloc : memref<!tpu.dma_semaphore, #tpu.memory_space<semaphore_mem>>
        %dma_start3A_104 = arith.constant 0 : i32
        %dma_start3A_105 = tpu.memref_slice %arg9[%run_scoped3A_92, %dma_start3A_104] : memref<1x128xi32, #tpu.memory_space<vmem>> -> memref<1x128xi32, #tpu.memory_space<vmem>>
        %dma_start3A_106 = tpu.memref_squeeze %dma_start3A_105 : memref<1x128xi32, #tpu.memory_space<vmem>> -> memref<128xi32, #tpu.memory_space<vmem>>
        %dma_start3A_107 = arith.constant 0 : i32
        %dma_start3A_108 = tpu.memref_slice %arg3[%add3A, %add3A_91, %dma_start3A_107] : memref<32x82x128xi32, #tpu.memory_space<hbm>> -> memref<1x1x128xi32, #tpu.memory_space<hbm>>
        %dma_start3A_109 = tpu.memref_squeeze %dma_start3A_108 : memref<1x1x128xi32, #tpu.memory_space<hbm>> -> memref<128xi32, #tpu.memory_space<hbm>>
        %dma_start3A_110 = arith.constant 0 : i32
        %dma_start3A_111 = tpu.memref_slice %arg9[%run_scoped3A_92, %dma_start3A_110] : memref<1x128xi32, #tpu.memory_space<vmem>> -> memref<1x128xi32, #tpu.memory_space<vmem>>
        %dma_start3A_112 = tpu.memref_squeeze %dma_start3A_111 : memref<1x128xi32, #tpu.memory_space<vmem>> -> memref<128xi32, #tpu.memory_space<vmem>>
        %dma_start3A_113 = arith.constant 0 : i32
        %dma_start3A_114 = tpu.memref_slice %arg3[%add3A, %add3A_91, %dma_start3A_113] : memref<32x82x128xi32, #tpu.memory_space<hbm>> -> memref<1x1x128xi32, #tpu.memory_space<hbm>>
        %dma_start3A_115 = tpu.memref_squeeze %dma_start3A_114 : memref<1x1x128xi32, #tpu.memory_space<hbm>> -> memref<128xi32, #tpu.memory_space<hbm>>
        tpu.enqueue_dma source(%dma_start3A_115 : memref<128xi32, #tpu.memory_space<hbm>>) target(%dma_start3A_112 : memref<128xi32, #tpu.memory_space<vmem>>) target_semaphore(%run_scoped3A_103 : memref<!tpu.dma_semaphore, #tpu.memory_space<semaphore_mem>>)
        %dma_wait3A_116 = arith.constant 0 : i32
        %dma_wait3A_117 = tpu.memref_slice %arg9[%run_scoped3A_92, %dma_wait3A_116] : memref<1x128xi32, #tpu.memory_space<vmem>> -> memref<1x128xi32, #tpu.memory_space<vmem>>
        %dma_wait3A_118 = tpu.memref_squeeze %dma_wait3A_117 : memref<1x128xi32, #tpu.memory_space<vmem>> -> memref<128xi32, #tpu.memory_space<vmem>>
        %dma_wait3A_119 = arith.constant 0 : i32
        %dma_wait3A_120 = tpu.memref_slice %arg3[%add3A, %add3A_91, %dma_wait3A_119] : memref<32x82x128xi32, #tpu.memory_space<hbm>> -> memref<1x1x128xi32, #tpu.memory_space<hbm>>
        %dma_wait3A_121 = tpu.memref_squeeze %dma_wait3A_120 : memref<1x1x128xi32, #tpu.memory_space<hbm>> -> memref<128xi32, #tpu.memory_space<hbm>>
        %dma_wait3A_122 = arith.constant 0 : i32
        %dma_wait3A_123 = tpu.memref_slice %arg9[%run_scoped3A_92, %dma_wait3A_122] : memref<1x128xi32, #tpu.memory_space<vmem>> -> memref<1x128xi32, #tpu.memory_space<vmem>>
        %dma_wait3A_124 = tpu.memref_squeeze %dma_wait3A_123 : memref<1x128xi32, #tpu.memory_space<vmem>> -> memref<128xi32, #tpu.memory_space<vmem>>
        %dma_wait3A_125 = arith.constant 0 : i32
        %dma_wait3A_126 = tpu.memref_slice %arg3[%add3A, %add3A_91, %dma_wait3A_125] : memref<32x82x128xi32, #tpu.memory_space<hbm>> -> memref<1x1x128xi32, #tpu.memory_space<hbm>>
        %dma_wait3A_127 = tpu.memref_squeeze %dma_wait3A_126 : memref<1x1x128xi32, #tpu.memory_space<hbm>> -> memref<128xi32, #tpu.memory_space<hbm>>
        tpu.wait_dma2 semaphore(%run_scoped3A_103 : memref<!tpu.dma_semaphore, #tpu.memory_space<semaphore_mem>>) src(%dma_wait3A_127 : memref<128xi32, #tpu.memory_space<hbm>>) dst(%dma_wait3A_124 : memref<128xi32, #tpu.memory_space<vmem>>)
        tpu.yield
      }) : () -> ()
      %add3A_93 = arith.constant 3 : i32
      %add3A_94 = arith.addi %mul3A_60, %add3A_93 : i32
      %run_scoped3A_95 = arith.constant 0 : i32
      "tpu.region"() ({
        %run_scoped3A_103 = tpu.sem_alloc : memref<!tpu.dma_semaphore, #tpu.memory_space<semaphore_mem>>
        %dma_start3A_104 = arith.constant 0 : i32
        %dma_start3A_105 = tpu.memref_slice %arg10[%run_scoped3A_95, %dma_start3A_104] : memref<1x128xi32, #tpu.memory_space<vmem>> -> memref<1x128xi32, #tpu.memory_space<vmem>>
        %dma_start3A_106 = tpu.memref_squeeze %dma_start3A_105 : memref<1x128xi32, #tpu.memory_space<vmem>> -> memref<128xi32, #tpu.memory_space<vmem>>
        %dma_start3A_107 = arith.constant 0 : i32
        %dma_start3A_108 = tpu.memref_slice %arg4[%add3A, %add3A_94, %dma_start3A_107] : memref<32x82x128xi32, #tpu.memory_space<hbm>> -> memref<1x1x128xi32, #tpu.memory_space<hbm>>
        %dma_start3A_109 = tpu.memref_squeeze %dma_start3A_108 : memref<1x1x128xi32, #tpu.memory_space<hbm>> -> memref<128xi32, #tpu.memory_space<hbm>>
        %dma_start3A_110 = arith.constant 0 : i32
        %dma_start3A_111 = tpu.memref_slice %arg10[%run_scoped3A_95, %dma_start3A_110] : memref<1x128xi32, #tpu.memory_space<vmem>> -> memref<1x128xi32, #tpu.memory_space<vmem>>
        %dma_start3A_112 = tpu.memref_squeeze %dma_start3A_111 : memref<1x128xi32, #tpu.memory_space<vmem>> -> memref<128xi32, #tpu.memory_space<vmem>>
        %dma_start3A_113 = arith.constant 0 : i32
        %dma_start3A_114 = tpu.memref_slice %arg4[%add3A, %add3A_94, %dma_start3A_113] : memref<32x82x128xi32, #tpu.memory_space<hbm>> -> memref<1x1x128xi32, #tpu.memory_space<hbm>>
        %dma_start3A_115 = tpu.memref_squeeze %dma_start3A_114 : memref<1x1x128xi32, #tpu.memory_space<hbm>> -> memref<128xi32, #tpu.memory_space<hbm>>
        tpu.enqueue_dma source(%dma_start3A_115 : memref<128xi32, #tpu.memory_space<hbm>>) target(%dma_start3A_112 : memref<128xi32, #tpu.memory_space<vmem>>) target_semaphore(%run_scoped3A_103 : memref<!tpu.dma_semaphore, #tpu.memory_space<semaphore_mem>>)
        %dma_wait3A_116 = arith.constant 0 : i32
        %dma_wait3A_117 = tpu.memref_slice %arg10[%run_scoped3A_95, %dma_wait3A_116] : memref<1x128xi32, #tpu.memory_space<vmem>> -> memref<1x128xi32, #tpu.memory_space<vmem>>
        %dma_wait3A_118 = tpu.memref_squeeze %dma_wait3A_117 : memref<1x128xi32, #tpu.memory_space<vmem>> -> memref<128xi32, #tpu.memory_space<vmem>>
        %dma_wait3A_119 = arith.constant 0 : i32
        %dma_wait3A_120 = tpu.memref_slice %arg4[%add3A, %add3A_94, %dma_wait3A_119] : memref<32x82x128xi32, #tpu.memory_space<hbm>> -> memref<1x1x128xi32, #tpu.memory_space<hbm>>
        %dma_wait3A_121 = tpu.memref_squeeze %dma_wait3A_120 : memref<1x1x128xi32, #tpu.memory_space<hbm>> -> memref<128xi32, #tpu.memory_space<hbm>>
        %dma_wait3A_122 = arith.constant 0 : i32
        %dma_wait3A_123 = tpu.memref_slice %arg10[%run_scoped3A_95, %dma_wait3A_122] : memref<1x128xi32, #tpu.memory_space<vmem>> -> memref<1x128xi32, #tpu.memory_space<vmem>>
        %dma_wait3A_124 = tpu.memref_squeeze %dma_wait3A_123 : memref<1x128xi32, #tpu.memory_space<vmem>> -> memref<128xi32, #tpu.memory_space<vmem>>
        %dma_wait3A_125 = arith.constant 0 : i32
        %dma_wait3A_126 = tpu.memref_slice %arg4[%add3A, %add3A_94, %dma_wait3A_125] : memref<32x82x128xi32, #tpu.memory_space<hbm>> -> memref<1x1x128xi32, #tpu.memory_space<hbm>>
        %dma_wait3A_127 = tpu.memref_squeeze %dma_wait3A_126 : memref<1x1x128xi32, #tpu.memory_space<hbm>> -> memref<128xi32, #tpu.memory_space<hbm>>
        tpu.wait_dma2 semaphore(%run_scoped3A_103 : memref<!tpu.dma_semaphore, #tpu.memory_space<semaphore_mem>>) src(%dma_wait3A_127 : memref<128xi32, #tpu.memory_space<hbm>>) dst(%dma_wait3A_124 : memref<128xi32, #tpu.memory_space<vmem>>)
        tpu.yield
      }) : () -> ()
      %dma_start3A_96 = arith.constant 0 : i32
      %dma_start3A_97 = arith.constant 0 : i32
      %dma_start3A_98 = tpu.memref_slice %arg9[%dma_start3A_96, %dma_start3A_97] : memref<1x128xi32, #tpu.memory_space<vmem>> -> memref<1x128xi32, #tpu.memory_space<vmem>>
      %dma_start3A_99 = tpu.memref_squeeze %dma_start3A_98 : memref<1x128xi32, #tpu.memory_space<vmem>> -> memref<128xi32, #tpu.memory_space<vmem>>
      %dma_start3A_100 = arith.constant 0 : i32
      %dma_start3A_101 = arith.constant 0 : i32
      %dma_start3A_102 = tpu.memref_slice %arg2[%dma_start3A_100, %dma_start3A_101] : memref<10240x128xf32, #tpu.memory_space<hbm>> -> memref<10240x128xf32, #tpu.memory_space<hbm>>
      tpu.enqueue_indirect_dma source(%dma_start3A_102 : memref<10240x128xf32, #tpu.memory_space<hbm>>) target(%arg12 : memref<128x128xf32, #tpu.memory_space<vmem>>) offsets(%dma_start3A_99 : memref<128xi32, #tpu.memory_space<vmem>>) semaphore(%arg15 : memref<!tpu.dma_semaphore, #tpu.memory_space<semaphore_mem>>)
    }
    %scan3A_35 = arith.constant 40 : i32
    %dma_wait3A = arith.constant 0 : i32
    %dma_wait3A_36 = arith.constant 0 : i32
    %dma_wait3A_37 = tpu.memref_slice %arg7[%dma_wait3A, %dma_wait3A_36] : memref<1x128xi32, #tpu.memory_space<vmem>> -> memref<1x128xi32, #tpu.memory_space<vmem>>
    %dma_wait3A_38 = tpu.memref_squeeze %dma_wait3A_37 : memref<1x128xi32, #tpu.memory_space<vmem>> -> memref<128xi32, #tpu.memory_space<vmem>>
    %dma_wait3A_39 = arith.constant 0 : i32
    %dma_wait3A_40 = arith.constant 0 : i32
    %dma_wait3A_41 = tpu.memref_slice %arg2[%dma_wait3A_39, %dma_wait3A_40] : memref<10240x128xf32, #tpu.memory_space<hbm>> -> memref<10240x128xf32, #tpu.memory_space<hbm>>
    tpu.wait_indirect_dma semaphore(%arg13 : memref<!tpu.dma_semaphore, #tpu.memory_space<semaphore_mem>>) src(%dma_wait3A_41 : memref<10240x128xf32, #tpu.memory_space<hbm>>) dst(%arg11 : memref<128x128xf32, #tpu.memory_space<vmem>>)
    %dma_wait3A_42 = arith.constant 0 : i32
    %dma_wait3A_43 = arith.constant 0 : i32
    %dma_wait3A_44 = tpu.memref_slice %arg9[%dma_wait3A_42, %dma_wait3A_43] : memref<1x128xi32, #tpu.memory_space<vmem>> -> memref<1x128xi32, #tpu.memory_space<vmem>>
    %dma_wait3A_45 = tpu.memref_squeeze %dma_wait3A_44 : memref<1x128xi32, #tpu.memory_space<vmem>> -> memref<128xi32, #tpu.memory_space<vmem>>
    %dma_wait3A_46 = arith.constant 0 : i32
    %dma_wait3A_47 = arith.constant 0 : i32
    %dma_wait3A_48 = tpu.memref_slice %arg2[%dma_wait3A_46, %dma_wait3A_47] : memref<10240x128xf32, #tpu.memory_space<hbm>> -> memref<10240x128xf32, #tpu.memory_space<hbm>>
    tpu.wait_indirect_dma semaphore(%arg15 : memref<!tpu.dma_semaphore, #tpu.memory_space<semaphore_mem>>) src(%dma_wait3A_48 : memref<10240x128xf32, #tpu.memory_space<hbm>>) dst(%arg12 : memref<128x128xf32, #tpu.memory_space<vmem>>)
    %barrier3A_49 = arith.constant 0 : index
    tpu.barrier barrier_id(%barrier3A_49)
    %mul3A_50 = arith.constant 640 : i32
    %mul3A_51 = arith.muli %arg1, %mul3A_50 : i32
    %mul3A_52 = arith.constant 640 : i32
    %mul3A_53 = arith.muli %arg1, %mul3A_52 : i32
    "tpu.region"() ({
      %run_scoped3A_54 = tpu.sem_alloc : memref<!tpu.dma_semaphore, #tpu.memory_space<semaphore_mem>>
      %dma_start3A_55 = arith.constant 0 : i32
      %dma_start3A_56 = tpu.memref_slice %arg5[%arg0, %mul3A_53, %dma_start3A_55] : memref<2x10240x128xf32, #tpu.memory_space<hbm>> -> memref<1x640x128xf32, #tpu.memory_space<hbm>>
      %dma_start3A_57 = tpu.memref_squeeze %dma_start3A_56 : memref<1x640x128xf32, #tpu.memory_space<hbm>> -> memref<640x128xf32, #tpu.memory_space<hbm>>
      %dma_start3A_58 = arith.constant 0 : i32
      %dma_start3A_59 = tpu.memref_slice %arg6[%mul3A_51, %dma_start3A_58] : memref<10240x128xf32, #tpu.memory_space<vmem_shared>> -> memref<640x128xf32, #tpu.memory_space<vmem_shared>>
      tpu.enqueue_dma source(%dma_start3A_59 : memref<640x128xf32, #tpu.memory_space<vmem_shared>>) target(%dma_start3A_57 : memref<640x128xf32, #tpu.memory_space<hbm>>) target_semaphore(%run_scoped3A_54 : memref<!tpu.dma_semaphore, #tpu.memory_space<semaphore_mem>>)
      %dma_wait3A_60 = arith.constant 0 : i32
      %dma_wait3A_61 = tpu.memref_slice %arg5[%arg0, %mul3A_53, %dma_wait3A_60] : memref<2x10240x128xf32, #tpu.memory_space<hbm>> -> memref<1x640x128xf32, #tpu.memory_space<hbm>>
      %dma_wait3A_62 = tpu.memref_squeeze %dma_wait3A_61 : memref<1x640x128xf32, #tpu.memory_space<hbm>> -> memref<640x128xf32, #tpu.memory_space<hbm>>
      %dma_wait3A_63 = arith.constant 0 : i32
      %dma_wait3A_64 = tpu.memref_slice %arg6[%mul3A_51, %dma_wait3A_63] : memref<10240x128xf32, #tpu.memory_space<vmem_shared>> -> memref<640x128xf32, #tpu.memory_space<vmem_shared>>
      tpu.wait_dma2 semaphore(%run_scoped3A_54 : memref<!tpu.dma_semaphore, #tpu.memory_space<semaphore_mem>>) src(%dma_wait3A_64 : memref<640x128xf32, #tpu.memory_space<vmem_shared>>) dst(%dma_wait3A_62 : memref<640x128xf32, #tpu.memory_space<hbm>>)
      tpu.yield
    }) : () -> ()
    return
  }
}

#map = affine_map<(d0, d1) -> (0, 0, 0)>
#map1 = affine_map<(d0, d1) -> (0, 0)>
module attributes {stable_mosaic.version = 14 : i64} {
  func.func @_hist_body(%arg0: i32, %arg1: i32, %arg2: memref<32x82x128xi32, #tpu.memory_space<hbm>>, %arg3: memref<32x82x128xi32, #tpu.memory_space<hbm>>, %arg4: memref<32x10240xf32, #tpu.memory_space<hbm>>, %arg5: memref<32x10240xf32, #tpu.memory_space<hbm>>, %arg6: memref<80x128xi32, #tpu.memory_space<vmem>>, %arg7: memref<80x128xi32, #tpu.memory_space<vmem>>, %arg8: memref<10240xf32, #tpu.memory_space<vmem>>, %arg9: memref<10240xf32, #tpu.memory_space<vmem>>) attributes {dimension_semantics = [#tpu.dimension_semantics<core_parallel>, #tpu.dimension_semantics<subcore_parallel>], iteration_bounds = array<i64: 2, 16>, scalar_prefetch = 0 : i64, scratch_operands = 4 : i64, tpu.core_type = #tpu.core_type<sc_vector_subcore>, window_params = [{transform_indices = #map}, {transform_indices = #map}, {transform_indices = #map1}, {transform_indices = #map1}]} {
    %mul3A = arith.constant 2 : i32
    %mul3A_0 = arith.muli %arg1, %mul3A : i32
    %add3A = arith.addi %mul3A_0, %arg0 : i32
    %broadcast_in_dim3A = arith.constant 0.000000e+00 : f32
    %broadcast_in_dim3A_1 = vector.broadcast %broadcast_in_dim3A : f32 to vector<16xf32>
    %broadcast_in_dim3A_2 = arith.constant 1.000000e+00 : f32
    %broadcast_in_dim3A_3 = vector.broadcast %broadcast_in_dim3A_2 : f32 to vector<16xf32>
    %scan3A = arith.constant 0 : i32
    %scan3A_4 = arith.constant 640 : i32
    %scan3A_5 = arith.addi %scan3A, %scan3A_4 : i32
    %scan3A_6 = arith.constant 1 : i32
    scf.for %scan3A_13 = %scan3A to %scan3A_5 step %scan3A_6  : i32 {
      %mul3A_14 = arith.constant 1 : i32
      %mul3A_15 = arith.muli %scan3A_13, %mul3A_14 : i32
      %add3A_16 = arith.constant 0 : i32
      %add3A_17 = arith.addi %add3A_16, %mul3A_15 : i32
      %mul3A_18 = arith.constant 16 : i32
      %mul3A_19 = arith.muli %add3A_17, %mul3A_18 : i32
      %swap3A = arith.index_cast %mul3A_19 : i32 to index
      %swap3A_20 = tpu.vector_load %arg8[%swap3A] {strides = array<i32>} : memref<10240xf32, #tpu.memory_space<vmem>>, vector<16xf32>,
      tpu.vector_store %arg8[%swap3A], %broadcast_in_dim3A_1 {strides = array<i32>} : memref<10240xf32, #tpu.memory_space<vmem>>, vector<16xf32>,
      %mul3A_21 = arith.constant 16 : i32
      %mul3A_22 = arith.muli %add3A_17, %mul3A_21 : i32
      %swap3A_23 = arith.index_cast %mul3A_22 : i32 to index
      %swap3A_24 = tpu.vector_load %arg9[%swap3A_23] {strides = array<i32>} : memref<10240xf32, #tpu.memory_space<vmem>>, vector<16xf32>,
      tpu.vector_store %arg9[%swap3A_23], %broadcast_in_dim3A_1 {strides = array<i32>} : memref<10240xf32, #tpu.memory_space<vmem>>, vector<16xf32>,
    }
    %scan3A_7 = arith.constant 640 : i32
    "tpu.region"() ({
      %run_scoped3A = tpu.sem_alloc : memref<!tpu.dma_semaphore, #tpu.memory_space<semaphore_mem>>
      %dma_start3A = arith.constant 0 : i32
      %dma_start3A_13 = arith.constant 0 : i32
      %dma_start3A_14 = tpu.memref_slice %arg2[%add3A, %dma_start3A, %dma_start3A_13] : memref<32x82x128xi32, #tpu.memory_space<hbm>> -> memref<1x80x128xi32, #tpu.memory_space<hbm>>
      %dma_start3A_15 = tpu.memref_squeeze %dma_start3A_14 : memref<1x80x128xi32, #tpu.memory_space<hbm>> -> memref<80x128xi32, #tpu.memory_space<hbm>>
      %dma_start3A_16 = arith.constant 0 : i32
      %dma_start3A_17 = arith.constant 0 : i32
      %dma_start3A_18 = tpu.memref_slice %arg2[%add3A, %dma_start3A_16, %dma_start3A_17] : memref<32x82x128xi32, #tpu.memory_space<hbm>> -> memref<1x80x128xi32, #tpu.memory_space<hbm>>
      %dma_start3A_19 = tpu.memref_squeeze %dma_start3A_18 : memref<1x80x128xi32, #tpu.memory_space<hbm>> -> memref<80x128xi32, #tpu.memory_space<hbm>>
      tpu.enqueue_dma source(%dma_start3A_19 : memref<80x128xi32, #tpu.memory_space<hbm>>) target(%arg6 : memref<80x128xi32, #tpu.memory_space<vmem>>) target_semaphore(%run_scoped3A : memref<!tpu.dma_semaphore, #tpu.memory_space<semaphore_mem>>)
      %dma_wait3A = arith.constant 0 : i32
      %dma_wait3A_20 = arith.constant 0 : i32
      %dma_wait3A_21 = tpu.memref_slice %arg2[%add3A, %dma_wait3A, %dma_wait3A_20] : memref<32x82x128xi32, #tpu.memory_space<hbm>> -> memref<1x80x128xi32, #tpu.memory_space<hbm>>
      %dma_wait3A_22 = tpu.memref_squeeze %dma_wait3A_21 : memref<1x80x128xi32, #tpu.memory_space<hbm>> -> memref<80x128xi32, #tpu.memory_space<hbm>>
      %dma_wait3A_23 = arith.constant 0 : i32
      %dma_wait3A_24 = arith.constant 0 : i32
      %dma_wait3A_25 = tpu.memref_slice %arg2[%add3A, %dma_wait3A_23, %dma_wait3A_24] : memref<32x82x128xi32, #tpu.memory_space<hbm>> -> memref<1x80x128xi32, #tpu.memory_space<hbm>>
      %dma_wait3A_26 = tpu.memref_squeeze %dma_wait3A_25 : memref<1x80x128xi32, #tpu.memory_space<hbm>> -> memref<80x128xi32, #tpu.memory_space<hbm>>
      tpu.wait_dma2 semaphore(%run_scoped3A : memref<!tpu.dma_semaphore, #tpu.memory_space<semaphore_mem>>) src(%dma_wait3A_26 : memref<80x128xi32, #tpu.memory_space<hbm>>) dst(%arg6 : memref<80x128xi32, #tpu.memory_space<vmem>>)
      tpu.yield
    }) : () -> ()
    "tpu.region"() ({
      %run_scoped3A = tpu.sem_alloc : memref<!tpu.dma_semaphore, #tpu.memory_space<semaphore_mem>>
      %dma_start3A = arith.constant 0 : i32
      %dma_start3A_13 = arith.constant 0 : i32
      %dma_start3A_14 = tpu.memref_slice %arg3[%add3A, %dma_start3A, %dma_start3A_13] : memref<32x82x128xi32, #tpu.memory_space<hbm>> -> memref<1x80x128xi32, #tpu.memory_space<hbm>>
      %dma_start3A_15 = tpu.memref_squeeze %dma_start3A_14 : memref<1x80x128xi32, #tpu.memory_space<hbm>> -> memref<80x128xi32, #tpu.memory_space<hbm>>
      %dma_start3A_16 = arith.constant 0 : i32
      %dma_start3A_17 = arith.constant 0 : i32
      %dma_start3A_18 = tpu.memref_slice %arg3[%add3A, %dma_start3A_16, %dma_start3A_17] : memref<32x82x128xi32, #tpu.memory_space<hbm>> -> memref<1x80x128xi32, #tpu.memory_space<hbm>>
      %dma_start3A_19 = tpu.memref_squeeze %dma_start3A_18 : memref<1x80x128xi32, #tpu.memory_space<hbm>> -> memref<80x128xi32, #tpu.memory_space<hbm>>
      tpu.enqueue_dma source(%dma_start3A_19 : memref<80x128xi32, #tpu.memory_space<hbm>>) target(%arg7 : memref<80x128xi32, #tpu.memory_space<vmem>>) target_semaphore(%run_scoped3A : memref<!tpu.dma_semaphore, #tpu.memory_space<semaphore_mem>>)
      %dma_wait3A = arith.constant 0 : i32
      %dma_wait3A_20 = arith.constant 0 : i32
      %dma_wait3A_21 = tpu.memref_slice %arg3[%add3A, %dma_wait3A, %dma_wait3A_20] : memref<32x82x128xi32, #tpu.memory_space<hbm>> -> memref<1x80x128xi32, #tpu.memory_space<hbm>>
      %dma_wait3A_22 = tpu.memref_squeeze %dma_wait3A_21 : memref<1x80x128xi32, #tpu.memory_space<hbm>> -> memref<80x128xi32, #tpu.memory_space<hbm>>
      %dma_wait3A_23 = arith.constant 0 : i32
      %dma_wait3A_24 = arith.constant 0 : i32
      %dma_wait3A_25 = tpu.memref_slice %arg3[%add3A, %dma_wait3A_23, %dma_wait3A_24] : memref<32x82x128xi32, #tpu.memory_space<hbm>> -> memref<1x80x128xi32, #tpu.memory_space<hbm>>
      %dma_wait3A_26 = tpu.memref_squeeze %dma_wait3A_25 : memref<1x80x128xi32, #tpu.memory_space<hbm>> -> memref<80x128xi32, #tpu.memory_space<hbm>>
      tpu.wait_dma2 semaphore(%run_scoped3A : memref<!tpu.dma_semaphore, #tpu.memory_space<semaphore_mem>>) src(%dma_wait3A_26 : memref<80x128xi32, #tpu.memory_space<hbm>>) dst(%arg7 : memref<80x128xi32, #tpu.memory_space<vmem>>)
      tpu.yield
    }) : () -> ()
    %scan3A_8 = arith.constant 0 : i32
    %scan3A_9 = arith.constant 80 : i32
    %scan3A_10 = arith.addi %scan3A_8, %scan3A_9 : i32
    %scan3A_11 = arith.constant 1 : i32
    scf.for %scan3A_13 = %scan3A_8 to %scan3A_10 step %scan3A_11  : i32 {
      %mul3A_14 = arith.constant 1 : i32
      %mul3A_15 = arith.muli %scan3A_13, %mul3A_14 : i32
      %add3A_16 = arith.constant 0 : i32
      %add3A_17 = arith.addi %add3A_16, %mul3A_15 : i32
      %get3A = arith.index_cast %add3A_17 : i32 to index
      %get3A_18 = arith.constant 0 : index
      %get3A_19 = tpu.vector_load %arg6[%get3A, %get3A_18] {strides = array<i32>} : memref<80x128xi32, #tpu.memory_space<vmem>>, vector<16xi32>,
      tpu.vector_store_idx %arg8[%get3A_19], %broadcast_in_dim3A_3 {add = true} : memref<10240xf32, #tpu.memory_space<vmem>>[vector<16xi32>], vector<16xf32>,
      %get3A_20 = arith.index_cast %add3A_17 : i32 to index
      %get3A_21 = arith.constant 0 : index
      %get3A_22 = tpu.vector_load %arg7[%get3A_20, %get3A_21] {strides = array<i32>} : memref<80x128xi32, #tpu.memory_space<vmem>>, vector<16xi32>,
      tpu.vector_store_idx %arg9[%get3A_22], %broadcast_in_dim3A_3 {add = true} : memref<10240xf32, #tpu.memory_space<vmem>>[vector<16xi32>], vector<16xf32>,
      %get3A_23 = arith.index_cast %add3A_17 : i32 to index
      %get3A_24 = arith.constant 16 : index
      %get3A_25 = tpu.vector_load %arg6[%get3A_23, %get3A_24] {strides = array<i32>} : memref<80x128xi32, #tpu.memory_space<vmem>>, vector<16xi32>,
      tpu.vector_store_idx %arg8[%get3A_25], %broadcast_in_dim3A_3 {add = true} : memref<10240xf32, #tpu.memory_space<vmem>>[vector<16xi32>], vector<16xf32>,
      %get3A_26 = arith.index_cast %add3A_17 : i32 to index
      %get3A_27 = arith.constant 16 : index
      %get3A_28 = tpu.vector_load %arg7[%get3A_26, %get3A_27] {strides = array<i32>} : memref<80x128xi32, #tpu.memory_space<vmem>>, vector<16xi32>,
      tpu.vector_store_idx %arg9[%get3A_28], %broadcast_in_dim3A_3 {add = true} : memref<10240xf32, #tpu.memory_space<vmem>>[vector<16xi32>], vector<16xf32>,
      %get3A_29 = arith.index_cast %add3A_17 : i32 to index
      %get3A_30 = arith.constant 32 : index
      %get3A_31 = tpu.vector_load %arg6[%get3A_29, %get3A_30] {strides = array<i32>} : memref<80x128xi32, #tpu.memory_space<vmem>>, vector<16xi32>,
      tpu.vector_store_idx %arg8[%get3A_31], %broadcast_in_dim3A_3 {add = true} : memref<10240xf32, #tpu.memory_space<vmem>>[vector<16xi32>], vector<16xf32>,
      %get3A_32 = arith.index_cast %add3A_17 : i32 to index
      %get3A_33 = arith.constant 32 : index
      %get3A_34 = tpu.vector_load %arg7[%get3A_32, %get3A_33] {strides = array<i32>} : memref<80x128xi32, #tpu.memory_space<vmem>>, vector<16xi32>,
      tpu.vector_store_idx %arg9[%get3A_34], %broadcast_in_dim3A_3 {add = true} : memref<10240xf32, #tpu.memory_space<vmem>>[vector<16xi32>], vector<16xf32>,
      %get3A_35 = arith.index_cast %add3A_17 : i32 to index
      %get3A_36 = arith.constant 48 : index
      %get3A_37 = tpu.vector_load %arg6[%get3A_35, %get3A_36] {strides = array<i32>} : memref<80x128xi32, #tpu.memory_space<vmem>>, vector<16xi32>,
      tpu.vector_store_idx %arg8[%get3A_37], %broadcast_in_dim3A_3 {add = true} : memref<10240xf32, #tpu.memory_space<vmem>>[vector<16xi32>], vector<16xf32>,
      %get3A_38 = arith.index_cast %add3A_17 : i32 to index
      %get3A_39 = arith.constant 48 : index
      %get3A_40 = tpu.vector_load %arg7[%get3A_38, %get3A_39] {strides = array<i32>} : memref<80x128xi32, #tpu.memory_space<vmem>>, vector<16xi32>,
      tpu.vector_store_idx %arg9[%get3A_40], %broadcast_in_dim3A_3 {add = true} : memref<10240xf32, #tpu.memory_space<vmem>>[vector<16xi32>], vector<16xf32>,
      %get3A_41 = arith.index_cast %add3A_17 : i32 to index
      %get3A_42 = arith.constant 64 : index
      %get3A_43 = tpu.vector_load %arg6[%get3A_41, %get3A_42] {strides = array<i32>} : memref<80x128xi32, #tpu.memory_space<vmem>>, vector<16xi32>,
      tpu.vector_store_idx %arg8[%get3A_43], %broadcast_in_dim3A_3 {add = true} : memref<10240xf32, #tpu.memory_space<vmem>>[vector<16xi32>], vector<16xf32>,
      %get3A_44 = arith.index_cast %add3A_17 : i32 to index
      %get3A_45 = arith.constant 64 : index
      %get3A_46 = tpu.vector_load %arg7[%get3A_44, %get3A_45] {strides = array<i32>} : memref<80x128xi32, #tpu.memory_space<vmem>>, vector<16xi32>,
      tpu.vector_store_idx %arg9[%get3A_46], %broadcast_in_dim3A_3 {add = true} : memref<10240xf32, #tpu.memory_space<vmem>>[vector<16xi32>], vector<16xf32>,
      %get3A_47 = arith.index_cast %add3A_17 : i32 to index
      %get3A_48 = arith.constant 80 : index
      %get3A_49 = tpu.vector_load %arg6[%get3A_47, %get3A_48] {strides = array<i32>} : memref<80x128xi32, #tpu.memory_space<vmem>>, vector<16xi32>,
      tpu.vector_store_idx %arg8[%get3A_49], %broadcast_in_dim3A_3 {add = true} : memref<10240xf32, #tpu.memory_space<vmem>>[vector<16xi32>], vector<16xf32>,
      %get3A_50 = arith.index_cast %add3A_17 : i32 to index
      %get3A_51 = arith.constant 80 : index
      %get3A_52 = tpu.vector_load %arg7[%get3A_50, %get3A_51] {strides = array<i32>} : memref<80x128xi32, #tpu.memory_space<vmem>>, vector<16xi32>,
      tpu.vector_store_idx %arg9[%get3A_52], %broadcast_in_dim3A_3 {add = true} : memref<10240xf32, #tpu.memory_space<vmem>>[vector<16xi32>], vector<16xf32>,
      %get3A_53 = arith.index_cast %add3A_17 : i32 to index
      %get3A_54 = arith.constant 96 : index
      %get3A_55 = tpu.vector_load %arg6[%get3A_53, %get3A_54] {strides = array<i32>} : memref<80x128xi32, #tpu.memory_space<vmem>>, vector<16xi32>,
      tpu.vector_store_idx %arg8[%get3A_55], %broadcast_in_dim3A_3 {add = true} : memref<10240xf32, #tpu.memory_space<vmem>>[vector<16xi32>], vector<16xf32>,
      %get3A_56 = arith.index_cast %add3A_17 : i32 to index
      %get3A_57 = arith.constant 96 : index
      %get3A_58 = tpu.vector_load %arg7[%get3A_56, %get3A_57] {strides = array<i32>} : memref<80x128xi32, #tpu.memory_space<vmem>>, vector<16xi32>,
      tpu.vector_store_idx %arg9[%get3A_58], %broadcast_in_dim3A_3 {add = true} : memref<10240xf32, #tpu.memory_space<vmem>>[vector<16xi32>], vector<16xf32>,
      %get3A_59 = arith.index_cast %add3A_17 : i32 to index
      %get3A_60 = arith.constant 112 : index
      %get3A_61 = tpu.vector_load %arg6[%get3A_59, %get3A_60] {strides = array<i32>} : memref<80x128xi32, #tpu.memory_space<vmem>>, vector<16xi32>,
      tpu.vector_store_idx %arg8[%get3A_61], %broadcast_in_dim3A_3 {add = true} : memref<10240xf32, #tpu.memory_space<vmem>>[vector<16xi32>], vector<16xf32>,
      %get3A_62 = arith.index_cast %add3A_17 : i32 to index
      %get3A_63 = arith.constant 112 : index
      %get3A_64 = tpu.vector_load %arg7[%get3A_62, %get3A_63] {strides = array<i32>} : memref<80x128xi32, #tpu.memory_space<vmem>>, vector<16xi32>,
      tpu.vector_store_idx %arg9[%get3A_64], %broadcast_in_dim3A_3 {add = true} : memref<10240xf32, #tpu.memory_space<vmem>>[vector<16xi32>], vector<16xf32>,
    }
    %scan3A_12 = arith.constant 80 : i32
    "tpu.region"() ({
      %run_scoped3A = tpu.sem_alloc : memref<!tpu.dma_semaphore, #tpu.memory_space<semaphore_mem>>
      %dma_start3A = arith.constant 0 : i32
      %dma_start3A_13 = tpu.memref_slice %arg4[%add3A, %dma_start3A] : memref<32x10240xf32, #tpu.memory_space<hbm>> -> memref<1x10240xf32, #tpu.memory_space<hbm>>
      %dma_start3A_14 = tpu.memref_squeeze %dma_start3A_13 : memref<1x10240xf32, #tpu.memory_space<hbm>> -> memref<10240xf32, #tpu.memory_space<hbm>>
      %dma_start3A_15 = arith.constant 0 : i32
      %dma_start3A_16 = tpu.memref_slice %arg4[%add3A, %dma_start3A_15] : memref<32x10240xf32, #tpu.memory_space<hbm>> -> memref<1x10240xf32, #tpu.memory_space<hbm>>
      %dma_start3A_17 = tpu.memref_squeeze %dma_start3A_16 : memref<1x10240xf32, #tpu.memory_space<hbm>> -> memref<10240xf32, #tpu.memory_space<hbm>>
      tpu.enqueue_dma source(%arg8 : memref<10240xf32, #tpu.memory_space<vmem>>) target(%dma_start3A_17 : memref<10240xf32, #tpu.memory_space<hbm>>) target_semaphore(%run_scoped3A : memref<!tpu.dma_semaphore, #tpu.memory_space<semaphore_mem>>)
      %dma_wait3A = arith.constant 0 : i32
      %dma_wait3A_18 = tpu.memref_slice %arg4[%add3A, %dma_wait3A] : memref<32x10240xf32, #tpu.memory_space<hbm>> -> memref<1x10240xf32, #tpu.memory_space<hbm>>
      %dma_wait3A_19 = tpu.memref_squeeze %dma_wait3A_18 : memref<1x10240xf32, #tpu.memory_space<hbm>> -> memref<10240xf32, #tpu.memory_space<hbm>>
      %dma_wait3A_20 = arith.constant 0 : i32
      %dma_wait3A_21 = tpu.memref_slice %arg4[%add3A, %dma_wait3A_20] : memref<32x10240xf32, #tpu.memory_space<hbm>> -> memref<1x10240xf32, #tpu.memory_space<hbm>>
      %dma_wait3A_22 = tpu.memref_squeeze %dma_wait3A_21 : memref<1x10240xf32, #tpu.memory_space<hbm>> -> memref<10240xf32, #tpu.memory_space<hbm>>
      tpu.wait_dma2 semaphore(%run_scoped3A : memref<!tpu.dma_semaphore, #tpu.memory_space<semaphore_mem>>) src(%arg8 : memref<10240xf32, #tpu.memory_space<vmem>>) dst(%dma_wait3A_22 : memref<10240xf32, #tpu.memory_space<hbm>>)
      tpu.yield
    }) : () -> ()
    "tpu.region"() ({
      %run_scoped3A = tpu.sem_alloc : memref<!tpu.dma_semaphore, #tpu.memory_space<semaphore_mem>>
      %dma_start3A = arith.constant 0 : i32
      %dma_start3A_13 = tpu.memref_slice %arg5[%add3A, %dma_start3A] : memref<32x10240xf32, #tpu.memory_space<hbm>> -> memref<1x10240xf32, #tpu.memory_space<hbm>>
      %dma_start3A_14 = tpu.memref_squeeze %dma_start3A_13 : memref<1x10240xf32, #tpu.memory_space<hbm>> -> memref<10240xf32, #tpu.memory_space<hbm>>
      %dma_start3A_15 = arith.constant 0 : i32
      %dma_start3A_16 = tpu.memref_slice %arg5[%add3A, %dma_start3A_15] : memref<32x10240xf32, #tpu.memory_space<hbm>> -> memref<1x10240xf32, #tpu.memory_space<hbm>>
      %dma_start3A_17 = tpu.memref_squeeze %dma_start3A_16 : memref<1x10240xf32, #tpu.memory_space<hbm>> -> memref<10240xf32, #tpu.memory_space<hbm>>
      tpu.enqueue_dma source(%arg9 : memref<10240xf32, #tpu.memory_space<vmem>>) target(%dma_start3A_17 : memref<10240xf32, #tpu.memory_space<hbm>>) target_semaphore(%run_scoped3A : memref<!tpu.dma_semaphore, #tpu.memory_space<semaphore_mem>>)
      %dma_wait3A = arith.constant 0 : i32
      %dma_wait3A_18 = tpu.memref_slice %arg5[%add3A, %dma_wait3A] : memref<32x10240xf32, #tpu.memory_space<hbm>> -> memref<1x10240xf32, #tpu.memory_space<hbm>>
      %dma_wait3A_19 = tpu.memref_squeeze %dma_wait3A_18 : memref<1x10240xf32, #tpu.memory_space<hbm>> -> memref<10240xf32, #tpu.memory_space<hbm>>
      %dma_wait3A_20 = arith.constant 0 : i32
      %dma_wait3A_21 = tpu.memref_slice %arg5[%add3A, %dma_wait3A_20] : memref<32x10240xf32, #tpu.memory_space<hbm>> -> memref<1x10240xf32, #tpu.memory_space<hbm>>
      %dma_wait3A_22 = tpu.memref_squeeze %dma_wait3A_21 : memref<1x10240xf32, #tpu.memory_space<hbm>> -> memref<10240xf32, #tpu.memory_space<hbm>>
      tpu.wait_dma2 semaphore(%run_scoped3A : memref<!tpu.dma_semaphore, #tpu.memory_space<semaphore_mem>>) src(%arg9 : memref<10240xf32, #tpu.memory_space<vmem>>) dst(%dma_wait3A_22 : memref<10240xf32, #tpu.memory_space<hbm>>)
      tpu.yield
    }) : () -> ()
    return
  }
}

#map = affine_map<(d0, d1) -> (0, 0)>
#map1 = affine_map<(d0, d1) -> (0, 0, 0)>
module attributes {stable_mosaic.version = 14 : i64} {
  func.func @_sc_pass_body(%arg0: i32, %arg1: i32, %arg2: memref<10240x128xf32, #tpu.memory_space<hbm>>, %arg3: memref<32x82x128xi32, #tpu.memory_space<hbm>>, %arg4: memref<32x82x128xi32, #tpu.memory_space<hbm>>, %arg5: memref<2x10240x128xf32, #tpu.memory_space<hbm>>, %arg6: memref<10240x128xf32, #tpu.memory_space<vmem_shared>>, %arg7: memref<1x128xi32, #tpu.memory_space<vmem>>, %arg8: memref<1x128xi32, #tpu.memory_space<vmem>>, %arg9: memref<1x128xi32, #tpu.memory_space<vmem>>, %arg10: memref<1x128xi32, #tpu.memory_space<vmem>>, %arg11: memref<128x128xf32, #tpu.memory_space<vmem>>, %arg12: memref<128x128xf32, #tpu.memory_space<vmem>>, %arg13: memref<!tpu.dma_semaphore, #tpu.memory_space<semaphore_mem>>, %arg14: memref<!tpu.dma_semaphore, #tpu.memory_space<semaphore_mem>>, %arg15: memref<!tpu.dma_semaphore, #tpu.memory_space<semaphore_mem>>, %arg16: memref<!tpu.dma_semaphore, #tpu.memory_space<semaphore_mem>>) attributes {dimension_semantics = [#tpu.dimension_semantics<core_parallel>, #tpu.dimension_semantics<subcore_parallel>], iteration_bounds = array<i64: 2, 16>, scalar_prefetch = 0 : i64, scratch_operands = 11 : i64, tpu.core_type = #tpu.core_type<sc_vector_subcore>, window_params = [{transform_indices = #map}, {transform_indices = #map1}, {transform_indices = #map1}, {transform_indices = #map1}]} {
    %mul3A = arith.constant 2 : i32
    %mul3A_0 = arith.muli %arg1, %mul3A : i32
    %add3A = arith.addi %mul3A_0, %arg0 : i32
    %broadcast_in_dim3A = arith.constant 0.000000e+00 : f32
    %broadcast_in_dim3A_1 = vector.broadcast %broadcast_in_dim3A : f32 to vector<16xf32>
    %scan3A = arith.constant 0 : i32
    %scan3A_2 = arith.constant 128 : i32
    %scan3A_3 = arith.addi %scan3A, %scan3A_2 : i32
    %scan3A_4 = arith.constant 1 : i32
    scf.for %scan3A_54 = %scan3A to %scan3A_3 step %scan3A_4  : i32 {
      %mul3A_55 = arith.constant 1 : i32
      %mul3A_56 = arith.muli %scan3A_54, %mul3A_55 : i32
      %add3A_57 = arith.constant 0 : i32
      %add3A_58 = arith.addi %add3A_57, %mul3A_56 : i32
      %swap3A = arith.index_cast %add3A_58 : i32 to index
      %swap3A_59 = arith.constant 0 : index
      %swap3A_60 = tpu.vector_load %arg11[%swap3A, %swap3A_59] {strides = array<i32>} : memref<128x128xf32, #tpu.memory_space<vmem>>, vector<16xf32>,
      tpu.vector_store %arg11[%swap3A, %swap3A_59], %broadcast_in_dim3A_1 {strides = array<i32>} : memref<128x128xf32, #tpu.memory_space<vmem>>, vector<16xf32>,
      %swap3A_61 = arith.index_cast %add3A_58 : i32 to index
      %swap3A_62 = arith.constant 16 : index
      %swap3A_63 = tpu.vector_load %arg11[%swap3A_61, %swap3A_62] {strides = array<i32>} : memref<128x128xf32, #tpu.memory_space<vmem>>, vector<16xf32>,
      tpu.vector_store %arg11[%swap3A_61, %swap3A_62], %broadcast_in_dim3A_1 {strides = array<i32>} : memref<128x128xf32, #tpu.memory_space<vmem>>, vector<16xf32>,
      %swap3A_64 = arith.index_cast %add3A_58 : i32 to index
      %swap3A_65 = arith.constant 32 : index
      %swap3A_66 = tpu.vector_load %arg11[%swap3A_64, %swap3A_65] {strides = array<i32>} : memref<128x128xf32, #tpu.memory_space<vmem>>, vector<16xf32>,
      tpu.vector_store %arg11[%swap3A_64, %swap3A_65], %broadcast_in_dim3A_1 {strides = array<i32>} : memref<128x128xf32, #tpu.memory_space<vmem>>, vector<16xf32>,
      %swap3A_67 = arith.index_cast %add3A_58 : i32 to index
      %swap3A_68 = arith.constant 48 : index
      %swap3A_69 = tpu.vector_load %arg11[%swap3A_67, %swap3A_68] {strides = array<i32>} : memref<128x128xf32, #tpu.memory_space<vmem>>, vector<16xf32>,
      tpu.vector_store %arg11[%swap3A_67, %swap3A_68], %broadcast_in_dim3A_1 {strides = array<i32>} : memref<128x128xf32, #tpu.memory_space<vmem>>, vector<16xf32>,
      %swap3A_70 = arith.index_cast %add3A_58 : i32 to index
      %swap3A_71 = arith.constant 64 : index
      %swap3A_72 = tpu.vector_load %arg11[%swap3A_70, %swap3A_71] {strides = array<i32>} : memref<128x128xf32, #tpu.memory_space<vmem>>, vector<16xf32>,
      tpu.vector_store %arg11[%swap3A_70, %swap3A_71], %broadcast_in_dim3A_1 {strides = array<i32>} : memref<128x128xf32, #tpu.memory_space<vmem>>, vector<16xf32>,
      %swap3A_73 = arith.index_cast %add3A_58 : i32 to index
      %swap3A_74 = arith.constant 80 : index
      %swap3A_75 = tpu.vector_load %arg11[%swap3A_73, %swap3A_74] {strides = array<i32>} : memref<128x128xf32, #tpu.memory_space<vmem>>, vector<16xf32>,
      tpu.vector_store %arg11[%swap3A_73, %swap3A_74], %broadcast_in_dim3A_1 {strides = array<i32>} : memref<128x128xf32, #tpu.memory_space<vmem>>, vector<16xf32>,
      %swap3A_76 = arith.index_cast %add3A_58 : i32 to index
      %swap3A_77 = arith.constant 96 : index
      %swap3A_78 = tpu.vector_load %arg11[%swap3A_76, %swap3A_77] {strides = array<i32>} : memref<128x128xf32, #tpu.memory_space<vmem>>, vector<16xf32>,
      tpu.vector_store %arg11[%swap3A_76, %swap3A_77], %broadcast_in_dim3A_1 {strides = array<i32>} : memref<128x128xf32, #tpu.memory_space<vmem>>, vector<16xf32>,
      %swap3A_79 = arith.index_cast %add3A_58 : i32 to index
      %swap3A_80 = arith.constant 112 : index
      %swap3A_81 = tpu.vector_load %arg11[%swap3A_79, %swap3A_80] {strides = array<i32>} : memref<128x128xf32, #tpu.memory_space<vmem>>, vector<16xf32>,
      tpu.vector_store %arg11[%swap3A_79, %swap3A_80], %broadcast_in_dim3A_1 {strides = array<i32>} : memref<128x128xf32, #tpu.memory_space<vmem>>, vector<16xf32>,
    }
    %scan3A_5 = arith.constant 128 : i32
    %scan3A_6 = arith.constant 0 : i32
    %scan3A_7 = arith.constant 5 : i32
    %scan3A_8 = arith.addi %scan3A_6, %scan3A_7 : i32
    %scan3A_9 = arith.constant 1 : i32
    scf.for %scan3A_54 = %scan3A_6 to %scan3A_8 step %scan3A_9  : i32 {
      %mul3A_55 = arith.constant 1 : i32
      %mul3A_56 = arith.muli %scan3A_54, %mul3A_55 : i32
      %add3A_57 = arith.constant 0 : i32
      %add3A_58 = arith.addi %add3A_57, %mul3A_56 : i32
      %mul3A_59 = arith.constant 640 : i32
      %mul3A_60 = arith.muli %arg1, %mul3A_59 : i32
      %mul3A_61 = arith.constant 128 : i32
      %mul3A_62 = arith.muli %add3A_58, %mul3A_61 : i32
      %add3A_63 = arith.addi %mul3A_60, %mul3A_62 : i32
      "tpu.region"() ({
        %run_scoped3A_64 = tpu.sem_alloc : memref<!tpu.dma_semaphore, #tpu.memory_space<semaphore_mem>>
        %dma_start3A_65 = arith.constant 0 : i32
        %dma_start3A_66 = tpu.memref_slice %arg6[%add3A_63, %dma_start3A_65] : memref<10240x128xf32, #tpu.memory_space<vmem_shared>> -> memref<128x128xf32, #tpu.memory_space<vmem_shared>>
        %dma_start3A_67 = arith.constant 0 : i32
        %dma_start3A_68 = tpu.memref_slice %arg6[%add3A_63, %dma_start3A_67] : memref<10240x128xf32, #tpu.memory_space<vmem_shared>> -> memref<128x128xf32, #tpu.memory_space<vmem_shared>>
        tpu.enqueue_dma source(%arg11 : memref<128x128xf32, #tpu.memory_space<vmem>>) target(%dma_start3A_68 : memref<128x128xf32, #tpu.memory_space<vmem_shared>>) target_semaphore(%run_scoped3A_64 : memref<!tpu.dma_semaphore, #tpu.memory_space<semaphore_mem>>)
        %dma_wait3A_69 = arith.constant 0 : i32
        %dma_wait3A_70 = tpu.memref_slice %arg6[%add3A_63, %dma_wait3A_69] : memref<10240x128xf32, #tpu.memory_space<vmem_shared>> -> memref<128x128xf32, #tpu.memory_space<vmem_shared>>
        %dma_wait3A_71 = arith.constant 0 : i32
        %dma_wait3A_72 = tpu.memref_slice %arg6[%add3A_63, %dma_wait3A_71] : memref<10240x128xf32, #tpu.memory_space<vmem_shared>> -> memref<128x128xf32, #tpu.memory_space<vmem_shared>>
        tpu.wait_dma2 semaphore(%run_scoped3A_64 : memref<!tpu.dma_semaphore, #tpu.memory_space<semaphore_mem>>) src(%arg11 : memref<128x128xf32, #tpu.memory_space<vmem>>) dst(%dma_wait3A_72 : memref<128x128xf32, #tpu.memory_space<vmem_shared>>)
        tpu.yield
      }) : () -> ()
    }
    %scan3A_10 = arith.constant 5 : i32
    %run_scoped3A = arith.constant 0 : i32
    %run_scoped3A_11 = arith.constant 0 : i32
    "tpu.region"() ({
      %run_scoped3A_54 = tpu.sem_alloc : memref<!tpu.dma_semaphore, #tpu.memory_space<semaphore_mem>>
      %dma_start3A_55 = arith.constant 0 : i32
      %dma_start3A_56 = tpu.memref_slice %arg7[%run_scoped3A_11, %dma_start3A_55] : memref<1x128xi32, #tpu.memory_space<vmem>> -> memref<1x128xi32, #tpu.memory_space<vmem>>
      %dma_start3A_57 = tpu.memref_squeeze %dma_start3A_56 : memref<1x128xi32, #tpu.memory_space<vmem>> -> memref<128xi32, #tpu.memory_space<vmem>>
      %dma_start3A_58 = arith.constant 0 : i32
      %dma_start3A_59 = tpu.memref_slice %arg3[%add3A, %run_scoped3A, %dma_start3A_58] : memref<32x82x128xi32, #tpu.memory_space<hbm>> -> memref<1x1x128xi32, #tpu.memory_space<hbm>>
      %dma_start3A_60 = tpu.memref_squeeze %dma_start3A_59 : memref<1x1x128xi32, #tpu.memory_space<hbm>> -> memref<128xi32, #tpu.memory_space<hbm>>
      %dma_start3A_61 = arith.constant 0 : i32
      %dma_start3A_62 = tpu.memref_slice %arg7[%run_scoped3A_11, %dma_start3A_61] : memref<1x128xi32, #tpu.memory_space<vmem>> -> memref<1x128xi32, #tpu.memory_space<vmem>>
      %dma_start3A_63 = tpu.memref_squeeze %dma_start3A_62 : memref<1x128xi32, #tpu.memory_space<vmem>> -> memref<128xi32, #tpu.memory_space<vmem>>
      %dma_start3A_64 = arith.constant 0 : i32
      %dma_start3A_65 = tpu.memref_slice %arg3[%add3A, %run_scoped3A, %dma_start3A_64] : memref<32x82x128xi32, #tpu.memory_space<hbm>> -> memref<1x1x128xi32, #tpu.memory_space<hbm>>
      %dma_start3A_66 = tpu.memref_squeeze %dma_start3A_65 : memref<1x1x128xi32, #tpu.memory_space<hbm>> -> memref<128xi32, #tpu.memory_space<hbm>>
      tpu.enqueue_dma source(%dma_start3A_66 : memref<128xi32, #tpu.memory_space<hbm>>) target(%dma_start3A_63 : memref<128xi32, #tpu.memory_space<vmem>>) target_semaphore(%run_scoped3A_54 : memref<!tpu.dma_semaphore, #tpu.memory_space<semaphore_mem>>)
      %dma_wait3A_67 = arith.constant 0 : i32
      %dma_wait3A_68 = tpu.memref_slice %arg7[%run_scoped3A_11, %dma_wait3A_67] : memref<1x128xi32, #tpu.memory_space<vmem>> -> memref<1x128xi32, #tpu.memory_space<vmem>>
      %dma_wait3A_69 = tpu.memref_squeeze %dma_wait3A_68 : memref<1x128xi32, #tpu.memory_space<vmem>> -> memref<128xi32, #tpu.memory_space<vmem>>
      %dma_wait3A_70 = arith.constant 0 : i32
      %dma_wait3A_71 = tpu.memref_slice %arg3[%add3A, %run_scoped3A, %dma_wait3A_70] : memref<32x82x128xi32, #tpu.memory_space<hbm>> -> memref<1x1x128xi32, #tpu.memory_space<hbm>>
      %dma_wait3A_72 = tpu.memref_squeeze %dma_wait3A_71 : memref<1x1x128xi32, #tpu.memory_space<hbm>> -> memref<128xi32, #tpu.memory_space<hbm>>
      %dma_wait3A_73 = arith.constant 0 : i32
      %dma_wait3A_74 = tpu.memref_slice %arg7[%run_scoped3A_11, %dma_wait3A_73] : memref<1x128xi32, #tpu.memory_space<vmem>> -> memref<1x128xi32, #tpu.memory_space<vmem>>
      %dma_wait3A_75 = tpu.memref_squeeze %dma_wait3A_74 : memref<1x128xi32, #tpu.memory_space<vmem>> -> memref<128xi32, #tpu.memory_space<vmem>>
      %dma_wait3A_76 = arith.constant 0 : i32
      %dma_wait3A_77 = tpu.memref_slice %arg3[%add3A, %run_scoped3A, %dma_wait3A_76] : memref<32x82x128xi32, #tpu.memory_space<hbm>> -> memref<1x1x128xi32, #tpu.memory_space<hbm>>
      %dma_wait3A_78 = tpu.memref_squeeze %dma_wait3A_77 : memref<1x1x128xi32, #tpu.memory_space<hbm>> -> memref<128xi32, #tpu.memory_space<hbm>>
      tpu.wait_dma2 semaphore(%run_scoped3A_54 : memref<!tpu.dma_semaphore, #tpu.memory_space<semaphore_mem>>) src(%dma_wait3A_78 : memref<128xi32, #tpu.memory_space<hbm>>) dst(%dma_wait3A_75 : memref<128xi32, #tpu.memory_space<vmem>>)
      tpu.yield
    }) : () -> ()
    %run_scoped3A_12 = arith.constant 0 : i32
    %run_scoped3A_13 = arith.constant 0 : i32
    "tpu.region"() ({
      %run_scoped3A_54 = tpu.sem_alloc : memref<!tpu.dma_semaphore, #tpu.memory_space<semaphore_mem>>
      %dma_start3A_55 = arith.constant 0 : i32
      %dma_start3A_56 = tpu.memref_slice %arg8[%run_scoped3A_13, %dma_start3A_55] : memref<1x128xi32, #tpu.memory_space<vmem>> -> memref<1x128xi32, #tpu.memory_space<vmem>>
      %dma_start3A_57 = tpu.memref_squeeze %dma_start3A_56 : memref<1x128xi32, #tpu.memory_space<vmem>> -> memref<128xi32, #tpu.memory_space<vmem>>
      %dma_start3A_58 = arith.constant 0 : i32
      %dma_start3A_59 = tpu.memref_slice %arg4[%add3A, %run_scoped3A_12, %dma_start3A_58] : memref<32x82x128xi32, #tpu.memory_space<hbm>> -> memref<1x1x128xi32, #tpu.memory_space<hbm>>
      %dma_start3A_60 = tpu.memref_squeeze %dma_start3A_59 : memref<1x1x128xi32, #tpu.memory_space<hbm>> -> memref<128xi32, #tpu.memory_space<hbm>>
      %dma_start3A_61 = arith.constant 0 : i32
      %dma_start3A_62 = tpu.memref_slice %arg8[%run_scoped3A_13, %dma_start3A_61] : memref<1x128xi32, #tpu.memory_space<vmem>> -> memref<1x128xi32, #tpu.memory_space<vmem>>
      %dma_start3A_63 = tpu.memref_squeeze %dma_start3A_62 : memref<1x128xi32, #tpu.memory_space<vmem>> -> memref<128xi32, #tpu.memory_space<vmem>>
      %dma_start3A_64 = arith.constant 0 : i32
      %dma_start3A_65 = tpu.memref_slice %arg4[%add3A, %run_scoped3A_12, %dma_start3A_64] : memref<32x82x128xi32, #tpu.memory_space<hbm>> -> memref<1x1x128xi32, #tpu.memory_space<hbm>>
      %dma_start3A_66 = tpu.memref_squeeze %dma_start3A_65 : memref<1x1x128xi32, #tpu.memory_space<hbm>> -> memref<128xi32, #tpu.memory_space<hbm>>
      tpu.enqueue_dma source(%dma_start3A_66 : memref<128xi32, #tpu.memory_space<hbm>>) target(%dma_start3A_63 : memref<128xi32, #tpu.memory_space<vmem>>) target_semaphore(%run_scoped3A_54 : memref<!tpu.dma_semaphore, #tpu.memory_space<semaphore_mem>>)
      %dma_wait3A_67 = arith.constant 0 : i32
      %dma_wait3A_68 = tpu.memref_slice %arg8[%run_scoped3A_13, %dma_wait3A_67] : memref<1x128xi32, #tpu.memory_space<vmem>> -> memref<1x128xi32, #tpu.memory_space<vmem>>
      %dma_wait3A_69 = tpu.memref_squeeze %dma_wait3A_68 : memref<1x128xi32, #tpu.memory_space<vmem>> -> memref<128xi32, #tpu.memory_space<vmem>>
      %dma_wait3A_70 = arith.constant 0 : i32
      %dma_wait3A_71 = tpu.memref_slice %arg4[%add3A, %run_scoped3A_12, %dma_wait3A_70] : memref<32x82x128xi32, #tpu.memory_space<hbm>> -> memref<1x1x128xi32, #tpu.memory_space<hbm>>
      %dma_wait3A_72 = tpu.memref_squeeze %dma_wait3A_71 : memref<1x1x128xi32, #tpu.memory_space<hbm>> -> memref<128xi32, #tpu.memory_space<hbm>>
      %dma_wait3A_73 = arith.constant 0 : i32
      %dma_wait3A_74 = tpu.memref_slice %arg8[%run_scoped3A_13, %dma_wait3A_73] : memref<1x128xi32, #tpu.memory_space<vmem>> -> memref<1x128xi32, #tpu.memory_space<vmem>>
      %dma_wait3A_75 = tpu.memref_squeeze %dma_wait3A_74 : memref<1x128xi32, #tpu.memory_space<vmem>> -> memref<128xi32, #tpu.memory_space<vmem>>
      %dma_wait3A_76 = arith.constant 0 : i32
      %dma_wait3A_77 = tpu.memref_slice %arg4[%add3A, %run_scoped3A_12, %dma_wait3A_76] : memref<32x82x128xi32, #tpu.memory_space<hbm>> -> memref<1x1x128xi32, #tpu.memory_space<hbm>>
      %dma_wait3A_78 = tpu.memref_squeeze %dma_wait3A_77 : memref<1x1x128xi32, #tpu.memory_space<hbm>> -> memref<128xi32, #tpu.memory_space<hbm>>
      tpu.wait_dma2 semaphore(%run_scoped3A_54 : memref<!tpu.dma_semaphore, #tpu.memory_space<semaphore_mem>>) src(%dma_wait3A_78 : memref<128xi32, #tpu.memory_space<hbm>>) dst(%dma_wait3A_75 : memref<128xi32, #tpu.memory_space<vmem>>)
      tpu.yield
    }) : () -> ()
    %dma_start3A = arith.constant 0 : i32
    %dma_start3A_14 = arith.constant 0 : i32
    %dma_start3A_15 = tpu.memref_slice %arg7[%dma_start3A, %dma_start3A_14] : memref<1x128xi32, #tpu.memory_space<vmem>> -> memref<1x128xi32, #tpu.memory_space<vmem>>
    %dma_start3A_16 = tpu.memref_squeeze %dma_start3A_15 : memref<1x128xi32, #tpu.memory_space<vmem>> -> memref<128xi32, #tpu.memory_space<vmem>>
    %dma_start3A_17 = arith.constant 0 : i32
    %dma_start3A_18 = arith.constant 0 : i32
    %dma_start3A_19 = tpu.memref_slice %arg2[%dma_start3A_17, %dma_start3A_18] : memref<10240x128xf32, #tpu.memory_space<hbm>> -> memref<10240x128xf32, #tpu.memory_space<hbm>>
    tpu.enqueue_indirect_dma source(%dma_start3A_19 : memref<10240x128xf32, #tpu.memory_space<hbm>>) target(%arg11 : memref<128x128xf32, #tpu.memory_space<vmem>>) offsets(%dma_start3A_16 : memref<128xi32, #tpu.memory_space<vmem>>) semaphore(%arg13 : memref<!tpu.dma_semaphore, #tpu.memory_space<semaphore_mem>>)
    %run_scoped3A_20 = arith.constant 1 : i32
    %run_scoped3A_21 = arith.constant 0 : i32
    "tpu.region"() ({
      %run_scoped3A_54 = tpu.sem_alloc : memref<!tpu.dma_semaphore, #tpu.memory_space<semaphore_mem>>
      %dma_start3A_55 = arith.constant 0 : i32
      %dma_start3A_56 = tpu.memref_slice %arg9[%run_scoped3A_21, %dma_start3A_55] : memref<1x128xi32, #tpu.memory_space<vmem>> -> memref<1x128xi32, #tpu.memory_space<vmem>>
      %dma_start3A_57 = tpu.memref_squeeze %dma_start3A_56 : memref<1x128xi32, #tpu.memory_space<vmem>> -> memref<128xi32, #tpu.memory_space<vmem>>
      %dma_start3A_58 = arith.constant 0 : i32
      %dma_start3A_59 = tpu.memref_slice %arg3[%add3A, %run_scoped3A_20, %dma_start3A_58] : memref<32x82x128xi32, #tpu.memory_space<hbm>> -> memref<1x1x128xi32, #tpu.memory_space<hbm>>
      %dma_start3A_60 = tpu.memref_squeeze %dma_start3A_59 : memref<1x1x128xi32, #tpu.memory_space<hbm>> -> memref<128xi32, #tpu.memory_space<hbm>>
      %dma_start3A_61 = arith.constant 0 : i32
      %dma_start3A_62 = tpu.memref_slice %arg9[%run_scoped3A_21, %dma_start3A_61] : memref<1x128xi32, #tpu.memory_space<vmem>> -> memref<1x128xi32, #tpu.memory_space<vmem>>
      %dma_start3A_63 = tpu.memref_squeeze %dma_start3A_62 : memref<1x128xi32, #tpu.memory_space<vmem>> -> memref<128xi32, #tpu.memory_space<vmem>>
      %dma_start3A_64 = arith.constant 0 : i32
      %dma_start3A_65 = tpu.memref_slice %arg3[%add3A, %run_scoped3A_20, %dma_start3A_64] : memref<32x82x128xi32, #tpu.memory_space<hbm>> -> memref<1x1x128xi32, #tpu.memory_space<hbm>>
      %dma_start3A_66 = tpu.memref_squeeze %dma_start3A_65 : memref<1x1x128xi32, #tpu.memory_space<hbm>> -> memref<128xi32, #tpu.memory_space<hbm>>
      tpu.enqueue_dma source(%dma_start3A_66 : memref<128xi32, #tpu.memory_space<hbm>>) target(%dma_start3A_63 : memref<128xi32, #tpu.memory_space<vmem>>) target_semaphore(%run_scoped3A_54 : memref<!tpu.dma_semaphore, #tpu.memory_space<semaphore_mem>>)
      %dma_wait3A_67 = arith.constant 0 : i32
      %dma_wait3A_68 = tpu.memref_slice %arg9[%run_scoped3A_21, %dma_wait3A_67] : memref<1x128xi32, #tpu.memory_space<vmem>> -> memref<1x128xi32, #tpu.memory_space<vmem>>
      %dma_wait3A_69 = tpu.memref_squeeze %dma_wait3A_68 : memref<1x128xi32, #tpu.memory_space<vmem>> -> memref<128xi32, #tpu.memory_space<vmem>>
      %dma_wait3A_70 = arith.constant 0 : i32
      %dma_wait3A_71 = tpu.memref_slice %arg3[%add3A, %run_scoped3A_20, %dma_wait3A_70] : memref<32x82x128xi32, #tpu.memory_space<hbm>> -> memref<1x1x128xi32, #tpu.memory_space<hbm>>
      %dma_wait3A_72 = tpu.memref_squeeze %dma_wait3A_71 : memref<1x1x128xi32, #tpu.memory_space<hbm>> -> memref<128xi32, #tpu.memory_space<hbm>>
      %dma_wait3A_73 = arith.constant 0 : i32
      %dma_wait3A_74 = tpu.memref_slice %arg9[%run_scoped3A_21, %dma_wait3A_73] : memref<1x128xi32, #tpu.memory_space<vmem>> -> memref<1x128xi32, #tpu.memory_space<vmem>>
      %dma_wait3A_75 = tpu.memref_squeeze %dma_wait3A_74 : memref<1x128xi32, #tpu.memory_space<vmem>> -> memref<128xi32, #tpu.memory_space<vmem>>
      %dma_wait3A_76 = arith.constant 0 : i32
      %dma_wait3A_77 = tpu.memref_slice %arg3[%add3A, %run_scoped3A_20, %dma_wait3A_76] : memref<32x82x128xi32, #tpu.memory_space<hbm>> -> memref<1x1x128xi32, #tpu.memory_space<hbm>>
      %dma_wait3A_78 = tpu.memref_squeeze %dma_wait3A_77 : memref<1x1x128xi32, #tpu.memory_space<hbm>> -> memref<128xi32, #tpu.memory_space<hbm>>
      tpu.wait_dma2 semaphore(%run_scoped3A_54 : memref<!tpu.dma_semaphore, #tpu.memory_space<semaphore_mem>>) src(%dma_wait3A_78 : memref<128xi32, #tpu.memory_space<hbm>>) dst(%dma_wait3A_75 : memref<128xi32, #tpu.memory_space<vmem>>)
      tpu.yield
    }) : () -> ()
    %run_scoped3A_22 = arith.constant 1 : i32
    %run_scoped3A_23 = arith.constant 0 : i32
    "tpu.region"() ({
      %run_scoped3A_54 = tpu.sem_alloc : memref<!tpu.dma_semaphore, #tpu.memory_space<semaphore_mem>>
      %dma_start3A_55 = arith.constant 0 : i32
      %dma_start3A_56 = tpu.memref_slice %arg10[%run_scoped3A_23, %dma_start3A_55] : memref<1x128xi32, #tpu.memory_space<vmem>> -> memref<1x128xi32, #tpu.memory_space<vmem>>
      %dma_start3A_57 = tpu.memref_squeeze %dma_start3A_56 : memref<1x128xi32, #tpu.memory_space<vmem>> -> memref<128xi32, #tpu.memory_space<vmem>>
      %dma_start3A_58 = arith.constant 0 : i32
      %dma_start3A_59 = tpu.memref_slice %arg4[%add3A, %run_scoped3A_22, %dma_start3A_58] : memref<32x82x128xi32, #tpu.memory_space<hbm>> -> memref<1x1x128xi32, #tpu.memory_space<hbm>>
      %dma_start3A_60 = tpu.memref_squeeze %dma_start3A_59 : memref<1x1x128xi32, #tpu.memory_space<hbm>> -> memref<128xi32, #tpu.memory_space<hbm>>
      %dma_start3A_61 = arith.constant 0 : i32
      %dma_start3A_62 = tpu.memref_slice %arg10[%run_scoped3A_23, %dma_start3A_61] : memref<1x128xi32, #tpu.memory_space<vmem>> -> memref<1x128xi32, #tpu.memory_space<vmem>>
      %dma_start3A_63 = tpu.memref_squeeze %dma_start3A_62 : memref<1x128xi32, #tpu.memory_space<vmem>> -> memref<128xi32, #tpu.memory_space<vmem>>
      %dma_start3A_64 = arith.constant 0 : i32
      %dma_start3A_65 = tpu.memref_slice %arg4[%add3A, %run_scoped3A_22, %dma_start3A_64] : memref<32x82x128xi32, #tpu.memory_space<hbm>> -> memref<1x1x128xi32, #tpu.memory_space<hbm>>
      %dma_start3A_66 = tpu.memref_squeeze %dma_start3A_65 : memref<1x1x128xi32, #tpu.memory_space<hbm>> -> memref<128xi32, #tpu.memory_space<hbm>>
      tpu.enqueue_dma source(%dma_start3A_66 : memref<128xi32, #tpu.memory_space<hbm>>) target(%dma_start3A_63 : memref<128xi32, #tpu.memory_space<vmem>>) target_semaphore(%run_scoped3A_54 : memref<!tpu.dma_semaphore, #tpu.memory_space<semaphore_mem>>)
      %dma_wait3A_67 = arith.constant 0 : i32
      %dma_wait3A_68 = tpu.memref_slice %arg10[%run_scoped3A_23, %dma_wait3A_67] : memref<1x128xi32, #tpu.memory_space<vmem>> -> memref<1x128xi32, #tpu.memory_space<vmem>>
      %dma_wait3A_69 = tpu.memref_squeeze %dma_wait3A_68 : memref<1x128xi32, #tpu.memory_space<vmem>> -> memref<128xi32, #tpu.memory_space<vmem>>
      %dma_wait3A_70 = arith.constant 0 : i32
      %dma_wait3A_71 = tpu.memref_slice %arg4[%add3A, %run_scoped3A_22, %dma_wait3A_70] : memref<32x82x128xi32, #tpu.memory_space<hbm>> -> memref<1x1x128xi32, #tpu.memory_space<hbm>>
      %dma_wait3A_72 = tpu.memref_squeeze %dma_wait3A_71 : memref<1x1x128xi32, #tpu.memory_space<hbm>> -> memref<128xi32, #tpu.memory_space<hbm>>
      %dma_wait3A_73 = arith.constant 0 : i32
      %dma_wait3A_74 = tpu.memref_slice %arg10[%run_scoped3A_23, %dma_wait3A_73] : memref<1x128xi32, #tpu.memory_space<vmem>> -> memref<1x128xi32, #tpu.memory_space<vmem>>
      %dma_wait3A_75 = tpu.memref_squeeze %dma_wait3A_74 : memref<1x128xi32, #tpu.memory_space<vmem>> -> memref<128xi32, #tpu.memory_space<vmem>>
      %dma_wait3A_76 = arith.constant 0 : i32
      %dma_wait3A_77 = tpu.memref_slice %arg4[%add3A, %run_scoped3A_22, %dma_wait3A_76] : memref<32x82x128xi32, #tpu.memory_space<hbm>> -> memref<1x1x128xi32, #tpu.memory_space<hbm>>
      %dma_wait3A_78 = tpu.memref_squeeze %dma_wait3A_77 : memref<1x1x128xi32, #tpu.memory_space<hbm>> -> memref<128xi32, #tpu.memory_space<hbm>>
      tpu.wait_dma2 semaphore(%run_scoped3A_54 : memref<!tpu.dma_semaphore, #tpu.memory_space<semaphore_mem>>) src(%dma_wait3A_78 : memref<128xi32, #tpu.memory_space<hbm>>) dst(%dma_wait3A_75 : memref<128xi32, #tpu.memory_space<vmem>>)
      tpu.yield
    }) : () -> ()
    %dma_start3A_24 = arith.constant 0 : i32
    %dma_start3A_25 = arith.constant 0 : i32
    %dma_start3A_26 = tpu.memref_slice %arg9[%dma_start3A_24, %dma_start3A_25] : memref<1x128xi32, #tpu.memory_space<vmem>> -> memref<1x128xi32, #tpu.memory_space<vmem>>
    %dma_start3A_27 = tpu.memref_squeeze %dma_start3A_26 : memref<1x128xi32, #tpu.memory_space<vmem>> -> memref<128xi32, #tpu.memory_space<vmem>>
    %dma_start3A_28 = arith.constant 0 : i32
    %dma_start3A_29 = arith.constant 0 : i32
    %dma_start3A_30 = tpu.memref_slice %arg2[%dma_start3A_28, %dma_start3A_29] : memref<10240x128xf32, #tpu.memory_space<hbm>> -> memref<10240x128xf32, #tpu.memory_space<hbm>>
    tpu.enqueue_indirect_dma source(%dma_start3A_30 : memref<10240x128xf32, #tpu.memory_space<hbm>>) target(%arg12 : memref<128x128xf32, #tpu.memory_space<vmem>>) offsets(%dma_start3A_27 : memref<128xi32, #tpu.memory_space<vmem>>) semaphore(%arg15 : memref<!tpu.dma_semaphore, #tpu.memory_space<semaphore_mem>>)
    %barrier3A = arith.constant 0 : index
    tpu.barrier barrier_id(%barrier3A)
    %scan3A_31 = arith.constant 0 : i32
    %scan3A_32 = arith.constant 40 : i32
    %scan3A_33 = arith.addi %scan3A_31, %scan3A_32 : i32
    %scan3A_34 = arith.constant 1 : i32
    scf.for %scan3A_54 = %scan3A_31 to %scan3A_33 step %scan3A_34  : i32 {
      %mul3A_55 = arith.constant 1 : i32
      %mul3A_56 = arith.muli %scan3A_54, %mul3A_55 : i32
      %add3A_57 = arith.constant 0 : i32
      %add3A_58 = arith.addi %add3A_57, %mul3A_56 : i32
      %mul3A_59 = arith.constant 2 : i32
      %mul3A_60 = arith.muli %mul3A_59, %add3A_58 : i32
      %dma_wait3A_61 = arith.constant 0 : i32
      %dma_wait3A_62 = arith.constant 0 : i32
      %dma_wait3A_63 = tpu.memref_slice %arg7[%dma_wait3A_61, %dma_wait3A_62] : memref<1x128xi32, #tpu.memory_space<vmem>> -> memref<1x128xi32, #tpu.memory_space<vmem>>
      %dma_wait3A_64 = tpu.memref_squeeze %dma_wait3A_63 : memref<1x128xi32, #tpu.memory_space<vmem>> -> memref<128xi32, #tpu.memory_space<vmem>>
      %dma_wait3A_65 = arith.constant 0 : i32
      %dma_wait3A_66 = arith.constant 0 : i32
      %dma_wait3A_67 = tpu.memref_slice %arg2[%dma_wait3A_65, %dma_wait3A_66] : memref<10240x128xf32, #tpu.memory_space<hbm>> -> memref<10240x128xf32, #tpu.memory_space<hbm>>
      tpu.wait_indirect_dma semaphore(%arg13 : memref<!tpu.dma_semaphore, #tpu.memory_space<semaphore_mem>>) src(%dma_wait3A_67 : memref<10240x128xf32, #tpu.memory_space<hbm>>) dst(%arg11 : memref<128x128xf32, #tpu.memory_space<vmem>>)
      %run_scoped3A_68 = arith.constant 0 : i32
      "tpu.region"() ({
        %run_scoped3A_103 = tpu.sem_alloc : memref<!tpu.dma_semaphore, #tpu.memory_space<semaphore_mem>>
        %dma_start3A_104 = arith.constant 0 : i32
        %dma_start3A_105 = tpu.memref_slice %arg8[%run_scoped3A_68, %dma_start3A_104] : memref<1x128xi32, #tpu.memory_space<vmem>> -> memref<1x128xi32, #tpu.memory_space<vmem>>
        %dma_start3A_106 = tpu.memref_squeeze %dma_start3A_105 : memref<1x128xi32, #tpu.memory_space<vmem>> -> memref<128xi32, #tpu.memory_space<vmem>>
        %dma_start3A_107 = arith.constant 0 : i32
        %dma_start3A_108 = arith.constant 0 : i32
        %dma_start3A_109 = tpu.memref_slice %arg6[%dma_start3A_107, %dma_start3A_108] : memref<10240x128xf32, #tpu.memory_space<vmem_shared>> -> memref<10240x128xf32, #tpu.memory_space<vmem_shared>>
        tpu.enqueue_indirect_dma source(%arg11 : memref<128x128xf32, #tpu.memory_space<vmem>>) target(%dma_start3A_109 : memref<10240x128xf32, #tpu.memory_space<vmem_shared>>) offsets(%dma_start3A_106 : memref<128xi32, #tpu.memory_space<vmem>>) semaphore(%run_scoped3A_103 : memref<!tpu.dma_semaphore, #tpu.memory_space<semaphore_mem>>) {add = true}
        %dma_wait3A_110 = arith.constant 0 : i32
        %dma_wait3A_111 = tpu.memref_slice %arg8[%run_scoped3A_68, %dma_wait3A_110] : memref<1x128xi32, #tpu.memory_space<vmem>> -> memref<1x128xi32, #tpu.memory_space<vmem>>
        %dma_wait3A_112 = tpu.memref_squeeze %dma_wait3A_111 : memref<1x128xi32, #tpu.memory_space<vmem>> -> memref<128xi32, #tpu.memory_space<vmem>>
        %dma_wait3A_113 = arith.constant 0 : i32
        %dma_wait3A_114 = arith.constant 0 : i32
        %dma_wait3A_115 = tpu.memref_slice %arg6[%dma_wait3A_113, %dma_wait3A_114] : memref<10240x128xf32, #tpu.memory_space<vmem_shared>> -> memref<10240x128xf32, #tpu.memory_space<vmem_shared>>
        tpu.wait_indirect_dma semaphore(%run_scoped3A_103 : memref<!tpu.dma_semaphore, #tpu.memory_space<semaphore_mem>>) src(%arg11 : memref<128x128xf32, #tpu.memory_space<vmem>>) dst(%dma_wait3A_115 : memref<10240x128xf32, #tpu.memory_space<vmem_shared>>)
        tpu.yield
      }) : () -> ()
      %add3A_69 = arith.constant 2 : i32
      %add3A_70 = arith.addi %mul3A_60, %add3A_69 : i32
      %run_scoped3A_71 = arith.constant 0 : i32
      "tpu.region"() ({
        %run_scoped3A_103 = tpu.sem_alloc : memref<!tpu.dma_semaphore, #tpu.memory_space<semaphore_mem>>
        %dma_start3A_104 = arith.constant 0 : i32
        %dma_start3A_105 = tpu.memref_slice %arg7[%run_scoped3A_71, %dma_start3A_104] : memref<1x128xi32, #tpu.memory_space<vmem>> -> memref<1x128xi32, #tpu.memory_space<vmem>>
        %dma_start3A_106 = tpu.memref_squeeze %dma_start3A_105 : memref<1x128xi32, #tpu.memory_space<vmem>> -> memref<128xi32, #tpu.memory_space<vmem>>
        %dma_start3A_107 = arith.constant 0 : i32
        %dma_start3A_108 = tpu.memref_slice %arg3[%add3A, %add3A_70, %dma_start3A_107] : memref<32x82x128xi32, #tpu.memory_space<hbm>> -> memref<1x1x128xi32, #tpu.memory_space<hbm>>
        %dma_start3A_109 = tpu.memref_squeeze %dma_start3A_108 : memref<1x1x128xi32, #tpu.memory_space<hbm>> -> memref<128xi32, #tpu.memory_space<hbm>>
        %dma_start3A_110 = arith.constant 0 : i32
        %dma_start3A_111 = tpu.memref_slice %arg7[%run_scoped3A_71, %dma_start3A_110] : memref<1x128xi32, #tpu.memory_space<vmem>> -> memref<1x128xi32, #tpu.memory_space<vmem>>
        %dma_start3A_112 = tpu.memref_squeeze %dma_start3A_111 : memref<1x128xi32, #tpu.memory_space<vmem>> -> memref<128xi32, #tpu.memory_space<vmem>>
        %dma_start3A_113 = arith.constant 0 : i32
        %dma_start3A_114 = tpu.memref_slice %arg3[%add3A, %add3A_70, %dma_start3A_113] : memref<32x82x128xi32, #tpu.memory_space<hbm>> -> memref<1x1x128xi32, #tpu.memory_space<hbm>>
        %dma_start3A_115 = tpu.memref_squeeze %dma_start3A_114 : memref<1x1x128xi32, #tpu.memory_space<hbm>> -> memref<128xi32, #tpu.memory_space<hbm>>
        tpu.enqueue_dma source(%dma_start3A_115 : memref<128xi32, #tpu.memory_space<hbm>>) target(%dma_start3A_112 : memref<128xi32, #tpu.memory_space<vmem>>) target_semaphore(%run_scoped3A_103 : memref<!tpu.dma_semaphore, #tpu.memory_space<semaphore_mem>>)
        %dma_wait3A_116 = arith.constant 0 : i32
        %dma_wait3A_117 = tpu.memref_slice %arg7[%run_scoped3A_71, %dma_wait3A_116] : memref<1x128xi32, #tpu.memory_space<vmem>> -> memref<1x128xi32, #tpu.memory_space<vmem>>
        %dma_wait3A_118 = tpu.memref_squeeze %dma_wait3A_117 : memref<1x128xi32, #tpu.memory_space<vmem>> -> memref<128xi32, #tpu.memory_space<vmem>>
        %dma_wait3A_119 = arith.constant 0 : i32
        %dma_wait3A_120 = tpu.memref_slice %arg3[%add3A, %add3A_70, %dma_wait3A_119] : memref<32x82x128xi32, #tpu.memory_space<hbm>> -> memref<1x1x128xi32, #tpu.memory_space<hbm>>
        %dma_wait3A_121 = tpu.memref_squeeze %dma_wait3A_120 : memref<1x1x128xi32, #tpu.memory_space<hbm>> -> memref<128xi32, #tpu.memory_space<hbm>>
        %dma_wait3A_122 = arith.constant 0 : i32
        %dma_wait3A_123 = tpu.memref_slice %arg7[%run_scoped3A_71, %dma_wait3A_122] : memref<1x128xi32, #tpu.memory_space<vmem>> -> memref<1x128xi32, #tpu.memory_space<vmem>>
        %dma_wait3A_124 = tpu.memref_squeeze %dma_wait3A_123 : memref<1x128xi32, #tpu.memory_space<vmem>> -> memref<128xi32, #tpu.memory_space<vmem>>
        %dma_wait3A_125 = arith.constant 0 : i32
        %dma_wait3A_126 = tpu.memref_slice %arg3[%add3A, %add3A_70, %dma_wait3A_125] : memref<32x82x128xi32, #tpu.memory_space<hbm>> -> memref<1x1x128xi32, #tpu.memory_space<hbm>>
        %dma_wait3A_127 = tpu.memref_squeeze %dma_wait3A_126 : memref<1x1x128xi32, #tpu.memory_space<hbm>> -> memref<128xi32, #tpu.memory_space<hbm>>
        tpu.wait_dma2 semaphore(%run_scoped3A_103 : memref<!tpu.dma_semaphore, #tpu.memory_space<semaphore_mem>>) src(%dma_wait3A_127 : memref<128xi32, #tpu.memory_space<hbm>>) dst(%dma_wait3A_124 : memref<128xi32, #tpu.memory_space<vmem>>)
        tpu.yield
      }) : () -> ()
      %add3A_72 = arith.constant 2 : i32
      %add3A_73 = arith.addi %mul3A_60, %add3A_72 : i32
      %run_scoped3A_74 = arith.constant 0 : i32
      "tpu.region"() ({
        %run_scoped3A_103 = tpu.sem_alloc : memref<!tpu.dma_semaphore, #tpu.memory_space<semaphore_mem>>
        %dma_start3A_104 = arith.constant 0 : i32
        %dma_start3A_105 = tpu.memref_slice %arg8[%run_scoped3A_74, %dma_start3A_104] : memref<1x128xi32, #tpu.memory_space<vmem>> -> memref<1x128xi32, #tpu.memory_space<vmem>>
        %dma_start3A_106 = tpu.memref_squeeze %dma_start3A_105 : memref<1x128xi32, #tpu.memory_space<vmem>> -> memref<128xi32, #tpu.memory_space<vmem>>
        %dma_start3A_107 = arith.constant 0 : i32
        %dma_start3A_108 = tpu.memref_slice %arg4[%add3A, %add3A_73, %dma_start3A_107] : memref<32x82x128xi32, #tpu.memory_space<hbm>> -> memref<1x1x128xi32, #tpu.memory_space<hbm>>
        %dma_start3A_109 = tpu.memref_squeeze %dma_start3A_108 : memref<1x1x128xi32, #tpu.memory_space<hbm>> -> memref<128xi32, #tpu.memory_space<hbm>>
        %dma_start3A_110 = arith.constant 0 : i32
        %dma_start3A_111 = tpu.memref_slice %arg8[%run_scoped3A_74, %dma_start3A_110] : memref<1x128xi32, #tpu.memory_space<vmem>> -> memref<1x128xi32, #tpu.memory_space<vmem>>
        %dma_start3A_112 = tpu.memref_squeeze %dma_start3A_111 : memref<1x128xi32, #tpu.memory_space<vmem>> -> memref<128xi32, #tpu.memory_space<vmem>>
        %dma_start3A_113 = arith.constant 0 : i32
        %dma_start3A_114 = tpu.memref_slice %arg4[%add3A, %add3A_73, %dma_start3A_113] : memref<32x82x128xi32, #tpu.memory_space<hbm>> -> memref<1x1x128xi32, #tpu.memory_space<hbm>>
        %dma_start3A_115 = tpu.memref_squeeze %dma_start3A_114 : memref<1x1x128xi32, #tpu.memory_space<hbm>> -> memref<128xi32, #tpu.memory_space<hbm>>
        tpu.enqueue_dma source(%dma_start3A_115 : memref<128xi32, #tpu.memory_space<hbm>>) target(%dma_start3A_112 : memref<128xi32, #tpu.memory_space<vmem>>) target_semaphore(%run_scoped3A_103 : memref<!tpu.dma_semaphore, #tpu.memory_space<semaphore_mem>>)
        %dma_wait3A_116 = arith.constant 0 : i32
        %dma_wait3A_117 = tpu.memref_slice %arg8[%run_scoped3A_74, %dma_wait3A_116] : memref<1x128xi32, #tpu.memory_space<vmem>> -> memref<1x128xi32, #tpu.memory_space<vmem>>
        %dma_wait3A_118 = tpu.memref_squeeze %dma_wait3A_117 : memref<1x128xi32, #tpu.memory_space<vmem>> -> memref<128xi32, #tpu.memory_space<vmem>>
        %dma_wait3A_119 = arith.constant 0 : i32
        %dma_wait3A_120 = tpu.memref_slice %arg4[%add3A, %add3A_73, %dma_wait3A_119] : memref<32x82x128xi32, #tpu.memory_space<hbm>> -> memref<1x1x128xi32, #tpu.memory_space<hbm>>
        %dma_wait3A_121 = tpu.memref_squeeze %dma_wait3A_120 : memref<1x1x128xi32, #tpu.memory_space<hbm>> -> memref<128xi32, #tpu.memory_space<hbm>>
        %dma_wait3A_122 = arith.constant 0 : i32
        %dma_wait3A_123 = tpu.memref_slice %arg8[%run_scoped3A_74, %dma_wait3A_122] : memref<1x128xi32, #tpu.memory_space<vmem>> -> memref<1x128xi32, #tpu.memory_space<vmem>>
        %dma_wait3A_124 = tpu.memref_squeeze %dma_wait3A_123 : memref<1x128xi32, #tpu.memory_space<vmem>> -> memref<128xi32, #tpu.memory_space<vmem>>
        %dma_wait3A_125 = arith.constant 0 : i32
        %dma_wait3A_126 = tpu.memref_slice %arg4[%add3A, %add3A_73, %dma_wait3A_125] : memref<32x82x128xi32, #tpu.memory_space<hbm>> -> memref<1x1x128xi32, #tpu.memory_space<hbm>>
        %dma_wait3A_127 = tpu.memref_squeeze %dma_wait3A_126 : memref<1x1x128xi32, #tpu.memory_space<hbm>> -> memref<128xi32, #tpu.memory_space<hbm>>
        tpu.wait_dma2 semaphore(%run_scoped3A_103 : memref<!tpu.dma_semaphore, #tpu.memory_space<semaphore_mem>>) src(%dma_wait3A_127 : memref<128xi32, #tpu.memory_space<hbm>>) dst(%dma_wait3A_124 : memref<128xi32, #tpu.memory_space<vmem>>)
        tpu.yield
      }) : () -> ()
      %dma_start3A_75 = arith.constant 0 : i32
      %dma_start3A_76 = arith.constant 0 : i32
      %dma_start3A_77 = tpu.memref_slice %arg7[%dma_start3A_75, %dma_start3A_76] : memref<1x128xi32, #tpu.memory_space<vmem>> -> memref<1x128xi32, #tpu.memory_space<vmem>>
      %dma_start3A_78 = tpu.memref_squeeze %dma_start3A_77 : memref<1x128xi32, #tpu.memory_space<vmem>> -> memref<128xi32, #tpu.memory_space<vmem>>
      %dma_start3A_79 = arith.constant 0 : i32
      %dma_start3A_80 = arith.constant 0 : i32
      %dma_start3A_81 = tpu.memref_slice %arg2[%dma_start3A_79, %dma_start3A_80] : memref<10240x128xf32, #tpu.memory_space<hbm>> -> memref<10240x128xf32, #tpu.memory_space<hbm>>
      tpu.enqueue_indirect_dma source(%dma_start3A_81 : memref<10240x128xf32, #tpu.memory_space<hbm>>) target(%arg11 : memref<128x128xf32, #tpu.memory_space<vmem>>) offsets(%dma_start3A_78 : memref<128xi32, #tpu.memory_space<vmem>>) semaphore(%arg13 : memref<!tpu.dma_semaphore, #tpu.memory_space<semaphore_mem>>)
      %dma_wait3A_82 = arith.constant 0 : i32
      %dma_wait3A_83 = arith.constant 0 : i32
      %dma_wait3A_84 = tpu.memref_slice %arg9[%dma_wait3A_82, %dma_wait3A_83] : memref<1x128xi32, #tpu.memory_space<vmem>> -> memref<1x128xi32, #tpu.memory_space<vmem>>
      %dma_wait3A_85 = tpu.memref_squeeze %dma_wait3A_84 : memref<1x128xi32, #tpu.memory_space<vmem>> -> memref<128xi32, #tpu.memory_space<vmem>>
      %dma_wait3A_86 = arith.constant 0 : i32
      %dma_wait3A_87 = arith.constant 0 : i32
      %dma_wait3A_88 = tpu.memref_slice %arg2[%dma_wait3A_86, %dma_wait3A_87] : memref<10240x128xf32, #tpu.memory_space<hbm>> -> memref<10240x128xf32, #tpu.memory_space<hbm>>
      tpu.wait_indirect_dma semaphore(%arg15 : memref<!tpu.dma_semaphore, #tpu.memory_space<semaphore_mem>>) src(%dma_wait3A_88 : memref<10240x128xf32, #tpu.memory_space<hbm>>) dst(%arg12 : memref<128x128xf32, #tpu.memory_space<vmem>>)
      %run_scoped3A_89 = arith.constant 0 : i32
      "tpu.region"() ({
        %run_scoped3A_103 = tpu.sem_alloc : memref<!tpu.dma_semaphore, #tpu.memory_space<semaphore_mem>>
        %dma_start3A_104 = arith.constant 0 : i32
        %dma_start3A_105 = tpu.memref_slice %arg10[%run_scoped3A_89, %dma_start3A_104] : memref<1x128xi32, #tpu.memory_space<vmem>> -> memref<1x128xi32, #tpu.memory_space<vmem>>
        %dma_start3A_106 = tpu.memref_squeeze %dma_start3A_105 : memref<1x128xi32, #tpu.memory_space<vmem>> -> memref<128xi32, #tpu.memory_space<vmem>>
        %dma_start3A_107 = arith.constant 0 : i32
        %dma_start3A_108 = arith.constant 0 : i32
        %dma_start3A_109 = tpu.memref_slice %arg6[%dma_start3A_107, %dma_start3A_108] : memref<10240x128xf32, #tpu.memory_space<vmem_shared>> -> memref<10240x128xf32, #tpu.memory_space<vmem_shared>>
        tpu.enqueue_indirect_dma source(%arg12 : memref<128x128xf32, #tpu.memory_space<vmem>>) target(%dma_start3A_109 : memref<10240x128xf32, #tpu.memory_space<vmem_shared>>) offsets(%dma_start3A_106 : memref<128xi32, #tpu.memory_space<vmem>>) semaphore(%run_scoped3A_103 : memref<!tpu.dma_semaphore, #tpu.memory_space<semaphore_mem>>) {add = true}
        %dma_wait3A_110 = arith.constant 0 : i32
        %dma_wait3A_111 = tpu.memref_slice %arg10[%run_scoped3A_89, %dma_wait3A_110] : memref<1x128xi32, #tpu.memory_space<vmem>> -> memref<1x128xi32, #tpu.memory_space<vmem>>
        %dma_wait3A_112 = tpu.memref_squeeze %dma_wait3A_111 : memref<1x128xi32, #tpu.memory_space<vmem>> -> memref<128xi32, #tpu.memory_space<vmem>>
        %dma_wait3A_113 = arith.constant 0 : i32
        %dma_wait3A_114 = arith.constant 0 : i32
        %dma_wait3A_115 = tpu.memref_slice %arg6[%dma_wait3A_113, %dma_wait3A_114] : memref<10240x128xf32, #tpu.memory_space<vmem_shared>> -> memref<10240x128xf32, #tpu.memory_space<vmem_shared>>
        tpu.wait_indirect_dma semaphore(%run_scoped3A_103 : memref<!tpu.dma_semaphore, #tpu.memory_space<semaphore_mem>>) src(%arg12 : memref<128x128xf32, #tpu.memory_space<vmem>>) dst(%dma_wait3A_115 : memref<10240x128xf32, #tpu.memory_space<vmem_shared>>)
        tpu.yield
      }) : () -> ()
      %add3A_90 = arith.constant 3 : i32
      %add3A_91 = arith.addi %mul3A_60, %add3A_90 : i32
      %run_scoped3A_92 = arith.constant 0 : i32
      "tpu.region"() ({
        %run_scoped3A_103 = tpu.sem_alloc : memref<!tpu.dma_semaphore, #tpu.memory_space<semaphore_mem>>
        %dma_start3A_104 = arith.constant 0 : i32
        %dma_start3A_105 = tpu.memref_slice %arg9[%run_scoped3A_92, %dma_start3A_104] : memref<1x128xi32, #tpu.memory_space<vmem>> -> memref<1x128xi32, #tpu.memory_space<vmem>>
        %dma_start3A_106 = tpu.memref_squeeze %dma_start3A_105 : memref<1x128xi32, #tpu.memory_space<vmem>> -> memref<128xi32, #tpu.memory_space<vmem>>
        %dma_start3A_107 = arith.constant 0 : i32
        %dma_start3A_108 = tpu.memref_slice %arg3[%add3A, %add3A_91, %dma_start3A_107] : memref<32x82x128xi32, #tpu.memory_space<hbm>> -> memref<1x1x128xi32, #tpu.memory_space<hbm>>
        %dma_start3A_109 = tpu.memref_squeeze %dma_start3A_108 : memref<1x1x128xi32, #tpu.memory_space<hbm>> -> memref<128xi32, #tpu.memory_space<hbm>>
        %dma_start3A_110 = arith.constant 0 : i32
        %dma_start3A_111 = tpu.memref_slice %arg9[%run_scoped3A_92, %dma_start3A_110] : memref<1x128xi32, #tpu.memory_space<vmem>> -> memref<1x128xi32, #tpu.memory_space<vmem>>
        %dma_start3A_112 = tpu.memref_squeeze %dma_start3A_111 : memref<1x128xi32, #tpu.memory_space<vmem>> -> memref<128xi32, #tpu.memory_space<vmem>>
        %dma_start3A_113 = arith.constant 0 : i32
        %dma_start3A_114 = tpu.memref_slice %arg3[%add3A, %add3A_91, %dma_start3A_113] : memref<32x82x128xi32, #tpu.memory_space<hbm>> -> memref<1x1x128xi32, #tpu.memory_space<hbm>>
        %dma_start3A_115 = tpu.memref_squeeze %dma_start3A_114 : memref<1x1x128xi32, #tpu.memory_space<hbm>> -> memref<128xi32, #tpu.memory_space<hbm>>
        tpu.enqueue_dma source(%dma_start3A_115 : memref<128xi32, #tpu.memory_space<hbm>>) target(%dma_start3A_112 : memref<128xi32, #tpu.memory_space<vmem>>) target_semaphore(%run_scoped3A_103 : memref<!tpu.dma_semaphore, #tpu.memory_space<semaphore_mem>>)
        %dma_wait3A_116 = arith.constant 0 : i32
        %dma_wait3A_117 = tpu.memref_slice %arg9[%run_scoped3A_92, %dma_wait3A_116] : memref<1x128xi32, #tpu.memory_space<vmem>> -> memref<1x128xi32, #tpu.memory_space<vmem>>
        %dma_wait3A_118 = tpu.memref_squeeze %dma_wait3A_117 : memref<1x128xi32, #tpu.memory_space<vmem>> -> memref<128xi32, #tpu.memory_space<vmem>>
        %dma_wait3A_119 = arith.constant 0 : i32
        %dma_wait3A_120 = tpu.memref_slice %arg3[%add3A, %add3A_91, %dma_wait3A_119] : memref<32x82x128xi32, #tpu.memory_space<hbm>> -> memref<1x1x128xi32, #tpu.memory_space<hbm>>
        %dma_wait3A_121 = tpu.memref_squeeze %dma_wait3A_120 : memref<1x1x128xi32, #tpu.memory_space<hbm>> -> memref<128xi32, #tpu.memory_space<hbm>>
        %dma_wait3A_122 = arith.constant 0 : i32
        %dma_wait3A_123 = tpu.memref_slice %arg9[%run_scoped3A_92, %dma_wait3A_122] : memref<1x128xi32, #tpu.memory_space<vmem>> -> memref<1x128xi32, #tpu.memory_space<vmem>>
        %dma_wait3A_124 = tpu.memref_squeeze %dma_wait3A_123 : memref<1x128xi32, #tpu.memory_space<vmem>> -> memref<128xi32, #tpu.memory_space<vmem>>
        %dma_wait3A_125 = arith.constant 0 : i32
        %dma_wait3A_126 = tpu.memref_slice %arg3[%add3A, %add3A_91, %dma_wait3A_125] : memref<32x82x128xi32, #tpu.memory_space<hbm>> -> memref<1x1x128xi32, #tpu.memory_space<hbm>>
        %dma_wait3A_127 = tpu.memref_squeeze %dma_wait3A_126 : memref<1x1x128xi32, #tpu.memory_space<hbm>> -> memref<128xi32, #tpu.memory_space<hbm>>
        tpu.wait_dma2 semaphore(%run_scoped3A_103 : memref<!tpu.dma_semaphore, #tpu.memory_space<semaphore_mem>>) src(%dma_wait3A_127 : memref<128xi32, #tpu.memory_space<hbm>>) dst(%dma_wait3A_124 : memref<128xi32, #tpu.memory_space<vmem>>)
        tpu.yield
      }) : () -> ()
      %add3A_93 = arith.constant 3 : i32
      %add3A_94 = arith.addi %mul3A_60, %add3A_93 : i32
      %run_scoped3A_95 = arith.constant 0 : i32
      "tpu.region"() ({
        %run_scoped3A_103 = tpu.sem_alloc : memref<!tpu.dma_semaphore, #tpu.memory_space<semaphore_mem>>
        %dma_start3A_104 = arith.constant 0 : i32
        %dma_start3A_105 = tpu.memref_slice %arg10[%run_scoped3A_95, %dma_start3A_104] : memref<1x128xi32, #tpu.memory_space<vmem>> -> memref<1x128xi32, #tpu.memory_space<vmem>>
        %dma_start3A_106 = tpu.memref_squeeze %dma_start3A_105 : memref<1x128xi32, #tpu.memory_space<vmem>> -> memref<128xi32, #tpu.memory_space<vmem>>
        %dma_start3A_107 = arith.constant 0 : i32
        %dma_start3A_108 = tpu.memref_slice %arg4[%add3A, %add3A_94, %dma_start3A_107] : memref<32x82x128xi32, #tpu.memory_space<hbm>> -> memref<1x1x128xi32, #tpu.memory_space<hbm>>
        %dma_start3A_109 = tpu.memref_squeeze %dma_start3A_108 : memref<1x1x128xi32, #tpu.memory_space<hbm>> -> memref<128xi32, #tpu.memory_space<hbm>>
        %dma_start3A_110 = arith.constant 0 : i32
        %dma_start3A_111 = tpu.memref_slice %arg10[%run_scoped3A_95, %dma_start3A_110] : memref<1x128xi32, #tpu.memory_space<vmem>> -> memref<1x128xi32, #tpu.memory_space<vmem>>
        %dma_start3A_112 = tpu.memref_squeeze %dma_start3A_111 : memref<1x128xi32, #tpu.memory_space<vmem>> -> memref<128xi32, #tpu.memory_space<vmem>>
        %dma_start3A_113 = arith.constant 0 : i32
        %dma_start3A_114 = tpu.memref_slice %arg4[%add3A, %add3A_94, %dma_start3A_113] : memref<32x82x128xi32, #tpu.memory_space<hbm>> -> memref<1x1x128xi32, #tpu.memory_space<hbm>>
        %dma_start3A_115 = tpu.memref_squeeze %dma_start3A_114 : memref<1x1x128xi32, #tpu.memory_space<hbm>> -> memref<128xi32, #tpu.memory_space<hbm>>
        tpu.enqueue_dma source(%dma_start3A_115 : memref<128xi32, #tpu.memory_space<hbm>>) target(%dma_start3A_112 : memref<128xi32, #tpu.memory_space<vmem>>) target_semaphore(%run_scoped3A_103 : memref<!tpu.dma_semaphore, #tpu.memory_space<semaphore_mem>>)
        %dma_wait3A_116 = arith.constant 0 : i32
        %dma_wait3A_117 = tpu.memref_slice %arg10[%run_scoped3A_95, %dma_wait3A_116] : memref<1x128xi32, #tpu.memory_space<vmem>> -> memref<1x128xi32, #tpu.memory_space<vmem>>
        %dma_wait3A_118 = tpu.memref_squeeze %dma_wait3A_117 : memref<1x128xi32, #tpu.memory_space<vmem>> -> memref<128xi32, #tpu.memory_space<vmem>>
        %dma_wait3A_119 = arith.constant 0 : i32
        %dma_wait3A_120 = tpu.memref_slice %arg4[%add3A, %add3A_94, %dma_wait3A_119] : memref<32x82x128xi32, #tpu.memory_space<hbm>> -> memref<1x1x128xi32, #tpu.memory_space<hbm>>
        %dma_wait3A_121 = tpu.memref_squeeze %dma_wait3A_120 : memref<1x1x128xi32, #tpu.memory_space<hbm>> -> memref<128xi32, #tpu.memory_space<hbm>>
        %dma_wait3A_122 = arith.constant 0 : i32
        %dma_wait3A_123 = tpu.memref_slice %arg10[%run_scoped3A_95, %dma_wait3A_122] : memref<1x128xi32, #tpu.memory_space<vmem>> -> memref<1x128xi32, #tpu.memory_space<vmem>>
        %dma_wait3A_124 = tpu.memref_squeeze %dma_wait3A_123 : memref<1x128xi32, #tpu.memory_space<vmem>> -> memref<128xi32, #tpu.memory_space<vmem>>
        %dma_wait3A_125 = arith.constant 0 : i32
        %dma_wait3A_126 = tpu.memref_slice %arg4[%add3A, %add3A_94, %dma_wait3A_125] : memref<32x82x128xi32, #tpu.memory_space<hbm>> -> memref<1x1x128xi32, #tpu.memory_space<hbm>>
        %dma_wait3A_127 = tpu.memref_squeeze %dma_wait3A_126 : memref<1x1x128xi32, #tpu.memory_space<hbm>> -> memref<128xi32, #tpu.memory_space<hbm>>
        tpu.wait_dma2 semaphore(%run_scoped3A_103 : memref<!tpu.dma_semaphore, #tpu.memory_space<semaphore_mem>>) src(%dma_wait3A_127 : memref<128xi32, #tpu.memory_space<hbm>>) dst(%dma_wait3A_124 : memref<128xi32, #tpu.memory_space<vmem>>)
        tpu.yield
      }) : () -> ()
      %dma_start3A_96 = arith.constant 0 : i32
      %dma_start3A_97 = arith.constant 0 : i32
      %dma_start3A_98 = tpu.memref_slice %arg9[%dma_start3A_96, %dma_start3A_97] : memref<1x128xi32, #tpu.memory_space<vmem>> -> memref<1x128xi32, #tpu.memory_space<vmem>>
      %dma_start3A_99 = tpu.memref_squeeze %dma_start3A_98 : memref<1x128xi32, #tpu.memory_space<vmem>> -> memref<128xi32, #tpu.memory_space<vmem>>
      %dma_start3A_100 = arith.constant 0 : i32
      %dma_start3A_101 = arith.constant 0 : i32
      %dma_start3A_102 = tpu.memref_slice %arg2[%dma_start3A_100, %dma_start3A_101] : memref<10240x128xf32, #tpu.memory_space<hbm>> -> memref<10240x128xf32, #tpu.memory_space<hbm>>
      tpu.enqueue_indirect_dma source(%dma_start3A_102 : memref<10240x128xf32, #tpu.memory_space<hbm>>) target(%arg12 : memref<128x128xf32, #tpu.memory_space<vmem>>) offsets(%dma_start3A_99 : memref<128xi32, #tpu.memory_space<vmem>>) semaphore(%arg15 : memref<!tpu.dma_semaphore, #tpu.memory_space<semaphore_mem>>)
    }
    %scan3A_35 = arith.constant 40 : i32
    %dma_wait3A = arith.constant 0 : i32
    %dma_wait3A_36 = arith.constant 0 : i32
    %dma_wait3A_37 = tpu.memref_slice %arg7[%dma_wait3A, %dma_wait3A_36] : memref<1x128xi32, #tpu.memory_space<vmem>> -> memref<1x128xi32, #tpu.memory_space<vmem>>
    %dma_wait3A_38 = tpu.memref_squeeze %dma_wait3A_37 : memref<1x128xi32, #tpu.memory_space<vmem>> -> memref<128xi32, #tpu.memory_space<vmem>>
    %dma_wait3A_39 = arith.constant 0 : i32
    %dma_wait3A_40 = arith.constant 0 : i32
    %dma_wait3A_41 = tpu.memref_slice %arg2[%dma_wait3A_39, %dma_wait3A_40] : memref<10240x128xf32, #tpu.memory_space<hbm>> -> memref<10240x128xf32, #tpu.memory_space<hbm>>
    tpu.wait_indirect_dma semaphore(%arg13 : memref<!tpu.dma_semaphore, #tpu.memory_space<semaphore_mem>>) src(%dma_wait3A_41 : memref<10240x128xf32, #tpu.memory_space<hbm>>) dst(%arg11 : memref<128x128xf32, #tpu.memory_space<vmem>>)
    %dma_wait3A_42 = arith.constant 0 : i32
    %dma_wait3A_43 = arith.constant 0 : i32
    %dma_wait3A_44 = tpu.memref_slice %arg9[%dma_wait3A_42, %dma_wait3A_43] : memref<1x128xi32, #tpu.memory_space<vmem>> -> memref<1x128xi32, #tpu.memory_space<vmem>>
    %dma_wait3A_45 = tpu.memref_squeeze %dma_wait3A_44 : memref<1x128xi32, #tpu.memory_space<vmem>> -> memref<128xi32, #tpu.memory_space<vmem>>
    %dma_wait3A_46 = arith.constant 0 : i32
    %dma_wait3A_47 = arith.constant 0 : i32
    %dma_wait3A_48 = tpu.memref_slice %arg2[%dma_wait3A_46, %dma_wait3A_47] : memref<10240x128xf32, #tpu.memory_space<hbm>> -> memref<10240x128xf32, #tpu.memory_space<hbm>>
    tpu.wait_indirect_dma semaphore(%arg15 : memref<!tpu.dma_semaphore, #tpu.memory_space<semaphore_mem>>) src(%dma_wait3A_48 : memref<10240x128xf32, #tpu.memory_space<hbm>>) dst(%arg12 : memref<128x128xf32, #tpu.memory_space<vmem>>)
    %barrier3A_49 = arith.constant 0 : index
    tpu.barrier barrier_id(%barrier3A_49)
    %mul3A_50 = arith.constant 640 : i32
    %mul3A_51 = arith.muli %arg1, %mul3A_50 : i32
    %mul3A_52 = arith.constant 640 : i32
    %mul3A_53 = arith.muli %arg1, %mul3A_52 : i32
    "tpu.region"() ({
      %run_scoped3A_54 = tpu.sem_alloc : memref<!tpu.dma_semaphore, #tpu.memory_space<semaphore_mem>>
      %dma_start3A_55 = arith.constant 0 : i32
      %dma_start3A_56 = tpu.memref_slice %arg5[%arg0, %mul3A_53, %dma_start3A_55] : memref<2x10240x128xf32, #tpu.memory_space<hbm>> -> memref<1x640x128xf32, #tpu.memory_space<hbm>>
      %dma_start3A_57 = tpu.memref_squeeze %dma_start3A_56 : memref<1x640x128xf32, #tpu.memory_space<hbm>> -> memref<640x128xf32, #tpu.memory_space<hbm>>
      %dma_start3A_58 = arith.constant 0 : i32
      %dma_start3A_59 = tpu.memref_slice %arg6[%mul3A_51, %dma_start3A_58] : memref<10240x128xf32, #tpu.memory_space<vmem_shared>> -> memref<640x128xf32, #tpu.memory_space<vmem_shared>>
      tpu.enqueue_dma source(%dma_start3A_59 : memref<640x128xf32, #tpu.memory_space<vmem_shared>>) target(%dma_start3A_57 : memref<640x128xf32, #tpu.memory_space<hbm>>) target_semaphore(%run_scoped3A_54 : memref<!tpu.dma_semaphore, #tpu.memory_space<semaphore_mem>>)
      %dma_wait3A_60 = arith.constant 0 : i32
      %dma_wait3A_61 = tpu.memref_slice %arg5[%arg0, %mul3A_53, %dma_wait3A_60] : memref<2x10240x128xf32, #tpu.memory_space<hbm>> -> memref<1x640x128xf32, #tpu.memory_space<hbm>>
      %dma_wait3A_62 = tpu.memref_squeeze %dma_wait3A_61 : memref<1x640x128xf32, #tpu.memory_space<hbm>> -> memref<640x128xf32, #tpu.memory_space<hbm>>
      %dma_wait3A_63 = arith.constant 0 : i32
      %dma_wait3A_64 = tpu.memref_slice %arg6[%mul3A_51, %dma_wait3A_63] : memref<10240x128xf32, #tpu.memory_space<vmem_shared>> -> memref<640x128xf32, #tpu.memory_space<vmem_shared>>
      tpu.wait_dma2 semaphore(%run_scoped3A_54 : memref<!tpu.dma_semaphore, #tpu.memory_space<semaphore_mem>>) src(%dma_wait3A_64 : memref<640x128xf32, #tpu.memory_space<vmem_shared>>) dst(%dma_wait3A_62 : memref<640x128xf32, #tpu.memory_space<hbm>>)
      tpu.yield
    }) : () -> ()
    return
  }
}

#map = affine_map<(d0, d1) -> (0, 0)>
#map1 = affine_map<(d0, d1) -> (0, 0, 0)>
module attributes {stable_mosaic.version = 14 : i64} {
  func.func @_sc_pass_body(%arg0: i32, %arg1: i32, %arg2: memref<10240x128xf32, #tpu.memory_space<hbm>>, %arg3: memref<32x82x128xi32, #tpu.memory_space<hbm>>, %arg4: memref<32x82x128xi32, #tpu.memory_space<hbm>>, %arg5: memref<2x10240x128xf32, #tpu.memory_space<hbm>>, %arg6: memref<10240x128xf32, #tpu.memory_space<vmem_shared>>, %arg7: memref<1x128xi32, #tpu.memory_space<vmem>>, %arg8: memref<1x128xi32, #tpu.memory_space<vmem>>, %arg9: memref<1x128xi32, #tpu.memory_space<vmem>>, %arg10: memref<1x128xi32, #tpu.memory_space<vmem>>, %arg11: memref<128x128xf32, #tpu.memory_space<vmem>>, %arg12: memref<128x128xf32, #tpu.memory_space<vmem>>, %arg13: memref<!tpu.dma_semaphore, #tpu.memory_space<semaphore_mem>>, %arg14: memref<!tpu.dma_semaphore, #tpu.memory_space<semaphore_mem>>, %arg15: memref<!tpu.dma_semaphore, #tpu.memory_space<semaphore_mem>>, %arg16: memref<!tpu.dma_semaphore, #tpu.memory_space<semaphore_mem>>) attributes {dimension_semantics = [#tpu.dimension_semantics<core_parallel>, #tpu.dimension_semantics<subcore_parallel>], iteration_bounds = array<i64: 2, 16>, scalar_prefetch = 0 : i64, scratch_operands = 11 : i64, tpu.core_type = #tpu.core_type<sc_vector_subcore>, window_params = [{transform_indices = #map}, {transform_indices = #map1}, {transform_indices = #map1}, {transform_indices = #map1}]} {
    %mul3A = arith.constant 2 : i32
    %mul3A_0 = arith.muli %arg1, %mul3A : i32
    %add3A = arith.addi %mul3A_0, %arg0 : i32
    %broadcast_in_dim3A = arith.constant 0.000000e+00 : f32
    %broadcast_in_dim3A_1 = vector.broadcast %broadcast_in_dim3A : f32 to vector<16xf32>
    %scan3A = arith.constant 0 : i32
    %scan3A_2 = arith.constant 128 : i32
    %scan3A_3 = arith.addi %scan3A, %scan3A_2 : i32
    %scan3A_4 = arith.constant 1 : i32
    scf.for %scan3A_54 = %scan3A to %scan3A_3 step %scan3A_4  : i32 {
      %mul3A_55 = arith.constant 1 : i32
      %mul3A_56 = arith.muli %scan3A_54, %mul3A_55 : i32
      %add3A_57 = arith.constant 0 : i32
      %add3A_58 = arith.addi %add3A_57, %mul3A_56 : i32
      %swap3A = arith.index_cast %add3A_58 : i32 to index
      %swap3A_59 = arith.constant 0 : index
      %swap3A_60 = tpu.vector_load %arg11[%swap3A, %swap3A_59] {strides = array<i32>} : memref<128x128xf32, #tpu.memory_space<vmem>>, vector<16xf32>,
      tpu.vector_store %arg11[%swap3A, %swap3A_59], %broadcast_in_dim3A_1 {strides = array<i32>} : memref<128x128xf32, #tpu.memory_space<vmem>>, vector<16xf32>,
      %swap3A_61 = arith.index_cast %add3A_58 : i32 to index
      %swap3A_62 = arith.constant 16 : index
      %swap3A_63 = tpu.vector_load %arg11[%swap3A_61, %swap3A_62] {strides = array<i32>} : memref<128x128xf32, #tpu.memory_space<vmem>>, vector<16xf32>,
      tpu.vector_store %arg11[%swap3A_61, %swap3A_62], %broadcast_in_dim3A_1 {strides = array<i32>} : memref<128x128xf32, #tpu.memory_space<vmem>>, vector<16xf32>,
      %swap3A_64 = arith.index_cast %add3A_58 : i32 to index
      %swap3A_65 = arith.constant 32 : index
      %swap3A_66 = tpu.vector_load %arg11[%swap3A_64, %swap3A_65] {strides = array<i32>} : memref<128x128xf32, #tpu.memory_space<vmem>>, vector<16xf32>,
      tpu.vector_store %arg11[%swap3A_64, %swap3A_65], %broadcast_in_dim3A_1 {strides = array<i32>} : memref<128x128xf32, #tpu.memory_space<vmem>>, vector<16xf32>,
      %swap3A_67 = arith.index_cast %add3A_58 : i32 to index
      %swap3A_68 = arith.constant 48 : index
      %swap3A_69 = tpu.vector_load %arg11[%swap3A_67, %swap3A_68] {strides = array<i32>} : memref<128x128xf32, #tpu.memory_space<vmem>>, vector<16xf32>,
      tpu.vector_store %arg11[%swap3A_67, %swap3A_68], %broadcast_in_dim3A_1 {strides = array<i32>} : memref<128x128xf32, #tpu.memory_space<vmem>>, vector<16xf32>,
      %swap3A_70 = arith.index_cast %add3A_58 : i32 to index
      %swap3A_71 = arith.constant 64 : index
      %swap3A_72 = tpu.vector_load %arg11[%swap3A_70, %swap3A_71] {strides = array<i32>} : memref<128x128xf32, #tpu.memory_space<vmem>>, vector<16xf32>,
      tpu.vector_store %arg11[%swap3A_70, %swap3A_71], %broadcast_in_dim3A_1 {strides = array<i32>} : memref<128x128xf32, #tpu.memory_space<vmem>>, vector<16xf32>,
      %swap3A_73 = arith.index_cast %add3A_58 : i32 to index
      %swap3A_74 = arith.constant 80 : index
      %swap3A_75 = tpu.vector_load %arg11[%swap3A_73, %swap3A_74] {strides = array<i32>} : memref<128x128xf32, #tpu.memory_space<vmem>>, vector<16xf32>,
      tpu.vector_store %arg11[%swap3A_73, %swap3A_74], %broadcast_in_dim3A_1 {strides = array<i32>} : memref<128x128xf32, #tpu.memory_space<vmem>>, vector<16xf32>,
      %swap3A_76 = arith.index_cast %add3A_58 : i32 to index
      %swap3A_77 = arith.constant 96 : index
      %swap3A_78 = tpu.vector_load %arg11[%swap3A_76, %swap3A_77] {strides = array<i32>} : memref<128x128xf32, #tpu.memory_space<vmem>>, vector<16xf32>,
      tpu.vector_store %arg11[%swap3A_76, %swap3A_77], %broadcast_in_dim3A_1 {strides = array<i32>} : memref<128x128xf32, #tpu.memory_space<vmem>>, vector<16xf32>,
      %swap3A_79 = arith.index_cast %add3A_58 : i32 to index
      %swap3A_80 = arith.constant 112 : index
      %swap3A_81 = tpu.vector_load %arg11[%swap3A_79, %swap3A_80] {strides = array<i32>} : memref<128x128xf32, #tpu.memory_space<vmem>>, vector<16xf32>,
      tpu.vector_store %arg11[%swap3A_79, %swap3A_80], %broadcast_in_dim3A_1 {strides = array<i32>} : memref<128x128xf32, #tpu.memory_space<vmem>>, vector<16xf32>,
    }
    %scan3A_5 = arith.constant 128 : i32
    %scan3A_6 = arith.constant 0 : i32
    %scan3A_7 = arith.constant 5 : i32
    %scan3A_8 = arith.addi %scan3A_6, %scan3A_7 : i32
    %scan3A_9 = arith.constant 1 : i32
    scf.for %scan3A_54 = %scan3A_6 to %scan3A_8 step %scan3A_9  : i32 {
      %mul3A_55 = arith.constant 1 : i32
      %mul3A_56 = arith.muli %scan3A_54, %mul3A_55 : i32
      %add3A_57 = arith.constant 0 : i32
      %add3A_58 = arith.addi %add3A_57, %mul3A_56 : i32
      %mul3A_59 = arith.constant 640 : i32
      %mul3A_60 = arith.muli %arg1, %mul3A_59 : i32
      %mul3A_61 = arith.constant 128 : i32
      %mul3A_62 = arith.muli %add3A_58, %mul3A_61 : i32
      %add3A_63 = arith.addi %mul3A_60, %mul3A_62 : i32
      "tpu.region"() ({
        %run_scoped3A_64 = tpu.sem_alloc : memref<!tpu.dma_semaphore, #tpu.memory_space<semaphore_mem>>
        %dma_start3A_65 = arith.constant 0 : i32
        %dma_start3A_66 = tpu.memref_slice %arg6[%add3A_63, %dma_start3A_65] : memref<10240x128xf32, #tpu.memory_space<vmem_shared>> -> memref<128x128xf32, #tpu.memory_space<vmem_shared>>
        %dma_start3A_67 = arith.constant 0 : i32
        %dma_start3A_68 = tpu.memref_slice %arg6[%add3A_63, %dma_start3A_67] : memref<10240x128xf32, #tpu.memory_space<vmem_shared>> -> memref<128x128xf32, #tpu.memory_space<vmem_shared>>
        tpu.enqueue_dma source(%arg11 : memref<128x128xf32, #tpu.memory_space<vmem>>) target(%dma_start3A_68 : memref<128x128xf32, #tpu.memory_space<vmem_shared>>) target_semaphore(%run_scoped3A_64 : memref<!tpu.dma_semaphore, #tpu.memory_space<semaphore_mem>>)
        %dma_wait3A_69 = arith.constant 0 : i32
        %dma_wait3A_70 = tpu.memref_slice %arg6[%add3A_63, %dma_wait3A_69] : memref<10240x128xf32, #tpu.memory_space<vmem_shared>> -> memref<128x128xf32, #tpu.memory_space<vmem_shared>>
        %dma_wait3A_71 = arith.constant 0 : i32
        %dma_wait3A_72 = tpu.memref_slice %arg6[%add3A_63, %dma_wait3A_71] : memref<10240x128xf32, #tpu.memory_space<vmem_shared>> -> memref<128x128xf32, #tpu.memory_space<vmem_shared>>
        tpu.wait_dma2 semaphore(%run_scoped3A_64 : memref<!tpu.dma_semaphore, #tpu.memory_space<semaphore_mem>>) src(%arg11 : memref<128x128xf32, #tpu.memory_space<vmem>>) dst(%dma_wait3A_72 : memref<128x128xf32, #tpu.memory_space<vmem_shared>>)
        tpu.yield
      }) : () -> ()
    }
    %scan3A_10 = arith.constant 5 : i32
    %run_scoped3A = arith.constant 0 : i32
    %run_scoped3A_11 = arith.constant 0 : i32
    "tpu.region"() ({
      %run_scoped3A_54 = tpu.sem_alloc : memref<!tpu.dma_semaphore, #tpu.memory_space<semaphore_mem>>
      %dma_start3A_55 = arith.constant 0 : i32
      %dma_start3A_56 = tpu.memref_slice %arg7[%run_scoped3A_11, %dma_start3A_55] : memref<1x128xi32, #tpu.memory_space<vmem>> -> memref<1x128xi32, #tpu.memory_space<vmem>>
      %dma_start3A_57 = tpu.memref_squeeze %dma_start3A_56 : memref<1x128xi32, #tpu.memory_space<vmem>> -> memref<128xi32, #tpu.memory_space<vmem>>
      %dma_start3A_58 = arith.constant 0 : i32
      %dma_start3A_59 = tpu.memref_slice %arg3[%add3A, %run_scoped3A, %dma_start3A_58] : memref<32x82x128xi32, #tpu.memory_space<hbm>> -> memref<1x1x128xi32, #tpu.memory_space<hbm>>
      %dma_start3A_60 = tpu.memref_squeeze %dma_start3A_59 : memref<1x1x128xi32, #tpu.memory_space<hbm>> -> memref<128xi32, #tpu.memory_space<hbm>>
      %dma_start3A_61 = arith.constant 0 : i32
      %dma_start3A_62 = tpu.memref_slice %arg7[%run_scoped3A_11, %dma_start3A_61] : memref<1x128xi32, #tpu.memory_space<vmem>> -> memref<1x128xi32, #tpu.memory_space<vmem>>
      %dma_start3A_63 = tpu.memref_squeeze %dma_start3A_62 : memref<1x128xi32, #tpu.memory_space<vmem>> -> memref<128xi32, #tpu.memory_space<vmem>>
      %dma_start3A_64 = arith.constant 0 : i32
      %dma_start3A_65 = tpu.memref_slice %arg3[%add3A, %run_scoped3A, %dma_start3A_64] : memref<32x82x128xi32, #tpu.memory_space<hbm>> -> memref<1x1x128xi32, #tpu.memory_space<hbm>>
      %dma_start3A_66 = tpu.memref_squeeze %dma_start3A_65 : memref<1x1x128xi32, #tpu.memory_space<hbm>> -> memref<128xi32, #tpu.memory_space<hbm>>
      tpu.enqueue_dma source(%dma_start3A_66 : memref<128xi32, #tpu.memory_space<hbm>>) target(%dma_start3A_63 : memref<128xi32, #tpu.memory_space<vmem>>) target_semaphore(%run_scoped3A_54 : memref<!tpu.dma_semaphore, #tpu.memory_space<semaphore_mem>>)
      %dma_wait3A_67 = arith.constant 0 : i32
      %dma_wait3A_68 = tpu.memref_slice %arg7[%run_scoped3A_11, %dma_wait3A_67] : memref<1x128xi32, #tpu.memory_space<vmem>> -> memref<1x128xi32, #tpu.memory_space<vmem>>
      %dma_wait3A_69 = tpu.memref_squeeze %dma_wait3A_68 : memref<1x128xi32, #tpu.memory_space<vmem>> -> memref<128xi32, #tpu.memory_space<vmem>>
      %dma_wait3A_70 = arith.constant 0 : i32
      %dma_wait3A_71 = tpu.memref_slice %arg3[%add3A, %run_scoped3A, %dma_wait3A_70] : memref<32x82x128xi32, #tpu.memory_space<hbm>> -> memref<1x1x128xi32, #tpu.memory_space<hbm>>
      %dma_wait3A_72 = tpu.memref_squeeze %dma_wait3A_71 : memref<1x1x128xi32, #tpu.memory_space<hbm>> -> memref<128xi32, #tpu.memory_space<hbm>>
      %dma_wait3A_73 = arith.constant 0 : i32
      %dma_wait3A_74 = tpu.memref_slice %arg7[%run_scoped3A_11, %dma_wait3A_73] : memref<1x128xi32, #tpu.memory_space<vmem>> -> memref<1x128xi32, #tpu.memory_space<vmem>>
      %dma_wait3A_75 = tpu.memref_squeeze %dma_wait3A_74 : memref<1x128xi32, #tpu.memory_space<vmem>> -> memref<128xi32, #tpu.memory_space<vmem>>
      %dma_wait3A_76 = arith.constant 0 : i32
      %dma_wait3A_77 = tpu.memref_slice %arg3[%add3A, %run_scoped3A, %dma_wait3A_76] : memref<32x82x128xi32, #tpu.memory_space<hbm>> -> memref<1x1x128xi32, #tpu.memory_space<hbm>>
      %dma_wait3A_78 = tpu.memref_squeeze %dma_wait3A_77 : memref<1x1x128xi32, #tpu.memory_space<hbm>> -> memref<128xi32, #tpu.memory_space<hbm>>
      tpu.wait_dma2 semaphore(%run_scoped3A_54 : memref<!tpu.dma_semaphore, #tpu.memory_space<semaphore_mem>>) src(%dma_wait3A_78 : memref<128xi32, #tpu.memory_space<hbm>>) dst(%dma_wait3A_75 : memref<128xi32, #tpu.memory_space<vmem>>)
      tpu.yield
    }) : () -> ()
    %run_scoped3A_12 = arith.constant 0 : i32
    %run_scoped3A_13 = arith.constant 0 : i32
    "tpu.region"() ({
      %run_scoped3A_54 = tpu.sem_alloc : memref<!tpu.dma_semaphore, #tpu.memory_space<semaphore_mem>>
      %dma_start3A_55 = arith.constant 0 : i32
      %dma_start3A_56 = tpu.memref_slice %arg8[%run_scoped3A_13, %dma_start3A_55] : memref<1x128xi32, #tpu.memory_space<vmem>> -> memref<1x128xi32, #tpu.memory_space<vmem>>
      %dma_start3A_57 = tpu.memref_squeeze %dma_start3A_56 : memref<1x128xi32, #tpu.memory_space<vmem>> -> memref<128xi32, #tpu.memory_space<vmem>>
      %dma_start3A_58 = arith.constant 0 : i32
      %dma_start3A_59 = tpu.memref_slice %arg4[%add3A, %run_scoped3A_12, %dma_start3A_58] : memref<32x82x128xi32, #tpu.memory_space<hbm>> -> memref<1x1x128xi32, #tpu.memory_space<hbm>>
      %dma_start3A_60 = tpu.memref_squeeze %dma_start3A_59 : memref<1x1x128xi32, #tpu.memory_space<hbm>> -> memref<128xi32, #tpu.memory_space<hbm>>
      %dma_start3A_61 = arith.constant 0 : i32
      %dma_start3A_62 = tpu.memref_slice %arg8[%run_scoped3A_13, %dma_start3A_61] : memref<1x128xi32, #tpu.memory_space<vmem>> -> memref<1x128xi32, #tpu.memory_space<vmem>>
      %dma_start3A_63 = tpu.memref_squeeze %dma_start3A_62 : memref<1x128xi32, #tpu.memory_space<vmem>> -> memref<128xi32, #tpu.memory_space<vmem>>
      %dma_start3A_64 = arith.constant 0 : i32
      %dma_start3A_65 = tpu.memref_slice %arg4[%add3A, %run_scoped3A_12, %dma_start3A_64] : memref<32x82x128xi32, #tpu.memory_space<hbm>> -> memref<1x1x128xi32, #tpu.memory_space<hbm>>
      %dma_start3A_66 = tpu.memref_squeeze %dma_start3A_65 : memref<1x1x128xi32, #tpu.memory_space<hbm>> -> memref<128xi32, #tpu.memory_space<hbm>>
      tpu.enqueue_dma source(%dma_start3A_66 : memref<128xi32, #tpu.memory_space<hbm>>) target(%dma_start3A_63 : memref<128xi32, #tpu.memory_space<vmem>>) target_semaphore(%run_scoped3A_54 : memref<!tpu.dma_semaphore, #tpu.memory_space<semaphore_mem>>)
      %dma_wait3A_67 = arith.constant 0 : i32
      %dma_wait3A_68 = tpu.memref_slice %arg8[%run_scoped3A_13, %dma_wait3A_67] : memref<1x128xi32, #tpu.memory_space<vmem>> -> memref<1x128xi32, #tpu.memory_space<vmem>>
      %dma_wait3A_69 = tpu.memref_squeeze %dma_wait3A_68 : memref<1x128xi32, #tpu.memory_space<vmem>> -> memref<128xi32, #tpu.memory_space<vmem>>
      %dma_wait3A_70 = arith.constant 0 : i32
      %dma_wait3A_71 = tpu.memref_slice %arg4[%add3A, %run_scoped3A_12, %dma_wait3A_70] : memref<32x82x128xi32, #tpu.memory_space<hbm>> -> memref<1x1x128xi32, #tpu.memory_space<hbm>>
      %dma_wait3A_72 = tpu.memref_squeeze %dma_wait3A_71 : memref<1x1x128xi32, #tpu.memory_space<hbm>> -> memref<128xi32, #tpu.memory_space<hbm>>
      %dma_wait3A_73 = arith.constant 0 : i32
      %dma_wait3A_74 = tpu.memref_slice %arg8[%run_scoped3A_13, %dma_wait3A_73] : memref<1x128xi32, #tpu.memory_space<vmem>> -> memref<1x128xi32, #tpu.memory_space<vmem>>
      %dma_wait3A_75 = tpu.memref_squeeze %dma_wait3A_74 : memref<1x128xi32, #tpu.memory_space<vmem>> -> memref<128xi32, #tpu.memory_space<vmem>>
      %dma_wait3A_76 = arith.constant 0 : i32
      %dma_wait3A_77 = tpu.memref_slice %arg4[%add3A, %run_scoped3A_12, %dma_wait3A_76] : memref<32x82x128xi32, #tpu.memory_space<hbm>> -> memref<1x1x128xi32, #tpu.memory_space<hbm>>
      %dma_wait3A_78 = tpu.memref_squeeze %dma_wait3A_77 : memref<1x1x128xi32, #tpu.memory_space<hbm>> -> memref<128xi32, #tpu.memory_space<hbm>>
      tpu.wait_dma2 semaphore(%run_scoped3A_54 : memref<!tpu.dma_semaphore, #tpu.memory_space<semaphore_mem>>) src(%dma_wait3A_78 : memref<128xi32, #tpu.memory_space<hbm>>) dst(%dma_wait3A_75 : memref<128xi32, #tpu.memory_space<vmem>>)
      tpu.yield
    }) : () -> ()
    %dma_start3A = arith.constant 0 : i32
    %dma_start3A_14 = arith.constant 0 : i32
    %dma_start3A_15 = tpu.memref_slice %arg7[%dma_start3A, %dma_start3A_14] : memref<1x128xi32, #tpu.memory_space<vmem>> -> memref<1x128xi32, #tpu.memory_space<vmem>>
    %dma_start3A_16 = tpu.memref_squeeze %dma_start3A_15 : memref<1x128xi32, #tpu.memory_space<vmem>> -> memref<128xi32, #tpu.memory_space<vmem>>
    %dma_start3A_17 = arith.constant 0 : i32
    %dma_start3A_18 = arith.constant 0 : i32
    %dma_start3A_19 = tpu.memref_slice %arg2[%dma_start3A_17, %dma_start3A_18] : memref<10240x128xf32, #tpu.memory_space<hbm>> -> memref<10240x128xf32, #tpu.memory_space<hbm>>
    tpu.enqueue_indirect_dma source(%dma_start3A_19 : memref<10240x128xf32, #tpu.memory_space<hbm>>) target(%arg11 : memref<128x128xf32, #tpu.memory_space<vmem>>) offsets(%dma_start3A_16 : memref<128xi32, #tpu.memory_space<vmem>>) semaphore(%arg13 : memref<!tpu.dma_semaphore, #tpu.memory_space<semaphore_mem>>)
    %run_scoped3A_20 = arith.constant 1 : i32
    %run_scoped3A_21 = arith.constant 0 : i32
    "tpu.region"() ({
      %run_scoped3A_54 = tpu.sem_alloc : memref<!tpu.dma_semaphore, #tpu.memory_space<semaphore_mem>>
      %dma_start3A_55 = arith.constant 0 : i32
      %dma_start3A_56 = tpu.memref_slice %arg9[%run_scoped3A_21, %dma_start3A_55] : memref<1x128xi32, #tpu.memory_space<vmem>> -> memref<1x128xi32, #tpu.memory_space<vmem>>
      %dma_start3A_57 = tpu.memref_squeeze %dma_start3A_56 : memref<1x128xi32, #tpu.memory_space<vmem>> -> memref<128xi32, #tpu.memory_space<vmem>>
      %dma_start3A_58 = arith.constant 0 : i32
      %dma_start3A_59 = tpu.memref_slice %arg3[%add3A, %run_scoped3A_20, %dma_start3A_58] : memref<32x82x128xi32, #tpu.memory_space<hbm>> -> memref<1x1x128xi32, #tpu.memory_space<hbm>>
      %dma_start3A_60 = tpu.memref_squeeze %dma_start3A_59 : memref<1x1x128xi32, #tpu.memory_space<hbm>> -> memref<128xi32, #tpu.memory_space<hbm>>
      %dma_start3A_61 = arith.constant 0 : i32
      %dma_start3A_62 = tpu.memref_slice %arg9[%run_scoped3A_21, %dma_start3A_61] : memref<1x128xi32, #tpu.memory_space<vmem>> -> memref<1x128xi32, #tpu.memory_space<vmem>>
      %dma_start3A_63 = tpu.memref_squeeze %dma_start3A_62 : memref<1x128xi32, #tpu.memory_space<vmem>> -> memref<128xi32, #tpu.memory_space<vmem>>
      %dma_start3A_64 = arith.constant 0 : i32
      %dma_start3A_65 = tpu.memref_slice %arg3[%add3A, %run_scoped3A_20, %dma_start3A_64] : memref<32x82x128xi32, #tpu.memory_space<hbm>> -> memref<1x1x128xi32, #tpu.memory_space<hbm>>
      %dma_start3A_66 = tpu.memref_squeeze %dma_start3A_65 : memref<1x1x128xi32, #tpu.memory_space<hbm>> -> memref<128xi32, #tpu.memory_space<hbm>>
      tpu.enqueue_dma source(%dma_start3A_66 : memref<128xi32, #tpu.memory_space<hbm>>) target(%dma_start3A_63 : memref<128xi32, #tpu.memory_space<vmem>>) target_semaphore(%run_scoped3A_54 : memref<!tpu.dma_semaphore, #tpu.memory_space<semaphore_mem>>)
      %dma_wait3A_67 = arith.constant 0 : i32
      %dma_wait3A_68 = tpu.memref_slice %arg9[%run_scoped3A_21, %dma_wait3A_67] : memref<1x128xi32, #tpu.memory_space<vmem>> -> memref<1x128xi32, #tpu.memory_space<vmem>>
      %dma_wait3A_69 = tpu.memref_squeeze %dma_wait3A_68 : memref<1x128xi32, #tpu.memory_space<vmem>> -> memref<128xi32, #tpu.memory_space<vmem>>
      %dma_wait3A_70 = arith.constant 0 : i32
      %dma_wait3A_71 = tpu.memref_slice %arg3[%add3A, %run_scoped3A_20, %dma_wait3A_70] : memref<32x82x128xi32, #tpu.memory_space<hbm>> -> memref<1x1x128xi32, #tpu.memory_space<hbm>>
      %dma_wait3A_72 = tpu.memref_squeeze %dma_wait3A_71 : memref<1x1x128xi32, #tpu.memory_space<hbm>> -> memref<128xi32, #tpu.memory_space<hbm>>
      %dma_wait3A_73 = arith.constant 0 : i32
      %dma_wait3A_74 = tpu.memref_slice %arg9[%run_scoped3A_21, %dma_wait3A_73] : memref<1x128xi32, #tpu.memory_space<vmem>> -> memref<1x128xi32, #tpu.memory_space<vmem>>
      %dma_wait3A_75 = tpu.memref_squeeze %dma_wait3A_74 : memref<1x128xi32, #tpu.memory_space<vmem>> -> memref<128xi32, #tpu.memory_space<vmem>>
      %dma_wait3A_76 = arith.constant 0 : i32
      %dma_wait3A_77 = tpu.memref_slice %arg3[%add3A, %run_scoped3A_20, %dma_wait3A_76] : memref<32x82x128xi32, #tpu.memory_space<hbm>> -> memref<1x1x128xi32, #tpu.memory_space<hbm>>
      %dma_wait3A_78 = tpu.memref_squeeze %dma_wait3A_77 : memref<1x1x128xi32, #tpu.memory_space<hbm>> -> memref<128xi32, #tpu.memory_space<hbm>>
      tpu.wait_dma2 semaphore(%run_scoped3A_54 : memref<!tpu.dma_semaphore, #tpu.memory_space<semaphore_mem>>) src(%dma_wait3A_78 : memref<128xi32, #tpu.memory_space<hbm>>) dst(%dma_wait3A_75 : memref<128xi32, #tpu.memory_space<vmem>>)
      tpu.yield
    }) : () -> ()
    %run_scoped3A_22 = arith.constant 1 : i32
    %run_scoped3A_23 = arith.constant 0 : i32
    "tpu.region"() ({
      %run_scoped3A_54 = tpu.sem_alloc : memref<!tpu.dma_semaphore, #tpu.memory_space<semaphore_mem>>
      %dma_start3A_55 = arith.constant 0 : i32
      %dma_start3A_56 = tpu.memref_slice %arg10[%run_scoped3A_23, %dma_start3A_55] : memref<1x128xi32, #tpu.memory_space<vmem>> -> memref<1x128xi32, #tpu.memory_space<vmem>>
      %dma_start3A_57 = tpu.memref_squeeze %dma_start3A_56 : memref<1x128xi32, #tpu.memory_space<vmem>> -> memref<128xi32, #tpu.memory_space<vmem>>
      %dma_start3A_58 = arith.constant 0 : i32
      %dma_start3A_59 = tpu.memref_slice %arg4[%add3A, %run_scoped3A_22, %dma_start3A_58] : memref<32x82x128xi32, #tpu.memory_space<hbm>> -> memref<1x1x128xi32, #tpu.memory_space<hbm>>
      %dma_start3A_60 = tpu.memref_squeeze %dma_start3A_59 : memref<1x1x128xi32, #tpu.memory_space<hbm>> -> memref<128xi32, #tpu.memory_space<hbm>>
      %dma_start3A_61 = arith.constant 0 : i32
      %dma_start3A_62 = tpu.memref_slice %arg10[%run_scoped3A_23, %dma_start3A_61] : memref<1x128xi32, #tpu.memory_space<vmem>> -> memref<1x128xi32, #tpu.memory_space<vmem>>
      %dma_start3A_63 = tpu.memref_squeeze %dma_start3A_62 : memref<1x128xi32, #tpu.memory_space<vmem>> -> memref<128xi32, #tpu.memory_space<vmem>>
      %dma_start3A_64 = arith.constant 0 : i32
      %dma_start3A_65 = tpu.memref_slice %arg4[%add3A, %run_scoped3A_22, %dma_start3A_64] : memref<32x82x128xi32, #tpu.memory_space<hbm>> -> memref<1x1x128xi32, #tpu.memory_space<hbm>>
      %dma_start3A_66 = tpu.memref_squeeze %dma_start3A_65 : memref<1x1x128xi32, #tpu.memory_space<hbm>> -> memref<128xi32, #tpu.memory_space<hbm>>
      tpu.enqueue_dma source(%dma_start3A_66 : memref<128xi32, #tpu.memory_space<hbm>>) target(%dma_start3A_63 : memref<128xi32, #tpu.memory_space<vmem>>) target_semaphore(%run_scoped3A_54 : memref<!tpu.dma_semaphore, #tpu.memory_space<semaphore_mem>>)
      %dma_wait3A_67 = arith.constant 0 : i32
      %dma_wait3A_68 = tpu.memref_slice %arg10[%run_scoped3A_23, %dma_wait3A_67] : memref<1x128xi32, #tpu.memory_space<vmem>> -> memref<1x128xi32, #tpu.memory_space<vmem>>
      %dma_wait3A_69 = tpu.memref_squeeze %dma_wait3A_68 : memref<1x128xi32, #tpu.memory_space<vmem>> -> memref<128xi32, #tpu.memory_space<vmem>>
      %dma_wait3A_70 = arith.constant 0 : i32
      %dma_wait3A_71 = tpu.memref_slice %arg4[%add3A, %run_scoped3A_22, %dma_wait3A_70] : memref<32x82x128xi32, #tpu.memory_space<hbm>> -> memref<1x1x128xi32, #tpu.memory_space<hbm>>
      %dma_wait3A_72 = tpu.memref_squeeze %dma_wait3A_71 : memref<1x1x128xi32, #tpu.memory_space<hbm>> -> memref<128xi32, #tpu.memory_space<hbm>>
      %dma_wait3A_73 = arith.constant 0 : i32
      %dma_wait3A_74 = tpu.memref_slice %arg10[%run_scoped3A_23, %dma_wait3A_73] : memref<1x128xi32, #tpu.memory_space<vmem>> -> memref<1x128xi32, #tpu.memory_space<vmem>>
      %dma_wait3A_75 = tpu.memref_squeeze %dma_wait3A_74 : memref<1x128xi32, #tpu.memory_space<vmem>> -> memref<128xi32, #tpu.memory_space<vmem>>
      %dma_wait3A_76 = arith.constant 0 : i32
      %dma_wait3A_77 = tpu.memref_slice %arg4[%add3A, %run_scoped3A_22, %dma_wait3A_76] : memref<32x82x128xi32, #tpu.memory_space<hbm>> -> memref<1x1x128xi32, #tpu.memory_space<hbm>>
      %dma_wait3A_78 = tpu.memref_squeeze %dma_wait3A_77 : memref<1x1x128xi32, #tpu.memory_space<hbm>> -> memref<128xi32, #tpu.memory_space<hbm>>
      tpu.wait_dma2 semaphore(%run_scoped3A_54 : memref<!tpu.dma_semaphore, #tpu.memory_space<semaphore_mem>>) src(%dma_wait3A_78 : memref<128xi32, #tpu.memory_space<hbm>>) dst(%dma_wait3A_75 : memref<128xi32, #tpu.memory_space<vmem>>)
      tpu.yield
    }) : () -> ()
    %dma_start3A_24 = arith.constant 0 : i32
    %dma_start3A_25 = arith.constant 0 : i32
    %dma_start3A_26 = tpu.memref_slice %arg9[%dma_start3A_24, %dma_start3A_25] : memref<1x128xi32, #tpu.memory_space<vmem>> -> memref<1x128xi32, #tpu.memory_space<vmem>>
    %dma_start3A_27 = tpu.memref_squeeze %dma_start3A_26 : memref<1x128xi32, #tpu.memory_space<vmem>> -> memref<128xi32, #tpu.memory_space<vmem>>
    %dma_start3A_28 = arith.constant 0 : i32
    %dma_start3A_29 = arith.constant 0 : i32
    %dma_start3A_30 = tpu.memref_slice %arg2[%dma_start3A_28, %dma_start3A_29] : memref<10240x128xf32, #tpu.memory_space<hbm>> -> memref<10240x128xf32, #tpu.memory_space<hbm>>
    tpu.enqueue_indirect_dma source(%dma_start3A_30 : memref<10240x128xf32, #tpu.memory_space<hbm>>) target(%arg12 : memref<128x128xf32, #tpu.memory_space<vmem>>) offsets(%dma_start3A_27 : memref<128xi32, #tpu.memory_space<vmem>>) semaphore(%arg15 : memref<!tpu.dma_semaphore, #tpu.memory_space<semaphore_mem>>)
    %barrier3A = arith.constant 0 : index
    tpu.barrier barrier_id(%barrier3A)
    %scan3A_31 = arith.constant 0 : i32
    %scan3A_32 = arith.constant 40 : i32
    %scan3A_33 = arith.addi %scan3A_31, %scan3A_32 : i32
    %scan3A_34 = arith.constant 1 : i32
    scf.for %scan3A_54 = %scan3A_31 to %scan3A_33 step %scan3A_34  : i32 {
      %mul3A_55 = arith.constant 1 : i32
      %mul3A_56 = arith.muli %scan3A_54, %mul3A_55 : i32
      %add3A_57 = arith.constant 0 : i32
      %add3A_58 = arith.addi %add3A_57, %mul3A_56 : i32
      %mul3A_59 = arith.constant 2 : i32
      %mul3A_60 = arith.muli %mul3A_59, %add3A_58 : i32
      %dma_wait3A_61 = arith.constant 0 : i32
      %dma_wait3A_62 = arith.constant 0 : i32
      %dma_wait3A_63 = tpu.memref_slice %arg7[%dma_wait3A_61, %dma_wait3A_62] : memref<1x128xi32, #tpu.memory_space<vmem>> -> memref<1x128xi32, #tpu.memory_space<vmem>>
      %dma_wait3A_64 = tpu.memref_squeeze %dma_wait3A_63 : memref<1x128xi32, #tpu.memory_space<vmem>> -> memref<128xi32, #tpu.memory_space<vmem>>
      %dma_wait3A_65 = arith.constant 0 : i32
      %dma_wait3A_66 = arith.constant 0 : i32
      %dma_wait3A_67 = tpu.memref_slice %arg2[%dma_wait3A_65, %dma_wait3A_66] : memref<10240x128xf32, #tpu.memory_space<hbm>> -> memref<10240x128xf32, #tpu.memory_space<hbm>>
      tpu.wait_indirect_dma semaphore(%arg13 : memref<!tpu.dma_semaphore, #tpu.memory_space<semaphore_mem>>) src(%dma_wait3A_67 : memref<10240x128xf32, #tpu.memory_space<hbm>>) dst(%arg11 : memref<128x128xf32, #tpu.memory_space<vmem>>)
      %run_scoped3A_68 = arith.constant 0 : i32
      "tpu.region"() ({
        %run_scoped3A_103 = tpu.sem_alloc : memref<!tpu.dma_semaphore, #tpu.memory_space<semaphore_mem>>
        %dma_start3A_104 = arith.constant 0 : i32
        %dma_start3A_105 = tpu.memref_slice %arg8[%run_scoped3A_68, %dma_start3A_104] : memref<1x128xi32, #tpu.memory_space<vmem>> -> memref<1x128xi32, #tpu.memory_space<vmem>>
        %dma_start3A_106 = tpu.memref_squeeze %dma_start3A_105 : memref<1x128xi32, #tpu.memory_space<vmem>> -> memref<128xi32, #tpu.memory_space<vmem>>
        %dma_start3A_107 = arith.constant 0 : i32
        %dma_start3A_108 = arith.constant 0 : i32
        %dma_start3A_109 = tpu.memref_slice %arg6[%dma_start3A_107, %dma_start3A_108] : memref<10240x128xf32, #tpu.memory_space<vmem_shared>> -> memref<10240x128xf32, #tpu.memory_space<vmem_shared>>
        tpu.enqueue_indirect_dma source(%arg11 : memref<128x128xf32, #tpu.memory_space<vmem>>) target(%dma_start3A_109 : memref<10240x128xf32, #tpu.memory_space<vmem_shared>>) offsets(%dma_start3A_106 : memref<128xi32, #tpu.memory_space<vmem>>) semaphore(%run_scoped3A_103 : memref<!tpu.dma_semaphore, #tpu.memory_space<semaphore_mem>>) {add = true}
        %dma_wait3A_110 = arith.constant 0 : i32
        %dma_wait3A_111 = tpu.memref_slice %arg8[%run_scoped3A_68, %dma_wait3A_110] : memref<1x128xi32, #tpu.memory_space<vmem>> -> memref<1x128xi32, #tpu.memory_space<vmem>>
        %dma_wait3A_112 = tpu.memref_squeeze %dma_wait3A_111 : memref<1x128xi32, #tpu.memory_space<vmem>> -> memref<128xi32, #tpu.memory_space<vmem>>
        %dma_wait3A_113 = arith.constant 0 : i32
        %dma_wait3A_114 = arith.constant 0 : i32
        %dma_wait3A_115 = tpu.memref_slice %arg6[%dma_wait3A_113, %dma_wait3A_114] : memref<10240x128xf32, #tpu.memory_space<vmem_shared>> -> memref<10240x128xf32, #tpu.memory_space<vmem_shared>>
        tpu.wait_indirect_dma semaphore(%run_scoped3A_103 : memref<!tpu.dma_semaphore, #tpu.memory_space<semaphore_mem>>) src(%arg11 : memref<128x128xf32, #tpu.memory_space<vmem>>) dst(%dma_wait3A_115 : memref<10240x128xf32, #tpu.memory_space<vmem_shared>>)
        tpu.yield
      }) : () -> ()
      %add3A_69 = arith.constant 2 : i32
      %add3A_70 = arith.addi %mul3A_60, %add3A_69 : i32
      %run_scoped3A_71 = arith.constant 0 : i32
      "tpu.region"() ({
        %run_scoped3A_103 = tpu.sem_alloc : memref<!tpu.dma_semaphore, #tpu.memory_space<semaphore_mem>>
        %dma_start3A_104 = arith.constant 0 : i32
        %dma_start3A_105 = tpu.memref_slice %arg7[%run_scoped3A_71, %dma_start3A_104] : memref<1x128xi32, #tpu.memory_space<vmem>> -> memref<1x128xi32, #tpu.memory_space<vmem>>
        %dma_start3A_106 = tpu.memref_squeeze %dma_start3A_105 : memref<1x128xi32, #tpu.memory_space<vmem>> -> memref<128xi32, #tpu.memory_space<vmem>>
        %dma_start3A_107 = arith.constant 0 : i32
        %dma_start3A_108 = tpu.memref_slice %arg3[%add3A, %add3A_70, %dma_start3A_107] : memref<32x82x128xi32, #tpu.memory_space<hbm>> -> memref<1x1x128xi32, #tpu.memory_space<hbm>>
        %dma_start3A_109 = tpu.memref_squeeze %dma_start3A_108 : memref<1x1x128xi32, #tpu.memory_space<hbm>> -> memref<128xi32, #tpu.memory_space<hbm>>
        %dma_start3A_110 = arith.constant 0 : i32
        %dma_start3A_111 = tpu.memref_slice %arg7[%run_scoped3A_71, %dma_start3A_110] : memref<1x128xi32, #tpu.memory_space<vmem>> -> memref<1x128xi32, #tpu.memory_space<vmem>>
        %dma_start3A_112 = tpu.memref_squeeze %dma_start3A_111 : memref<1x128xi32, #tpu.memory_space<vmem>> -> memref<128xi32, #tpu.memory_space<vmem>>
        %dma_start3A_113 = arith.constant 0 : i32
        %dma_start3A_114 = tpu.memref_slice %arg3[%add3A, %add3A_70, %dma_start3A_113] : memref<32x82x128xi32, #tpu.memory_space<hbm>> -> memref<1x1x128xi32, #tpu.memory_space<hbm>>
        %dma_start3A_115 = tpu.memref_squeeze %dma_start3A_114 : memref<1x1x128xi32, #tpu.memory_space<hbm>> -> memref<128xi32, #tpu.memory_space<hbm>>
        tpu.enqueue_dma source(%dma_start3A_115 : memref<128xi32, #tpu.memory_space<hbm>>) target(%dma_start3A_112 : memref<128xi32, #tpu.memory_space<vmem>>) target_semaphore(%run_scoped3A_103 : memref<!tpu.dma_semaphore, #tpu.memory_space<semaphore_mem>>)
        %dma_wait3A_116 = arith.constant 0 : i32
        %dma_wait3A_117 = tpu.memref_slice %arg7[%run_scoped3A_71, %dma_wait3A_116] : memref<1x128xi32, #tpu.memory_space<vmem>> -> memref<1x128xi32, #tpu.memory_space<vmem>>
        %dma_wait3A_118 = tpu.memref_squeeze %dma_wait3A_117 : memref<1x128xi32, #tpu.memory_space<vmem>> -> memref<128xi32, #tpu.memory_space<vmem>>
        %dma_wait3A_119 = arith.constant 0 : i32
        %dma_wait3A_120 = tpu.memref_slice %arg3[%add3A, %add3A_70, %dma_wait3A_119] : memref<32x82x128xi32, #tpu.memory_space<hbm>> -> memref<1x1x128xi32, #tpu.memory_space<hbm>>
        %dma_wait3A_121 = tpu.memref_squeeze %dma_wait3A_120 : memref<1x1x128xi32, #tpu.memory_space<hbm>> -> memref<128xi32, #tpu.memory_space<hbm>>
        %dma_wait3A_122 = arith.constant 0 : i32
        %dma_wait3A_123 = tpu.memref_slice %arg7[%run_scoped3A_71, %dma_wait3A_122] : memref<1x128xi32, #tpu.memory_space<vmem>> -> memref<1x128xi32, #tpu.memory_space<vmem>>
        %dma_wait3A_124 = tpu.memref_squeeze %dma_wait3A_123 : memref<1x128xi32, #tpu.memory_space<vmem>> -> memref<128xi32, #tpu.memory_space<vmem>>
        %dma_wait3A_125 = arith.constant 0 : i32
        %dma_wait3A_126 = tpu.memref_slice %arg3[%add3A, %add3A_70, %dma_wait3A_125] : memref<32x82x128xi32, #tpu.memory_space<hbm>> -> memref<1x1x128xi32, #tpu.memory_space<hbm>>
        %dma_wait3A_127 = tpu.memref_squeeze %dma_wait3A_126 : memref<1x1x128xi32, #tpu.memory_space<hbm>> -> memref<128xi32, #tpu.memory_space<hbm>>
        tpu.wait_dma2 semaphore(%run_scoped3A_103 : memref<!tpu.dma_semaphore, #tpu.memory_space<semaphore_mem>>) src(%dma_wait3A_127 : memref<128xi32, #tpu.memory_space<hbm>>) dst(%dma_wait3A_124 : memref<128xi32, #tpu.memory_space<vmem>>)
        tpu.yield
      }) : () -> ()
      %add3A_72 = arith.constant 2 : i32
      %add3A_73 = arith.addi %mul3A_60, %add3A_72 : i32
      %run_scoped3A_74 = arith.constant 0 : i32
      "tpu.region"() ({
        %run_scoped3A_103 = tpu.sem_alloc : memref<!tpu.dma_semaphore, #tpu.memory_space<semaphore_mem>>
        %dma_start3A_104 = arith.constant 0 : i32
        %dma_start3A_105 = tpu.memref_slice %arg8[%run_scoped3A_74, %dma_start3A_104] : memref<1x128xi32, #tpu.memory_space<vmem>> -> memref<1x128xi32, #tpu.memory_space<vmem>>
        %dma_start3A_106 = tpu.memref_squeeze %dma_start3A_105 : memref<1x128xi32, #tpu.memory_space<vmem>> -> memref<128xi32, #tpu.memory_space<vmem>>
        %dma_start3A_107 = arith.constant 0 : i32
        %dma_start3A_108 = tpu.memref_slice %arg4[%add3A, %add3A_73, %dma_start3A_107] : memref<32x82x128xi32, #tpu.memory_space<hbm>> -> memref<1x1x128xi32, #tpu.memory_space<hbm>>
        %dma_start3A_109 = tpu.memref_squeeze %dma_start3A_108 : memref<1x1x128xi32, #tpu.memory_space<hbm>> -> memref<128xi32, #tpu.memory_space<hbm>>
        %dma_start3A_110 = arith.constant 0 : i32
        %dma_start3A_111 = tpu.memref_slice %arg8[%run_scoped3A_74, %dma_start3A_110] : memref<1x128xi32, #tpu.memory_space<vmem>> -> memref<1x128xi32, #tpu.memory_space<vmem>>
        %dma_start3A_112 = tpu.memref_squeeze %dma_start3A_111 : memref<1x128xi32, #tpu.memory_space<vmem>> -> memref<128xi32, #tpu.memory_space<vmem>>
        %dma_start3A_113 = arith.constant 0 : i32
        %dma_start3A_114 = tpu.memref_slice %arg4[%add3A, %add3A_73, %dma_start3A_113] : memref<32x82x128xi32, #tpu.memory_space<hbm>> -> memref<1x1x128xi32, #tpu.memory_space<hbm>>
        %dma_start3A_115 = tpu.memref_squeeze %dma_start3A_114 : memref<1x1x128xi32, #tpu.memory_space<hbm>> -> memref<128xi32, #tpu.memory_space<hbm>>
        tpu.enqueue_dma source(%dma_start3A_115 : memref<128xi32, #tpu.memory_space<hbm>>) target(%dma_start3A_112 : memref<128xi32, #tpu.memory_space<vmem>>) target_semaphore(%run_scoped3A_103 : memref<!tpu.dma_semaphore, #tpu.memory_space<semaphore_mem>>)
        %dma_wait3A_116 = arith.constant 0 : i32
        %dma_wait3A_117 = tpu.memref_slice %arg8[%run_scoped3A_74, %dma_wait3A_116] : memref<1x128xi32, #tpu.memory_space<vmem>> -> memref<1x128xi32, #tpu.memory_space<vmem>>
        %dma_wait3A_118 = tpu.memref_squeeze %dma_wait3A_117 : memref<1x128xi32, #tpu.memory_space<vmem>> -> memref<128xi32, #tpu.memory_space<vmem>>
        %dma_wait3A_119 = arith.constant 0 : i32
        %dma_wait3A_120 = tpu.memref_slice %arg4[%add3A, %add3A_73, %dma_wait3A_119] : memref<32x82x128xi32, #tpu.memory_space<hbm>> -> memref<1x1x128xi32, #tpu.memory_space<hbm>>
        %dma_wait3A_121 = tpu.memref_squeeze %dma_wait3A_120 : memref<1x1x128xi32, #tpu.memory_space<hbm>> -> memref<128xi32, #tpu.memory_space<hbm>>
        %dma_wait3A_122 = arith.constant 0 : i32
        %dma_wait3A_123 = tpu.memref_slice %arg8[%run_scoped3A_74, %dma_wait3A_122] : memref<1x128xi32, #tpu.memory_space<vmem>> -> memref<1x128xi32, #tpu.memory_space<vmem>>
        %dma_wait3A_124 = tpu.memref_squeeze %dma_wait3A_123 : memref<1x128xi32, #tpu.memory_space<vmem>> -> memref<128xi32, #tpu.memory_space<vmem>>
        %dma_wait3A_125 = arith.constant 0 : i32
        %dma_wait3A_126 = tpu.memref_slice %arg4[%add3A, %add3A_73, %dma_wait3A_125] : memref<32x82x128xi32, #tpu.memory_space<hbm>> -> memref<1x1x128xi32, #tpu.memory_space<hbm>>
        %dma_wait3A_127 = tpu.memref_squeeze %dma_wait3A_126 : memref<1x1x128xi32, #tpu.memory_space<hbm>> -> memref<128xi32, #tpu.memory_space<hbm>>
        tpu.wait_dma2 semaphore(%run_scoped3A_103 : memref<!tpu.dma_semaphore, #tpu.memory_space<semaphore_mem>>) src(%dma_wait3A_127 : memref<128xi32, #tpu.memory_space<hbm>>) dst(%dma_wait3A_124 : memref<128xi32, #tpu.memory_space<vmem>>)
        tpu.yield
      }) : () -> ()
      %dma_start3A_75 = arith.constant 0 : i32
      %dma_start3A_76 = arith.constant 0 : i32
      %dma_start3A_77 = tpu.memref_slice %arg7[%dma_start3A_75, %dma_start3A_76] : memref<1x128xi32, #tpu.memory_space<vmem>> -> memref<1x128xi32, #tpu.memory_space<vmem>>
      %dma_start3A_78 = tpu.memref_squeeze %dma_start3A_77 : memref<1x128xi32, #tpu.memory_space<vmem>> -> memref<128xi32, #tpu.memory_space<vmem>>
      %dma_start3A_79 = arith.constant 0 : i32
      %dma_start3A_80 = arith.constant 0 : i32
      %dma_start3A_81 = tpu.memref_slice %arg2[%dma_start3A_79, %dma_start3A_80] : memref<10240x128xf32, #tpu.memory_space<hbm>> -> memref<10240x128xf32, #tpu.memory_space<hbm>>
      tpu.enqueue_indirect_dma source(%dma_start3A_81 : memref<10240x128xf32, #tpu.memory_space<hbm>>) target(%arg11 : memref<128x128xf32, #tpu.memory_space<vmem>>) offsets(%dma_start3A_78 : memref<128xi32, #tpu.memory_space<vmem>>) semaphore(%arg13 : memref<!tpu.dma_semaphore, #tpu.memory_space<semaphore_mem>>)
      %dma_wait3A_82 = arith.constant 0 : i32
      %dma_wait3A_83 = arith.constant 0 : i32
      %dma_wait3A_84 = tpu.memref_slice %arg9[%dma_wait3A_82, %dma_wait3A_83] : memref<1x128xi32, #tpu.memory_space<vmem>> -> memref<1x128xi32, #tpu.memory_space<vmem>>
      %dma_wait3A_85 = tpu.memref_squeeze %dma_wait3A_84 : memref<1x128xi32, #tpu.memory_space<vmem>> -> memref<128xi32, #tpu.memory_space<vmem>>
      %dma_wait3A_86 = arith.constant 0 : i32
      %dma_wait3A_87 = arith.constant 0 : i32
      %dma_wait3A_88 = tpu.memref_slice %arg2[%dma_wait3A_86, %dma_wait3A_87] : memref<10240x128xf32, #tpu.memory_space<hbm>> -> memref<10240x128xf32, #tpu.memory_space<hbm>>
      tpu.wait_indirect_dma semaphore(%arg15 : memref<!tpu.dma_semaphore, #tpu.memory_space<semaphore_mem>>) src(%dma_wait3A_88 : memref<10240x128xf32, #tpu.memory_space<hbm>>) dst(%arg12 : memref<128x128xf32, #tpu.memory_space<vmem>>)
      %run_scoped3A_89 = arith.constant 0 : i32
      "tpu.region"() ({
        %run_scoped3A_103 = tpu.sem_alloc : memref<!tpu.dma_semaphore, #tpu.memory_space<semaphore_mem>>
        %dma_start3A_104 = arith.constant 0 : i32
        %dma_start3A_105 = tpu.memref_slice %arg10[%run_scoped3A_89, %dma_start3A_104] : memref<1x128xi32, #tpu.memory_space<vmem>> -> memref<1x128xi32, #tpu.memory_space<vmem>>
        %dma_start3A_106 = tpu.memref_squeeze %dma_start3A_105 : memref<1x128xi32, #tpu.memory_space<vmem>> -> memref<128xi32, #tpu.memory_space<vmem>>
        %dma_start3A_107 = arith.constant 0 : i32
        %dma_start3A_108 = arith.constant 0 : i32
        %dma_start3A_109 = tpu.memref_slice %arg6[%dma_start3A_107, %dma_start3A_108] : memref<10240x128xf32, #tpu.memory_space<vmem_shared>> -> memref<10240x128xf32, #tpu.memory_space<vmem_shared>>
        tpu.enqueue_indirect_dma source(%arg12 : memref<128x128xf32, #tpu.memory_space<vmem>>) target(%dma_start3A_109 : memref<10240x128xf32, #tpu.memory_space<vmem_shared>>) offsets(%dma_start3A_106 : memref<128xi32, #tpu.memory_space<vmem>>) semaphore(%run_scoped3A_103 : memref<!tpu.dma_semaphore, #tpu.memory_space<semaphore_mem>>) {add = true}
        %dma_wait3A_110 = arith.constant 0 : i32
        %dma_wait3A_111 = tpu.memref_slice %arg10[%run_scoped3A_89, %dma_wait3A_110] : memref<1x128xi32, #tpu.memory_space<vmem>> -> memref<1x128xi32, #tpu.memory_space<vmem>>
        %dma_wait3A_112 = tpu.memref_squeeze %dma_wait3A_111 : memref<1x128xi32, #tpu.memory_space<vmem>> -> memref<128xi32, #tpu.memory_space<vmem>>
        %dma_wait3A_113 = arith.constant 0 : i32
        %dma_wait3A_114 = arith.constant 0 : i32
        %dma_wait3A_115 = tpu.memref_slice %arg6[%dma_wait3A_113, %dma_wait3A_114] : memref<10240x128xf32, #tpu.memory_space<vmem_shared>> -> memref<10240x128xf32, #tpu.memory_space<vmem_shared>>
        tpu.wait_indirect_dma semaphore(%run_scoped3A_103 : memref<!tpu.dma_semaphore, #tpu.memory_space<semaphore_mem>>) src(%arg12 : memref<128x128xf32, #tpu.memory_space<vmem>>) dst(%dma_wait3A_115 : memref<10240x128xf32, #tpu.memory_space<vmem_shared>>)
        tpu.yield
      }) : () -> ()
      %add3A_90 = arith.constant 3 : i32
      %add3A_91 = arith.addi %mul3A_60, %add3A_90 : i32
      %run_scoped3A_92 = arith.constant 0 : i32
      "tpu.region"() ({
        %run_scoped3A_103 = tpu.sem_alloc : memref<!tpu.dma_semaphore, #tpu.memory_space<semaphore_mem>>
        %dma_start3A_104 = arith.constant 0 : i32
        %dma_start3A_105 = tpu.memref_slice %arg9[%run_scoped3A_92, %dma_start3A_104] : memref<1x128xi32, #tpu.memory_space<vmem>> -> memref<1x128xi32, #tpu.memory_space<vmem>>
        %dma_start3A_106 = tpu.memref_squeeze %dma_start3A_105 : memref<1x128xi32, #tpu.memory_space<vmem>> -> memref<128xi32, #tpu.memory_space<vmem>>
        %dma_start3A_107 = arith.constant 0 : i32
        %dma_start3A_108 = tpu.memref_slice %arg3[%add3A, %add3A_91, %dma_start3A_107] : memref<32x82x128xi32, #tpu.memory_space<hbm>> -> memref<1x1x128xi32, #tpu.memory_space<hbm>>
        %dma_start3A_109 = tpu.memref_squeeze %dma_start3A_108 : memref<1x1x128xi32, #tpu.memory_space<hbm>> -> memref<128xi32, #tpu.memory_space<hbm>>
        %dma_start3A_110 = arith.constant 0 : i32
        %dma_start3A_111 = tpu.memref_slice %arg9[%run_scoped3A_92, %dma_start3A_110] : memref<1x128xi32, #tpu.memory_space<vmem>> -> memref<1x128xi32, #tpu.memory_space<vmem>>
        %dma_start3A_112 = tpu.memref_squeeze %dma_start3A_111 : memref<1x128xi32, #tpu.memory_space<vmem>> -> memref<128xi32, #tpu.memory_space<vmem>>
        %dma_start3A_113 = arith.constant 0 : i32
        %dma_start3A_114 = tpu.memref_slice %arg3[%add3A, %add3A_91, %dma_start3A_113] : memref<32x82x128xi32, #tpu.memory_space<hbm>> -> memref<1x1x128xi32, #tpu.memory_space<hbm>>
        %dma_start3A_115 = tpu.memref_squeeze %dma_start3A_114 : memref<1x1x128xi32, #tpu.memory_space<hbm>> -> memref<128xi32, #tpu.memory_space<hbm>>
        tpu.enqueue_dma source(%dma_start3A_115 : memref<128xi32, #tpu.memory_space<hbm>>) target(%dma_start3A_112 : memref<128xi32, #tpu.memory_space<vmem>>) target_semaphore(%run_scoped3A_103 : memref<!tpu.dma_semaphore, #tpu.memory_space<semaphore_mem>>)
        %dma_wait3A_116 = arith.constant 0 : i32
        %dma_wait3A_117 = tpu.memref_slice %arg9[%run_scoped3A_92, %dma_wait3A_116] : memref<1x128xi32, #tpu.memory_space<vmem>> -> memref<1x128xi32, #tpu.memory_space<vmem>>
        %dma_wait3A_118 = tpu.memref_squeeze %dma_wait3A_117 : memref<1x128xi32, #tpu.memory_space<vmem>> -> memref<128xi32, #tpu.memory_space<vmem>>
        %dma_wait3A_119 = arith.constant 0 : i32
        %dma_wait3A_120 = tpu.memref_slice %arg3[%add3A, %add3A_91, %dma_wait3A_119] : memref<32x82x128xi32, #tpu.memory_space<hbm>> -> memref<1x1x128xi32, #tpu.memory_space<hbm>>
        %dma_wait3A_121 = tpu.memref_squeeze %dma_wait3A_120 : memref<1x1x128xi32, #tpu.memory_space<hbm>> -> memref<128xi32, #tpu.memory_space<hbm>>
        %dma_wait3A_122 = arith.constant 0 : i32
        %dma_wait3A_123 = tpu.memref_slice %arg9[%run_scoped3A_92, %dma_wait3A_122] : memref<1x128xi32, #tpu.memory_space<vmem>> -> memref<1x128xi32, #tpu.memory_space<vmem>>
        %dma_wait3A_124 = tpu.memref_squeeze %dma_wait3A_123 : memref<1x128xi32, #tpu.memory_space<vmem>> -> memref<128xi32, #tpu.memory_space<vmem>>
        %dma_wait3A_125 = arith.constant 0 : i32
        %dma_wait3A_126 = tpu.memref_slice %arg3[%add3A, %add3A_91, %dma_wait3A_125] : memref<32x82x128xi32, #tpu.memory_space<hbm>> -> memref<1x1x128xi32, #tpu.memory_space<hbm>>
        %dma_wait3A_127 = tpu.memref_squeeze %dma_wait3A_126 : memref<1x1x128xi32, #tpu.memory_space<hbm>> -> memref<128xi32, #tpu.memory_space<hbm>>
        tpu.wait_dma2 semaphore(%run_scoped3A_103 : memref<!tpu.dma_semaphore, #tpu.memory_space<semaphore_mem>>) src(%dma_wait3A_127 : memref<128xi32, #tpu.memory_space<hbm>>) dst(%dma_wait3A_124 : memref<128xi32, #tpu.memory_space<vmem>>)
        tpu.yield
      }) : () -> ()
      %add3A_93 = arith.constant 3 : i32
      %add3A_94 = arith.addi %mul3A_60, %add3A_93 : i32
      %run_scoped3A_95 = arith.constant 0 : i32
      "tpu.region"() ({
        %run_scoped3A_103 = tpu.sem_alloc : memref<!tpu.dma_semaphore, #tpu.memory_space<semaphore_mem>>
        %dma_start3A_104 = arith.constant 0 : i32
        %dma_start3A_105 = tpu.memref_slice %arg10[%run_scoped3A_95, %dma_start3A_104] : memref<1x128xi32, #tpu.memory_space<vmem>> -> memref<1x128xi32, #tpu.memory_space<vmem>>
        %dma_start3A_106 = tpu.memref_squeeze %dma_start3A_105 : memref<1x128xi32, #tpu.memory_space<vmem>> -> memref<128xi32, #tpu.memory_space<vmem>>
        %dma_start3A_107 = arith.constant 0 : i32
        %dma_start3A_108 = tpu.memref_slice %arg4[%add3A, %add3A_94, %dma_start3A_107] : memref<32x82x128xi32, #tpu.memory_space<hbm>> -> memref<1x1x128xi32, #tpu.memory_space<hbm>>
        %dma_start3A_109 = tpu.memref_squeeze %dma_start3A_108 : memref<1x1x128xi32, #tpu.memory_space<hbm>> -> memref<128xi32, #tpu.memory_space<hbm>>
        %dma_start3A_110 = arith.constant 0 : i32
        %dma_start3A_111 = tpu.memref_slice %arg10[%run_scoped3A_95, %dma_start3A_110] : memref<1x128xi32, #tpu.memory_space<vmem>> -> memref<1x128xi32, #tpu.memory_space<vmem>>
        %dma_start3A_112 = tpu.memref_squeeze %dma_start3A_111 : memref<1x128xi32, #tpu.memory_space<vmem>> -> memref<128xi32, #tpu.memory_space<vmem>>
        %dma_start3A_113 = arith.constant 0 : i32
        %dma_start3A_114 = tpu.memref_slice %arg4[%add3A, %add3A_94, %dma_start3A_113] : memref<32x82x128xi32, #tpu.memory_space<hbm>> -> memref<1x1x128xi32, #tpu.memory_space<hbm>>
        %dma_start3A_115 = tpu.memref_squeeze %dma_start3A_114 : memref<1x1x128xi32, #tpu.memory_space<hbm>> -> memref<128xi32, #tpu.memory_space<hbm>>
        tpu.enqueue_dma source(%dma_start3A_115 : memref<128xi32, #tpu.memory_space<hbm>>) target(%dma_start3A_112 : memref<128xi32, #tpu.memory_space<vmem>>) target_semaphore(%run_scoped3A_103 : memref<!tpu.dma_semaphore, #tpu.memory_space<semaphore_mem>>)
        %dma_wait3A_116 = arith.constant 0 : i32
        %dma_wait3A_117 = tpu.memref_slice %arg10[%run_scoped3A_95, %dma_wait3A_116] : memref<1x128xi32, #tpu.memory_space<vmem>> -> memref<1x128xi32, #tpu.memory_space<vmem>>
        %dma_wait3A_118 = tpu.memref_squeeze %dma_wait3A_117 : memref<1x128xi32, #tpu.memory_space<vmem>> -> memref<128xi32, #tpu.memory_space<vmem>>
        %dma_wait3A_119 = arith.constant 0 : i32
        %dma_wait3A_120 = tpu.memref_slice %arg4[%add3A, %add3A_94, %dma_wait3A_119] : memref<32x82x128xi32, #tpu.memory_space<hbm>> -> memref<1x1x128xi32, #tpu.memory_space<hbm>>
        %dma_wait3A_121 = tpu.memref_squeeze %dma_wait3A_120 : memref<1x1x128xi32, #tpu.memory_space<hbm>> -> memref<128xi32, #tpu.memory_space<hbm>>
        %dma_wait3A_122 = arith.constant 0 : i32
        %dma_wait3A_123 = tpu.memref_slice %arg10[%run_scoped3A_95, %dma_wait3A_122] : memref<1x128xi32, #tpu.memory_space<vmem>> -> memref<1x128xi32, #tpu.memory_space<vmem>>
        %dma_wait3A_124 = tpu.memref_squeeze %dma_wait3A_123 : memref<1x128xi32, #tpu.memory_space<vmem>> -> memref<128xi32, #tpu.memory_space<vmem>>
        %dma_wait3A_125 = arith.constant 0 : i32
        %dma_wait3A_126 = tpu.memref_slice %arg4[%add3A, %add3A_94, %dma_wait3A_125] : memref<32x82x128xi32, #tpu.memory_space<hbm>> -> memref<1x1x128xi32, #tpu.memory_space<hbm>>
        %dma_wait3A_127 = tpu.memref_squeeze %dma_wait3A_126 : memref<1x1x128xi32, #tpu.memory_space<hbm>> -> memref<128xi32, #tpu.memory_space<hbm>>
        tpu.wait_dma2 semaphore(%run_scoped3A_103 : memref<!tpu.dma_semaphore, #tpu.memory_space<semaphore_mem>>) src(%dma_wait3A_127 : memref<128xi32, #tpu.memory_space<hbm>>) dst(%dma_wait3A_124 : memref<128xi32, #tpu.memory_space<vmem>>)
        tpu.yield
      }) : () -> ()
      %dma_start3A_96 = arith.constant 0 : i32
      %dma_start3A_97 = arith.constant 0 : i32
      %dma_start3A_98 = tpu.memref_slice %arg9[%dma_start3A_96, %dma_start3A_97] : memref<1x128xi32, #tpu.memory_space<vmem>> -> memref<1x128xi32, #tpu.memory_space<vmem>>
      %dma_start3A_99 = tpu.memref_squeeze %dma_start3A_98 : memref<1x128xi32, #tpu.memory_space<vmem>> -> memref<128xi32, #tpu.memory_space<vmem>>
      %dma_start3A_100 = arith.constant 0 : i32
      %dma_start3A_101 = arith.constant 0 : i32
      %dma_start3A_102 = tpu.memref_slice %arg2[%dma_start3A_100, %dma_start3A_101] : memref<10240x128xf32, #tpu.memory_space<hbm>> -> memref<10240x128xf32, #tpu.memory_space<hbm>>
      tpu.enqueue_indirect_dma source(%dma_start3A_102 : memref<10240x128xf32, #tpu.memory_space<hbm>>) target(%arg12 : memref<128x128xf32, #tpu.memory_space<vmem>>) offsets(%dma_start3A_99 : memref<128xi32, #tpu.memory_space<vmem>>) semaphore(%arg15 : memref<!tpu.dma_semaphore, #tpu.memory_space<semaphore_mem>>)
    }
    %scan3A_35 = arith.constant 40 : i32
    %dma_wait3A = arith.constant 0 : i32
    %dma_wait3A_36 = arith.constant 0 : i32
    %dma_wait3A_37 = tpu.memref_slice %arg7[%dma_wait3A, %dma_wait3A_36] : memref<1x128xi32, #tpu.memory_space<vmem>> -> memref<1x128xi32, #tpu.memory_space<vmem>>
    %dma_wait3A_38 = tpu.memref_squeeze %dma_wait3A_37 : memref<1x128xi32, #tpu.memory_space<vmem>> -> memref<128xi32, #tpu.memory_space<vmem>>
    %dma_wait3A_39 = arith.constant 0 : i32
    %dma_wait3A_40 = arith.constant 0 : i32
    %dma_wait3A_41 = tpu.memref_slice %arg2[%dma_wait3A_39, %dma_wait3A_40] : memref<10240x128xf32, #tpu.memory_space<hbm>> -> memref<10240x128xf32, #tpu.memory_space<hbm>>
    tpu.wait_indirect_dma semaphore(%arg13 : memref<!tpu.dma_semaphore, #tpu.memory_space<semaphore_mem>>) src(%dma_wait3A_41 : memref<10240x128xf32, #tpu.memory_space<hbm>>) dst(%arg11 : memref<128x128xf32, #tpu.memory_space<vmem>>)
    %dma_wait3A_42 = arith.constant 0 : i32
    %dma_wait3A_43 = arith.constant 0 : i32
    %dma_wait3A_44 = tpu.memref_slice %arg9[%dma_wait3A_42, %dma_wait3A_43] : memref<1x128xi32, #tpu.memory_space<vmem>> -> memref<1x128xi32, #tpu.memory_space<vmem>>
    %dma_wait3A_45 = tpu.memref_squeeze %dma_wait3A_44 : memref<1x128xi32, #tpu.memory_space<vmem>> -> memref<128xi32, #tpu.memory_space<vmem>>
    %dma_wait3A_46 = arith.constant 0 : i32
    %dma_wait3A_47 = arith.constant 0 : i32
    %dma_wait3A_48 = tpu.memref_slice %arg2[%dma_wait3A_46, %dma_wait3A_47] : memref<10240x128xf32, #tpu.memory_space<hbm>> -> memref<10240x128xf32, #tpu.memory_space<hbm>>
    tpu.wait_indirect_dma semaphore(%arg15 : memref<!tpu.dma_semaphore, #tpu.memory_space<semaphore_mem>>) src(%dma_wait3A_48 : memref<10240x128xf32, #tpu.memory_space<hbm>>) dst(%arg12 : memref<128x128xf32, #tpu.memory_space<vmem>>)
    %barrier3A_49 = arith.constant 0 : index
    tpu.barrier barrier_id(%barrier3A_49)
    %mul3A_50 = arith.constant 640 : i32
    %mul3A_51 = arith.muli %arg1, %mul3A_50 : i32
    %mul3A_52 = arith.constant 640 : i32
    %mul3A_53 = arith.muli %arg1, %mul3A_52 : i32
    "tpu.region"() ({
      %run_scoped3A_54 = tpu.sem_alloc : memref<!tpu.dma_semaphore, #tpu.memory_space<semaphore_mem>>
      %dma_start3A_55 = arith.constant 0 : i32
      %dma_start3A_56 = tpu.memref_slice %arg5[%arg0, %mul3A_53, %dma_start3A_55] : memref<2x10240x128xf32, #tpu.memory_space<hbm>> -> memref<1x640x128xf32, #tpu.memory_space<hbm>>
      %dma_start3A_57 = tpu.memref_squeeze %dma_start3A_56 : memref<1x640x128xf32, #tpu.memory_space<hbm>> -> memref<640x128xf32, #tpu.memory_space<hbm>>
      %dma_start3A_58 = arith.constant 0 : i32
      %dma_start3A_59 = tpu.memref_slice %arg6[%mul3A_51, %dma_start3A_58] : memref<10240x128xf32, #tpu.memory_space<vmem_shared>> -> memref<640x128xf32, #tpu.memory_space<vmem_shared>>
      tpu.enqueue_dma source(%dma_start3A_59 : memref<640x128xf32, #tpu.memory_space<vmem_shared>>) target(%dma_start3A_57 : memref<640x128xf32, #tpu.memory_space<hbm>>) target_semaphore(%run_scoped3A_54 : memref<!tpu.dma_semaphore, #tpu.memory_space<semaphore_mem>>)
      %dma_wait3A_60 = arith.constant 0 : i32
      %dma_wait3A_61 = tpu.memref_slice %arg5[%arg0, %mul3A_53, %dma_wait3A_60] : memref<2x10240x128xf32, #tpu.memory_space<hbm>> -> memref<1x640x128xf32, #tpu.memory_space<hbm>>
      %dma_wait3A_62 = tpu.memref_squeeze %dma_wait3A_61 : memref<1x640x128xf32, #tpu.memory_space<hbm>> -> memref<640x128xf32, #tpu.memory_space<hbm>>
      %dma_wait3A_63 = arith.constant 0 : i32
      %dma_wait3A_64 = tpu.memref_slice %arg6[%mul3A_51, %dma_wait3A_63] : memref<10240x128xf32, #tpu.memory_space<vmem_shared>> -> memref<640x128xf32, #tpu.memory_space<vmem_shared>>
      tpu.wait_dma2 semaphore(%run_scoped3A_54 : memref<!tpu.dma_semaphore, #tpu.memory_space<semaphore_mem>>) src(%dma_wait3A_64 : memref<640x128xf32, #tpu.memory_space<vmem_shared>>) dst(%dma_wait3A_62 : memref<640x128xf32, #tpu.memory_space<hbm>>)
      tpu.yield
    }) : () -> ()
    return
  }
}

module attributes {stable_mosaic.version = 14 : i64} {
  func.func @_combine_node_mm_body(%arg0: i32, %arg1: memref<2x512x128xf32, #tpu.memory_space<vmem>>, %arg2: memref<512xf32, #tpu.memory_space<vmem>>, %arg3: memref<1x128xf32, #tpu.memory_space<vmem>>, %arg4: memref<128x128xf32, #tpu.memory_space<vmem>>, %arg5: memref<512x128xf32, #tpu.memory_space<vmem>>) attributes {dimension_semantics = [#tpu.dimension_semantics<arbitrary>], iteration_bounds = array<i64: 20>, scalar_prefetch = 0 : i64, scratch_operands = 0 : i64, tpu.core_type = #tpu.core_type<tc>, window_params = [{transform_indices = @transform_0, window_bounds = array<i64: 2, 512, 128>}, {transform_indices = @transform_1, window_bounds = array<i64: 512>}, {pipeline_mode = #tpu.pipeline_mode<synchronous>, transform_indices = @transform_2, window_bounds = array<i64: 1, 128>}, {pipeline_mode = #tpu.pipeline_mode<synchronous>, transform_indices = @transform_3, window_bounds = array<i64: 128, 128>}, {transform_indices = @transform_4, window_bounds = array<i64: 512, 128>}]} {
    %get3A = arith.constant 0 : index
    %get3A_0 = vector.load %arg2[%get3A] : memref<512xf32, #tpu.memory_space<vmem>>, vector<512xf32>
    %broadcast_in_dim3A = vector.shape_cast %get3A_0 : vector<512xf32> to vector<512x1xf32>
    %get3A_1 = arith.constant 0 : index
    %get3A_2 = arith.constant 0 : index
    %get3A_3 = arith.constant 0 : index
    %get3A_4 = vector.load %arg1[%get3A_1, %get3A_2, %get3A_3] : memref<2x512x128xf32, #tpu.memory_space<vmem>>, vector<1x512x128xf32>
    %get3A_5 = vector.shape_cast %get3A_4 : vector<1x512x128xf32> to vector<512x128xf32>
    %get3A_6 = arith.constant 1 : index
    %get3A_7 = arith.constant 0 : index
    %get3A_8 = arith.constant 0 : index
    %get3A_9 = vector.load %arg1[%get3A_6, %get3A_7, %get3A_8] : memref<2x512x128xf32, #tpu.memory_space<vmem>>, vector<1x512x128xf32>
    %get3A_10 = vector.shape_cast %get3A_9 : vector<1x512x128xf32> to vector<512x128xf32>
    %add3A = arith.addf %get3A_5, %get3A_10 : vector<512x128xf32>
    %mul3A = vector.broadcast %broadcast_in_dim3A : vector<512x1xf32> to vector<512x128xf32>
    %mul3A_11 = arith.mulf %mul3A, %add3A : vector<512x128xf32>
    %get3A_12 = arith.constant 0 : index
    %get3A_13 = arith.constant 0 : index
    %get3A_14 = vector.load %arg3[%get3A_12, %get3A_13] : memref<1x128xf32, #tpu.memory_space<vmem>>, vector<1x128xf32>
    %add3A_15 = vector.broadcast %get3A_14 : vector<1x128xf32> to vector<512x128xf32>
    %add3A_16 = arith.addf %mul3A_11, %add3A_15 : vector<512x128xf32>
    %max3A = arith.constant 0.000000e+00 : f32
    %max3A_17 = vector.broadcast %max3A : f32 to vector<512x128xf32>
    %max3A_18 = arith.maximumf %add3A_16, %max3A_17 : vector<512x128xf32>
    %mul3A_19 = arith.constant 512 : i32
    %mul3A_20 = arith.muli %arg0, %mul3A_19 : i32
    %iota3A = tpu.iota {dimensions = array<i32: 0>} : vector<512x1xi32>
    %add3A_21 = vector.broadcast %mul3A_20 : i32 to vector<512x1xi32>
    %add3A_22 = arith.addi %add3A_21, %iota3A : vector<512x1xi32>
    %lt3A = arith.constant 10000 : i32
    %lt3A_23 = vector.broadcast %lt3A : i32 to vector<512x1xi32>
    %lt3A_24 = arith.cmpi slt, %add3A_22, %lt3A_23 : vector<512x1xi32>
    %jit3A = arith.constant 0.000000e+00 : f32
    %broadcast_in_dim3A_25 = vector.shape_cast %lt3A_24 : vector<512x1xi1> to vector<512x1xi1>
    %broadcast_in_dim3A_26 = vector.broadcast %broadcast_in_dim3A_25 : vector<512x1xi1> to vector<512x128xi1>
    %broadcast_in_dim3A_27 = vector.broadcast %jit3A : f32 to vector<512x128xf32>
    %select_n3A = arith.select %broadcast_in_dim3A_26, %max3A_18, %broadcast_in_dim3A_27 : vector<512x128xi1>, vector<512x128xf32>
    %get3A_28 = arith.constant 0 : index
    %get3A_29 = arith.constant 0 : index
    %get3A_30 = vector.load %arg4[%get3A_28, %get3A_29] : memref<128x128xf32, #tpu.memory_space<vmem>>, vector<128x128xf32>
    %dot_general3A = arith.constant dense<0.000000e+00> : vector<512x128xf32>
    %dot_general3A_31 = tpu.matmul %select_n3A, %get3A_30, %dot_general3A {dimension_numbers = #tpu.dot_dimension_numbers<[1], [0], [0], [1], [0, 0, 1, 1], [], []>, transpose_lhs_hint = false} : vector<512x128xf32>, vector<128x128xf32>, vector<512x128xf32> -> vector<512x128xf32>
    %swap3A = arith.constant 0 : index
    %swap3A_32 = arith.constant 0 : index
    %swap3A_33 = vector.load %arg5[%swap3A, %swap3A_32] : memref<512x128xf32, #tpu.memory_space<vmem>>, vector<512x128xf32>
    tpu.vector_store %arg5[%swap3A, %swap3A_32], %dot_general3A_31 {strides = array<i32>} : memref<512x128xf32, #tpu.memory_space<vmem>>, vector<512x128xf32>,
    return
  }
  func.func @transform_0(%arg0: i32) -> (i32, i32, i32) {
    %c0_i32 = arith.constant 0 : i32
    %c0_i32_0 = arith.constant 0 : i32
    %c0_i32_1 = arith.constant 0 : i32
    return %c0_i32, %arg0, %c0_i32_0 : i32, i32, i32
  }
  func.func @transform_1(%arg0: i32) -> i32 {
    %c0_i32 = arith.constant 0 : i32
    return %arg0 : i32
  }
  func.func @transform_2(%arg0: i32) -> (i32, i32) {
    %c0_i32 = arith.constant 0 : i32
    %c0_i32_0 = arith.constant 0 : i32
    %c0_i32_1 = arith.constant 0 : i32
    return %c0_i32, %c0_i32_0 : i32, i32
  }
  func.func @transform_3(%arg0: i32) -> (i32, i32) {
    %c0_i32 = arith.constant 0 : i32
    %c0_i32_0 = arith.constant 0 : i32
    %c0_i32_1 = arith.constant 0 : i32
    return %c0_i32, %c0_i32_0 : i32, i32
  }
  func.func @transform_4(%arg0: i32) -> (i32, i32) {
    %c0_i32 = arith.constant 0 : i32
    %c0_i32_0 = arith.constant 0 : i32
    return %arg0, %c0_i32 : i32, i32
  }
}

module attributes {stable_mosaic.version = 14 : i64} {
  func.func @_combine_edge_body(%arg0: i32, %arg1: memref<2x512x128xf32, #tpu.memory_space<vmem>>, %arg2: memref<32x512xf32, #tpu.memory_space<vmem>>, %arg3: memref<32x512xf32, #tpu.memory_space<vmem>>, %arg4: memref<512x128xf32, #tpu.memory_space<vmem>>, %arg5: memref<512xf32, #tpu.memory_space<vmem>>, %arg6: memref<512xf32, #tpu.memory_space<vmem>>) attributes {dimension_semantics = [#tpu.dimension_semantics<arbitrary>], iteration_bounds = array<i64: 20>, scalar_prefetch = 0 : i64, scratch_operands = 0 : i64, tpu.core_type = #tpu.core_type<tc>, window_params = [{transform_indices = @transform_0, window_bounds = array<i64: 2, 512, 128>}, {transform_indices = @transform_1, window_bounds = array<i64: 32, 512>}, {transform_indices = @transform_2, window_bounds = array<i64: 32, 512>}, {transform_indices = @transform_3, window_bounds = array<i64: 512, 128>}, {transform_indices = @transform_4, window_bounds = array<i64: 512>}, {transform_indices = @transform_5, window_bounds = array<i64: 512>}]} {
    %get3A = arith.constant 0 : index
    %get3A_0 = arith.constant 0 : index
    %get3A_1 = vector.load %arg2[%get3A, %get3A_0] : memref<32x512xf32, #tpu.memory_space<vmem>>, vector<32x512xf32>
    %reduce_sum3A = arith.constant dense<0.000000e+00> : vector<512xf32>
    %reduce_sum3A_2 = vector.multi_reduction <add>, %get3A_1, %reduce_sum3A [0] : vector<32x512xf32> to vector<512xf32>
    %gt3A = arith.constant 0.000000e+00 : f32
    %gt3A_3 = vector.broadcast %gt3A : f32 to vector<512xf32>
    %gt3A_4 = arith.cmpf ogt, %reduce_sum3A_2, %gt3A_3 : vector<512xf32>
    %div3A = arith.constant 1.000000e+00 : f32
    %div3A_5 = vector.broadcast %div3A : f32 to vector<512xf32>
    %div3A_6 = arith.divf %div3A_5, %reduce_sum3A_2 : vector<512xf32>
    %jit3A = arith.constant 0.000000e+00 : f32
    %broadcast_in_dim3A = vector.broadcast %jit3A : f32 to vector<512xf32>
    %select_n3A = arith.select %gt3A_4, %div3A_6, %broadcast_in_dim3A : vector<512xi1>, vector<512xf32>
    %swap3A = arith.constant 0 : index
    %swap3A_7 = vector.load %arg6[%swap3A] : memref<512xf32, #tpu.memory_space<vmem>>, vector<512xf32>
    tpu.vector_store %arg6[%swap3A], %select_n3A {strides = array<i32>} : memref<512xf32, #tpu.memory_space<vmem>>, vector<512xf32>,
    %get3A_8 = arith.constant 0 : index
    %get3A_9 = arith.constant 0 : index
    %get3A_10 = vector.load %arg3[%get3A_8, %get3A_9] : memref<32x512xf32, #tpu.memory_space<vmem>>, vector<32x512xf32>
    %reduce_sum3A_11 = arith.constant dense<0.000000e+00> : vector<512xf32>
    %reduce_sum3A_12 = vector.multi_reduction <add>, %get3A_10, %reduce_sum3A_11 [0] : vector<32x512xf32> to vector<512xf32>
    %gt3A_13 = arith.constant 0.000000e+00 : f32
    %gt3A_14 = vector.broadcast %gt3A_13 : f32 to vector<512xf32>
    %gt3A_15 = arith.cmpf ogt, %reduce_sum3A_12, %gt3A_14 : vector<512xf32>
    %div3A_16 = arith.constant 1.000000e+00 : f32
    %div3A_17 = vector.broadcast %div3A_16 : f32 to vector<512xf32>
    %div3A_18 = arith.divf %div3A_17, %reduce_sum3A_12 : vector<512xf32>
    %jit3A_19 = arith.constant 0.000000e+00 : f32
    %broadcast_in_dim3A_20 = vector.broadcast %jit3A_19 : f32 to vector<512xf32>
    %select_n3A_21 = arith.select %gt3A_15, %div3A_18, %broadcast_in_dim3A_20 : vector<512xi1>, vector<512xf32>
    %swap3A_22 = arith.constant 0 : index
    %swap3A_23 = vector.load %arg5[%swap3A_22] : memref<512xf32, #tpu.memory_space<vmem>>, vector<512xf32>
    tpu.vector_store %arg5[%swap3A_22], %select_n3A_21 {strides = array<i32>} : memref<512xf32, #tpu.memory_space<vmem>>, vector<512xf32>,
    %broadcast_in_dim3A_24 = vector.shape_cast %select_n3A : vector<512xf32> to vector<512x1xf32>
    %get3A_25 = arith.constant 0 : index
    %get3A_26 = arith.constant 0 : index
    %get3A_27 = arith.constant 0 : index
    %get3A_28 = vector.load %arg1[%get3A_25, %get3A_26, %get3A_27] : memref<2x512x128xf32, #tpu.memory_space<vmem>>, vector<1x512x128xf32>
    %get3A_29 = vector.shape_cast %get3A_28 : vector<1x512x128xf32> to vector<512x128xf32>
    %get3A_30 = arith.constant 1 : index
    %get3A_31 = arith.constant 0 : index
    %get3A_32 = arith.constant 0 : index
    %get3A_33 = vector.load %arg1[%get3A_30, %get3A_31, %get3A_32] : memref<2x512x128xf32, #tpu.memory_space<vmem>>, vector<1x512x128xf32>
    %get3A_34 = vector.shape_cast %get3A_33 : vector<1x512x128xf32> to vector<512x128xf32>
    %add3A = arith.addf %get3A_29, %get3A_34 : vector<512x128xf32>
    %mul3A = vector.broadcast %broadcast_in_dim3A_24 : vector<512x1xf32> to vector<512x128xf32>
    %mul3A_35 = arith.mulf %mul3A, %add3A : vector<512x128xf32>
    %swap3A_36 = arith.constant 0 : index
    %swap3A_37 = arith.constant 0 : index
    %swap3A_38 = vector.load %arg4[%swap3A_36, %swap3A_37] : memref<512x128xf32, #tpu.memory_space<vmem>>, vector<512x128xf32>
    tpu.vector_store %arg4[%swap3A_36, %swap3A_37], %mul3A_35 {strides = array<i32>} : memref<512x128xf32, #tpu.memory_space<vmem>>, vector<512x128xf32>,
    return
  }
  func.func @transform_0(%arg0: i32) -> (i32, i32, i32) {
    %c0_i32 = arith.constant 0 : i32
    %c0_i32_0 = arith.constant 0 : i32
    %c0_i32_1 = arith.constant 0 : i32
    return %c0_i32, %arg0, %c0_i32_0 : i32, i32, i32
  }
  func.func @transform_1(%arg0: i32) -> (i32, i32) {
    %c0_i32 = arith.constant 0 : i32
    %c0_i32_0 = arith.constant 0 : i32
    return %c0_i32, %arg0 : i32, i32
  }
  func.func @transform_2(%arg0: i32) -> (i32, i32) {
    %c0_i32 = arith.constant 0 : i32
    %c0_i32_0 = arith.constant 0 : i32
    return %c0_i32, %arg0 : i32, i32
  }
  func.func @transform_3(%arg0: i32) -> (i32, i32) {
    %c0_i32 = arith.constant 0 : i32
    %c0_i32_0 = arith.constant 0 : i32
    return %arg0, %c0_i32 : i32, i32
  }
  func.func @transform_4(%arg0: i32) -> i32 {
    %c0_i32 = arith.constant 0 : i32
    return %arg0 : i32
  }
  func.func @transform_5(%arg0: i32) -> i32 {
    %c0_i32 = arith.constant 0 : i32
    return %arg0 : i32
  }
}

module attributes {stable_mosaic.version = 14 : i64} {
  func.func @_mm_body(%arg0: i32, %arg1: memref<512x128xf32, #tpu.memory_space<vmem>>, %arg2: memref<128x128xf32, #tpu.memory_space<vmem>>, %arg3: memref<512x128xf32, #tpu.memory_space<vmem>>) attributes {dimension_semantics = [#tpu.dimension_semantics<arbitrary>], iteration_bounds = array<i64: 20>, scalar_prefetch = 0 : i64, scratch_operands = 0 : i64, tpu.core_type = #tpu.core_type<tc>, window_params = [{transform_indices = @transform_0, window_bounds = array<i64: 512, 128>}, {pipeline_mode = #tpu.pipeline_mode<synchronous>, transform_indices = @transform_1, window_bounds = array<i64: 128, 128>}, {transform_indices = @transform_2, window_bounds = array<i64: 512, 128>}]} {
    %get3A = arith.constant 0 : index
    %get3A_0 = arith.constant 0 : index
    %get3A_1 = vector.load %arg1[%get3A, %get3A_0] : memref<512x128xf32, #tpu.memory_space<vmem>>, vector<512x128xf32>
    %get3A_2 = arith.constant 0 : index
    %get3A_3 = arith.constant 0 : index
    %get3A_4 = vector.load %arg2[%get3A_2, %get3A_3] : memref<128x128xf32, #tpu.memory_space<vmem>>, vector<128x128xf32>
    %dot_general3A = arith.constant dense<0.000000e+00> : vector<512x128xf32>
    %dot_general3A_5 = tpu.matmul %get3A_1, %get3A_4, %dot_general3A {dimension_numbers = #tpu.dot_dimension_numbers<[1], [0], [0], [1], [0, 0, 1, 1], [], []>, transpose_lhs_hint = false} : vector<512x128xf32>, vector<128x128xf32>, vector<512x128xf32> -> vector<512x128xf32>
    %swap3A = arith.constant 0 : index
    %swap3A_6 = arith.constant 0 : index
    %swap3A_7 = vector.load %arg3[%swap3A, %swap3A_6] : memref<512x128xf32, #tpu.memory_space<vmem>>, vector<512x128xf32>
    tpu.vector_store %arg3[%swap3A, %swap3A_6], %dot_general3A_5 {strides = array<i32>} : memref<512x128xf32, #tpu.memory_space<vmem>>, vector<512x128xf32>,
    return
  }
  func.func @transform_0(%arg0: i32) -> (i32, i32) {
    %c0_i32 = arith.constant 0 : i32
    %c0_i32_0 = arith.constant 0 : i32
    return %arg0, %c0_i32 : i32, i32
  }
  func.func @transform_1(%arg0: i32) -> (i32, i32) {
    %c0_i32 = arith.constant 0 : i32
    %c0_i32_0 = arith.constant 0 : i32
    %c0_i32_1 = arith.constant 0 : i32
    return %c0_i32, %c0_i32_0 : i32, i32
  }
  func.func @transform_2(%arg0: i32) -> (i32, i32) {
    %c0_i32 = arith.constant 0 : i32
    %c0_i32_0 = arith.constant 0 : i32
    return %arg0, %c0_i32 : i32, i32
  }
}

module attributes {stable_mosaic.version = 14 : i64} {
  func.func @_combine_edge2_body(%arg0: i32, %arg1: memref<2x512x128xf32, #tpu.memory_space<vmem>>, %arg2: memref<512xf32, #tpu.memory_space<vmem>>, %arg3: memref<512x128xf32, #tpu.memory_space<vmem>>) attributes {dimension_semantics = [#tpu.dimension_semantics<arbitrary>], iteration_bounds = array<i64: 20>, scalar_prefetch = 0 : i64, scratch_operands = 0 : i64, tpu.core_type = #tpu.core_type<tc>, window_params = [{transform_indices = @transform_0, window_bounds = array<i64: 2, 512, 128>}, {transform_indices = @transform_1, window_bounds = array<i64: 512>}, {transform_indices = @transform_2, window_bounds = array<i64: 512, 128>}]} {
    %get3A = arith.constant 0 : index
    %get3A_0 = vector.load %arg2[%get3A] : memref<512xf32, #tpu.memory_space<vmem>>, vector<512xf32>
    %broadcast_in_dim3A = vector.shape_cast %get3A_0 : vector<512xf32> to vector<512x1xf32>
    %get3A_1 = arith.constant 0 : index
    %get3A_2 = arith.constant 0 : index
    %get3A_3 = arith.constant 0 : index
    %get3A_4 = vector.load %arg1[%get3A_1, %get3A_2, %get3A_3] : memref<2x512x128xf32, #tpu.memory_space<vmem>>, vector<1x512x128xf32>
    %get3A_5 = vector.shape_cast %get3A_4 : vector<1x512x128xf32> to vector<512x128xf32>
    %get3A_6 = arith.constant 1 : index
    %get3A_7 = arith.constant 0 : index
    %get3A_8 = arith.constant 0 : index
    %get3A_9 = vector.load %arg1[%get3A_6, %get3A_7, %get3A_8] : memref<2x512x128xf32, #tpu.memory_space<vmem>>, vector<1x512x128xf32>
    %get3A_10 = vector.shape_cast %get3A_9 : vector<1x512x128xf32> to vector<512x128xf32>
    %add3A = arith.addf %get3A_5, %get3A_10 : vector<512x128xf32>
    %mul3A = vector.broadcast %broadcast_in_dim3A : vector<512x1xf32> to vector<512x128xf32>
    %mul3A_11 = arith.mulf %mul3A, %add3A : vector<512x128xf32>
    %swap3A = arith.constant 0 : index
    %swap3A_12 = arith.constant 0 : index
    %swap3A_13 = vector.load %arg3[%swap3A, %swap3A_12] : memref<512x128xf32, #tpu.memory_space<vmem>>, vector<512x128xf32>
    tpu.vector_store %arg3[%swap3A, %swap3A_12], %mul3A_11 {strides = array<i32>} : memref<512x128xf32, #tpu.memory_space<vmem>>, vector<512x128xf32>,
    return
  }
  func.func @transform_0(%arg0: i32) -> (i32, i32, i32) {
    %c0_i32 = arith.constant 0 : i32
    %c0_i32_0 = arith.constant 0 : i32
    %c0_i32_1 = arith.constant 0 : i32
    return %c0_i32, %arg0, %c0_i32_0 : i32, i32, i32
  }
  func.func @transform_1(%arg0: i32) -> i32 {
    %c0_i32 = arith.constant 0 : i32
    return %arg0 : i32
  }
  func.func @transform_2(%arg0: i32) -> (i32, i32) {
    %c0_i32 = arith.constant 0 : i32
    %c0_i32_0 = arith.constant 0 : i32
    return %arg0, %c0_i32 : i32, i32
  }
}

module attributes {stable_mosaic.version = 14 : i64} {
  func.func @_final_body(%arg0: i32, %arg1: memref<2x512x128xf32, #tpu.memory_space<vmem>>, %arg2: memref<512xf32, #tpu.memory_space<vmem>>, %arg3: memref<1x128xf32, #tpu.memory_space<vmem>>, %arg4: memref<512x128xf32, #tpu.memory_space<vmem>>) attributes {dimension_semantics = [#tpu.dimension_semantics<arbitrary>], iteration_bounds = array<i64: 20>, scalar_prefetch = 0 : i64, scratch_operands = 0 : i64, tpu.core_type = #tpu.core_type<tc>, window_params = [{transform_indices = @transform_0, window_bounds = array<i64: 2, 512, 128>}, {transform_indices = @transform_1, window_bounds = array<i64: 512>}, {pipeline_mode = #tpu.pipeline_mode<synchronous>, transform_indices = @transform_2, window_bounds = array<i64: 1, 128>}, {transform_indices = @transform_3, window_bounds = array<i64: 512, 128>}]} {
    %get3A = arith.constant 0 : index
    %get3A_0 = vector.load %arg2[%get3A] : memref<512xf32, #tpu.memory_space<vmem>>, vector<512xf32>
    %broadcast_in_dim3A = vector.shape_cast %get3A_0 : vector<512xf32> to vector<512x1xf32>
    %get3A_1 = arith.constant 0 : index
    %get3A_2 = arith.constant 0 : index
    %get3A_3 = arith.constant 0 : index
    %get3A_4 = vector.load %arg1[%get3A_1, %get3A_2, %get3A_3] : memref<2x512x128xf32, #tpu.memory_space<vmem>>, vector<1x512x128xf32>
    %get3A_5 = vector.shape_cast %get3A_4 : vector<1x512x128xf32> to vector<512x128xf32>
    %get3A_6 = arith.constant 1 : index
    %get3A_7 = arith.constant 0 : index
    %get3A_8 = arith.constant 0 : index
    %get3A_9 = vector.load %arg1[%get3A_6, %get3A_7, %get3A_8] : memref<2x512x128xf32, #tpu.memory_space<vmem>>, vector<1x512x128xf32>
    %get3A_10 = vector.shape_cast %get3A_9 : vector<1x512x128xf32> to vector<512x128xf32>
    %add3A = arith.addf %get3A_5, %get3A_10 : vector<512x128xf32>
    %mul3A = vector.broadcast %broadcast_in_dim3A : vector<512x1xf32> to vector<512x128xf32>
    %mul3A_11 = arith.mulf %mul3A, %add3A : vector<512x128xf32>
    %get3A_12 = arith.constant 0 : index
    %get3A_13 = arith.constant 0 : index
    %get3A_14 = vector.load %arg3[%get3A_12, %get3A_13] : memref<1x128xf32, #tpu.memory_space<vmem>>, vector<1x128xf32>
    %add3A_15 = vector.broadcast %get3A_14 : vector<1x128xf32> to vector<512x128xf32>
    %add3A_16 = arith.addf %mul3A_11, %add3A_15 : vector<512x128xf32>
    %swap3A = arith.constant 0 : index
    %swap3A_17 = arith.constant 0 : index
    %swap3A_18 = vector.load %arg4[%swap3A, %swap3A_17] : memref<512x128xf32, #tpu.memory_space<vmem>>, vector<512x128xf32>
    tpu.vector_store %arg4[%swap3A, %swap3A_17], %add3A_16 {strides = array<i32>} : memref<512x128xf32, #tpu.memory_space<vmem>>, vector<512x128xf32>,
    return
  }
  func.func @transform_0(%arg0: i32) -> (i32, i32, i32) {
    %c0_i32 = arith.constant 0 : i32
    %c0_i32_0 = arith.constant 0 : i32
    %c0_i32_1 = arith.constant 0 : i32
    return %c0_i32, %arg0, %c0_i32_0 : i32, i32, i32
  }
  func.func @transform_1(%arg0: i32) -> i32 {
    %c0_i32 = arith.constant 0 : i32
    return %arg0 : i32
  }
  func.func @transform_2(%arg0: i32) -> (i32, i32) {
    %c0_i32 = arith.constant 0 : i32
    %c0_i32_0 = arith.constant 0 : i32
    %c0_i32_1 = arith.constant 0 : i32
    return %c0_i32, %c0_i32_0 : i32, i32
  }
  func.func @transform_3(%arg0: i32) -> (i32, i32) {
    %c0_i32 = arith.constant 0 : i32
    %c0_i32_0 = arith.constant 0 : i32
    return %arg0, %c0_i32 : i32, i32
  }
}

</mosaic_0001>

<sc_bundles>
// kernel: kernel.12.cloned.1.call-start
scs
__scs_entry_jumppad:
0x0: {  	(pc) =	sbr.rel $0x88, $3  }
0x1: {  	(tag) =	ssettag $0x0;
	lr =	simm.s32 $0x1  }
0x2: {  	[smem:$0x3F9B] =	sst lr;
	_ =	strace $0xD0000000  }
0x3: {  	_ = 	snop  }
0x4: {  	_ = 	snop  }
0x5: {  	_ = 	snop  }
0x6: {  	_ = 	snop  }
0x7: {  	_ = 	snop  }
__scs_overlays_trampoline_lowered:
0x8: {  	[smem:$0x3FAA] =	sst s0  }
0x9: {  	[smem:$0x3FAB] =	sst s1  }
0xa: {  	[smem:$0x3FAC] =	sst s2  }
0xb: {  	[smem:$0x3FAD] =	sst s3  }
0xc: {  	[smem:$0x3FAE] =	sst s4  }
0xd: {  	[smem:$0x3FAF] =	sst s5  }
0xe: {  	[smem:$0x3FB0] =	sst s6  }
0xf: {  	[smem:$0x3FB1] =	sst s7  }
0x10: {  	[smem:$0x3FB2] =	sst s8  }
0x11: {  	[smem:$0x3FB3] =	sst s9;
	s0 =	simm.s32 @!p0 $0x0  }
0x12: {  	s1 =	sld [smem:$0x3F99];
	s0 =	simm.s32 @p0 $0x1  }
0x13: {  	[smem:$0x3FB4] =	sst s0;
	s0 =	simm.s32 @!p1 $0x0  }
0x14: {  	s2 =	sld [smem:$0x3F98];
	s0 =	simm.s32 @p1 $0x1  }
0x15: {  	[smem:$0x3FB5] =	sst s0;
	s0 =	simm.s32 @!p2 $0x0  }
0x16: {  	s3 =	sld [smem:$0x3FDB];
	s0 =	simm.s32 @p2 $0x1  }
0x17: {  	s4 =	simm.s32 $0x1BF5;
	[smem:$0x3FB7] =	sst s0  }
0x18: {  	s0 =	sld [smem:$0x3F9A];
	_ =	swait.ge [sflag:s4], $0x0  }
0x19: {  	s7 =	sld [smem:$0x3F9B]  }
0x1a: {  	s8 =	sadd.s32 $0xFFFFE003, lr  }
0x1b: {  	s9 =	sadd.s32 $0xFFFFFEF7, lr;
	s5 =	simm.s32 $0xFFFFFFFF;
	p2 =	slt.u32 s8, $0xFFFFF086  }
0x1c: {  	p1 =	slt.u32 s9, $0xF7A;
	s5 =	simm.s32 @!p2 $0x0  }
0x1d: {  	s5 =	simm.s32 @p1 $0x1;
	p0 =	seq.s32 s7, s2  }
0x1e: {  	s7 =	smul.u32 @!p0 $0xF7A, s2;
	p2 =	seq.s32 @!p0 s5, $0x0  }
0x1f: {  	s9 =	smul.u32 $0xF7A, s1;
	s8 =	simm.s32 @!p0 $0x1BF5;
	p2 =	por !p2, p0  }
0x20: {  	[sflag:s8] =	ssyncset.s32 @!p0 $0xFFFFF086;
	s6 =	sadd.s32 @!p0 s3, s7;
	s7 =	simm.s32 @!p0 $0x108  }
0x21: {  	s3 =	sadd.s32 s3, s9;
	s6 =	sadd.s32 @!p0 $0x88, s6;
	s7 =	simm.s32 @p2 $0x1082  }
0x22: {  	[simem:s7], [sflag:s8] =	dma.local @!p0 [hbm:s6], $0xF7A  }
0x23: {  	s9 =	sor.u32 $0xD0000000, s2;
	s6 =	simm.s32 $0x108;
	_ =	swait.ge @!p0 [sflag:s8], $0x0  }
0x24: {  	s3 =	sadd.s32 $0x88, s3;
	s6 =	simm.s32 @!p1 $0x1082;
	[sflag:s4] =	ssyncset.s32 $0xFFFFF086  }
0x25: {  	[simem:s6], [sflag:s4] =	dma.local [hbm:s3], $0xF7A  }
0x26: {  	[smem:$0x3F9B] =	sst s1;
	(tag) =	ssettag s2;
	_ =	strace s9  }
0x27: {  	s1 =	sld [smem:$0x3FAB]  }
0x28: {  	s2 =	sld [smem:$0x3FAC]  }
0x29: {  	s4 =	sld [smem:$0x3FAE]  }
0x2a: {  	p0 =	seq.s32 s5, $0x0;
	s5 =	sld [smem:$0x3FAF]  }
0x2b: {  	s6 =	sld [smem:$0x3FB0]  }
0x2c: {  	s7 =	sld [smem:$0x3FB1]  }
0x2d: {  	s3 =	simm.s32 $0x108;
	s8 =	sld [smem:$0x3FB2]  }
0x2e: {  	s3 =	simm.s32 @!p0 $0x1082;
	s9 =	sld [smem:$0x3FB3]  }
0x2f: {  	lr =	sadd.s32 s0, s3;
	s0 =	sld [smem:$0x3FAA]  }
0x30: {  	s3 =	sld [smem:$0x3FAD]  }
0x31: {  	[smem:$0x3FB6] =	sst s10  }
0x32: {  	s10 =	sld [smem:$0x3FB4];
	_ =	sdelay $0x3  }
0x33: {  	p0 =	seq.s32 s10, $0x1;
	s10 =	sld [smem:$0x3FB6];
	_ =	sdelay $0x3  }
0x34: {  	[smem:$0x3FB6] =	sst s10  }
0x35: {  	s10 =	sld [smem:$0x3FB5];
	_ =	sdelay $0x3  }
0x36: {  	p1 =	seq.s32 s10, $0x1;
	s10 =	sld [smem:$0x3FB6];
	_ =	sdelay $0x3  }
0x37: {  	[smem:$0x3FB6] =	sst s10  }
0x38: {  	s10 =	sld [smem:$0x3FB7]  }
0x39: {  	_ = 	snop;
	(pc) =	sbr.ind lr, $3  }
0x3a: {  	_ = 	snop  }
0x3b: {  	_ = 	snop  }
0x3c: {  	p2 =	seq.s32 s10, $0x1;
	s10 =	sld [smem:$0x3FB6]  }
0x3d: {  	_ =	shalt  }
0x3e: {  	_ =	shalt  }
0x3f: {  	_ =	shalt  }
0x40: {  	_ =	shalt  }
0x41: {  	_ =	shalt  }
0x42: {  	_ =	shalt  }
0x43: {  	_ =	shalt  }
0x44: {  	_ =	shalt  }
0x45: {  	_ =	shalt  }
0x46: {  	_ =	shalt  }
0x47: {  	_ =	shalt  }
0x48: {  	_ =	shalt  }
0x49: {  	_ =	shalt  }
0x4a: {  	_ =	shalt  }
0x4b: {  	_ =	shalt  }
0x4c: {  	_ =	shalt  }
0x4d: {  	_ =	shalt  }
0x4e: {  	_ =	shalt  }
0x4f: {  	_ =	shalt  }
0x50: {  	_ =	shalt  }
0x51: {  	_ =	shalt  }
0x52: {  	_ =	shalt  }
0x53: {  	_ =	shalt  }
0x54: {  	_ =	shalt  }
0x55: {  	_ =	shalt  }
0x56: {  	_ =	shalt  }
0x57: {  	_ =	shalt  }
0x58: {  	_ =	shalt  }
0x59: {  	_ =	shalt  }
0x5a: {  	_ =	shalt  }
0x5b: {  	_ =	shalt  }
0x5c: {  	_ =	shalt  }
0x5d: {  	_ =	shalt  }
0x5e: {  	_ =	shalt  }
0x5f: {  	_ =	shalt  }
0x60: {  	_ =	shalt  }
0x61: {  	_ =	shalt  }
0x62: {  	_ =	shalt  }
0x63: {  	_ =	shalt  }
0x64: {  	_ =	shalt  }
0x65: {  	_ =	shalt  }
0x66: {  	_ =	shalt  }
0x67: {  	_ =	shalt  }
0x68: {  	_ =	shalt  }
0x69: {  	_ =	shalt  }
0x6a: {  	_ =	shalt  }
0x6b: {  	_ =	shalt  }
0x6c: {  	_ =	shalt  }
0x6d: {  	_ =	shalt  }
0x6e: {  	_ =	shalt  }
0x6f: {  	_ =	shalt  }
0x70: {  	_ =	shalt  }
0x71: {  	_ =	shalt  }
0x72: {  	_ =	shalt  }
0x73: {  	_ =	shalt  }
0x74: {  	_ =	shalt  }
0x75: {  	_ =	shalt  }
0x76: {  	_ =	shalt  }
0x77: {  	_ =	shalt  }
0x78: {  	_ =	shalt  }
0x79: {  	_ =	shalt  }
0x7a: {  	_ =	shalt  }
0x7b: {  	_ =	shalt  }
0x7c: {  	_ =	shalt  }
0x7d: {  	_ =	shalt  }
0x7e: {  	_ =	shalt  }
0x7f: {  	_ =	shalt  }
0x80: {  	_ =	shalt  }
0x81: {  	_ =	shalt  }
0x82: {  	_ =	shalt  }
0x83: {  	_ =	shalt  }
0x84: {  	_ =	shalt  }
0x85: {  	_ =	shalt  }
0x86: {  	_ =	shalt  }
0x87: {  	_ =	shalt  }
.Lfunc_end0:
.L_simem_size_0:
called_computation_lowered:
.L_overlay_start_0:
0x88: {  	s2 =	sld [smem:$0x3FD9]  }
0x89: {  	s3 =	sld [smem:$0x3FFE];
	_ =	sdelay $0x1  }
0x8a: {  	s1 =	srdreg.scid  }
0x8b: {  	s0 =	sand.u32 $0x1, s1  }
0x8c: {  	s17 =	sshll.u32 s0, $0xA;
	s2 =	sadd.s32 s3, s2  }
0x8d: {  	s2 =	sadd.s32 s2, s17  }
0x8e: {  	[smem:$0x3FC2] =	sst s2  }
0x8f: {  	_ = 	snop  }
0x90: {  	s2 =	sld [smem:$0x3FD0];
	(tm) =	ssettm $0x1  }
0x91: {  	s18 =	sld [smem:$0x3FFB];
	_ =	sdelay $0x3  }
0x92: {  	_ =	strace s18  }
0x93: {  	s3 =	sld [smem:$0x3FFC];
	_ =	sdelay $0x3  }
0x94: {  	_ =	strace s3  }
0x95: {  	s3 =	sld [smem:$0x3FFD];
	_ =	sdelay $0x3  }
0x96: {  	_ =	strace s3  }
0x97: {  	_ =	strace $0x8FFFFFFF  }
0x98: {  	s19 =	sld [smem:$0x3FDB];
	_ =	sdelay $0x1  }
0x99: {  	s4 =	simm.s32 $_scs_section_size  }
0x9a: {  	s5 =	simm.s32 $_size__tile_overlayer_lowered;
	s6 =	simm.s32 $_tile_overlayer_lowered  }
0x9b: {  	s22 =	simm.s32 $0x1BFF;
	s21 =	sshll.u32 s6, $0x1;
	s3 =	sadd.s32 s4, s19  }
0x9c: {  	s7 =	simm.s32 $0x0;
	s20 =	sshll.u32 s5, $0x1;
	s5 =	sadd.s32 s21, s3  }
0x9d: {  	[timem:s7], [sflag:s22] =	dma.local [hbm:s5], s20  }
0x9e: {  	_ =	swait.ge [sflag:s22], s20  }
0x9f: {  	s4 =	ssub.s32 $0x0, s20;
	[sflag:s22] =	ssyncset.done $0x0  }
0xa0: {  	[sflag:s22] =	ssyncadd.s32 s4;
	_ =	sdelay $0x1  }
0xa1: {  	s23 =	simm.s32 $0x1B8B  }
0xa2: {  	_ =	swait.ge [sflag:s23], $0x1  }
0xa3: {  	[sflag:s23] =	ssyncset.done $0x0  }
0xa4: {  	s25 =	simm.s32 $0x1B8E;
	s24 =	sld [smem:$0x3FFE];
	[sflag:s23] =	ssyncadd.s32 $0xFFFFFFFF  }
0xa5: {  	s26 =	simm.s32 $execute0_lowered;
	[smem:$0x3FD2] =	sst s25  }
0xa6: {  	s5 =	sshll.u32 s26, $0x1;
	_ =	strace $0x80000046;
	[dreg:$0x1] =	wrdreg $0xFFFFFFFF  }
0xa7: {  	s28 =	simm.s32 $_size_execute0_lowered;
	s3 =	sadd.s32 s3, s5;
	[dreg:$0x0] =	wrdreg $0x0  }
0xa8: {  	s5 =	sshll.u32 s28, $0x1;
	[dreg:$0x2] =	wrdreg s3  }
0xa9: {  	[dreg:$0x3] =	wrdreg s5  }
0xaa: {  	[dreg:$0x4] =	wrdreg $0xC0  }
0xab: {  	_ =	task [dreg:s7], $0x5FFFF  }
0xac: {  	[dreg:$0x1] =	wrdreg $0xFFFFFFFF  }
0xad: {  	[dreg:$0x0] =	wrdreg $0x60  }
0xae: {  	[dreg:$0x2] =	wrdreg s2  }
0xaf: {  	[dreg:$0x3] =	wrdreg s24  }
0xb0: {  	[dreg:$0x4] =	wrdreg $0x9  }
0xb1: {  	_ =	task.clear_ibuf [dreg:s7], $0x5FFFF;
	_ =	strace $0x90000046  }
0xb2: {  	s29 =	simm.s32 $0x9;
	_ =	strace $0x80000048  }
0xb3: {  	_ =	swait.ge [sflag:s29], $0x1  }
0xb4: {  	[sflag:s29] =	ssyncadd.s32 $0xFFFFFFFF  }
0xb5: {  	_ =	strace $0x90000048  }
0xb6: {  	_ =	sfence  }
0xb7: {  	s30 =	sld [smem:$0x0];
	_ =	sdelay $0x2  }
0xb8: {  	s31 =	sshll.u32 s1, $0xD;
	s1 =	sshrl.u32 s1, $0x2  }
0xb9: {  	s3 =	sand.u32 $0x4000, s31;
	s1 =	sadd.s32 s1, s30  }
0xba: {  	s0 =	sor.u32 s3, s0;
	s1 =	sshll.u32 s1, $0x11  }
0xbb: {  	s0 =	sor.u32 s1, s0  }
0xbc: {  	s0 =	sadd.s32 $0x8F2B, s0  }
0xbd: {  	[sflag:s0] =	ssyncadd.remote.s32 $0x1  }
0xbe: {  	_ =	sfence.sel $0xFFFF  }
0xbf: {  	[dreg:$0x0] =	wrdreg $0xFFFFFFFF;
	(pc) =	sbr.abs _section_cstart, $3  }
0xc0: {  	[dreg:$0x1] =	wrdreg $0xFFFFFFFF  }
0xc1: {  	_ =	task.clear_ibuf [dreg:s7], $0x2FFFF;
	_ =	strace $0x9FFFFFFF  }
0xc2: {  	(tm) =	ssettm $0x7FFFFFFF  }
0xc3: {  	_ =	shalt  }
tec
execute0_lowered:
.L_overlay_start_1:
0x0: {  	(tag) =	ssettag $0x1  }
0x1: {  	s1 =	srdreg.scid;
	s4 =	rddreg [dreg:$0x0]  }
0x2: {  	s0 =	stileid.u32;
	s6 =	rddreg [dreg:$0x1]  }
0x3: {  	s2 =	simm.s32 $0x0;
	s9 =	simm.s32 $0x2800;
	s10 =	simm.s32 $0x5000  }
0x4: {  	s11 =	simm.s32 $0x7800;
	s3 =	sand.u32 $0x1, s1;
	s28 =	sshll.u32 s0, $0x1  }
0x5: {  	s12 =	simm.s32 $0x80;
	s29 =	sshrl.u32 s0, $0x2;
	s5 =	sor.u32 s3, s28  }
0x6: {  	s1 =	rddreg [dreg:$0x2];
	s7 =	smul.u32 $0x14000, s29;
	s8 =	sshll.u32 s5, $0x7  }
0x7: {  	s13 =	simm.s32 $0x400;
	[smem:$0x7FF] =	sst s2;
	s8 =	sand.u32 $0x380, s8  }
0x8: {  	s3 =	ssub.s32 $0x2, s3;
	s5 =	smul.u32 $0x580, s5;
	s7 =	sor.u32 s7, s8  }
0x9: {  	_ =	strace $0x80000047;
	s31 =	sshrl.u32 s3, $0x1;
	s7 =	sshrl.u32 s7, $0x3  }
0xa: {  	s30 =	sadd.s32 s5, s6;
	s8 =	simm.s32 $0x1;
	s6 =	sadd.s32 s7, s6  }
0xb: {  	s7 =	ssub.s32 s3, s31;
	s3 =	sadd.s32 s4, s5;
	s4 =	sadd.s32 $0x3600, s30  }
0xc: {  	v0 =	vimm.f32 $0.0e+00;
	v1 =	vimm.f32 $1.000000000e+00;
	s5 =	sadd.s32 $0xE600, s6;
	s6 =	sadd.s32 $0x18600, s6;
	s7 =	smax.u32 s7, $0x1  }
.LBB2_1:
0xd: {  	s14 =	simm.s32 $0x40;
	s15 =	simm.s32 $0x0  }
.LBB2_2:
0xe: {  	p0 =	sne.s32 s14, $0x9FC0;
	[tilespmem:s15+$0x5000] =	vst v0;
	s16 =	smov.u32 s14;
	s14 =	sadd.s32 $0x40, s14  }
.Ltmp0:
0xf: {  	[tilespmem:s15+$0x7800] =	vst v0;
	(pc) =	sbr.rel @p0 .LBB2_2-.Ltmp0, $2  }
0x10: {  	_ =	sdelay $0x2  }
0x11: {  	s15 =	sshra.s32 s16, $0x2  }
0x12: {  	[tilespmem:s15+$0x5000] =	vst v0  }
0x13: {  	[tilespmem:s15+$0x7800] =	vst v0;
	s14 =	simm.s32 $0x0  }
0x14: {  	[tilespmem:s14], [sflag:$0x1] =	stream.linear.gather [hbm4b:s3+s14], $0x2800, $0x38;
	[tilespmem:$0xA000] =	vst v63  }
0x15: {  	_ =	swait.ge [sflag:s8], $0x2800  }
0x16: {  	[sflag:s8] =	ssyncset.done $0x0  }
0x17: {  	[sflag:s8] =	ssyncadd.s32 $0xFFFFD800  }
0x18: {  	[tilespmem:s9], [sflag:$0x1] =	stream.linear.gather [hbm4b:s4+s14], $0x2800, $0x38;
	[tilespmem:$0xA000] =	vst v63  }
0x19: {  	_ =	swait.ge [sflag:s8], $0x2800  }
0x1a: {  	[sflag:s8] =	ssyncset.done $0x0  }
0x1b: {  	[sflag:s8] =	ssyncadd.s32 $0xFFFFD800  }
.LBB2_4:
0x1c: {  	s15 =	sshra.s32 s14, $0x2  }
0x1d: {  	v2 =	vld [tilespmem:s15+$0x0];
	_ =	sdelay $0x7  }
0x1e: {  	[tilespmem:v2+s10+$0x0] =	vst.idx.add.f32.msk $0xffff, v1  }
0x1f: {  	v2 =	vld [tilespmem:s15+$0x2800];
	_ =	sdelay $0x7  }
0x20: {  	[tilespmem:v2+s11+$0x0] =	vst.idx.add.f32.msk $0xffff, v1  }
0x21: {  	v2 =	vld [tilespmem:s15+$0x10];
	_ =	sdelay $0x7  }
0x22: {  	[tilespmem:v2+s10+$0x0] =	vst.idx.add.f32.msk $0xffff, v1  }
0x23: {  	v2 =	vld [tilespmem:s15+$0x2810];
	_ =	sdelay $0x7  }
0x24: {  	[tilespmem:v2+s11+$0x0] =	vst.idx.add.f32.msk $0xffff, v1  }
0x25: {  	v2 =	vld [tilespmem:s15+$0x20];
	_ =	sdelay $0x7  }
0x26: {  	[tilespmem:v2+s10+$0x0] =	vst.idx.add.f32.msk $0xffff, v1  }
0x27: {  	v2 =	vld [tilespmem:s15+$0x2820];
	_ =	sdelay $0x7  }
0x28: {  	[tilespmem:v2+s11+$0x0] =	vst.idx.add.f32.msk $0xffff, v1  }
0x29: {  	v2 =	vld [tilespmem:s15+$0x30];
	_ =	sdelay $0x7  }
0x2a: {  	[tilespmem:v2+s10+$0x0] =	vst.idx.add.f32.msk $0xffff, v1  }
0x2b: {  	v2 =	vld [tilespmem:s15+$0x2830];
	_ =	sdelay $0x7  }
0x2c: {  	[tilespmem:v2+s11+$0x0] =	vst.idx.add.f32.msk $0xffff, v1  }
0x2d: {  	v2 =	vld [tilespmem:s15+$0x40];
	_ =	sdelay $0x7  }
0x2e: {  	[tilespmem:v2+s10+$0x0] =	vst.idx.add.f32.msk $0xffff, v1  }
0x2f: {  	v2 =	vld [tilespmem:s15+$0x2840];
	_ =	sdelay $0x7  }
0x30: {  	[tilespmem:v2+s11+$0x0] =	vst.idx.add.f32.msk $0xffff, v1  }
0x31: {  	v2 =	vld [tilespmem:s15+$0x50];
	_ =	sdelay $0x7  }
0x32: {  	[tilespmem:v2+s10+$0x0] =	vst.idx.add.f32.msk $0xffff, v1  }
0x33: {  	v2 =	vld [tilespmem:s15+$0x2850];
	_ =	sdelay $0x7  }
0x34: {  	[tilespmem:v2+s11+$0x0] =	vst.idx.add.f32.msk $0xffff, v1  }
0x35: {  	v2 =	vld [tilespmem:s15+$0x60];
	_ =	sdelay $0x7  }
0x36: {  	[tilespmem:v2+s10+$0x0] =	vst.idx.add.f32.msk $0xffff, v1  }
0x37: {  	v2 =	vld [tilespmem:s15+$0x2860];
	_ =	sdelay $0x7  }
0x38: {  	[tilespmem:v2+s11+$0x0] =	vst.idx.add.f32.msk $0xffff, v1  }
0x39: {  	v2 =	vld [tilespmem:s15+$0x70];
	_ =	sdelay $0x7  }
0x3a: {  	[tilespmem:v2+s10+$0x0] =	vst.idx.add.f32.msk $0xffff, v1  }
0x3b: {  	v2 =	vld [tilespmem:s15+$0x2870];
	_ =	sdelay $0x2  }
0x3c: {  	p0 =	sne.s32 s14, $0x9E00  }
.Ltmp1:
0x3d: {  	_ = 	snop;
	(pc) =	sbr.rel @p0 .LBB2_4-.Ltmp1, $2  }
0x3e: {  	_ =	sdelay $0x2  }
0x3f: {  	s14 =	sadd.s32 $0x200, s14;
	[tilespmem:v2+s11+$0x0] =	vst.idx.add.f32.msk $0xffff, v1  }
0x40: {  	[hbm4b:s5+s12] =	stream.strided.scatter [tilespmem:s10], [sflag:$0x1], $0x2800, s13, s12, $0x38;
	[tilespmem:$0xA000] =	vst v63  }
0x41: {  	s2 =	sadd.s32 $0x1, s2;
	_ =	swait.ge [sflag:s8], $0x2800  }
0x42: {  	p0 =	sne.s32 s2, s7;
	[sflag:s8] =	ssyncset.done $0x0  }
.Ltmp2:
0x43: {  	[sflag:s8] =	ssyncadd.s32 $0xFFFFD800;
	(pc) =	sbr.rel @p0 .LBB2_1-.Ltmp2, $4  }
0x44: {  	[hbm4b:s6+s12] =	stream.strided.scatter [tilespmem:s11], [sflag:$0x1], $0x2800, s13, s12, $0x38;
	[tilespmem:$0xA000] =	vst v63  }
0x45: {  	_ =	swait.ge [sflag:s8], $0x2800  }
0x46: {  	[sflag:s8] =	ssyncset.done $0x0  }
0x47: {  	[sflag:s8] =	ssyncadd.s32 $0xFFFFD800  }
0x48: {  	_ =	sfence.sel $0x180000  }
0x49: {  	[bflag:$0x0] =	sbarrier.arrive $0xFFFF  }
0x4a: {  	p0 =	sne.s32 s0, $0x0;
	_ =	strace $0x90000047  }
0x4b: {  	s0 =	sadd.s32 @!p0 $0x100000, s1;
	[bflag:$0x2] =	sbarrier.arrive $0xFFFF  }
0x4c: {  	[sflag:s0] =	ssyncadd.tile.s32 @!p0 $0x1;
	_ =	shalt  }
.Lfunc_end2:
_tile_overlayer_lowered:
.L_overlay_start_2:
0x4d: {  	(tag) =	ssettag $0x2  }
0x4e: {  	s0 =	rddreg [dreg:$0x0];
	s2 =	stileid.u32  }
0x4f: {  	s1 =	rddreg [dreg:$0x1];
	p0 =	sne.s32 s2, $0x0  }
0x50: {  	s3 =	rddreg [dreg:$0x2];
	[bflag:$0x3] =	sbarrier.arrive $0xFFFF;
	s2 =	simm.s32 @!p0 $0x1C01  }
0x51: {  	[timem:s3], [sflag:s2] =	dma.local @!p0 [hbm:s0], s1  }
0x52: {  	s0 =	simm.s32 @!p0 $0x1  }
0x53: {  	_ =	swait.ge @!p0 [sflag:s0], s1  }
0x54: {  	s1 =	ssub.s32 @!p0 $0x0, s1;
	[sflag:s0] =	ssyncset.done @!p0 $0x0  }
0x55: {  	[sflag:s0] =	ssyncadd.s32 @!p0 s1  }
0x56: {  	[bflag:$0x3] =	sbarrier.arrive $0xFFFF  }
0x57: {  	_ =	shalt  }

// kernel: kernel.15.cloned.1.call-start
scs
__scs_entry_jumppad:
0x0: {  	(pc) =	sbr.rel $0x88, $3  }
0x1: {  	(tag) =	ssettag $0x0;
	lr =	simm.s32 $0x1  }
0x2: {  	[smem:$0x3F9B] =	sst lr;
	_ =	strace $0xD0000000  }
0x3: {  	_ = 	snop  }
0x4: {  	_ = 	snop  }
0x5: {  	_ = 	snop  }
0x6: {  	_ = 	snop  }
0x7: {  	_ = 	snop  }
__scs_overlays_trampoline_lowered:
0x8: {  	[smem:$0x3FAA] =	sst s0  }
0x9: {  	[smem:$0x3FAB] =	sst s1  }
0xa: {  	[smem:$0x3FAC] =	sst s2  }
0xb: {  	[smem:$0x3FAD] =	sst s3  }
0xc: {  	[smem:$0x3FAE] =	sst s4  }
0xd: {  	[smem:$0x3FAF] =	sst s5  }
0xe: {  	[smem:$0x3FB0] =	sst s6  }
0xf: {  	[smem:$0x3FB1] =	sst s7  }
0x10: {  	[smem:$0x3FB2] =	sst s8  }
0x11: {  	[smem:$0x3FB3] =	sst s9;
	s0 =	simm.s32 @!p0 $0x0  }
0x12: {  	s1 =	sld [smem:$0x3F99];
	s0 =	simm.s32 @p0 $0x1  }
0x13: {  	[smem:$0x3FB4] =	sst s0;
	s0 =	simm.s32 @!p1 $0x0  }
0x14: {  	s2 =	sld [smem:$0x3F98];
	s0 =	simm.s32 @p1 $0x1  }
0x15: {  	[smem:$0x3FB5] =	sst s0;
	s0 =	simm.s32 @!p2 $0x0  }
0x16: {  	s3 =	sld [smem:$0x3FDB];
	s0 =	simm.s32 @p2 $0x1  }
0x17: {  	s4 =	simm.s32 $0x1BF5;
	[smem:$0x3FB7] =	sst s0  }
0x18: {  	s0 =	sld [smem:$0x3F9A];
	_ =	swait.ge [sflag:s4], $0x0  }
0x19: {  	s7 =	sld [smem:$0x3F9B]  }
0x1a: {  	s8 =	sadd.s32 $0xFFFFE003, lr  }
0x1b: {  	s9 =	sadd.s32 $0xFFFFFEF7, lr;
	s5 =	simm.s32 $0xFFFFFFFF;
	p2 =	slt.u32 s8, $0xFFFFF086  }
0x1c: {  	p1 =	slt.u32 s9, $0xF7A;
	s5 =	simm.s32 @!p2 $0x0  }
0x1d: {  	s5 =	simm.s32 @p1 $0x1;
	p0 =	seq.s32 s7, s2  }
0x1e: {  	s7 =	smul.u32 @!p0 $0xF7A, s2;
	p2 =	seq.s32 @!p0 s5, $0x0  }
0x1f: {  	s9 =	smul.u32 $0xF7A, s1;
	s8 =	simm.s32 @!p0 $0x1BF5;
	p2 =	por !p2, p0  }
0x20: {  	[sflag:s8] =	ssyncset.s32 @!p0 $0xFFFFF086;
	s6 =	sadd.s32 @!p0 s3, s7;
	s7 =	simm.s32 @!p0 $0x108  }
0x21: {  	s3 =	sadd.s32 s3, s9;
	s6 =	sadd.s32 @!p0 $0x88, s6;
	s7 =	simm.s32 @p2 $0x1082  }
0x22: {  	[simem:s7], [sflag:s8] =	dma.local @!p0 [hbm:s6], $0xF7A  }
0x23: {  	s9 =	sor.u32 $0xD0000000, s2;
	s6 =	simm.s32 $0x108;
	_ =	swait.ge @!p0 [sflag:s8], $0x0  }
0x24: {  	s3 =	sadd.s32 $0x88, s3;
	s6 =	simm.s32 @!p1 $0x1082;
	[sflag:s4] =	ssyncset.s32 $0xFFFFF086  }
0x25: {  	[simem:s6], [sflag:s4] =	dma.local [hbm:s3], $0xF7A  }
0x26: {  	[smem:$0x3F9B] =	sst s1;
	(tag) =	ssettag s2;
	_ =	strace s9  }
0x27: {  	s1 =	sld [smem:$0x3FAB]  }
0x28: {  	s2 =	sld [smem:$0x3FAC]  }
0x29: {  	s4 =	sld [smem:$0x3FAE]  }
0x2a: {  	p0 =	seq.s32 s5, $0x0;
	s5 =	sld [smem:$0x3FAF]  }
0x2b: {  	s6 =	sld [smem:$0x3FB0]  }
0x2c: {  	s7 =	sld [smem:$0x3FB1]  }
0x2d: {  	s3 =	simm.s32 $0x108;
	s8 =	sld [smem:$0x3FB2]  }
0x2e: {  	s3 =	simm.s32 @!p0 $0x1082;
	s9 =	sld [smem:$0x3FB3]  }
0x2f: {  	lr =	sadd.s32 s0, s3;
	s0 =	sld [smem:$0x3FAA]  }
0x30: {  	s3 =	sld [smem:$0x3FAD]  }
0x31: {  	[smem:$0x3FB6] =	sst s10  }
0x32: {  	s10 =	sld [smem:$0x3FB4];
	_ =	sdelay $0x3  }
0x33: {  	p0 =	seq.s32 s10, $0x1;
	s10 =	sld [smem:$0x3FB6];
	_ =	sdelay $0x3  }
0x34: {  	[smem:$0x3FB6] =	sst s10  }
0x35: {  	s10 =	sld [smem:$0x3FB5];
	_ =	sdelay $0x3  }
0x36: {  	p1 =	seq.s32 s10, $0x1;
	s10 =	sld [smem:$0x3FB6];
	_ =	sdelay $0x3  }
0x37: {  	[smem:$0x3FB6] =	sst s10  }
0x38: {  	s10 =	sld [smem:$0x3FB7]  }
0x39: {  	_ = 	snop;
	(pc) =	sbr.ind lr, $3  }
0x3a: {  	_ = 	snop  }
0x3b: {  	_ = 	snop  }
0x3c: {  	p2 =	seq.s32 s10, $0x1;
	s10 =	sld [smem:$0x3FB6]  }
0x3d: {  	_ =	shalt  }
0x3e: {  	_ =	shalt  }
0x3f: {  	_ =	shalt  }
0x40: {  	_ =	shalt  }
0x41: {  	_ =	shalt  }
0x42: {  	_ =	shalt  }
0x43: {  	_ =	shalt  }
0x44: {  	_ =	shalt  }
0x45: {  	_ =	shalt  }
0x46: {  	_ =	shalt  }
0x47: {  	_ =	shalt  }
0x48: {  	_ =	shalt  }
0x49: {  	_ =	shalt  }
0x4a: {  	_ =	shalt  }
0x4b: {  	_ =	shalt  }
0x4c: {  	_ =	shalt  }
0x4d: {  	_ =	shalt  }
0x4e: {  	_ =	shalt  }
0x4f: {  	_ =	shalt  }
0x50: {  	_ =	shalt  }
0x51: {  	_ =	shalt  }
0x52: {  	_ =	shalt  }
0x53: {  	_ =	shalt  }
0x54: {  	_ =	shalt  }
0x55: {  	_ =	shalt  }
0x56: {  	_ =	shalt  }
0x57: {  	_ =	shalt  }
0x58: {  	_ =	shalt  }
0x59: {  	_ =	shalt  }
0x5a: {  	_ =	shalt  }
0x5b: {  	_ =	shalt  }
0x5c: {  	_ =	shalt  }
0x5d: {  	_ =	shalt  }
0x5e: {  	_ =	shalt  }
0x5f: {  	_ =	shalt  }
0x60: {  	_ =	shalt  }
0x61: {  	_ =	shalt  }
0x62: {  	_ =	shalt  }
0x63: {  	_ =	shalt  }
0x64: {  	_ =	shalt  }
0x65: {  	_ =	shalt  }
0x66: {  	_ =	shalt  }
0x67: {  	_ =	shalt  }
0x68: {  	_ =	shalt  }
0x69: {  	_ =	shalt  }
0x6a: {  	_ =	shalt  }
0x6b: {  	_ =	shalt  }
0x6c: {  	_ =	shalt  }
0x6d: {  	_ =	shalt  }
0x6e: {  	_ =	shalt  }
0x6f: {  	_ =	shalt  }
0x70: {  	_ =	shalt  }
0x71: {  	_ =	shalt  }
0x72: {  	_ =	shalt  }
0x73: {  	_ =	shalt  }
0x74: {  	_ =	shalt  }
0x75: {  	_ =	shalt  }
0x76: {  	_ =	shalt  }
0x77: {  	_ =	shalt  }
0x78: {  	_ =	shalt  }
0x79: {  	_ =	shalt  }
0x7a: {  	_ =	shalt  }
0x7b: {  	_ =	shalt  }
0x7c: {  	_ =	shalt  }
0x7d: {  	_ =	shalt  }
0x7e: {  	_ =	shalt  }
0x7f: {  	_ =	shalt  }
0x80: {  	_ =	shalt  }
0x81: {  	_ =	shalt  }
0x82: {  	_ =	shalt  }
0x83: {  	_ =	shalt  }
0x84: {  	_ =	shalt  }
0x85: {  	_ =	shalt  }
0x86: {  	_ =	shalt  }
0x87: {  	_ =	shalt  }
.Lfunc_end0:
.L_simem_size_0:
called_computation.1_lowered:
.L_overlay_start_0:
0x88: {  	s2 =	sld [smem:$0x3FD9]  }
0x89: {  	s3 =	sld [smem:$0x3FFE];
	_ =	sdelay $0x1  }
0x8a: {  	s1 =	srdreg.scid  }
0x8b: {  	s0 =	sand.u32 $0x1, s1  }
0x8c: {  	s17 =	sshll.u32 s0, $0xA;
	s2 =	sadd.s32 s3, s2  }
0x8d: {  	s2 =	sadd.s32 s2, s17  }
0x8e: {  	[smem:$0x3FC2] =	sst s2  }
0x8f: {  	_ = 	snop  }
0x90: {  	s18 =	sld [smem:$0x3FD0];
	(tm) =	ssettm $0x1  }
0x91: {  	s19 =	sld [smem:$0x3FFB];
	_ =	sdelay $0x3  }
0x92: {  	_ =	strace s19  }
0x93: {  	s2 =	sld [smem:$0x3FFC];
	_ =	sdelay $0x3  }
0x94: {  	_ =	strace s2  }
0x95: {  	s2 =	sld [smem:$0x3FFD];
	_ =	sdelay $0x3  }
0x96: {  	_ =	strace s2  }
0x97: {  	_ =	strace $0x8FFFFFFF  }
0x98: {  	s20 =	sld [smem:$0x3FDB];
	_ =	sdelay $0x1  }
0x99: {  	s4 =	simm.s32 $_scs_section_size  }
0x9a: {  	s5 =	simm.s32 $_size__tile_overlayer_lowered;
	s6 =	simm.s32 $_tile_overlayer_lowered  }
0x9b: {  	s7 =	simm.s32 $0x1BFF;
	s21 =	sshll.u32 s6, $0x1;
	s4 =	sadd.s32 s4, s20  }
0x9c: {  	s22 =	simm.s32 $0x0;
	s5 =	sshll.u32 s5, $0x1;
	s6 =	sadd.s32 s21, s4  }
0x9d: {  	[timem:s22], [sflag:s7] =	dma.local [hbm:s6], s5  }
0x9e: {  	_ =	swait.ge [sflag:s7], s5  }
0x9f: {  	s5 =	ssub.s32 $0x0, s5;
	[sflag:s7] =	ssyncset.done $0x0  }
0xa0: {  	[sflag:s7] =	ssyncadd.s32 s5;
	_ =	sdelay $0x1  }
0xa1: {  	s23 =	simm.s32 $0x1B8B  }
0xa2: {  	_ =	swait.ge [sflag:s23], $0x1  }
0xa3: {  	[sflag:s23] =	ssyncset.done $0x0  }
0xa4: {  	[sflag:s23] =	ssyncadd.s32 $0xFFFFFFFF  }
0xa5: {  	s5 =	sld [smem:$0x0]  }
0xa6: {  	s6 =	sand.u32 $0xFFFFFFFE, s1  }
0xa7: {  	p0 =	sne.s32 s1, s6  }
0xa8: {  	s6 =	sshll.u32 @p0 s6, $0xE  }
0xa9: {  	s6 =	sadd.s32 @p0 $0x11B8D, s6;
	s7 =	sshll.u32 @p0 s5, $0x11  }
0xaa: {  	s6 =	sor.u32 @p0 s7, s6  }
0xab: {  	[sflag:s6] =	ssyncadd.remote.s32 @p0 $0x1;
	_ =	sdelay $0x1  }
0xac: {  	s6 =	simm.s32 @p0 $0x1B8D  }
0xad: {  	_ =	swait.eq @p0 [sflag:s6], $0x1  }
0xae: {  	[sflag:s6] =	ssyncadd.s32 @p0 $0xFFFFFFFF  }
0xaf: {  	s7 =	sshll.u32 @!p0 s1, $0xE  }
0xb0: {  	s7 =	sor.u32 @!p0 $0x4000, s7;
	s6 =	simm.s32 @!p0 $0x1B8D  }
0xb1: {  	s5 =	sshll.u32 @!p0 s5, $0x11;
	s7 =	sadd.s32 @!p0 $0x11B8D, s7;
	_ =	swait.eq @!p0 [sflag:s6], $0x1  }
0xb2: {  	s5 =	sor.u32 @!p0 s5, s7;
	[sflag:s6] =	ssyncadd.s32 @!p0 $0xFFFFFFFF  }
0xb3: {  	s25 =	simm.s32 $0x1B8E;
	s24 =	sld [smem:$0x3FFE];
	[sflag:s5] =	ssyncadd.remote.s32 @!p0 $0x1  }
0xb4: {  	s26 =	simm.s32 $execute0_lowered;
	[smem:$0x3FD2] =	sst s25  }
0xb5: {  	s6 =	sshll.u32 s26, $0x1;
	_ =	strace $0x80000049;
	[dreg:$0x1] =	wrdreg $0xFFFFFFFF  }
0xb6: {  	s28 =	simm.s32 $_size_execute0_lowered;
	s4 =	sadd.s32 s4, s6;
	[dreg:$0x0] =	wrdreg $0x0  }
0xb7: {  	s6 =	sshll.u32 s28, $0x1;
	[dreg:$0x2] =	wrdreg s4  }
0xb8: {  	[dreg:$0x3] =	wrdreg s6  }
0xb9: {  	[dreg:$0x4] =	wrdreg $0xC0  }
0xba: {  	_ =	task [dreg:s22], $0x5FFFF  }
0xbb: {  	[dreg:$0x1] =	wrdreg $0xFFFFFFFF  }
0xbc: {  	[dreg:$0x0] =	wrdreg $0x60  }
0xbd: {  	[dreg:$0x2] =	wrdreg s24  }
0xbe: {  	[dreg:$0x3] =	wrdreg s18  }
0xbf: {  	[dreg:$0x4] =	wrdreg $0x0  }
0xc0: {  	[dreg:$0x5] =	wrdreg $0xA  }
0xc1: {  	_ =	task.clear_ibuf [dreg:s22], $0x6FFFF;
	_ =	strace $0x90000049  }
0xc2: {  	s29 =	simm.s32 $0xA;
	_ =	strace $0x8000004B  }
0xc3: {  	_ =	swait.ge [sflag:s29], $0x1  }
0xc4: {  	[sflag:s29] =	ssyncadd.s32 $0xFFFFFFFF  }
0xc5: {  	_ =	strace $0x9000004B  }
0xc6: {  	_ =	sfence  }
0xc7: {  	s30 =	sld [smem:$0x0];
	_ =	sdelay $0x2  }
0xc8: {  	s31 =	sshll.u32 s1, $0xD;
	s1 =	sshrl.u32 s1, $0x2  }
0xc9: {  	s4 =	sand.u32 $0x4000, s31;
	s1 =	sadd.s32 s1, s30  }
0xca: {  	s0 =	sor.u32 s4, s0;
	s1 =	sshll.u32 s1, $0x11  }
0xcb: {  	s0 =	sor.u32 s1, s0  }
0xcc: {  	s0 =	sadd.s32 $0x8F2B, s0  }
0xcd: {  	[sflag:s0] =	ssyncadd.remote.s32 $0x1  }
0xce: {  	_ =	sfence.sel $0xFFFF  }
0xcf: {  	[dreg:$0x0] =	wrdreg $0xFFFFFFFF;
	(pc) =	sbr.abs _section_cstart, $3  }
0xd0: {  	[dreg:$0x1] =	wrdreg $0xFFFFFFFF  }
0xd1: {  	_ =	task.clear_ibuf [dreg:s22], $0x2FFFF;
	_ =	strace $0x9FFFFFFF  }
0xd2: {  	(tm) =	ssettm $0x7FFFFFFF  }
0xd3: {  	_ =	shalt  }
tec
execute0_lowered:
.L_overlay_start_1:
0x0: {  	(tag) =	ssettag $0x1  }
0x1: {  	s0 =	rddreg [dreg:$0x0]  }
0x2: {  	s1 =	rddreg [dreg:$0x1]  }
0x3: {  	s2 =	rddreg [dreg:$0x2];
	s3 =	srdreg.scid  }
0x4: {  	s4 =	simm.s32 $0x0;
	s25 =	stileid.u32;
	s19 =	simm.s32 $0x14200  }
0x5: {  	s20 =	simm.s32 $0x3;
	s21 =	simm.s32 $0x14000;
	s22 =	simm.s32 $0x14080  }
0x6: {  	s23 =	simm.s32 $0x80;
	s24 =	simm.s32 $0x14100;
	s28 =	simm.s32 $0x1  }
0x7: {  	s29 =	simm.s32 $0x2;
	s30 =	simm.s32 $0x0;
	s6 =	smul.u32 $0x14000, s25  }
0x8: {  	s8 =	sand.u32 $0x1, s3;
	[smem:$0x7FF] =	sst s4;
	s9 =	smul.u32 $0x50000, s25  }
0x9: {  	s7 =	sshll.u32 s25, $0x1;
	s25 =	simm.s32 $0x14180;
	s5 =	smul.u32 $0x140000, s8  }
0xa: {  	_ =	strace $0x8000004A;
	s7 =	sor.u32 s8, s7;
	s8 =	ssub.s32 $0x2, s8  }
0xb: {  	s26 =	sshrl.u32 s8, $0x1;
	s9 =	sshrl.u32 s9, $0x2;
	s6 =	sadd.s32 s6, s5  }
0xc: {  	s5 =	sadd.s32 $0x22600, s0;
	s14 =	ssub.s32 s8, s26;
	s8 =	sadd.s32 s9, s2  }
0xd: {  	s26 =	simm.s32 $0x18200;
	s10 =	sshrl.u32 s6, $0x3;
	s6 =	smul.u32 $0x2C00, s7  }
0xe: {  	s7 =	sadd.s32 $0x3600, s0;
	s14 =	smax.u32 s14, $0x1;
	s15 =	sadd.s32 $0x4000, s8  }
0xf: {  	s16 =	sadd.s32 $0x8000, s8;
	s17 =	sadd.s32 $0xC000, s8;
	s0 =	sadd.s32 s10, s0  }
0x10: {  	s18 =	sadd.s32 $0x10000, s8;
	s11 =	sshrl.u32 s6, $0x3;
	s13 =	sadd.s32 $0x4A600, s0  }
0x11: {  	s12 =	sor.u32 $0x10, s11;
	s31 =	sadd.s32 s1, s11;
	s10 =	sadd.s32 s7, s11  }
0x12: {  	v0 =	vimm.f32 $0.0e+00;
	[dreg:$0x4] =	wrdreg s31;
	s11 =	sadd.s32 s1, s12;
	s12 =	sadd.s32 s7, s12  }
.LBB2_1:
0x13: {  	s31 =	simm.s32 $0x0;
	s0 =	simm.s32 $0x200  }
.LBB2_2:
0x14: {  	p0 =	sne.s32 s0, $0xFE00;
	[tilespmem:s31+$0x14270] =	vst v0  }
0x15: {  	[tilespmem:s31+$0x14200] =	vst v0  }
0x16: {  	[tilespmem:s31+$0x14210] =	vst v0  }
.Ltmp0:
0x17: {  	[tilespmem:s31+$0x14220] =	vst v0;
	(pc) =	sbr.rel @p0 .LBB2_2-.Ltmp0, $4  }
0x18: {  	[tilespmem:s31+$0x14230] =	vst v0  }
0x19: {  	[tilespmem:s31+$0x14240] =	vst v0  }
0x1a: {  	[tilespmem:s31+$0x14250] =	vst v0  }
0x1b: {  	[tilespmem:s31+$0x14260] =	vst v0;
	s31 =	sshra.s32 s0, $0x2;
	s0 =	sadd.s32 $0x200, s0  }
0x1c: {  	[tilespmem:s31+$0x14270] =	vst v0  }
0x1d: {  	[tilespmem:s31+$0x14200] =	vst v0  }
0x1e: {  	[tilespmem:s31+$0x14210] =	vst v0  }
0x1f: {  	[tilespmem:s31+$0x14220] =	vst v0  }
0x20: {  	[tilespmem:s31+$0x14230] =	vst v0  }
0x21: {  	[tilespmem:s31+$0x14240] =	vst v0  }
0x22: {  	[tilespmem:s31+$0x14250] =	vst v0  }
0x23: {  	[tilespmem:s31+$0x14260] =	vst v0  }
0x24: {  	[spmem:s8] =	stream.linear.scatter [tilespmem:s19], [sflag:$0x3], $0x4000, $0x38;
	[tilespmem:$0x1C200] =	vst v63  }
0x25: {  	_ =	swait.ge [sflag:s20], $0x4000  }
0x26: {  	[sflag:s20] =	ssyncset.done $0x0  }
0x27: {  	[sflag:s20] =	ssyncadd.s32 $0xFFFFC000  }
0x28: {  	[spmem:s15] =	stream.linear.scatter [tilespmem:s19], [sflag:$0x3], $0x4000, $0x38;
	[tilespmem:$0x1C200] =	vst v63  }
0x29: {  	_ =	swait.ge [sflag:s20], $0x4000  }
0x2a: {  	[sflag:s20] =	ssyncset.done $0x0  }
0x2b: {  	[sflag:s20] =	ssyncadd.s32 $0xFFFFC000  }
0x2c: {  	[spmem:s16] =	stream.linear.scatter [tilespmem:s19], [sflag:$0x3], $0x4000, $0x38;
	[tilespmem:$0x1C200] =	vst v63  }
0x2d: {  	_ =	swait.ge [sflag:s20], $0x4000  }
0x2e: {  	[sflag:s20] =	ssyncset.done $0x0  }
0x2f: {  	[sflag:s20] =	ssyncadd.s32 $0xFFFFC000  }
0x30: {  	[spmem:s17] =	stream.linear.scatter [tilespmem:s19], [sflag:$0x3], $0x4000, $0x38;
	[tilespmem:$0x1C200] =	vst v63  }
0x31: {  	_ =	swait.ge [sflag:s20], $0x4000  }
0x32: {  	[sflag:s20] =	ssyncset.done $0x0  }
0x33: {  	[sflag:s20] =	ssyncadd.s32 $0xFFFFC000  }
0x34: {  	[spmem:s18] =	stream.linear.scatter [tilespmem:s19], [sflag:$0x3], $0x4000, $0x38;
	[tilespmem:$0x1C200] =	vst v63  }
0x35: {  	_ =	swait.ge [sflag:s20], $0x4000  }
0x36: {  	[sflag:s20] =	ssyncset.done $0x0  }
0x37: {  	s0 =	rddreg [dreg:$0x4];
	[sflag:s20] =	ssyncadd.s32 $0xFFFFC000  }
0x38: {  	[tilespmem:s21], [sflag:$0x3] =	stream.linear.gather [hbm4b:s0+s4], $0x80, $0x38;
	[tilespmem:$0x1C200] =	vst v63  }
0x39: {  	_ =	swait.ge [sflag:s20], $0x80  }
0x3a: {  	[sflag:s20] =	ssyncset.done $0x0  }
0x3b: {  	[sflag:s20] =	ssyncadd.s32 $0xFFFFFF80  }
0x3c: {  	[tilespmem:s22], [sflag:$0x3] =	stream.linear.gather [hbm4b:s10+s4], $0x80, $0x38;
	[tilespmem:$0x1C200] =	vst v63  }
0x3d: {  	_ =	swait.ge [sflag:s20], $0x80  }
0x3e: {  	[sflag:s20] =	ssyncset.done $0x0  }
0x3f: {  	[sflag:s20] =	ssyncadd.s32 $0xFFFFFF80  }
0x40: {  	[tilespmem:s19], [sflag:$0x1] =	stream.indirect.gather [hbm4b:s5+s23], $0x80, s21, s23, $0xb8;
	[tilespmem:$0x1C200] =	vst v63  }
0x41: {  	_ = 	snop  }
0x42: {  	[tilespmem:s24], [sflag:$0x3] =	stream.linear.gather [hbm4b:s11+s4], $0x80, $0x38;
	[tilespmem:$0x1C200] =	vst v63  }
0x43: {  	_ =	swait.ge [sflag:s20], $0x80  }
0x44: {  	[sflag:s20] =	ssyncset.done $0x0  }
0x45: {  	[sflag:s20] =	ssyncadd.s32 $0xFFFFFF80  }
0x46: {  	[tilespmem:s25], [sflag:$0x3] =	stream.linear.gather [hbm4b:s12+s4], $0x80, $0x38;
	[tilespmem:$0x1C200] =	vst v63  }
0x47: {  	_ =	swait.ge [sflag:s20], $0x80  }
0x48: {  	[sflag:s20] =	ssyncset.done $0x0  }
0x49: {  	[sflag:s20] =	ssyncadd.s32 $0xFFFFFF80  }
0x4a: {  	[tilespmem:s26], [sflag:$0x2] =	stream.indirect.gather [hbm4b:s5+s23], $0x80, s24, s23, $0xb8;
	[tilespmem:$0x1C200] =	vst v63  }
0x4b: {  	[bflag:$0x0] =	sbarrier.arrive $0xFFFF  }
0x4c: {  	s3 =	simm.s32 $0x100;
	_ =	swait.ge [sflag:s28], $0x4000  }
0x4d: {  	s31 =	sand.u32 $0x7C00, s3;
	[sflag:s28] =	ssyncset.done $0x0  }
0x4e: {  	s31 =	sadd.s32 s6, s31;
	s0 =	sand.u32 $0x300, s3;
	[sflag:s28] =	ssyncadd.s32 $0xFFFFC000  }
0x4f: {  	[spmem:s2] =	stream.indirect.scatter.add.f32 [tilespmem:s19], [sflag:$0x3], $0x80, s22, s23, $0xb8;
	[tilespmem:$0x1C200] =	vst v63  }
0x50: {  	s0 =	sor.u32 s0, s31;
	_ =	swait.ge [sflag:s20], $0x4000  }
0x51: {  	s0 =	sshrl.u32 s0, $0x3;
	[sflag:s20] =	ssyncset.done $0x0  }
0x52: {  	s31 =	sadd.s32 s1, s0;
	[sflag:s20] =	ssyncadd.s32 $0xFFFFC000  }
0x53: {  	[tilespmem:s21], [sflag:$0x3] =	stream.linear.gather [hbm4b:s31+s4], $0x80, $0x38;
	[tilespmem:$0x1C200] =	vst v63  }
0x54: {  	_ =	swait.ge [sflag:s20], $0x80  }
0x55: {  	[sflag:s20] =	ssyncset.done $0x0  }
0x56: {  	s0 =	sadd.s32 s7, s0;
	[sflag:s20] =	ssyncadd.s32 $0xFFFFFF80  }
0x57: {  	[tilespmem:s22], [sflag:$0x3] =	stream.linear.gather [hbm4b:s0+s4], $0x80, $0x38;
	[tilespmem:$0x1C200] =	vst v63  }
0x58: {  	_ =	swait.ge [sflag:s20], $0x80  }
0x59: {  	[sflag:s20] =	ssyncset.done $0x0  }
0x5a: {  	[sflag:s20] =	ssyncadd.s32 $0xFFFFFF80  }
0x5b: {  	[tilespmem:s19], [sflag:$0x1] =	stream.indirect.gather [hbm4b:s5+s23], $0x80, s21, s23, $0xb8;
	[tilespmem:$0x1C200] =	vst v63  }
0x5c: {  	s9 =	simm.s32 $0x180;
	_ =	swait.ge [sflag:s29], $0x4000  }
0x5d: {  	s31 =	sand.u32 $0x7C00, s9;
	[sflag:s29] =	ssyncset.done $0x0  }
0x5e: {  	s31 =	sadd.s32 s6, s31;
	s0 =	sand.u32 $0x380, s9;
	[sflag:s29] =	ssyncadd.s32 $0xFFFFC000  }
0x5f: {  	[spmem:s2] =	stream.indirect.scatter.add.f32 [tilespmem:s26], [sflag:$0x3], $0x80, s25, s23, $0xb8;
	[tilespmem:$0x1C200] =	vst v63  }
0x60: {  	s0 =	sor.u32 s0, s31;
	_ =	swait.ge [sflag:s20], $0x4000  }
0x61: {  	s0 =	sshrl.u32 s0, $0x3;
	[sflag:s20] =	ssyncset.done $0x0  }
0x62: {  	s31 =	sadd.s32 s1, s0;
	[sflag:s20] =	ssyncadd.s32 $0xFFFFC000  }
0x63: {  	[tilespmem:s24], [sflag:$0x3] =	stream.linear.gather [hbm4b:s31+s4], $0x80, $0x38;
	[tilespmem:$0x1C200] =	vst v63  }
0x64: {  	_ =	swait.ge [sflag:s20], $0x80  }
0x65: {  	[sflag:s20] =	ssyncset.done $0x0  }
0x66: {  	s0 =	sadd.s32 s7, s0;
	[sflag:s20] =	ssyncadd.s32 $0xFFFFFF80  }
0x67: {  	[tilespmem:s25], [sflag:$0x3] =	stream.linear.gather [hbm4b:s0+s4], $0x80, $0x38;
	[tilespmem:$0x1C200] =	vst v63  }
0x68: {  	_ =	swait.ge [sflag:s20], $0x80  }
0x69: {  	s31 =	simm.s32 $0x280;
	[sflag:s20] =	ssyncset.done $0x0  }
.LBB2_4:
0x6a: {  	p0 =	sne.s32 s31, $0x2880  }
0x6b: {  	[sflag:s20] =	ssyncadd.s32 $0xFFFFFF80;
	s0 =	smov.u32 s31;
	s31 =	sadd.s32 $0x100, s31  }
0x6c: {  	[tilespmem:s26], [sflag:$0x2] =	stream.indirect.gather [hbm4b:s5+s23], $0x80, s24, s23, $0xb8;
	[tilespmem:$0x1C200] =	vst v63  }
0x6d: {  	s3 =	sadd.s32 $0xFFFFFF80, s0;
	_ =	swait.ge [sflag:s28], $0x4000  }
0x6e: {  	s9 =	sand.u32 $0x7C00, s3;
	s3 =	sand.u32 $0x300, s3;
	[sflag:s28] =	ssyncset.done $0x0  }
0x6f: {  	s9 =	sadd.s32 s6, s9;
	[sflag:s28] =	ssyncadd.s32 $0xFFFFC000  }
0x70: {  	[spmem:s2] =	stream.indirect.scatter.add.f32 [tilespmem:s19], [sflag:$0x3], $0x80, s22, s23, $0xb8;
	[tilespmem:$0x1C200] =	vst v63  }
0x71: {  	s3 =	sor.u32 s3, s9;
	_ =	swait.ge [sflag:s20], $0x4000  }
0x72: {  	s3 =	sshrl.u32 s3, $0x3;
	[sflag:s20] =	ssyncset.done $0x0  }
0x73: {  	s9 =	sadd.s32 s1, s3;
	[sflag:s20] =	ssyncadd.s32 $0xFFFFC000  }
0x74: {  	[tilespmem:s21], [sflag:$0x3] =	stream.linear.gather [hbm4b:s9+s4], $0x80, $0x38;
	[tilespmem:$0x1C200] =	vst v63  }
0x75: {  	_ =	swait.ge [sflag:s20], $0x80  }
0x76: {  	s3 =	sadd.s32 s7, s3;
	[sflag:s20] =	ssyncset.done $0x0  }
0x77: {  	[sflag:s20] =	ssyncadd.s32 $0xFFFFFF80  }
0x78: {  	[tilespmem:s22], [sflag:$0x3] =	stream.linear.gather [hbm4b:s3+s4], $0x80, $0x38;
	[tilespmem:$0x1C200] =	vst v63  }
0x79: {  	_ =	swait.ge [sflag:s20], $0x80  }
0x7a: {  	[sflag:s20] =	ssyncset.done $0x0  }
0x7b: {  	[sflag:s20] =	ssyncadd.s32 $0xFFFFFF80  }
0x7c: {  	[tilespmem:s19], [sflag:$0x1] =	stream.indirect.gather [hbm4b:s5+s23], $0x80, s21, s23, $0xb8;
	[tilespmem:$0x1C200] =	vst v63  }
0x7d: {  	_ =	swait.ge [sflag:s29], $0x4000  }
0x7e: {  	s3 =	sand.u32 $0x7C00, s0;
	[sflag:s29] =	ssyncset.done $0x0  }
0x7f: {  	s0 =	sand.u32 $0x380, s0;
	s3 =	sadd.s32 s6, s3;
	[sflag:s29] =	ssyncadd.s32 $0xFFFFC000  }
0x80: {  	[spmem:s2] =	stream.indirect.scatter.add.f32 [tilespmem:s26], [sflag:$0x3], $0x80, s25, s23, $0xb8;
	[tilespmem:$0x1C200] =	vst v63  }
0x81: {  	s0 =	sor.u32 s0, s3;
	_ =	swait.ge [sflag:s20], $0x4000  }
0x82: {  	s0 =	sshrl.u32 s0, $0x3;
	[sflag:s20] =	ssyncset.done $0x0  }
0x83: {  	s3 =	sadd.s32 s1, s0;
	[sflag:s20] =	ssyncadd.s32 $0xFFFFC000  }
0x84: {  	[tilespmem:s24], [sflag:$0x3] =	stream.linear.gather [hbm4b:s3+s4], $0x80, $0x38;
	[tilespmem:$0x1C200] =	vst v63  }
0x85: {  	_ =	swait.ge [sflag:s20], $0x80  }
.Ltmp1:
0x86: {  	s0 =	sadd.s32 s7, s0;
	[sflag:s20] =	ssyncset.done $0x0;
	(pc) =	sbr.rel @p0 .LBB2_4-.Ltmp1, $4  }
0x87: {  	[sflag:s20] =	ssyncadd.s32 $0xFFFFFF80  }
0x88: {  	[tilespmem:s25], [sflag:$0x3] =	stream.linear.gather [hbm4b:s0+s4], $0x80, $0x38;
	[tilespmem:$0x1C200] =	vst v63  }
0x89: {  	_ =	swait.ge [sflag:s20], $0x80  }
0x8a: {  	[sflag:s20] =	ssyncset.done $0x0  }
0x8b: {  	[sflag:s20] =	ssyncadd.s32 $0xFFFFFF80  }
0x8c: {  	[tilespmem:s26], [sflag:$0x2] =	stream.indirect.gather [hbm4b:s5+s23], $0x80, s24, s23, $0xb8;
	[tilespmem:$0x1C200] =	vst v63  }
0x8d: {  	_ =	swait.ge [sflag:s28], $0x4000  }
0x8e: {  	[sflag:s28] =	ssyncset.done $0x0  }
0x8f: {  	[sflag:s28] =	ssyncadd.s32 $0xFFFFC000  }
0x90: {  	s0 =	stileid.u32;
	_ =	swait.ge [sflag:s29], $0x4000  }
0x91: {  	s3 =	sshrl.u32 s8, $0x3;
	s30 =	sadd.s32 $0x1, s30;
	[sflag:s29] =	ssyncset.done $0x0  }
0x92: {  	s0 =	sshll.u32 s0, $0x6;
	p0 =	sne.s32 s30, s14;
	[sflag:s29] =	ssyncadd.s32 $0xFFFFC000  }
.Ltmp2:
0x93: {  	s0 =	sor.u32 $0x1C03, s0;
	[bflag:$0x0] =	sbarrier.arrive $0xFFFF;
	(pc) =	sbr.rel @p0 .LBB2_1-.Ltmp2, $4  }
0x94: {  	[hbm:s13], [sflag:s0] =	dma.local [spmem:s3], $0x2800  }
0x95: {  	_ =	swait.ge [sflag:s20], $0x2800  }
0x96: {  	[sflag:s20] =	ssyncset.done $0x0  }
0x97: {  	[sflag:s20] =	ssyncadd.s32 $0xFFFFD800  }
0x98: {  	_ =	sfence.sel $0x180000  }
0x99: {  	[bflag:$0x0] =	sbarrier.arrive $0xFFFF  }
0x9a: {  	_ =	strace $0x9000004A  }
0x9b: {  	s0 =	stileid.u32;
	[bflag:$0x2] =	sbarrier.arrive $0xFFFF  }
0x9c: {  	p0 =	sne.s32 s0, $0x0;
	s0 =	rddreg [dreg:$0x3]  }
0x9d: {  	s0 =	sadd.s32 @!p0 $0x100000, s0  }
0x9e: {  	[sflag:s0] =	ssyncadd.tile.s32 @!p0 $0x1;
	_ =	shalt  }
.Lfunc_end2:
_tile_overlayer_lowered:
.L_overlay_start_2:
0x9f: {  	(tag) =	ssettag $0x2  }
0xa0: {  	s0 =	rddreg [dreg:$0x0];
	s2 =	stileid.u32  }
0xa1: {  	s1 =	rddreg [dreg:$0x1];
	p0 =	sne.s32 s2, $0x0  }
0xa2: {  	s3 =	rddreg [dreg:$0x2];
	[bflag:$0x3] =	sbarrier.arrive $0xFFFF;
	s2 =	simm.s32 @!p0 $0x1C03  }
0xa3: {  	[timem:s3], [sflag:s2] =	dma.local @!p0 [hbm:s0], s1  }
0xa4: {  	s0 =	simm.s32 @!p0 $0x3  }
0xa5: {  	_ =	swait.ge @!p0 [sflag:s0], s1  }
0xa6: {  	s1 =	ssub.s32 @!p0 $0x0, s1;
	[sflag:s0] =	ssyncset.done @!p0 $0x0  }
0xa7: {  	[sflag:s0] =	ssyncadd.s32 @!p0 s1  }
0xa8: {  	[bflag:$0x3] =	sbarrier.arrive $0xFFFF  }
0xa9: {  	_ =	shalt  }

// kernel: kernel.18.cloned.1.call-start
scs
__scs_entry_jumppad:
0x0: {  	(pc) =	sbr.rel $0x88, $3  }
0x1: {  	(tag) =	ssettag $0x0;
	lr =	simm.s32 $0x1  }
0x2: {  	[smem:$0x3F9B] =	sst lr;
	_ =	strace $0xD0000000  }
0x3: {  	_ = 	snop  }
0x4: {  	_ = 	snop  }
0x5: {  	_ = 	snop  }
0x6: {  	_ = 	snop  }
0x7: {  	_ = 	snop  }
__scs_overlays_trampoline_lowered:
0x8: {  	[smem:$0x3FAA] =	sst s0  }
0x9: {  	[smem:$0x3FAB] =	sst s1  }
0xa: {  	[smem:$0x3FAC] =	sst s2  }
0xb: {  	[smem:$0x3FAD] =	sst s3  }
0xc: {  	[smem:$0x3FAE] =	sst s4  }
0xd: {  	[smem:$0x3FAF] =	sst s5  }
0xe: {  	[smem:$0x3FB0] =	sst s6  }
0xf: {  	[smem:$0x3FB1] =	sst s7  }
0x10: {  	[smem:$0x3FB2] =	sst s8  }
0x11: {  	[smem:$0x3FB3] =	sst s9;
	s0 =	simm.s32 @!p0 $0x0  }
0x12: {  	s1 =	sld [smem:$0x3F99];
	s0 =	simm.s32 @p0 $0x1  }
0x13: {  	[smem:$0x3FB4] =	sst s0;
	s0 =	simm.s32 @!p1 $0x0  }
0x14: {  	s2 =	sld [smem:$0x3F98];
	s0 =	simm.s32 @p1 $0x1  }
0x15: {  	[smem:$0x3FB5] =	sst s0;
	s0 =	simm.s32 @!p2 $0x0  }
0x16: {  	s3 =	sld [smem:$0x3FDB];
	s0 =	simm.s32 @p2 $0x1  }
0x17: {  	s4 =	simm.s32 $0x1BF5;
	[smem:$0x3FB7] =	sst s0  }
0x18: {  	s0 =	sld [smem:$0x3F9A];
	_ =	swait.ge [sflag:s4], $0x0  }
0x19: {  	s7 =	sld [smem:$0x3F9B]  }
0x1a: {  	s8 =	sadd.s32 $0xFFFFE003, lr  }
0x1b: {  	s9 =	sadd.s32 $0xFFFFFEF7, lr;
	s5 =	simm.s32 $0xFFFFFFFF;
	p2 =	slt.u32 s8, $0xFFFFF086  }
0x1c: {  	p1 =	slt.u32 s9, $0xF7A;
	s5 =	simm.s32 @!p2 $0x0  }
0x1d: {  	s5 =	simm.s32 @p1 $0x1;
	p0 =	seq.s32 s7, s2  }
0x1e: {  	s7 =	smul.u32 @!p0 $0xF7A, s2;
	p2 =	seq.s32 @!p0 s5, $0x0  }
0x1f: {  	s9 =	smul.u32 $0xF7A, s1;
	s8 =	simm.s32 @!p0 $0x1BF5;
	p2 =	por !p2, p0  }
0x20: {  	[sflag:s8] =	ssyncset.s32 @!p0 $0xFFFFF086;
	s6 =	sadd.s32 @!p0 s3, s7;
	s7 =	simm.s32 @!p0 $0x108  }
0x21: {  	s3 =	sadd.s32 s3, s9;
	s6 =	sadd.s32 @!p0 $0x88, s6;
	s7 =	simm.s32 @p2 $0x1082  }
0x22: {  	[simem:s7], [sflag:s8] =	dma.local @!p0 [hbm:s6], $0xF7A  }
0x23: {  	s9 =	sor.u32 $0xD0000000, s2;
	s6 =	simm.s32 $0x108;
	_ =	swait.ge @!p0 [sflag:s8], $0x0  }
0x24: {  	s3 =	sadd.s32 $0x88, s3;
	s6 =	simm.s32 @!p1 $0x1082;
	[sflag:s4] =	ssyncset.s32 $0xFFFFF086  }
0x25: {  	[simem:s6], [sflag:s4] =	dma.local [hbm:s3], $0xF7A  }
0x26: {  	[smem:$0x3F9B] =	sst s1;
	(tag) =	ssettag s2;
	_ =	strace s9  }
0x27: {  	s1 =	sld [smem:$0x3FAB]  }
0x28: {  	s2 =	sld [smem:$0x3FAC]  }
0x29: {  	s4 =	sld [smem:$0x3FAE]  }
0x2a: {  	p0 =	seq.s32 s5, $0x0;
	s5 =	sld [smem:$0x3FAF]  }
0x2b: {  	s6 =	sld [smem:$0x3FB0]  }
0x2c: {  	s7 =	sld [smem:$0x3FB1]  }
0x2d: {  	s3 =	simm.s32 $0x108;
	s8 =	sld [smem:$0x3FB2]  }
0x2e: {  	s3 =	simm.s32 @!p0 $0x1082;
	s9 =	sld [smem:$0x3FB3]  }
0x2f: {  	lr =	sadd.s32 s0, s3;
	s0 =	sld [smem:$0x3FAA]  }
0x30: {  	s3 =	sld [smem:$0x3FAD]  }
0x31: {  	[smem:$0x3FB6] =	sst s10  }
0x32: {  	s10 =	sld [smem:$0x3FB4];
	_ =	sdelay $0x3  }
0x33: {  	p0 =	seq.s32 s10, $0x1;
	s10 =	sld [smem:$0x3FB6];
	_ =	sdelay $0x3  }
0x34: {  	[smem:$0x3FB6] =	sst s10  }
0x35: {  	s10 =	sld [smem:$0x3FB5];
	_ =	sdelay $0x3  }
0x36: {  	p1 =	seq.s32 s10, $0x1;
	s10 =	sld [smem:$0x3FB6];
	_ =	sdelay $0x3  }
0x37: {  	[smem:$0x3FB6] =	sst s10  }
0x38: {  	s10 =	sld [smem:$0x3FB7]  }
0x39: {  	_ = 	snop;
	(pc) =	sbr.ind lr, $3  }
0x3a: {  	_ = 	snop  }
0x3b: {  	_ = 	snop  }
0x3c: {  	p2 =	seq.s32 s10, $0x1;
	s10 =	sld [smem:$0x3FB6]  }
0x3d: {  	_ =	shalt  }
0x3e: {  	_ =	shalt  }
0x3f: {  	_ =	shalt  }
0x40: {  	_ =	shalt  }
0x41: {  	_ =	shalt  }
0x42: {  	_ =	shalt  }
0x43: {  	_ =	shalt  }
0x44: {  	_ =	shalt  }
0x45: {  	_ =	shalt  }
0x46: {  	_ =	shalt  }
0x47: {  	_ =	shalt  }
0x48: {  	_ =	shalt  }
0x49: {  	_ =	shalt  }
0x4a: {  	_ =	shalt  }
0x4b: {  	_ =	shalt  }
0x4c: {  	_ =	shalt  }
0x4d: {  	_ =	shalt  }
0x4e: {  	_ =	shalt  }
0x4f: {  	_ =	shalt  }
0x50: {  	_ =	shalt  }
0x51: {  	_ =	shalt  }
0x52: {  	_ =	shalt  }
0x53: {  	_ =	shalt  }
0x54: {  	_ =	shalt  }
0x55: {  	_ =	shalt  }
0x56: {  	_ =	shalt  }
0x57: {  	_ =	shalt  }
0x58: {  	_ =	shalt  }
0x59: {  	_ =	shalt  }
0x5a: {  	_ =	shalt  }
0x5b: {  	_ =	shalt  }
0x5c: {  	_ =	shalt  }
0x5d: {  	_ =	shalt  }
0x5e: {  	_ =	shalt  }
0x5f: {  	_ =	shalt  }
0x60: {  	_ =	shalt  }
0x61: {  	_ =	shalt  }
0x62: {  	_ =	shalt  }
0x63: {  	_ =	shalt  }
0x64: {  	_ =	shalt  }
0x65: {  	_ =	shalt  }
0x66: {  	_ =	shalt  }
0x67: {  	_ =	shalt  }
0x68: {  	_ =	shalt  }
0x69: {  	_ =	shalt  }
0x6a: {  	_ =	shalt  }
0x6b: {  	_ =	shalt  }
0x6c: {  	_ =	shalt  }
0x6d: {  	_ =	shalt  }
0x6e: {  	_ =	shalt  }
0x6f: {  	_ =	shalt  }
0x70: {  	_ =	shalt  }
0x71: {  	_ =	shalt  }
0x72: {  	_ =	shalt  }
0x73: {  	_ =	shalt  }
0x74: {  	_ =	shalt  }
0x75: {  	_ =	shalt  }
0x76: {  	_ =	shalt  }
0x77: {  	_ =	shalt  }
0x78: {  	_ =	shalt  }
0x79: {  	_ =	shalt  }
0x7a: {  	_ =	shalt  }
0x7b: {  	_ =	shalt  }
0x7c: {  	_ =	shalt  }
0x7d: {  	_ =	shalt  }
0x7e: {  	_ =	shalt  }
0x7f: {  	_ =	shalt  }
0x80: {  	_ =	shalt  }
0x81: {  	_ =	shalt  }
0x82: {  	_ =	shalt  }
0x83: {  	_ =	shalt  }
0x84: {  	_ =	shalt  }
0x85: {  	_ =	shalt  }
0x86: {  	_ =	shalt  }
0x87: {  	_ =	shalt  }
.Lfunc_end0:
.L_simem_size_0:
called_computation.2_lowered:
.L_overlay_start_0:
0x88: {  	s2 =	sld [smem:$0x3FD9]  }
0x89: {  	s3 =	sld [smem:$0x3FFE];
	_ =	sdelay $0x1  }
0x8a: {  	s1 =	srdreg.scid  }
0x8b: {  	s0 =	sand.u32 $0x1, s1  }
0x8c: {  	s17 =	sshll.u32 s0, $0xA;
	s2 =	sadd.s32 s3, s2  }
0x8d: {  	s2 =	sadd.s32 s2, s17  }
0x8e: {  	[smem:$0x3FC2] =	sst s2  }
0x8f: {  	_ = 	snop  }
0x90: {  	s2 =	sld [smem:$0x3FD0];
	(tm) =	ssettm $0x1  }
0x91: {  	s18 =	sld [smem:$0x3FFB];
	_ =	sdelay $0x3  }
0x92: {  	_ =	strace s18  }
0x93: {  	s3 =	sld [smem:$0x3FFC];
	_ =	sdelay $0x3  }
0x94: {  	_ =	strace s3  }
0x95: {  	s3 =	sld [smem:$0x3FFD];
	_ =	sdelay $0x3  }
0x96: {  	_ =	strace s3  }
0x97: {  	_ =	strace $0x8FFFFFFF  }
0x98: {  	s19 =	sld [smem:$0x3FDB];
	_ =	sdelay $0x1  }
0x99: {  	s4 =	simm.s32 $_scs_section_size  }
0x9a: {  	s5 =	simm.s32 $_size__tile_overlayer_lowered;
	s6 =	simm.s32 $_tile_overlayer_lowered  }
0x9b: {  	s22 =	simm.s32 $0x1BFF;
	s21 =	sshll.u32 s6, $0x1;
	s3 =	sadd.s32 s4, s19  }
0x9c: {  	s7 =	simm.s32 $0x0;
	s20 =	sshll.u32 s5, $0x1;
	s5 =	sadd.s32 s21, s3  }
0x9d: {  	[timem:s7], [sflag:s22] =	dma.local [hbm:s5], s20  }
0x9e: {  	_ =	swait.ge [sflag:s22], s20  }
0x9f: {  	s4 =	ssub.s32 $0x0, s20;
	[sflag:s22] =	ssyncset.done $0x0  }
0xa0: {  	[sflag:s22] =	ssyncadd.s32 s4;
	_ =	sdelay $0x1  }
0xa1: {  	s23 =	simm.s32 $0x1B8B  }
0xa2: {  	_ =	swait.ge [sflag:s23], $0x1  }
0xa3: {  	[sflag:s23] =	ssyncset.done $0x0  }
0xa4: {  	s25 =	simm.s32 $0x1B8E;
	s24 =	sld [smem:$0x3FFE];
	[sflag:s23] =	ssyncadd.s32 $0xFFFFFFFF  }
0xa5: {  	s26 =	simm.s32 $execute0_lowered;
	[smem:$0x3FD2] =	sst s25  }
0xa6: {  	s5 =	sshll.u32 s26, $0x1;
	_ =	strace $0x8000004C;
	[dreg:$0x1] =	wrdreg $0xFFFFFFFF  }
0xa7: {  	s28 =	simm.s32 $_size_execute0_lowered;
	s3 =	sadd.s32 s3, s5;
	[dreg:$0x0] =	wrdreg $0x0  }
0xa8: {  	s5 =	sshll.u32 s28, $0x1;
	[dreg:$0x2] =	wrdreg s3  }
0xa9: {  	[dreg:$0x3] =	wrdreg s5  }
0xaa: {  	[dreg:$0x4] =	wrdreg $0xC0  }
0xab: {  	_ =	task [dreg:s7], $0x5FFFF  }
0xac: {  	[dreg:$0x1] =	wrdreg $0xFFFFFFFF  }
0xad: {  	[dreg:$0x0] =	wrdreg $0x60  }
0xae: {  	[dreg:$0x2] =	wrdreg s24  }
0xaf: {  	[dreg:$0x3] =	wrdreg s2  }
0xb0: {  	[dreg:$0x4] =	wrdreg $0x0  }
0xb1: {  	[dreg:$0x5] =	wrdreg $0x9  }
0xb2: {  	_ =	task.clear_ibuf [dreg:s7], $0x6FFFF;
	_ =	strace $0x9000004C  }
0xb3: {  	s29 =	simm.s32 $0x9;
	_ =	strace $0x8000004E  }
0xb4: {  	_ =	swait.ge [sflag:s29], $0x1  }
0xb5: {  	[sflag:s29] =	ssyncadd.s32 $0xFFFFFFFF  }
0xb6: {  	_ =	strace $0x9000004E  }
0xb7: {  	_ =	sfence  }
0xb8: {  	s30 =	sld [smem:$0x0];
	_ =	sdelay $0x2  }
0xb9: {  	s31 =	sshll.u32 s1, $0xD;
	s1 =	sshrl.u32 s1, $0x2  }
0xba: {  	s3 =	sand.u32 $0x4000, s31;
	s1 =	sadd.s32 s1, s30  }
0xbb: {  	s0 =	sor.u32 s3, s0;
	s1 =	sshll.u32 s1, $0x11  }
0xbc: {  	s0 =	sor.u32 s1, s0  }
0xbd: {  	s0 =	sadd.s32 $0x8F2B, s0  }
0xbe: {  	[sflag:s0] =	ssyncadd.remote.s32 $0x1  }
0xbf: {  	_ =	sfence.sel $0xFFFF  }
0xc0: {  	[dreg:$0x0] =	wrdreg $0xFFFFFFFF;
	(pc) =	sbr.abs _section_cstart, $3  }
0xc1: {  	[dreg:$0x1] =	wrdreg $0xFFFFFFFF  }
0xc2: {  	_ =	task.clear_ibuf [dreg:s7], $0x2FFFF;
	_ =	strace $0x9FFFFFFF  }
0xc3: {  	(tm) =	ssettm $0x7FFFFFFF  }
tec
execute0_lowered:
.L_overlay_start_1:
0x0: {  	(tag) =	ssettag $0x1  }
0x1: {  	s0 =	rddreg [dreg:$0x0]  }
0x2: {  	s1 =	rddreg [dreg:$0x1]  }
0x3: {  	s2 =	rddreg [dreg:$0x2];
	s3 =	srdreg.scid  }
0x4: {  	s4 =	simm.s32 $0x0;
	s25 =	stileid.u32;
	s19 =	simm.s32 $0x14200  }
0x5: {  	s20 =	simm.s32 $0x3;
	s21 =	simm.s32 $0x14000;
	s22 =	simm.s32 $0x14080  }
0x6: {  	s23 =	simm.s32 $0x80;
	s24 =	simm.s32 $0x14100;
	s28 =	simm.s32 $0x1  }
0x7: {  	s29 =	simm.s32 $0x2;
	s30 =	simm.s32 $0x0;
	s6 =	smul.u32 $0x14000, s25  }
0x8: {  	s8 =	sand.u32 $0x1, s3;
	[smem:$0x7FF] =	sst s4;
	s9 =	smul.u32 $0x50000, s25  }
0x9: {  	s7 =	sshll.u32 s25, $0x1;
	s25 =	simm.s32 $0x14180;
	s5 =	smul.u32 $0x140000, s8  }
0xa: {  	_ =	strace $0x8000004D;
	s7 =	sor.u32 s8, s7;
	s8 =	ssub.s32 $0x2, s8  }
0xb: {  	s26 =	sshrl.u32 s8, $0x1;
	s9 =	sshrl.u32 s9, $0x2;
	s6 =	sadd.s32 s6, s5  }
0xc: {  	s5 =	sadd.s32 $0xE600, s0;
	s14 =	ssub.s32 s8, s26;
	s8 =	sadd.s32 s9, s2  }
0xd: {  	s26 =	simm.s32 $0x18200;
	s10 =	sshrl.u32 s6, $0x3;
	s6 =	smul.u32 $0x2C00, s7  }
0xe: {  	s7 =	sadd.s32 $0x3600, s0;
	s14 =	smax.u32 s14, $0x1;
	s15 =	sadd.s32 $0x4000, s8  }
0xf: {  	s16 =	sadd.s32 $0x8000, s8;
	s17 =	sadd.s32 $0xC000, s8;
	s0 =	sadd.s32 s10, s0  }
0x10: {  	s18 =	sadd.s32 $0x10000, s8;
	s11 =	sshrl.u32 s6, $0x3;
	s13 =	sadd.s32 $0x36600, s0  }
0x11: {  	s12 =	sor.u32 $0x10, s11;
	s31 =	sadd.s32 s7, s11;
	s10 =	sadd.s32 s1, s11  }
0x12: {  	v0 =	vimm.f32 $0.0e+00;
	[dreg:$0x4] =	wrdreg s31;
	s11 =	sadd.s32 s7, s12;
	s12 =	sadd.s32 s1, s12  }
.LBB2_1:
0x13: {  	s31 =	simm.s32 $0x0;
	s0 =	simm.s32 $0x200  }
.LBB2_2:
0x14: {  	p0 =	sne.s32 s0, $0xFE00;
	[tilespmem:s31+$0x14270] =	vst v0  }
0x15: {  	[tilespmem:s31+$0x14200] =	vst v0  }
0x16: {  	[tilespmem:s31+$0x14210] =	vst v0  }
.Ltmp0:
0x17: {  	[tilespmem:s31+$0x14220] =	vst v0;
	(pc) =	sbr.rel @p0 .LBB2_2-.Ltmp0, $4  }
0x18: {  	[tilespmem:s31+$0x14230] =	vst v0  }
0x19: {  	[tilespmem:s31+$0x14240] =	vst v0  }
0x1a: {  	[tilespmem:s31+$0x14250] =	vst v0  }
0x1b: {  	[tilespmem:s31+$0x14260] =	vst v0;
	s31 =	sshra.s32 s0, $0x2;
	s0 =	sadd.s32 $0x200, s0  }
0x1c: {  	[tilespmem:s31+$0x14270] =	vst v0  }
0x1d: {  	[tilespmem:s31+$0x14200] =	vst v0  }
0x1e: {  	[tilespmem:s31+$0x14210] =	vst v0  }
0x1f: {  	[tilespmem:s31+$0x14220] =	vst v0  }
0x20: {  	[tilespmem:s31+$0x14230] =	vst v0  }
0x21: {  	[tilespmem:s31+$0x14240] =	vst v0  }
0x22: {  	[tilespmem:s31+$0x14250] =	vst v0  }
0x23: {  	[tilespmem:s31+$0x14260] =	vst v0  }
0x24: {  	[spmem:s8] =	stream.linear.scatter [tilespmem:s19], [sflag:$0x3], $0x4000, $0x38;
	[tilespmem:$0x1C200] =	vst v63  }
0x25: {  	_ =	swait.ge [sflag:s20], $0x4000  }
0x26: {  	[sflag:s20] =	ssyncset.done $0x0  }
0x27: {  	[sflag:s20] =	ssyncadd.s32 $0xFFFFC000  }
0x28: {  	[spmem:s15] =	stream.linear.scatter [tilespmem:s19], [sflag:$0x3], $0x4000, $0x38;
	[tilespmem:$0x1C200] =	vst v63  }
0x29: {  	_ =	swait.ge [sflag:s20], $0x4000  }
0x2a: {  	[sflag:s20] =	ssyncset.done $0x0  }
0x2b: {  	[sflag:s20] =	ssyncadd.s32 $0xFFFFC000  }
0x2c: {  	[spmem:s16] =	stream.linear.scatter [tilespmem:s19], [sflag:$0x3], $0x4000, $0x38;
	[tilespmem:$0x1C200] =	vst v63  }
0x2d: {  	_ =	swait.ge [sflag:s20], $0x4000  }
0x2e: {  	[sflag:s20] =	ssyncset.done $0x0  }
0x2f: {  	[sflag:s20] =	ssyncadd.s32 $0xFFFFC000  }
0x30: {  	[spmem:s17] =	stream.linear.scatter [tilespmem:s19], [sflag:$0x3], $0x4000, $0x38;
	[tilespmem:$0x1C200] =	vst v63  }
0x31: {  	_ =	swait.ge [sflag:s20], $0x4000  }
0x32: {  	[sflag:s20] =	ssyncset.done $0x0  }
0x33: {  	[sflag:s20] =	ssyncadd.s32 $0xFFFFC000  }
0x34: {  	[spmem:s18] =	stream.linear.scatter [tilespmem:s19], [sflag:$0x3], $0x4000, $0x38;
	[tilespmem:$0x1C200] =	vst v63  }
0x35: {  	_ =	swait.ge [sflag:s20], $0x4000  }
0x36: {  	[sflag:s20] =	ssyncset.done $0x0  }
0x37: {  	s0 =	rddreg [dreg:$0x4];
	[sflag:s20] =	ssyncadd.s32 $0xFFFFC000  }
0x38: {  	[tilespmem:s21], [sflag:$0x3] =	stream.linear.gather [hbm4b:s0+s4], $0x80, $0x38;
	[tilespmem:$0x1C200] =	vst v63  }
0x39: {  	_ =	swait.ge [sflag:s20], $0x80  }
0x3a: {  	[sflag:s20] =	ssyncset.done $0x0  }
0x3b: {  	[sflag:s20] =	ssyncadd.s32 $0xFFFFFF80  }
0x3c: {  	[tilespmem:s22], [sflag:$0x3] =	stream.linear.gather [hbm4b:s10+s4], $0x80, $0x38;
	[tilespmem:$0x1C200] =	vst v63  }
0x3d: {  	_ =	swait.ge [sflag:s20], $0x80  }
0x3e: {  	[sflag:s20] =	ssyncset.done $0x0  }
0x3f: {  	[sflag:s20] =	ssyncadd.s32 $0xFFFFFF80  }
0x40: {  	[tilespmem:s19], [sflag:$0x1] =	stream.indirect.gather [hbm4b:s5+s23], $0x80, s21, s23, $0xb8;
	[tilespmem:$0x1C200] =	vst v63  }
0x41: {  	_ = 	snop  }
0x42: {  	[tilespmem:s24], [sflag:$0x3] =	stream.linear.gather [hbm4b:s11+s4], $0x80, $0x38;
	[tilespmem:$0x1C200] =	vst v63  }
0x43: {  	_ =	swait.ge [sflag:s20], $0x80  }
0x44: {  	[sflag:s20] =	ssyncset.done $0x0  }
0x45: {  	[sflag:s20] =	ssyncadd.s32 $0xFFFFFF80  }
0x46: {  	[tilespmem:s25], [sflag:$0x3] =	stream.linear.gather [hbm4b:s12+s4], $0x80, $0x38;
	[tilespmem:$0x1C200] =	vst v63  }
0x47: {  	_ =	swait.ge [sflag:s20], $0x80  }
0x48: {  	[sflag:s20] =	ssyncset.done $0x0  }
0x49: {  	[sflag:s20] =	ssyncadd.s32 $0xFFFFFF80  }
0x4a: {  	[tilespmem:s26], [sflag:$0x2] =	stream.indirect.gather [hbm4b:s5+s23], $0x80, s24, s23, $0xb8;
	[tilespmem:$0x1C200] =	vst v63  }
0x4b: {  	[bflag:$0x0] =	sbarrier.arrive $0xFFFF  }
0x4c: {  	s3 =	simm.s32 $0x100;
	_ =	swait.ge [sflag:s28], $0x4000  }
0x4d: {  	s31 =	sand.u32 $0x7C00, s3;
	[sflag:s28] =	ssyncset.done $0x0  }
0x4e: {  	s31 =	sadd.s32 s6, s31;
	s0 =	sand.u32 $0x300, s3;
	[sflag:s28] =	ssyncadd.s32 $0xFFFFC000  }
0x4f: {  	[spmem:s2] =	stream.indirect.scatter.add.f32 [tilespmem:s19], [sflag:$0x3], $0x80, s22, s23, $0xb8;
	[tilespmem:$0x1C200] =	vst v63  }
0x50: {  	s0 =	sor.u32 s0, s31;
	_ =	swait.ge [sflag:s20], $0x4000  }
0x51: {  	s0 =	sshrl.u32 s0, $0x3;
	[sflag:s20] =	ssyncset.done $0x0  }
0x52: {  	s31 =	sadd.s32 s7, s0;
	[sflag:s20] =	ssyncadd.s32 $0xFFFFC000  }
0x53: {  	[tilespmem:s21], [sflag:$0x3] =	stream.linear.gather [hbm4b:s31+s4], $0x80, $0x38;
	[tilespmem:$0x1C200] =	vst v63  }
0x54: {  	_ =	swait.ge [sflag:s20], $0x80  }
0x55: {  	[sflag:s20] =	ssyncset.done $0x0  }
0x56: {  	s0 =	sadd.s32 s1, s0;
	[sflag:s20] =	ssyncadd.s32 $0xFFFFFF80  }
0x57: {  	[tilespmem:s22], [sflag:$0x3] =	stream.linear.gather [hbm4b:s0+s4], $0x80, $0x38;
	[tilespmem:$0x1C200] =	vst v63  }
0x58: {  	_ =	swait.ge [sflag:s20], $0x80  }
0x59: {  	[sflag:s20] =	ssyncset.done $0x0  }
0x5a: {  	[sflag:s20] =	ssyncadd.s32 $0xFFFFFF80  }
0x5b: {  	[tilespmem:s19], [sflag:$0x1] =	stream.indirect.gather [hbm4b:s5+s23], $0x80, s21, s23, $0xb8;
	[tilespmem:$0x1C200] =	vst v63  }
0x5c: {  	s9 =	simm.s32 $0x180;
	_ =	swait.ge [sflag:s29], $0x4000  }
0x5d: {  	s31 =	sand.u32 $0x7C00, s9;
	[sflag:s29] =	ssyncset.done $0x0  }
0x5e: {  	s31 =	sadd.s32 s6, s31;
	s0 =	sand.u32 $0x380, s9;
	[sflag:s29] =	ssyncadd.s32 $0xFFFFC000  }
0x5f: {  	[spmem:s2] =	stream.indirect.scatter.add.f32 [tilespmem:s26], [sflag:$0x3], $0x80, s25, s23, $0xb8;
	[tilespmem:$0x1C200] =	vst v63  }
0x60: {  	s0 =	sor.u32 s0, s31;
	_ =	swait.ge [sflag:s20], $0x4000  }
0x61: {  	s0 =	sshrl.u32 s0, $0x3;
	[sflag:s20] =	ssyncset.done $0x0  }
0x62: {  	s31 =	sadd.s32 s7, s0;
	[sflag:s20] =	ssyncadd.s32 $0xFFFFC000  }
0x63: {  	[tilespmem:s24], [sflag:$0x3] =	stream.linear.gather [hbm4b:s31+s4], $0x80, $0x38;
	[tilespmem:$0x1C200] =	vst v63  }
0x64: {  	_ =	swait.ge [sflag:s20], $0x80  }
0x65: {  	[sflag:s20] =	ssyncset.done $0x0  }
0x66: {  	s0 =	sadd.s32 s1, s0;
	[sflag:s20] =	ssyncadd.s32 $0xFFFFFF80  }
0x67: {  	[tilespmem:s25], [sflag:$0x3] =	stream.linear.gather [hbm4b:s0+s4], $0x80, $0x38;
	[tilespmem:$0x1C200] =	vst v63  }
0x68: {  	_ =	swait.ge [sflag:s20], $0x80  }
0x69: {  	s31 =	simm.s32 $0x280;
	[sflag:s20] =	ssyncset.done $0x0  }
.LBB2_4:
0x6a: {  	p0 =	sne.s32 s31, $0x2880  }
0x6b: {  	[sflag:s20] =	ssyncadd.s32 $0xFFFFFF80;
	s0 =	smov.u32 s31;
	s31 =	sadd.s32 $0x100, s31  }
0x6c: {  	[tilespmem:s26], [sflag:$0x2] =	stream.indirect.gather [hbm4b:s5+s23], $0x80, s24, s23, $0xb8;
	[tilespmem:$0x1C200] =	vst v63  }
0x6d: {  	s3 =	sadd.s32 $0xFFFFFF80, s0;
	_ =	swait.ge [sflag:s28], $0x4000  }
0x6e: {  	s9 =	sand.u32 $0x7C00, s3;
	s3 =	sand.u32 $0x300, s3;
	[sflag:s28] =	ssyncset.done $0x0  }
0x6f: {  	s9 =	sadd.s32 s6, s9;
	[sflag:s28] =	ssyncadd.s32 $0xFFFFC000  }
0x70: {  	[spmem:s2] =	stream.indirect.scatter.add.f32 [tilespmem:s19], [sflag:$0x3], $0x80, s22, s23, $0xb8;
	[tilespmem:$0x1C200] =	vst v63  }
0x71: {  	s3 =	sor.u32 s3, s9;
	_ =	swait.ge [sflag:s20], $0x4000  }
0x72: {  	s3 =	sshrl.u32 s3, $0x3;
	[sflag:s20] =	ssyncset.done $0x0  }
0x73: {  	s9 =	sadd.s32 s7, s3;
	[sflag:s20] =	ssyncadd.s32 $0xFFFFC000  }
0x74: {  	[tilespmem:s21], [sflag:$0x3] =	stream.linear.gather [hbm4b:s9+s4], $0x80, $0x38;
	[tilespmem:$0x1C200] =	vst v63  }
0x75: {  	_ =	swait.ge [sflag:s20], $0x80  }
0x76: {  	s3 =	sadd.s32 s1, s3;
	[sflag:s20] =	ssyncset.done $0x0  }
0x77: {  	[sflag:s20] =	ssyncadd.s32 $0xFFFFFF80  }
0x78: {  	[tilespmem:s22], [sflag:$0x3] =	stream.linear.gather [hbm4b:s3+s4], $0x80, $0x38;
	[tilespmem:$0x1C200] =	vst v63  }
0x79: {  	_ =	swait.ge [sflag:s20], $0x80  }
0x7a: {  	[sflag:s20] =	ssyncset.done $0x0  }
0x7b: {  	[sflag:s20] =	ssyncadd.s32 $0xFFFFFF80  }
0x7c: {  	[tilespmem:s19], [sflag:$0x1] =	stream.indirect.gather [hbm4b:s5+s23], $0x80, s21, s23, $0xb8;
	[tilespmem:$0x1C200] =	vst v63  }
0x7d: {  	_ =	swait.ge [sflag:s29], $0x4000  }
0x7e: {  	s3 =	sand.u32 $0x7C00, s0;
	[sflag:s29] =	ssyncset.done $0x0  }
0x7f: {  	s0 =	sand.u32 $0x380, s0;
	s3 =	sadd.s32 s6, s3;
	[sflag:s29] =	ssyncadd.s32 $0xFFFFC000  }
0x80: {  	[spmem:s2] =	stream.indirect.scatter.add.f32 [tilespmem:s26], [sflag:$0x3], $0x80, s25, s23, $0xb8;
	[tilespmem:$0x1C200] =	vst v63  }
0x81: {  	s0 =	sor.u32 s0, s3;
	_ =	swait.ge [sflag:s20], $0x4000  }
0x82: {  	s0 =	sshrl.u32 s0, $0x3;
	[sflag:s20] =	ssyncset.done $0x0  }
0x83: {  	s3 =	sadd.s32 s7, s0;
	[sflag:s20] =	ssyncadd.s32 $0xFFFFC000  }
0x84: {  	[tilespmem:s24], [sflag:$0x3] =	stream.linear.gather [hbm4b:s3+s4], $0x80, $0x38;
	[tilespmem:$0x1C200] =	vst v63  }
0x85: {  	_ =	swait.ge [sflag:s20], $0x80  }
.Ltmp1:
0x86: {  	s0 =	sadd.s32 s1, s0;
	[sflag:s20] =	ssyncset.done $0x0;
	(pc) =	sbr.rel @p0 .LBB2_4-.Ltmp1, $4  }
0x87: {  	[sflag:s20] =	ssyncadd.s32 $0xFFFFFF80  }
0x88: {  	[tilespmem:s25], [sflag:$0x3] =	stream.linear.gather [hbm4b:s0+s4], $0x80, $0x38;
	[tilespmem:$0x1C200] =	vst v63  }
0x89: {  	_ =	swait.ge [sflag:s20], $0x80  }
0x8a: {  	[sflag:s20] =	ssyncset.done $0x0  }
0x8b: {  	[sflag:s20] =	ssyncadd.s32 $0xFFFFFF80  }
0x8c: {  	[tilespmem:s26], [sflag:$0x2] =	stream.indirect.gather [hbm4b:s5+s23], $0x80, s24, s23, $0xb8;
	[tilespmem:$0x1C200] =	vst v63  }
0x8d: {  	_ =	swait.ge [sflag:s28], $0x4000  }
0x8e: {  	[sflag:s28] =	ssyncset.done $0x0  }
0x8f: {  	[sflag:s28] =	ssyncadd.s32 $0xFFFFC000  }
0x90: {  	s0 =	stileid.u32;
	_ =	swait.ge [sflag:s29], $0x4000  }
0x91: {  	s3 =	sshrl.u32 s8, $0x3;
	s30 =	sadd.s32 $0x1, s30;
	[sflag:s29] =	ssyncset.done $0x0  }
0x92: {  	s0 =	sshll.u32 s0, $0x6;
	p0 =	sne.s32 s30, s14;
	[sflag:s29] =	ssyncadd.s32 $0xFFFFC000  }
.Ltmp2:
0x93: {  	s0 =	sor.u32 $0x1C03, s0;
	[bflag:$0x0] =	sbarrier.arrive $0xFFFF;
	(pc) =	sbr.rel @p0 .LBB2_1-.Ltmp2, $4  }
0x94: {  	[hbm:s13], [sflag:s0] =	dma.local [spmem:s3], $0x2800  }
0x95: {  	_ =	swait.ge [sflag:s20], $0x2800  }
0x96: {  	[sflag:s20] =	ssyncset.done $0x0  }
0x97: {  	[sflag:s20] =	ssyncadd.s32 $0xFFFFD800  }
0x98: {  	_ =	sfence.sel $0x180000  }
0x99: {  	[bflag:$0x0] =	sbarrier.arrive $0xFFFF  }
0x9a: {  	_ =	strace $0x9000004D  }
0x9b: {  	s0 =	stileid.u32;
	[bflag:$0x2] =	sbarrier.arrive $0xFFFF  }
0x9c: {  	p0 =	sne.s32 s0, $0x0;
	s0 =	rddreg [dreg:$0x3]  }
0x9d: {  	s0 =	sadd.s32 @!p0 $0x100000, s0  }
0x9e: {  	[sflag:s0] =	ssyncadd.tile.s32 @!p0 $0x1;
	_ =	shalt  }
.Lfunc_end2:
_tile_overlayer_lowered:
.L_overlay_start_2:
0x9f: {  	(tag) =	ssettag $0x2  }
0xa0: {  	s0 =	rddreg [dreg:$0x0];
	s2 =	stileid.u32  }
0xa1: {  	s1 =	rddreg [dreg:$0x1];
	p0 =	sne.s32 s2, $0x0  }
0xa2: {  	s3 =	rddreg [dreg:$0x2];
	[bflag:$0x3] =	sbarrier.arrive $0xFFFF;
	s2 =	simm.s32 @!p0 $0x1C03  }
0xa3: {  	[timem:s3], [sflag:s2] =	dma.local @!p0 [hbm:s0], s1  }
0xa4: {  	s0 =	simm.s32 @!p0 $0x3  }
0xa5: {  	_ =	swait.ge @!p0 [sflag:s0], s1  }
0xa6: {  	s1 =	ssub.s32 @!p0 $0x0, s1;
	[sflag:s0] =	ssyncset.done @!p0 $0x0  }
0xa7: {  	[sflag:s0] =	ssyncadd.s32 @!p0 s1  }
0xa8: {  	[bflag:$0x3] =	sbarrier.arrive $0xFFFF  }
0xa9: {  	_ =	shalt  }

// kernel: kernel.21.cloned.1.call-start
scs
__scs_entry_jumppad:
0x0: {  	(pc) =	sbr.rel $0x88, $3  }
0x1: {  	(tag) =	ssettag $0x0;
	lr =	simm.s32 $0x1  }
0x2: {  	[smem:$0x3F9B] =	sst lr;
	_ =	strace $0xD0000000  }
0x3: {  	_ = 	snop  }
0x4: {  	_ = 	snop  }
0x5: {  	_ = 	snop  }
0x6: {  	_ = 	snop  }
0x7: {  	_ = 	snop  }
__scs_overlays_trampoline_lowered:
0x8: {  	[smem:$0x3FAA] =	sst s0  }
0x9: {  	[smem:$0x3FAB] =	sst s1  }
0xa: {  	[smem:$0x3FAC] =	sst s2  }
0xb: {  	[smem:$0x3FAD] =	sst s3  }
0xc: {  	[smem:$0x3FAE] =	sst s4  }
0xd: {  	[smem:$0x3FAF] =	sst s5  }
0xe: {  	[smem:$0x3FB0] =	sst s6  }
0xf: {  	[smem:$0x3FB1] =	sst s7  }
0x10: {  	[smem:$0x3FB2] =	sst s8  }
0x11: {  	[smem:$0x3FB3] =	sst s9;
	s0 =	simm.s32 @!p0 $0x0  }
0x12: {  	s1 =	sld [smem:$0x3F99];
	s0 =	simm.s32 @p0 $0x1  }
0x13: {  	[smem:$0x3FB4] =	sst s0;
	s0 =	simm.s32 @!p1 $0x0  }
0x14: {  	s2 =	sld [smem:$0x3F98];
	s0 =	simm.s32 @p1 $0x1  }
0x15: {  	[smem:$0x3FB5] =	sst s0;
	s0 =	simm.s32 @!p2 $0x0  }
0x16: {  	s3 =	sld [smem:$0x3FDB];
	s0 =	simm.s32 @p2 $0x1  }
0x17: {  	s4 =	simm.s32 $0x1BF5;
	[smem:$0x3FB7] =	sst s0  }
0x18: {  	s0 =	sld [smem:$0x3F9A];
	_ =	swait.ge [sflag:s4], $0x0  }
0x19: {  	s7 =	sld [smem:$0x3F9B]  }
0x1a: {  	s8 =	sadd.s32 $0xFFFFE003, lr  }
0x1b: {  	s9 =	sadd.s32 $0xFFFFFEF7, lr;
	s5 =	simm.s32 $0xFFFFFFFF;
	p2 =	slt.u32 s8, $0xFFFFF086  }
0x1c: {  	p1 =	slt.u32 s9, $0xF7A;
	s5 =	simm.s32 @!p2 $0x0  }
0x1d: {  	s5 =	simm.s32 @p1 $0x1;
	p0 =	seq.s32 s7, s2  }
0x1e: {  	s7 =	smul.u32 @!p0 $0xF7A, s2;
	p2 =	seq.s32 @!p0 s5, $0x0  }
0x1f: {  	s9 =	smul.u32 $0xF7A, s1;
	s8 =	simm.s32 @!p0 $0x1BF5;
	p2 =	por !p2, p0  }
0x20: {  	[sflag:s8] =	ssyncset.s32 @!p0 $0xFFFFF086;
	s6 =	sadd.s32 @!p0 s3, s7;
	s7 =	simm.s32 @!p0 $0x108  }
0x21: {  	s3 =	sadd.s32 s3, s9;
	s6 =	sadd.s32 @!p0 $0x88, s6;
	s7 =	simm.s32 @p2 $0x1082  }
0x22: {  	[simem:s7], [sflag:s8] =	dma.local @!p0 [hbm:s6], $0xF7A  }
0x23: {  	s9 =	sor.u32 $0xD0000000, s2;
	s6 =	simm.s32 $0x108;
	_ =	swait.ge @!p0 [sflag:s8], $0x0  }
0x24: {  	s3 =	sadd.s32 $0x88, s3;
	s6 =	simm.s32 @!p1 $0x1082;
	[sflag:s4] =	ssyncset.s32 $0xFFFFF086  }
0x25: {  	[simem:s6], [sflag:s4] =	dma.local [hbm:s3], $0xF7A  }
0x26: {  	[smem:$0x3F9B] =	sst s1;
	(tag) =	ssettag s2;
	_ =	strace s9  }
0x27: {  	s1 =	sld [smem:$0x3FAB]  }
0x28: {  	s2 =	sld [smem:$0x3FAC]  }
0x29: {  	s4 =	sld [smem:$0x3FAE]  }
0x2a: {  	p0 =	seq.s32 s5, $0x0;
	s5 =	sld [smem:$0x3FAF]  }
0x2b: {  	s6 =	sld [smem:$0x3FB0]  }
0x2c: {  	s7 =	sld [smem:$0x3FB1]  }
0x2d: {  	s3 =	simm.s32 $0x108;
	s8 =	sld [smem:$0x3FB2]  }
0x2e: {  	s3 =	simm.s32 @!p0 $0x1082;
	s9 =	sld [smem:$0x3FB3]  }
0x2f: {  	lr =	sadd.s32 s0, s3;
	s0 =	sld [smem:$0x3FAA]  }
0x30: {  	s3 =	sld [smem:$0x3FAD]  }
0x31: {  	[smem:$0x3FB6] =	sst s10  }
0x32: {  	s10 =	sld [smem:$0x3FB4];
	_ =	sdelay $0x3  }
0x33: {  	p0 =	seq.s32 s10, $0x1;
	s10 =	sld [smem:$0x3FB6];
	_ =	sdelay $0x3  }
0x34: {  	[smem:$0x3FB6] =	sst s10  }
0x35: {  	s10 =	sld [smem:$0x3FB5];
	_ =	sdelay $0x3  }
0x36: {  	p1 =	seq.s32 s10, $0x1;
	s10 =	sld [smem:$0x3FB6];
	_ =	sdelay $0x3  }
0x37: {  	[smem:$0x3FB6] =	sst s10  }
0x38: {  	s10 =	sld [smem:$0x3FB7]  }
0x39: {  	_ = 	snop;
	(pc) =	sbr.ind lr, $3  }
0x3a: {  	_ = 	snop  }
0x3b: {  	_ = 	snop  }
0x3c: {  	p2 =	seq.s32 s10, $0x1;
	s10 =	sld [smem:$0x3FB6]  }
0x3d: {  	_ =	shalt  }
0x3e: {  	_ =	shalt  }
0x3f: {  	_ =	shalt  }
0x40: {  	_ =	shalt  }
0x41: {  	_ =	shalt  }
0x42: {  	_ =	shalt  }
0x43: {  	_ =	shalt  }
0x44: {  	_ =	shalt  }
0x45: {  	_ =	shalt  }
0x46: {  	_ =	shalt  }
0x47: {  	_ =	shalt  }
0x48: {  	_ =	shalt  }
0x49: {  	_ =	shalt  }
0x4a: {  	_ =	shalt  }
0x4b: {  	_ =	shalt  }
0x4c: {  	_ =	shalt  }
0x4d: {  	_ =	shalt  }
0x4e: {  	_ =	shalt  }
0x4f: {  	_ =	shalt  }
0x50: {  	_ =	shalt  }
0x51: {  	_ =	shalt  }
0x52: {  	_ =	shalt  }
0x53: {  	_ =	shalt  }
0x54: {  	_ =	shalt  }
0x55: {  	_ =	shalt  }
0x56: {  	_ =	shalt  }
0x57: {  	_ =	shalt  }
0x58: {  	_ =	shalt  }
0x59: {  	_ =	shalt  }
0x5a: {  	_ =	shalt  }
0x5b: {  	_ =	shalt  }
0x5c: {  	_ =	shalt  }
0x5d: {  	_ =	shalt  }
0x5e: {  	_ =	shalt  }
0x5f: {  	_ =	shalt  }
0x60: {  	_ =	shalt  }
0x61: {  	_ =	shalt  }
0x62: {  	_ =	shalt  }
0x63: {  	_ =	shalt  }
0x64: {  	_ =	shalt  }
0x65: {  	_ =	shalt  }
0x66: {  	_ =	shalt  }
0x67: {  	_ =	shalt  }
0x68: {  	_ =	shalt  }
0x69: {  	_ =	shalt  }
0x6a: {  	_ =	shalt  }
0x6b: {  	_ =	shalt  }
0x6c: {  	_ =	shalt  }
0x6d: {  	_ =	shalt  }
0x6e: {  	_ =	shalt  }
0x6f: {  	_ =	shalt  }
0x70: {  	_ =	shalt  }
0x71: {  	_ =	shalt  }
0x72: {  	_ =	shalt  }
0x73: {  	_ =	shalt  }
0x74: {  	_ =	shalt  }
0x75: {  	_ =	shalt  }
0x76: {  	_ =	shalt  }
0x77: {  	_ =	shalt  }
0x78: {  	_ =	shalt  }
0x79: {  	_ =	shalt  }
0x7a: {  	_ =	shalt  }
0x7b: {  	_ =	shalt  }
0x7c: {  	_ =	shalt  }
0x7d: {  	_ =	shalt  }
0x7e: {  	_ =	shalt  }
0x7f: {  	_ =	shalt  }
0x80: {  	_ =	shalt  }
0x81: {  	_ =	shalt  }
0x82: {  	_ =	shalt  }
0x83: {  	_ =	shalt  }
0x84: {  	_ =	shalt  }
0x85: {  	_ =	shalt  }
0x86: {  	_ =	shalt  }
0x87: {  	_ =	shalt  }
.Lfunc_end0:
.L_simem_size_0:
called_computation.3_lowered:
.L_overlay_start_0:
0x88: {  	s2 =	sld [smem:$0x3FD9]  }
0x89: {  	s3 =	sld [smem:$0x3FFE];
	_ =	sdelay $0x1  }
0x8a: {  	s1 =	srdreg.scid  }
0x8b: {  	s0 =	sand.u32 $0x1, s1  }
0x8c: {  	s17 =	sshll.u32 s0, $0xA;
	s2 =	sadd.s32 s3, s2  }
0x8d: {  	s2 =	sadd.s32 s2, s17  }
0x8e: {  	[smem:$0x3FC2] =	sst s2  }
0x8f: {  	_ = 	snop  }
0x90: {  	s2 =	sld [smem:$0x3FD0];
	(tm) =	ssettm $0x1  }
0x91: {  	s18 =	sld [smem:$0x3FFB];
	_ =	sdelay $0x3  }
0x92: {  	_ =	strace s18  }
0x93: {  	s3 =	sld [smem:$0x3FFC];
	_ =	sdelay $0x3  }
0x94: {  	_ =	strace s3  }
0x95: {  	s3 =	sld [smem:$0x3FFD];
	_ =	sdelay $0x3  }
0x96: {  	_ =	strace s3  }
0x97: {  	_ =	strace $0x8FFFFFFF  }
0x98: {  	s19 =	sld [smem:$0x3FDB];
	_ =	sdelay $0x1  }
0x99: {  	s4 =	simm.s32 $_scs_section_size  }
0x9a: {  	s5 =	simm.s32 $_size__tile_overlayer_lowered;
	s6 =	simm.s32 $_tile_overlayer_lowered  }
0x9b: {  	s22 =	simm.s32 $0x1BFF;
	s21 =	sshll.u32 s6, $0x1;
	s3 =	sadd.s32 s4, s19  }
0x9c: {  	s7 =	simm.s32 $0x0;
	s20 =	sshll.u32 s5, $0x1;
	s5 =	sadd.s32 s21, s3  }
0x9d: {  	[timem:s7], [sflag:s22] =	dma.local [hbm:s5], s20  }
0x9e: {  	_ =	swait.ge [sflag:s22], s20  }
0x9f: {  	s4 =	ssub.s32 $0x0, s20;
	[sflag:s22] =	ssyncset.done $0x0  }
0xa0: {  	[sflag:s22] =	ssyncadd.s32 s4;
	_ =	sdelay $0x1  }
0xa1: {  	s23 =	simm.s32 $0x1B8B  }
0xa2: {  	_ =	swait.ge [sflag:s23], $0x1  }
0xa3: {  	[sflag:s23] =	ssyncset.done $0x0  }
0xa4: {  	s25 =	simm.s32 $0x1B8E;
	s24 =	sld [smem:$0x3FFE];
	[sflag:s23] =	ssyncadd.s32 $0xFFFFFFFF  }
0xa5: {  	s26 =	simm.s32 $execute0_lowered;
	[smem:$0x3FD2] =	sst s25  }
0xa6: {  	s5 =	sshll.u32 s26, $0x1;
	_ =	strace $0x8000004F;
	[dreg:$0x1] =	wrdreg $0xFFFFFFFF  }
0xa7: {  	s28 =	simm.s32 $_size_execute0_lowered;
	s3 =	sadd.s32 s3, s5;
	[dreg:$0x0] =	wrdreg $0x0  }
0xa8: {  	s5 =	sshll.u32 s28, $0x1;
	[dreg:$0x2] =	wrdreg s3  }
0xa9: {  	[dreg:$0x3] =	wrdreg s5  }
0xaa: {  	[dreg:$0x4] =	wrdreg $0xC0  }
0xab: {  	_ =	task [dreg:s7], $0x5FFFF  }
0xac: {  	[dreg:$0x1] =	wrdreg $0xFFFFFFFF  }
0xad: {  	[dreg:$0x0] =	wrdreg $0x60  }
0xae: {  	[dreg:$0x2] =	wrdreg s24  }
0xaf: {  	[dreg:$0x3] =	wrdreg s2  }
0xb0: {  	[dreg:$0x4] =	wrdreg $0x0  }
0xb1: {  	[dreg:$0x5] =	wrdreg $0x9  }
0xb2: {  	_ =	task.clear_ibuf [dreg:s7], $0x6FFFF;
	_ =	strace $0x9000004F  }
0xb3: {  	s29 =	simm.s32 $0x9;
	_ =	strace $0x80000051  }
0xb4: {  	_ =	swait.ge [sflag:s29], $0x1  }
0xb5: {  	[sflag:s29] =	ssyncadd.s32 $0xFFFFFFFF  }
0xb6: {  	_ =	strace $0x90000051  }
0xb7: {  	_ =	sfence  }
0xb8: {  	s30 =	sld [smem:$0x0];
	_ =	sdelay $0x2  }
0xb9: {  	s31 =	sshll.u32 s1, $0xD;
	s1 =	sshrl.u32 s1, $0x2  }
0xba: {  	s3 =	sand.u32 $0x4000, s31;
	s1 =	sadd.s32 s1, s30  }
0xbb: {  	s0 =	sor.u32 s3, s0;
	s1 =	sshll.u32 s1, $0x11  }
0xbc: {  	s0 =	sor.u32 s1, s0  }
0xbd: {  	s0 =	sadd.s32 $0x8F2B, s0  }
0xbe: {  	[sflag:s0] =	ssyncadd.remote.s32 $0x1  }
0xbf: {  	_ =	sfence.sel $0xFFFF  }
0xc0: {  	[dreg:$0x0] =	wrdreg $0xFFFFFFFF;
	(pc) =	sbr.abs _section_cstart, $3  }
0xc1: {  	[dreg:$0x1] =	wrdreg $0xFFFFFFFF  }
0xc2: {  	_ =	task.clear_ibuf [dreg:s7], $0x2FFFF;
	_ =	strace $0x9FFFFFFF  }
0xc3: {  	(tm) =	ssettm $0x7FFFFFFF  }
tec
execute0_lowered:
.L_overlay_start_1:
0x0: {  	(tag) =	ssettag $0x1  }
0x1: {  	s0 =	rddreg [dreg:$0x0]  }
0x2: {  	s1 =	rddreg [dreg:$0x1]  }
0x3: {  	s2 =	rddreg [dreg:$0x2];
	s3 =	srdreg.scid  }
0x4: {  	s4 =	simm.s32 $0x0;
	s25 =	stileid.u32;
	s19 =	simm.s32 $0x14200  }
0x5: {  	s20 =	simm.s32 $0x3;
	s21 =	simm.s32 $0x14000;
	s22 =	simm.s32 $0x14080  }
0x6: {  	s23 =	simm.s32 $0x80;
	s24 =	simm.s32 $0x14100;
	s28 =	simm.s32 $0x1  }
0x7: {  	s29 =	simm.s32 $0x2;
	s30 =	simm.s32 $0x0;
	s6 =	smul.u32 $0x14000, s25  }
0x8: {  	s8 =	sand.u32 $0x1, s3;
	[smem:$0x7FF] =	sst s4;
	s9 =	smul.u32 $0x50000, s25  }
0x9: {  	s7 =	sshll.u32 s25, $0x1;
	s25 =	simm.s32 $0x14180;
	s5 =	smul.u32 $0x140000, s8  }
0xa: {  	_ =	strace $0x80000050;
	s7 =	sor.u32 s8, s7;
	s8 =	ssub.s32 $0x2, s8  }
0xb: {  	s26 =	sshrl.u32 s8, $0x1;
	s9 =	sshrl.u32 s9, $0x2;
	s6 =	sadd.s32 s6, s5  }
0xc: {  	s5 =	sadd.s32 $0xE600, s0;
	s14 =	ssub.s32 s8, s26;
	s8 =	sadd.s32 s9, s2  }
0xd: {  	s26 =	simm.s32 $0x18200;
	s10 =	sshrl.u32 s6, $0x3;
	s6 =	smul.u32 $0x2C00, s7  }
0xe: {  	s7 =	sadd.s32 $0x3600, s0;
	s14 =	smax.u32 s14, $0x1;
	s15 =	sadd.s32 $0x4000, s8  }
0xf: {  	s16 =	sadd.s32 $0x8000, s8;
	s17 =	sadd.s32 $0xC000, s8;
	s0 =	sadd.s32 s10, s0  }
0x10: {  	s18 =	sadd.s32 $0x10000, s8;
	s11 =	sshrl.u32 s6, $0x3;
	s13 =	sadd.s32 $0x36600, s0  }
0x11: {  	s12 =	sor.u32 $0x10, s11;
	s31 =	sadd.s32 s1, s11;
	s10 =	sadd.s32 s7, s11  }
0x12: {  	v0 =	vimm.f32 $0.0e+00;
	[dreg:$0x4] =	wrdreg s31;
	s11 =	sadd.s32 s1, s12;
	s12 =	sadd.s32 s7, s12  }
.LBB2_1:
0x13: {  	s31 =	simm.s32 $0x0;
	s0 =	simm.s32 $0x200  }
.LBB2_2:
0x14: {  	p0 =	sne.s32 s0, $0xFE00;
	[tilespmem:s31+$0x14270] =	vst v0  }
0x15: {  	[tilespmem:s31+$0x14200] =	vst v0  }
0x16: {  	[tilespmem:s31+$0x14210] =	vst v0  }
.Ltmp0:
0x17: {  	[tilespmem:s31+$0x14220] =	vst v0;
	(pc) =	sbr.rel @p0 .LBB2_2-.Ltmp0, $4  }
0x18: {  	[tilespmem:s31+$0x14230] =	vst v0  }
0x19: {  	[tilespmem:s31+$0x14240] =	vst v0  }
0x1a: {  	[tilespmem:s31+$0x14250] =	vst v0  }
0x1b: {  	[tilespmem:s31+$0x14260] =	vst v0;
	s31 =	sshra.s32 s0, $0x2;
	s0 =	sadd.s32 $0x200, s0  }
0x1c: {  	[tilespmem:s31+$0x14270] =	vst v0  }
0x1d: {  	[tilespmem:s31+$0x14200] =	vst v0  }
0x1e: {  	[tilespmem:s31+$0x14210] =	vst v0  }
0x1f: {  	[tilespmem:s31+$0x14220] =	vst v0  }
0x20: {  	[tilespmem:s31+$0x14230] =	vst v0  }
0x21: {  	[tilespmem:s31+$0x14240] =	vst v0  }
0x22: {  	[tilespmem:s31+$0x14250] =	vst v0  }
0x23: {  	[tilespmem:s31+$0x14260] =	vst v0  }
0x24: {  	[spmem:s8] =	stream.linear.scatter [tilespmem:s19], [sflag:$0x3], $0x4000, $0x38;
	[tilespmem:$0x1C200] =	vst v63  }
0x25: {  	_ =	swait.ge [sflag:s20], $0x4000  }
0x26: {  	[sflag:s20] =	ssyncset.done $0x0  }
0x27: {  	[sflag:s20] =	ssyncadd.s32 $0xFFFFC000  }
0x28: {  	[spmem:s15] =	stream.linear.scatter [tilespmem:s19], [sflag:$0x3], $0x4000, $0x38;
	[tilespmem:$0x1C200] =	vst v63  }
0x29: {  	_ =	swait.ge [sflag:s20], $0x4000  }
0x2a: {  	[sflag:s20] =	ssyncset.done $0x0  }
0x2b: {  	[sflag:s20] =	ssyncadd.s32 $0xFFFFC000  }
0x2c: {  	[spmem:s16] =	stream.linear.scatter [tilespmem:s19], [sflag:$0x3], $0x4000, $0x38;
	[tilespmem:$0x1C200] =	vst v63  }
0x2d: {  	_ =	swait.ge [sflag:s20], $0x4000  }
0x2e: {  	[sflag:s20] =	ssyncset.done $0x0  }
0x2f: {  	[sflag:s20] =	ssyncadd.s32 $0xFFFFC000  }
0x30: {  	[spmem:s17] =	stream.linear.scatter [tilespmem:s19], [sflag:$0x3], $0x4000, $0x38;
	[tilespmem:$0x1C200] =	vst v63  }
0x31: {  	_ =	swait.ge [sflag:s20], $0x4000  }
0x32: {  	[sflag:s20] =	ssyncset.done $0x0  }
0x33: {  	[sflag:s20] =	ssyncadd.s32 $0xFFFFC000  }
0x34: {  	[spmem:s18] =	stream.linear.scatter [tilespmem:s19], [sflag:$0x3], $0x4000, $0x38;
	[tilespmem:$0x1C200] =	vst v63  }
0x35: {  	_ =	swait.ge [sflag:s20], $0x4000  }
0x36: {  	[sflag:s20] =	ssyncset.done $0x0  }
0x37: {  	s0 =	rddreg [dreg:$0x4];
	[sflag:s20] =	ssyncadd.s32 $0xFFFFC000  }
0x38: {  	[tilespmem:s21], [sflag:$0x3] =	stream.linear.gather [hbm4b:s0+s4], $0x80, $0x38;
	[tilespmem:$0x1C200] =	vst v63  }
0x39: {  	_ =	swait.ge [sflag:s20], $0x80  }
0x3a: {  	[sflag:s20] =	ssyncset.done $0x0  }
0x3b: {  	[sflag:s20] =	ssyncadd.s32 $0xFFFFFF80  }
0x3c: {  	[tilespmem:s22], [sflag:$0x3] =	stream.linear.gather [hbm4b:s10+s4], $0x80, $0x38;
	[tilespmem:$0x1C200] =	vst v63  }
0x3d: {  	_ =	swait.ge [sflag:s20], $0x80  }
0x3e: {  	[sflag:s20] =	ssyncset.done $0x0  }
0x3f: {  	[sflag:s20] =	ssyncadd.s32 $0xFFFFFF80  }
0x40: {  	[tilespmem:s19], [sflag:$0x1] =	stream.indirect.gather [hbm4b:s5+s23], $0x80, s21, s23, $0xb8;
	[tilespmem:$0x1C200] =	vst v63  }
0x41: {  	_ = 	snop  }
0x42: {  	[tilespmem:s24], [sflag:$0x3] =	stream.linear.gather [hbm4b:s11+s4], $0x80, $0x38;
	[tilespmem:$0x1C200] =	vst v63  }
0x43: {  	_ =	swait.ge [sflag:s20], $0x80  }
0x44: {  	[sflag:s20] =	ssyncset.done $0x0  }
0x45: {  	[sflag:s20] =	ssyncadd.s32 $0xFFFFFF80  }
0x46: {  	[tilespmem:s25], [sflag:$0x3] =	stream.linear.gather [hbm4b:s12+s4], $0x80, $0x38;
	[tilespmem:$0x1C200] =	vst v63  }
0x47: {  	_ =	swait.ge [sflag:s20], $0x80  }
0x48: {  	[sflag:s20] =	ssyncset.done $0x0  }
0x49: {  	[sflag:s20] =	ssyncadd.s32 $0xFFFFFF80  }
0x4a: {  	[tilespmem:s26], [sflag:$0x2] =	stream.indirect.gather [hbm4b:s5+s23], $0x80, s24, s23, $0xb8;
	[tilespmem:$0x1C200] =	vst v63  }
0x4b: {  	[bflag:$0x0] =	sbarrier.arrive $0xFFFF  }
0x4c: {  	s3 =	simm.s32 $0x100;
	_ =	swait.ge [sflag:s28], $0x4000  }
0x4d: {  	s31 =	sand.u32 $0x7C00, s3;
	[sflag:s28] =	ssyncset.done $0x0  }
0x4e: {  	s31 =	sadd.s32 s6, s31;
	s0 =	sand.u32 $0x300, s3;
	[sflag:s28] =	ssyncadd.s32 $0xFFFFC000  }
0x4f: {  	[spmem:s2] =	stream.indirect.scatter.add.f32 [tilespmem:s19], [sflag:$0x3], $0x80, s22, s23, $0xb8;
	[tilespmem:$0x1C200] =	vst v63  }
0x50: {  	s0 =	sor.u32 s0, s31;
	_ =	swait.ge [sflag:s20], $0x4000  }
0x51: {  	s0 =	sshrl.u32 s0, $0x3;
	[sflag:s20] =	ssyncset.done $0x0  }
0x52: {  	s31 =	sadd.s32 s1, s0;
	[sflag:s20] =	ssyncadd.s32 $0xFFFFC000  }
0x53: {  	[tilespmem:s21], [sflag:$0x3] =	stream.linear.gather [hbm4b:s31+s4], $0x80, $0x38;
	[tilespmem:$0x1C200] =	vst v63  }
0x54: {  	_ =	swait.ge [sflag:s20], $0x80  }
0x55: {  	[sflag:s20] =	ssyncset.done $0x0  }
0x56: {  	s0 =	sadd.s32 s7, s0;
	[sflag:s20] =	ssyncadd.s32 $0xFFFFFF80  }
0x57: {  	[tilespmem:s22], [sflag:$0x3] =	stream.linear.gather [hbm4b:s0+s4], $0x80, $0x38;
	[tilespmem:$0x1C200] =	vst v63  }
0x58: {  	_ =	swait.ge [sflag:s20], $0x80  }
0x59: {  	[sflag:s20] =	ssyncset.done $0x0  }
0x5a: {  	[sflag:s20] =	ssyncadd.s32 $0xFFFFFF80  }
0x5b: {  	[tilespmem:s19], [sflag:$0x1] =	stream.indirect.gather [hbm4b:s5+s23], $0x80, s21, s23, $0xb8;
	[tilespmem:$0x1C200] =	vst v63  }
0x5c: {  	s9 =	simm.s32 $0x180;
	_ =	swait.ge [sflag:s29], $0x4000  }
0x5d: {  	s31 =	sand.u32 $0x7C00, s9;
	[sflag:s29] =	ssyncset.done $0x0  }
0x5e: {  	s31 =	sadd.s32 s6, s31;
	s0 =	sand.u32 $0x380, s9;
	[sflag:s29] =	ssyncadd.s32 $0xFFFFC000  }
0x5f: {  	[spmem:s2] =	stream.indirect.scatter.add.f32 [tilespmem:s26], [sflag:$0x3], $0x80, s25, s23, $0xb8;
	[tilespmem:$0x1C200] =	vst v63  }
0x60: {  	s0 =	sor.u32 s0, s31;
	_ =	swait.ge [sflag:s20], $0x4000  }
0x61: {  	s0 =	sshrl.u32 s0, $0x3;
	[sflag:s20] =	ssyncset.done $0x0  }
0x62: {  	s31 =	sadd.s32 s1, s0;
	[sflag:s20] =	ssyncadd.s32 $0xFFFFC000  }
0x63: {  	[tilespmem:s24], [sflag:$0x3] =	stream.linear.gather [hbm4b:s31+s4], $0x80, $0x38;
	[tilespmem:$0x1C200] =	vst v63  }
0x64: {  	_ =	swait.ge [sflag:s20], $0x80  }
0x65: {  	[sflag:s20] =	ssyncset.done $0x0  }
0x66: {  	s0 =	sadd.s32 s7, s0;
	[sflag:s20] =	ssyncadd.s32 $0xFFFFFF80  }
0x67: {  	[tilespmem:s25], [sflag:$0x3] =	stream.linear.gather [hbm4b:s0+s4], $0x80, $0x38;
	[tilespmem:$0x1C200] =	vst v63  }
0x68: {  	_ =	swait.ge [sflag:s20], $0x80  }
0x69: {  	s31 =	simm.s32 $0x280;
	[sflag:s20] =	ssyncset.done $0x0  }
.LBB2_4:
0x6a: {  	p0 =	sne.s32 s31, $0x2880  }
0x6b: {  	[sflag:s20] =	ssyncadd.s32 $0xFFFFFF80;
	s0 =	smov.u32 s31;
	s31 =	sadd.s32 $0x100, s31  }
0x6c: {  	[tilespmem:s26], [sflag:$0x2] =	stream.indirect.gather [hbm4b:s5+s23], $0x80, s24, s23, $0xb8;
	[tilespmem:$0x1C200] =	vst v63  }
0x6d: {  	s3 =	sadd.s32 $0xFFFFFF80, s0;
	_ =	swait.ge [sflag:s28], $0x4000  }
0x6e: {  	s9 =	sand.u32 $0x7C00, s3;
	s3 =	sand.u32 $0x300, s3;
	[sflag:s28] =	ssyncset.done $0x0  }
0x6f: {  	s9 =	sadd.s32 s6, s9;
	[sflag:s28] =	ssyncadd.s32 $0xFFFFC000  }
0x70: {  	[spmem:s2] =	stream.indirect.scatter.add.f32 [tilespmem:s19], [sflag:$0x3], $0x80, s22, s23, $0xb8;
	[tilespmem:$0x1C200] =	vst v63  }
0x71: {  	s3 =	sor.u32 s3, s9;
	_ =	swait.ge [sflag:s20], $0x4000  }
0x72: {  	s3 =	sshrl.u32 s3, $0x3;
	[sflag:s20] =	ssyncset.done $0x0  }
0x73: {  	s9 =	sadd.s32 s1, s3;
	[sflag:s20] =	ssyncadd.s32 $0xFFFFC000  }
0x74: {  	[tilespmem:s21], [sflag:$0x3] =	stream.linear.gather [hbm4b:s9+s4], $0x80, $0x38;
	[tilespmem:$0x1C200] =	vst v63  }
0x75: {  	_ =	swait.ge [sflag:s20], $0x80  }
0x76: {  	s3 =	sadd.s32 s7, s3;
	[sflag:s20] =	ssyncset.done $0x0  }
0x77: {  	[sflag:s20] =	ssyncadd.s32 $0xFFFFFF80  }
0x78: {  	[tilespmem:s22], [sflag:$0x3] =	stream.linear.gather [hbm4b:s3+s4], $0x80, $0x38;
	[tilespmem:$0x1C200] =	vst v63  }
0x79: {  	_ =	swait.ge [sflag:s20], $0x80  }
0x7a: {  	[sflag:s20] =	ssyncset.done $0x0  }
0x7b: {  	[sflag:s20] =	ssyncadd.s32 $0xFFFFFF80  }
0x7c: {  	[tilespmem:s19], [sflag:$0x1] =	stream.indirect.gather [hbm4b:s5+s23], $0x80, s21, s23, $0xb8;
	[tilespmem:$0x1C200] =	vst v63  }
0x7d: {  	_ =	swait.ge [sflag:s29], $0x4000  }
0x7e: {  	s3 =	sand.u32 $0x7C00, s0;
	[sflag:s29] =	ssyncset.done $0x0  }
0x7f: {  	s0 =	sand.u32 $0x380, s0;
	s3 =	sadd.s32 s6, s3;
	[sflag:s29] =	ssyncadd.s32 $0xFFFFC000  }
0x80: {  	[spmem:s2] =	stream.indirect.scatter.add.f32 [tilespmem:s26], [sflag:$0x3], $0x80, s25, s23, $0xb8;
	[tilespmem:$0x1C200] =	vst v63  }
0x81: {  	s0 =	sor.u32 s0, s3;
	_ =	swait.ge [sflag:s20], $0x4000  }
0x82: {  	s0 =	sshrl.u32 s0, $0x3;
	[sflag:s20] =	ssyncset.done $0x0  }
0x83: {  	s3 =	sadd.s32 s1, s0;
	[sflag:s20] =	ssyncadd.s32 $0xFFFFC000  }
0x84: {  	[tilespmem:s24], [sflag:$0x3] =	stream.linear.gather [hbm4b:s3+s4], $0x80, $0x38;
	[tilespmem:$0x1C200] =	vst v63  }
0x85: {  	_ =	swait.ge [sflag:s20], $0x80  }
.Ltmp1:
0x86: {  	s0 =	sadd.s32 s7, s0;
	[sflag:s20] =	ssyncset.done $0x0;
	(pc) =	sbr.rel @p0 .LBB2_4-.Ltmp1, $4  }
0x87: {  	[sflag:s20] =	ssyncadd.s32 $0xFFFFFF80  }
0x88: {  	[tilespmem:s25], [sflag:$0x3] =	stream.linear.gather [hbm4b:s0+s4], $0x80, $0x38;
	[tilespmem:$0x1C200] =	vst v63  }
0x89: {  	_ =	swait.ge [sflag:s20], $0x80  }
0x8a: {  	[sflag:s20] =	ssyncset.done $0x0  }
0x8b: {  	[sflag:s20] =	ssyncadd.s32 $0xFFFFFF80  }
0x8c: {  	[tilespmem:s26], [sflag:$0x2] =	stream.indirect.gather [hbm4b:s5+s23], $0x80, s24, s23, $0xb8;
	[tilespmem:$0x1C200] =	vst v63  }
0x8d: {  	_ =	swait.ge [sflag:s28], $0x4000  }
0x8e: {  	[sflag:s28] =	ssyncset.done $0x0  }
0x8f: {  	[sflag:s28] =	ssyncadd.s32 $0xFFFFC000  }
0x90: {  	s0 =	stileid.u32;
	_ =	swait.ge [sflag:s29], $0x4000  }
0x91: {  	s3 =	sshrl.u32 s8, $0x3;
	s30 =	sadd.s32 $0x1, s30;
	[sflag:s29] =	ssyncset.done $0x0  }
0x92: {  	s0 =	sshll.u32 s0, $0x6;
	p0 =	sne.s32 s30, s14;
	[sflag:s29] =	ssyncadd.s32 $0xFFFFC000  }
.Ltmp2:
0x93: {  	s0 =	sor.u32 $0x1C03, s0;
	[bflag:$0x0] =	sbarrier.arrive $0xFFFF;
	(pc) =	sbr.rel @p0 .LBB2_1-.Ltmp2, $4  }
0x94: {  	[hbm:s13], [sflag:s0] =	dma.local [spmem:s3], $0x2800  }
0x95: {  	_ =	swait.ge [sflag:s20], $0x2800  }
0x96: {  	[sflag:s20] =	ssyncset.done $0x0  }
0x97: {  	[sflag:s20] =	ssyncadd.s32 $0xFFFFD800  }
0x98: {  	_ =	sfence.sel $0x180000  }
0x99: {  	[bflag:$0x0] =	sbarrier.arrive $0xFFFF  }
0x9a: {  	_ =	strace $0x90000050  }
0x9b: {  	s0 =	stileid.u32;
	[bflag:$0x2] =	sbarrier.arrive $0xFFFF  }
0x9c: {  	p0 =	sne.s32 s0, $0x0;
	s0 =	rddreg [dreg:$0x3]  }
0x9d: {  	s0 =	sadd.s32 @!p0 $0x100000, s0  }
0x9e: {  	[sflag:s0] =	ssyncadd.tile.s32 @!p0 $0x1;
	_ =	shalt  }
.Lfunc_end2:
_tile_overlayer_lowered:
.L_overlay_start_2:
0x9f: {  	(tag) =	ssettag $0x2  }
0xa0: {  	s0 =	rddreg [dreg:$0x0];
	s2 =	stileid.u32  }
0xa1: {  	s1 =	rddreg [dreg:$0x1];
	p0 =	sne.s32 s2, $0x0  }
0xa2: {  	s3 =	rddreg [dreg:$0x2];
	[bflag:$0x3] =	sbarrier.arrive $0xFFFF;
	s2 =	simm.s32 @!p0 $0x1C03  }
0xa3: {  	[timem:s3], [sflag:s2] =	dma.local @!p0 [hbm:s0], s1  }
0xa4: {  	s0 =	simm.s32 @!p0 $0x3  }
0xa5: {  	_ =	swait.ge @!p0 [sflag:s0], s1  }
0xa6: {  	s1 =	ssub.s32 @!p0 $0x0, s1;
	[sflag:s0] =	ssyncset.done @!p0 $0x0  }
0xa7: {  	[sflag:s0] =	ssyncadd.s32 @!p0 s1  }
0xa8: {  	[bflag:$0x3] =	sbarrier.arrive $0xFFFF  }
0xa9: {  	_ =	shalt  }

// kernel: kernel.24.cloned.1.call-start
scs
__scs_entry_jumppad:
0x0: {  	(pc) =	sbr.rel $0x88, $3  }
0x1: {  	(tag) =	ssettag $0x0;
	lr =	simm.s32 $0x1  }
0x2: {  	[smem:$0x3F9B] =	sst lr;
	_ =	strace $0xD0000000  }
0x3: {  	_ = 	snop  }
0x4: {  	_ = 	snop  }
0x5: {  	_ = 	snop  }
0x6: {  	_ = 	snop  }
0x7: {  	_ = 	snop  }
__scs_overlays_trampoline_lowered:
0x8: {  	[smem:$0x3FAA] =	sst s0  }
0x9: {  	[smem:$0x3FAB] =	sst s1  }
0xa: {  	[smem:$0x3FAC] =	sst s2  }
0xb: {  	[smem:$0x3FAD] =	sst s3  }
0xc: {  	[smem:$0x3FAE] =	sst s4  }
0xd: {  	[smem:$0x3FAF] =	sst s5  }
0xe: {  	[smem:$0x3FB0] =	sst s6  }
0xf: {  	[smem:$0x3FB1] =	sst s7  }
0x10: {  	[smem:$0x3FB2] =	sst s8  }
0x11: {  	[smem:$0x3FB3] =	sst s9;
	s0 =	simm.s32 @!p0 $0x0  }
0x12: {  	s1 =	sld [smem:$0x3F99];
	s0 =	simm.s32 @p0 $0x1  }
0x13: {  	[smem:$0x3FB4] =	sst s0;
	s0 =	simm.s32 @!p1 $0x0  }
0x14: {  	s2 =	sld [smem:$0x3F98];
	s0 =	simm.s32 @p1 $0x1  }
0x15: {  	[smem:$0x3FB5] =	sst s0;
	s0 =	simm.s32 @!p2 $0x0  }
0x16: {  	s3 =	sld [smem:$0x3FDB];
	s0 =	simm.s32 @p2 $0x1  }
0x17: {  	s4 =	simm.s32 $0x1BF5;
	[smem:$0x3FB7] =	sst s0  }
0x18: {  	s0 =	sld [smem:$0x3F9A];
	_ =	swait.ge [sflag:s4], $0x0  }
0x19: {  	s7 =	sld [smem:$0x3F9B]  }
0x1a: {  	s8 =	sadd.s32 $0xFFFFE003, lr  }
0x1b: {  	s9 =	sadd.s32 $0xFFFFFEF7, lr;
	s5 =	simm.s32 $0xFFFFFFFF;
	p2 =	slt.u32 s8, $0xFFFFF086  }
0x1c: {  	p1 =	slt.u32 s9, $0xF7A;
	s5 =	simm.s32 @!p2 $0x0  }
0x1d: {  	s5 =	simm.s32 @p1 $0x1;
	p0 =	seq.s32 s7, s2  }
0x1e: {  	s7 =	smul.u32 @!p0 $0xF7A, s2;
	p2 =	seq.s32 @!p0 s5, $0x0  }
0x1f: {  	s9 =	smul.u32 $0xF7A, s1;
	s8 =	simm.s32 @!p0 $0x1BF5;
	p2 =	por !p2, p0  }
0x20: {  	[sflag:s8] =	ssyncset.s32 @!p0 $0xFFFFF086;
	s6 =	sadd.s32 @!p0 s3, s7;
	s7 =	simm.s32 @!p0 $0x108  }
0x21: {  	s3 =	sadd.s32 s3, s9;
	s6 =	sadd.s32 @!p0 $0x88, s6;
	s7 =	simm.s32 @p2 $0x1082  }
0x22: {  	[simem:s7], [sflag:s8] =	dma.local @!p0 [hbm:s6], $0xF7A  }
0x23: {  	s9 =	sor.u32 $0xD0000000, s2;
	s6 =	simm.s32 $0x108;
	_ =	swait.ge @!p0 [sflag:s8], $0x0  }
0x24: {  	s3 =	sadd.s32 $0x88, s3;
	s6 =	simm.s32 @!p1 $0x1082;
	[sflag:s4] =	ssyncset.s32 $0xFFFFF086  }
0x25: {  	[simem:s6], [sflag:s4] =	dma.local [hbm:s3], $0xF7A  }
0x26: {  	[smem:$0x3F9B] =	sst s1;
	(tag) =	ssettag s2;
	_ =	strace s9  }
0x27: {  	s1 =	sld [smem:$0x3FAB]  }
0x28: {  	s2 =	sld [smem:$0x3FAC]  }
0x29: {  	s4 =	sld [smem:$0x3FAE]  }
0x2a: {  	p0 =	seq.s32 s5, $0x0;
	s5 =	sld [smem:$0x3FAF]  }
0x2b: {  	s6 =	sld [smem:$0x3FB0]  }
0x2c: {  	s7 =	sld [smem:$0x3FB1]  }
0x2d: {  	s3 =	simm.s32 $0x108;
	s8 =	sld [smem:$0x3FB2]  }
0x2e: {  	s3 =	simm.s32 @!p0 $0x1082;
	s9 =	sld [smem:$0x3FB3]  }
0x2f: {  	lr =	sadd.s32 s0, s3;
	s0 =	sld [smem:$0x3FAA]  }
0x30: {  	s3 =	sld [smem:$0x3FAD]  }
0x31: {  	[smem:$0x3FB6] =	sst s10  }
0x32: {  	s10 =	sld [smem:$0x3FB4];
	_ =	sdelay $0x3  }
0x33: {  	p0 =	seq.s32 s10, $0x1;
	s10 =	sld [smem:$0x3FB6];
	_ =	sdelay $0x3  }
0x34: {  	[smem:$0x3FB6] =	sst s10  }
0x35: {  	s10 =	sld [smem:$0x3FB5];
	_ =	sdelay $0x3  }
0x36: {  	p1 =	seq.s32 s10, $0x1;
	s10 =	sld [smem:$0x3FB6];
	_ =	sdelay $0x3  }
0x37: {  	[smem:$0x3FB6] =	sst s10  }
0x38: {  	s10 =	sld [smem:$0x3FB7]  }
0x39: {  	_ = 	snop;
	(pc) =	sbr.ind lr, $3  }
0x3a: {  	_ = 	snop  }
0x3b: {  	_ = 	snop  }
0x3c: {  	p2 =	seq.s32 s10, $0x1;
	s10 =	sld [smem:$0x3FB6]  }
0x3d: {  	_ =	shalt  }
0x3e: {  	_ =	shalt  }
0x3f: {  	_ =	shalt  }
0x40: {  	_ =	shalt  }
0x41: {  	_ =	shalt  }
0x42: {  	_ =	shalt  }
0x43: {  	_ =	shalt  }
0x44: {  	_ =	shalt  }
0x45: {  	_ =	shalt  }
0x46: {  	_ =	shalt  }
0x47: {  	_ =	shalt  }
0x48: {  	_ =	shalt  }
0x49: {  	_ =	shalt  }
0x4a: {  	_ =	shalt  }
0x4b: {  	_ =	shalt  }
0x4c: {  	_ =	shalt  }
0x4d: {  	_ =	shalt  }
0x4e: {  	_ =	shalt  }
0x4f: {  	_ =	shalt  }
0x50: {  	_ =	shalt  }
0x51: {  	_ =	shalt  }
0x52: {  	_ =	shalt  }
0x53: {  	_ =	shalt  }
0x54: {  	_ =	shalt  }
0x55: {  	_ =	shalt  }
0x56: {  	_ =	shalt  }
0x57: {  	_ =	shalt  }
0x58: {  	_ =	shalt  }
0x59: {  	_ =	shalt  }
0x5a: {  	_ =	shalt  }
0x5b: {  	_ =	shalt  }
0x5c: {  	_ =	shalt  }
0x5d: {  	_ =	shalt  }
0x5e: {  	_ =	shalt  }
0x5f: {  	_ =	shalt  }
0x60: {  	_ =	shalt  }
0x61: {  	_ =	shalt  }
0x62: {  	_ =	shalt  }
0x63: {  	_ =	shalt  }
0x64: {  	_ =	shalt  }
0x65: {  	_ =	shalt  }
0x66: {  	_ =	shalt  }
0x67: {  	_ =	shalt  }
0x68: {  	_ =	shalt  }
0x69: {  	_ =	shalt  }
0x6a: {  	_ =	shalt  }
0x6b: {  	_ =	shalt  }
0x6c: {  	_ =	shalt  }
0x6d: {  	_ =	shalt  }
0x6e: {  	_ =	shalt  }
0x6f: {  	_ =	shalt  }
0x70: {  	_ =	shalt  }
0x71: {  	_ =	shalt  }
0x72: {  	_ =	shalt  }
0x73: {  	_ =	shalt  }
0x74: {  	_ =	shalt  }
0x75: {  	_ =	shalt  }
0x76: {  	_ =	shalt  }
0x77: {  	_ =	shalt  }
0x78: {  	_ =	shalt  }
0x79: {  	_ =	shalt  }
0x7a: {  	_ =	shalt  }
0x7b: {  	_ =	shalt  }
0x7c: {  	_ =	shalt  }
0x7d: {  	_ =	shalt  }
0x7e: {  	_ =	shalt  }
0x7f: {  	_ =	shalt  }
0x80: {  	_ =	shalt  }
0x81: {  	_ =	shalt  }
0x82: {  	_ =	shalt  }
0x83: {  	_ =	shalt  }
0x84: {  	_ =	shalt  }
0x85: {  	_ =	shalt  }
0x86: {  	_ =	shalt  }
0x87: {  	_ =	shalt  }
.Lfunc_end0:
.L_simem_size_0:
called_computation.4_lowered:
.L_overlay_start_0:
0x88: {  	s2 =	sld [smem:$0x3FD9]  }
0x89: {  	s3 =	sld [smem:$0x3FFE];
	_ =	sdelay $0x1  }
0x8a: {  	s1 =	srdreg.scid  }
0x8b: {  	s0 =	sand.u32 $0x1, s1  }
0x8c: {  	s17 =	sshll.u32 s0, $0xA;
	s2 =	sadd.s32 s3, s2  }
0x8d: {  	s2 =	sadd.s32 s2, s17  }
0x8e: {  	[smem:$0x3FC2] =	sst s2  }
0x8f: {  	_ = 	snop  }
0x90: {  	s2 =	sld [smem:$0x3FD0];
	(tm) =	ssettm $0x1  }
0x91: {  	s18 =	sld [smem:$0x3FFB];
	_ =	sdelay $0x3  }
0x92: {  	_ =	strace s18  }
0x93: {  	s3 =	sld [smem:$0x3FFC];
	_ =	sdelay $0x3  }
0x94: {  	_ =	strace s3  }
0x95: {  	s3 =	sld [smem:$0x3FFD];
	_ =	sdelay $0x3  }
0x96: {  	_ =	strace s3  }
0x97: {  	_ =	strace $0x8FFFFFFF  }
0x98: {  	s19 =	sld [smem:$0x3FDB];
	_ =	sdelay $0x1  }
0x99: {  	s4 =	simm.s32 $_scs_section_size  }
0x9a: {  	s5 =	simm.s32 $_size__tile_overlayer_lowered;
	s6 =	simm.s32 $_tile_overlayer_lowered  }
0x9b: {  	s22 =	simm.s32 $0x1BFF;
	s21 =	sshll.u32 s6, $0x1;
	s3 =	sadd.s32 s4, s19  }
0x9c: {  	s7 =	simm.s32 $0x0;
	s20 =	sshll.u32 s5, $0x1;
	s5 =	sadd.s32 s21, s3  }
0x9d: {  	[timem:s7], [sflag:s22] =	dma.local [hbm:s5], s20  }
0x9e: {  	_ =	swait.ge [sflag:s22], s20  }
0x9f: {  	s4 =	ssub.s32 $0x0, s20;
	[sflag:s22] =	ssyncset.done $0x0  }
0xa0: {  	[sflag:s22] =	ssyncadd.s32 s4;
	_ =	sdelay $0x1  }
0xa1: {  	s23 =	simm.s32 $0x1B8B  }
0xa2: {  	_ =	swait.ge [sflag:s23], $0x1  }
0xa3: {  	[sflag:s23] =	ssyncset.done $0x0  }
0xa4: {  	s25 =	simm.s32 $0x1B8E;
	s24 =	sld [smem:$0x3FFE];
	[sflag:s23] =	ssyncadd.s32 $0xFFFFFFFF  }
0xa5: {  	s26 =	simm.s32 $execute0_lowered;
	[smem:$0x3FD2] =	sst s25  }
0xa6: {  	s5 =	sshll.u32 s26, $0x1;
	_ =	strace $0x80000052;
	[dreg:$0x1] =	wrdreg $0xFFFFFFFF  }
0xa7: {  	s28 =	simm.s32 $_size_execute0_lowered;
	s3 =	sadd.s32 s3, s5;
	[dreg:$0x0] =	wrdreg $0x0  }
0xa8: {  	s5 =	sshll.u32 s28, $0x1;
	[dreg:$0x2] =	wrdreg s3  }
0xa9: {  	[dreg:$0x3] =	wrdreg s5  }
0xaa: {  	[dreg:$0x4] =	wrdreg $0xC0  }
0xab: {  	_ =	task [dreg:s7], $0x5FFFF  }
0xac: {  	[dreg:$0x1] =	wrdreg $0xFFFFFFFF  }
0xad: {  	[dreg:$0x0] =	wrdreg $0x60  }
0xae: {  	[dreg:$0x2] =	wrdreg s24  }
0xaf: {  	[dreg:$0x3] =	wrdreg s2  }
0xb0: {  	[dreg:$0x4] =	wrdreg $0x0  }
0xb1: {  	[dreg:$0x5] =	wrdreg $0x9  }
0xb2: {  	_ =	task.clear_ibuf [dreg:s7], $0x6FFFF;
	_ =	strace $0x90000052  }
0xb3: {  	s29 =	simm.s32 $0x9;
	_ =	strace $0x80000054  }
0xb4: {  	_ =	swait.ge [sflag:s29], $0x1  }
0xb5: {  	[sflag:s29] =	ssyncadd.s32 $0xFFFFFFFF  }
0xb6: {  	_ =	strace $0x90000054  }
0xb7: {  	_ =	sfence  }
0xb8: {  	s30 =	sld [smem:$0x0];
	_ =	sdelay $0x2  }
0xb9: {  	s31 =	sshll.u32 s1, $0xD;
	s1 =	sshrl.u32 s1, $0x2  }
0xba: {  	s3 =	sand.u32 $0x4000, s31;
	s1 =	sadd.s32 s1, s30  }
0xbb: {  	s0 =	sor.u32 s3, s0;
	s1 =	sshll.u32 s1, $0x11  }
0xbc: {  	s0 =	sor.u32 s1, s0  }
0xbd: {  	s0 =	sadd.s32 $0x8F2B, s0  }
0xbe: {  	[sflag:s0] =	ssyncadd.remote.s32 $0x1  }
0xbf: {  	_ =	sfence.sel $0xFFFF  }
0xc0: {  	[dreg:$0x0] =	wrdreg $0xFFFFFFFF;
	(pc) =	sbr.abs _section_cstart, $3  }
0xc1: {  	[dreg:$0x1] =	wrdreg $0xFFFFFFFF  }
0xc2: {  	_ =	task.clear_ibuf [dreg:s7], $0x2FFFF;
	_ =	strace $0x9FFFFFFF  }
0xc3: {  	(tm) =	ssettm $0x7FFFFFFF  }
tec
execute0_lowered:
.L_overlay_start_1:
0x0: {  	(tag) =	ssettag $0x1  }
0x1: {  	s0 =	rddreg [dreg:$0x0]  }
0x2: {  	s1 =	rddreg [dreg:$0x1]  }
0x3: {  	s2 =	rddreg [dreg:$0x2];
	s3 =	srdreg.scid  }
0x4: {  	s4 =	simm.s32 $0x0;
	s25 =	stileid.u32;
	s19 =	simm.s32 $0x14200  }
0x5: {  	s20 =	simm.s32 $0x3;
	s21 =	simm.s32 $0x14000;
	s22 =	simm.s32 $0x14080  }
0x6: {  	s23 =	simm.s32 $0x80;
	s24 =	simm.s32 $0x14100;
	s28 =	simm.s32 $0x1  }
0x7: {  	s29 =	simm.s32 $0x2;
	s30 =	simm.s32 $0x0;
	s6 =	smul.u32 $0x14000, s25  }
0x8: {  	s8 =	sand.u32 $0x1, s3;
	[smem:$0x7FF] =	sst s4;
	s9 =	smul.u32 $0x50000, s25  }
0x9: {  	s7 =	sshll.u32 s25, $0x1;
	s25 =	simm.s32 $0x14180;
	s5 =	smul.u32 $0x140000, s8  }
0xa: {  	_ =	strace $0x80000053;
	s7 =	sor.u32 s8, s7;
	s8 =	ssub.s32 $0x2, s8  }
0xb: {  	s26 =	sshrl.u32 s8, $0x1;
	s9 =	sshrl.u32 s9, $0x2;
	s6 =	sadd.s32 s6, s5  }
0xc: {  	s5 =	sadd.s32 $0xE600, s0;
	s14 =	ssub.s32 s8, s26;
	s8 =	sadd.s32 s9, s2  }
0xd: {  	s26 =	simm.s32 $0x18200;
	s10 =	sshrl.u32 s6, $0x3;
	s6 =	smul.u32 $0x2C00, s7  }
0xe: {  	s7 =	sadd.s32 $0x3600, s0;
	s14 =	smax.u32 s14, $0x1;
	s15 =	sadd.s32 $0x4000, s8  }
0xf: {  	s16 =	sadd.s32 $0x8000, s8;
	s17 =	sadd.s32 $0xC000, s8;
	s0 =	sadd.s32 s10, s0  }
0x10: {  	s18 =	sadd.s32 $0x10000, s8;
	s11 =	sshrl.u32 s6, $0x3;
	s13 =	sadd.s32 $0x36600, s0  }
0x11: {  	s12 =	sor.u32 $0x10, s11;
	s31 =	sadd.s32 s7, s11;
	s10 =	sadd.s32 s1, s11  }
0x12: {  	v0 =	vimm.f32 $0.0e+00;
	[dreg:$0x4] =	wrdreg s31;
	s11 =	sadd.s32 s7, s12;
	s12 =	sadd.s32 s1, s12  }
.LBB2_1:
0x13: {  	s31 =	simm.s32 $0x0;
	s0 =	simm.s32 $0x200  }
.LBB2_2:
0x14: {  	p0 =	sne.s32 s0, $0xFE00;
	[tilespmem:s31+$0x14270] =	vst v0  }
0x15: {  	[tilespmem:s31+$0x14200] =	vst v0  }
0x16: {  	[tilespmem:s31+$0x14210] =	vst v0  }
.Ltmp0:
0x17: {  	[tilespmem:s31+$0x14220] =	vst v0;
	(pc) =	sbr.rel @p0 .LBB2_2-.Ltmp0, $4  }
0x18: {  	[tilespmem:s31+$0x14230] =	vst v0  }
0x19: {  	[tilespmem:s31+$0x14240] =	vst v0  }
0x1a: {  	[tilespmem:s31+$0x14250] =	vst v0  }
0x1b: {  	[tilespmem:s31+$0x14260] =	vst v0;
	s31 =	sshra.s32 s0, $0x2;
	s0 =	sadd.s32 $0x200, s0  }
0x1c: {  	[tilespmem:s31+$0x14270] =	vst v0  }
0x1d: {  	[tilespmem:s31+$0x14200] =	vst v0  }
0x1e: {  	[tilespmem:s31+$0x14210] =	vst v0  }
0x1f: {  	[tilespmem:s31+$0x14220] =	vst v0  }
0x20: {  	[tilespmem:s31+$0x14230] =	vst v0  }
0x21: {  	[tilespmem:s31+$0x14240] =	vst v0  }
0x22: {  	[tilespmem:s31+$0x14250] =	vst v0  }
0x23: {  	[tilespmem:s31+$0x14260] =	vst v0  }
0x24: {  	[spmem:s8] =	stream.linear.scatter [tilespmem:s19], [sflag:$0x3], $0x4000, $0x38;
	[tilespmem:$0x1C200] =	vst v63  }
0x25: {  	_ =	swait.ge [sflag:s20], $0x4000  }
0x26: {  	[sflag:s20] =	ssyncset.done $0x0  }
0x27: {  	[sflag:s20] =	ssyncadd.s32 $0xFFFFC000  }
0x28: {  	[spmem:s15] =	stream.linear.scatter [tilespmem:s19], [sflag:$0x3], $0x4000, $0x38;
	[tilespmem:$0x1C200] =	vst v63  }
0x29: {  	_ =	swait.ge [sflag:s20], $0x4000  }
0x2a: {  	[sflag:s20] =	ssyncset.done $0x0  }
0x2b: {  	[sflag:s20] =	ssyncadd.s32 $0xFFFFC000  }
0x2c: {  	[spmem:s16] =	stream.linear.scatter [tilespmem:s19], [sflag:$0x3], $0x4000, $0x38;
	[tilespmem:$0x1C200] =	vst v63  }
0x2d: {  	_ =	swait.ge [sflag:s20], $0x4000  }
0x2e: {  	[sflag:s20] =	ssyncset.done $0x0  }
0x2f: {  	[sflag:s20] =	ssyncadd.s32 $0xFFFFC000  }
0x30: {  	[spmem:s17] =	stream.linear.scatter [tilespmem:s19], [sflag:$0x3], $0x4000, $0x38;
	[tilespmem:$0x1C200] =	vst v63  }
0x31: {  	_ =	swait.ge [sflag:s20], $0x4000  }
0x32: {  	[sflag:s20] =	ssyncset.done $0x0  }
0x33: {  	[sflag:s20] =	ssyncadd.s32 $0xFFFFC000  }
0x34: {  	[spmem:s18] =	stream.linear.scatter [tilespmem:s19], [sflag:$0x3], $0x4000, $0x38;
	[tilespmem:$0x1C200] =	vst v63  }
0x35: {  	_ =	swait.ge [sflag:s20], $0x4000  }
0x36: {  	[sflag:s20] =	ssyncset.done $0x0  }
0x37: {  	s0 =	rddreg [dreg:$0x4];
	[sflag:s20] =	ssyncadd.s32 $0xFFFFC000  }
0x38: {  	[tilespmem:s21], [sflag:$0x3] =	stream.linear.gather [hbm4b:s0+s4], $0x80, $0x38;
	[tilespmem:$0x1C200] =	vst v63  }
0x39: {  	_ =	swait.ge [sflag:s20], $0x80  }
0x3a: {  	[sflag:s20] =	ssyncset.done $0x0  }
0x3b: {  	[sflag:s20] =	ssyncadd.s32 $0xFFFFFF80  }
0x3c: {  	[tilespmem:s22], [sflag:$0x3] =	stream.linear.gather [hbm4b:s10+s4], $0x80, $0x38;
	[tilespmem:$0x1C200] =	vst v63  }
0x3d: {  	_ =	swait.ge [sflag:s20], $0x80  }
0x3e: {  	[sflag:s20] =	ssyncset.done $0x0  }
0x3f: {  	[sflag:s20] =	ssyncadd.s32 $0xFFFFFF80  }
0x40: {  	[tilespmem:s19], [sflag:$0x1] =	stream.indirect.gather [hbm4b:s5+s23], $0x80, s21, s23, $0xb8;
	[tilespmem:$0x1C200] =	vst v63  }
0x41: {  	_ = 	snop  }
0x42: {  	[tilespmem:s24], [sflag:$0x3] =	stream.linear.gather [hbm4b:s11+s4], $0x80, $0x38;
	[tilespmem:$0x1C200] =	vst v63  }
0x43: {  	_ =	swait.ge [sflag:s20], $0x80  }
0x44: {  	[sflag:s20] =	ssyncset.done $0x0  }
0x45: {  	[sflag:s20] =	ssyncadd.s32 $0xFFFFFF80  }
0x46: {  	[tilespmem:s25], [sflag:$0x3] =	stream.linear.gather [hbm4b:s12+s4], $0x80, $0x38;
	[tilespmem:$0x1C200] =	vst v63  }
0x47: {  	_ =	swait.ge [sflag:s20], $0x80  }
0x48: {  	[sflag:s20] =	ssyncset.done $0x0  }
0x49: {  	[sflag:s20] =	ssyncadd.s32 $0xFFFFFF80  }
0x4a: {  	[tilespmem:s26], [sflag:$0x2] =	stream.indirect.gather [hbm4b:s5+s23], $0x80, s24, s23, $0xb8;
	[tilespmem:$0x1C200] =	vst v63  }
0x4b: {  	[bflag:$0x0] =	sbarrier.arrive $0xFFFF  }
0x4c: {  	s3 =	simm.s32 $0x100;
	_ =	swait.ge [sflag:s28], $0x4000  }
0x4d: {  	s31 =	sand.u32 $0x7C00, s3;
	[sflag:s28] =	ssyncset.done $0x0  }
0x4e: {  	s31 =	sadd.s32 s6, s31;
	s0 =	sand.u32 $0x300, s3;
	[sflag:s28] =	ssyncadd.s32 $0xFFFFC000  }
0x4f: {  	[spmem:s2] =	stream.indirect.scatter.add.f32 [tilespmem:s19], [sflag:$0x3], $0x80, s22, s23, $0xb8;
	[tilespmem:$0x1C200] =	vst v63  }
0x50: {  	s0 =	sor.u32 s0, s31;
	_ =	swait.ge [sflag:s20], $0x4000  }
0x51: {  	s0 =	sshrl.u32 s0, $0x3;
	[sflag:s20] =	ssyncset.done $0x0  }
0x52: {  	s31 =	sadd.s32 s7, s0;
	[sflag:s20] =	ssyncadd.s32 $0xFFFFC000  }
0x53: {  	[tilespmem:s21], [sflag:$0x3] =	stream.linear.gather [hbm4b:s31+s4], $0x80, $0x38;
	[tilespmem:$0x1C200] =	vst v63  }
0x54: {  	_ =	swait.ge [sflag:s20], $0x80  }
0x55: {  	[sflag:s20] =	ssyncset.done $0x0  }
0x56: {  	s0 =	sadd.s32 s1, s0;
	[sflag:s20] =	ssyncadd.s32 $0xFFFFFF80  }
0x57: {  	[tilespmem:s22], [sflag:$0x3] =	stream.linear.gather [hbm4b:s0+s4], $0x80, $0x38;
	[tilespmem:$0x1C200] =	vst v63  }
0x58: {  	_ =	swait.ge [sflag:s20], $0x80  }
0x59: {  	[sflag:s20] =	ssyncset.done $0x0  }
0x5a: {  	[sflag:s20] =	ssyncadd.s32 $0xFFFFFF80  }
0x5b: {  	[tilespmem:s19], [sflag:$0x1] =	stream.indirect.gather [hbm4b:s5+s23], $0x80, s21, s23, $0xb8;
	[tilespmem:$0x1C200] =	vst v63  }
0x5c: {  	s9 =	simm.s32 $0x180;
	_ =	swait.ge [sflag:s29], $0x4000  }
0x5d: {  	s31 =	sand.u32 $0x7C00, s9;
	[sflag:s29] =	ssyncset.done $0x0  }
0x5e: {  	s31 =	sadd.s32 s6, s31;
	s0 =	sand.u32 $0x380, s9;
	[sflag:s29] =	ssyncadd.s32 $0xFFFFC000  }
0x5f: {  	[spmem:s2] =	stream.indirect.scatter.add.f32 [tilespmem:s26], [sflag:$0x3], $0x80, s25, s23, $0xb8;
	[tilespmem:$0x1C200] =	vst v63  }
0x60: {  	s0 =	sor.u32 s0, s31;
	_ =	swait.ge [sflag:s20], $0x4000  }
0x61: {  	s0 =	sshrl.u32 s0, $0x3;
	[sflag:s20] =	ssyncset.done $0x0  }
0x62: {  	s31 =	sadd.s32 s7, s0;
	[sflag:s20] =	ssyncadd.s32 $0xFFFFC000  }
0x63: {  	[tilespmem:s24], [sflag:$0x3] =	stream.linear.gather [hbm4b:s31+s4], $0x80, $0x38;
	[tilespmem:$0x1C200] =	vst v63  }
0x64: {  	_ =	swait.ge [sflag:s20], $0x80  }
0x65: {  	[sflag:s20] =	ssyncset.done $0x0  }
0x66: {  	s0 =	sadd.s32 s1, s0;
	[sflag:s20] =	ssyncadd.s32 $0xFFFFFF80  }
0x67: {  	[tilespmem:s25], [sflag:$0x3] =	stream.linear.gather [hbm4b:s0+s4], $0x80, $0x38;
	[tilespmem:$0x1C200] =	vst v63  }
0x68: {  	_ =	swait.ge [sflag:s20], $0x80  }
0x69: {  	s31 =	simm.s32 $0x280;
	[sflag:s20] =	ssyncset.done $0x0  }
.LBB2_4:
0x6a: {  	p0 =	sne.s32 s31, $0x2880  }
0x6b: {  	[sflag:s20] =	ssyncadd.s32 $0xFFFFFF80;
	s0 =	smov.u32 s31;
	s31 =	sadd.s32 $0x100, s31  }
0x6c: {  	[tilespmem:s26], [sflag:$0x2] =	stream.indirect.gather [hbm4b:s5+s23], $0x80, s24, s23, $0xb8;
	[tilespmem:$0x1C200] =	vst v63  }
0x6d: {  	s3 =	sadd.s32 $0xFFFFFF80, s0;
	_ =	swait.ge [sflag:s28], $0x4000  }
0x6e: {  	s9 =	sand.u32 $0x7C00, s3;
	s3 =	sand.u32 $0x300, s3;
	[sflag:s28] =	ssyncset.done $0x0  }
0x6f: {  	s9 =	sadd.s32 s6, s9;
	[sflag:s28] =	ssyncadd.s32 $0xFFFFC000  }
0x70: {  	[spmem:s2] =	stream.indirect.scatter.add.f32 [tilespmem:s19], [sflag:$0x3], $0x80, s22, s23, $0xb8;
	[tilespmem:$0x1C200] =	vst v63  }
0x71: {  	s3 =	sor.u32 s3, s9;
	_ =	swait.ge [sflag:s20], $0x4000  }
0x72: {  	s3 =	sshrl.u32 s3, $0x3;
	[sflag:s20] =	ssyncset.done $0x0  }
0x73: {  	s9 =	sadd.s32 s7, s3;
	[sflag:s20] =	ssyncadd.s32 $0xFFFFC000  }
0x74: {  	[tilespmem:s21], [sflag:$0x3] =	stream.linear.gather [hbm4b:s9+s4], $0x80, $0x38;
	[tilespmem:$0x1C200] =	vst v63  }
0x75: {  	_ =	swait.ge [sflag:s20], $0x80  }
0x76: {  	s3 =	sadd.s32 s1, s3;
	[sflag:s20] =	ssyncset.done $0x0  }
0x77: {  	[sflag:s20] =	ssyncadd.s32 $0xFFFFFF80  }
0x78: {  	[tilespmem:s22], [sflag:$0x3] =	stream.linear.gather [hbm4b:s3+s4], $0x80, $0x38;
	[tilespmem:$0x1C200] =	vst v63  }
0x79: {  	_ =	swait.ge [sflag:s20], $0x80  }
0x7a: {  	[sflag:s20] =	ssyncset.done $0x0  }
0x7b: {  	[sflag:s20] =	ssyncadd.s32 $0xFFFFFF80  }
0x7c: {  	[tilespmem:s19], [sflag:$0x1] =	stream.indirect.gather [hbm4b:s5+s23], $0x80, s21, s23, $0xb8;
	[tilespmem:$0x1C200] =	vst v63  }
0x7d: {  	_ =	swait.ge [sflag:s29], $0x4000  }
0x7e: {  	s3 =	sand.u32 $0x7C00, s0;
	[sflag:s29] =	ssyncset.done $0x0  }
0x7f: {  	s0 =	sand.u32 $0x380, s0;
	s3 =	sadd.s32 s6, s3;
	[sflag:s29] =	ssyncadd.s32 $0xFFFFC000  }
0x80: {  	[spmem:s2] =	stream.indirect.scatter.add.f32 [tilespmem:s26], [sflag:$0x3], $0x80, s25, s23, $0xb8;
	[tilespmem:$0x1C200] =	vst v63  }
0x81: {  	s0 =	sor.u32 s0, s3;
	_ =	swait.ge [sflag:s20], $0x4000  }
0x82: {  	s0 =	sshrl.u32 s0, $0x3;
	[sflag:s20] =	ssyncset.done $0x0  }
0x83: {  	s3 =	sadd.s32 s7, s0;
	[sflag:s20] =	ssyncadd.s32 $0xFFFFC000  }
0x84: {  	[tilespmem:s24], [sflag:$0x3] =	stream.linear.gather [hbm4b:s3+s4], $0x80, $0x38;
	[tilespmem:$0x1C200] =	vst v63  }
0x85: {  	_ =	swait.ge [sflag:s20], $0x80  }
.Ltmp1:
0x86: {  	s0 =	sadd.s32 s1, s0;
	[sflag:s20] =	ssyncset.done $0x0;
	(pc) =	sbr.rel @p0 .LBB2_4-.Ltmp1, $4  }
0x87: {  	[sflag:s20] =	ssyncadd.s32 $0xFFFFFF80  }
0x88: {  	[tilespmem:s25], [sflag:$0x3] =	stream.linear.gather [hbm4b:s0+s4], $0x80, $0x38;
	[tilespmem:$0x1C200] =	vst v63  }
0x89: {  	_ =	swait.ge [sflag:s20], $0x80  }
0x8a: {  	[sflag:s20] =	ssyncset.done $0x0  }
0x8b: {  	[sflag:s20] =	ssyncadd.s32 $0xFFFFFF80  }
0x8c: {  	[tilespmem:s26], [sflag:$0x2] =	stream.indirect.gather [hbm4b:s5+s23], $0x80, s24, s23, $0xb8;
	[tilespmem:$0x1C200] =	vst v63  }
0x8d: {  	_ =	swait.ge [sflag:s28], $0x4000  }
0x8e: {  	[sflag:s28] =	ssyncset.done $0x0  }
0x8f: {  	[sflag:s28] =	ssyncadd.s32 $0xFFFFC000  }
0x90: {  	s0 =	stileid.u32;
	_ =	swait.ge [sflag:s29], $0x4000  }
0x91: {  	s3 =	sshrl.u32 s8, $0x3;
	s30 =	sadd.s32 $0x1, s30;
	[sflag:s29] =	ssyncset.done $0x0  }
0x92: {  	s0 =	sshll.u32 s0, $0x6;
	p0 =	sne.s32 s30, s14;
	[sflag:s29] =	ssyncadd.s32 $0xFFFFC000  }
.Ltmp2:
0x93: {  	s0 =	sor.u32 $0x1C03, s0;
	[bflag:$0x0] =	sbarrier.arrive $0xFFFF;
	(pc) =	sbr.rel @p0 .LBB2_1-.Ltmp2, $4  }
0x94: {  	[hbm:s13], [sflag:s0] =	dma.local [spmem:s3], $0x2800  }
0x95: {  	_ =	swait.ge [sflag:s20], $0x2800  }
0x96: {  	[sflag:s20] =	ssyncset.done $0x0  }
0x97: {  	[sflag:s20] =	ssyncadd.s32 $0xFFFFD800  }
0x98: {  	_ =	sfence.sel $0x180000  }
0x99: {  	[bflag:$0x0] =	sbarrier.arrive $0xFFFF  }
0x9a: {  	_ =	strace $0x90000053  }
0x9b: {  	s0 =	stileid.u32;
	[bflag:$0x2] =	sbarrier.arrive $0xFFFF  }
0x9c: {  	p0 =	sne.s32 s0, $0x0;
	s0 =	rddreg [dreg:$0x3]  }
0x9d: {  	s0 =	sadd.s32 @!p0 $0x100000, s0  }
0x9e: {  	[sflag:s0] =	ssyncadd.tile.s32 @!p0 $0x1;
	_ =	shalt  }
.Lfunc_end2:
_tile_overlayer_lowered:
.L_overlay_start_2:
0x9f: {  	(tag) =	ssettag $0x2  }
0xa0: {  	s0 =	rddreg [dreg:$0x0];
	s2 =	stileid.u32  }
0xa1: {  	s1 =	rddreg [dreg:$0x1];
	p0 =	sne.s32 s2, $0x0  }
0xa2: {  	s3 =	rddreg [dreg:$0x2];
	[bflag:$0x3] =	sbarrier.arrive $0xFFFF;
	s2 =	simm.s32 @!p0 $0x1C03  }
0xa3: {  	[timem:s3], [sflag:s2] =	dma.local @!p0 [hbm:s0], s1  }
0xa4: {  	s0 =	simm.s32 @!p0 $0x3  }
0xa5: {  	_ =	swait.ge @!p0 [sflag:s0], s1  }
0xa6: {  	s1 =	ssub.s32 @!p0 $0x0, s1;
	[sflag:s0] =	ssyncset.done @!p0 $0x0  }
0xa7: {  	[sflag:s0] =	ssyncadd.s32 @!p0 s1  }
0xa8: {  	[bflag:$0x3] =	sbarrier.arrive $0xFFFF  }
0xa9: {  	_ =	shalt  }

</sc_bundles>
